<compile_context>
chip_gen: v7x
topology: tpu7x:2x2x1
jax: 0.10.2.dev20260603
libtpu: 0.0.44.dev20260713+nightly
codegen_flags: <defaults>
</compile_context>

<pallas_src>
import functools

import jax
import jax.numpy as jnp
from jax import lax
from jax.experimental import pallas as pl
from jax.experimental.pallas import tpu as pltpu
from jax.experimental.pallas import tpu_sc as plsc

_NUM_CORES = 2
_NUM_SUBCORES = 16
_NW = _NUM_CORES * _NUM_SUBCORES

_NBUF = 3


@functools.lru_cache(maxsize=None)
def _make_gather(num_rows: int, dim: int, bsz: int, fields: int):
    assert bsz % _NW == 0
    bpw = bsz // _NW

    mesh = plsc.VectorSubcoreMesh(core_axis_name="c", subcore_axis_name="s")

    @functools.partial(
        pl.kernel,
        out_type=jax.ShapeDtypeStruct((fields, bsz, dim), jnp.float32),
        mesh=mesh,
        compiler_params=pltpu.CompilerParams(use_tc_tiling_on_sc=True),
        scratch_types=[
            pltpu.VMEM((fields * bpw,), jnp.int32),
            [pltpu.VMEM((bpw, dim), jnp.float32) for _ in range(_NBUF)],
            [pltpu.SemaphoreType.DMA for _ in range(_NBUF)],
            [pltpu.SemaphoreType.DMA for _ in range(_NBUF)],
            pltpu.SemaphoreType.DMA,
        ],
    )
    def gather(idx_hbm, tbl_hbm, out_hbm, idx_v, bufs, gsems, wsems, isem):
        wid = lax.axis_index("s") * _NUM_CORES + lax.axis_index("c")
        b0 = wid * bpw

        idescs = []
        for f in range(fields):
            idescs.append(pltpu.async_copy(
                idx_hbm.at[pl.ds(f * bsz + b0, bpw)],
                idx_v.at[pl.ds(f * bpw, bpw)], isem))
        for d in idescs:
            d.wait()

        def start_gather(f):
            b = f % _NBUF
            return pltpu.async_copy(
                tbl_hbm.at[idx_v.at[pl.ds(f * bpw, bpw)]], bufs[b], gsems[b])

        def write_out(f):
            b = f % _NBUF
            return pltpu.async_copy(
                bufs[b], out_hbm.at[f, pl.ds(b0, bpw)], wsems[b])

        gd = [None] * fields
        wd = [None] * fields
        for f in range(fields):
            if f >= _NBUF:
                wd[f - _NBUF].wait()
            gd[f] = start_gather(f)
            if f >= 1:
                gd[f - 1].wait()
                wd[f - 1] = write_out(f - 1)
        gd[fields - 1].wait()
        wd[fields - 1] = write_out(fields - 1)
        for f in range(max(0, fields - _NBUF + 1), fields):
            wd[f].wait()

    return gather


def _mm_body(a_ref, b_ref, o_ref):
    o_ref[...] = jnp.dot(a_ref[...], b_ref[...],
                         preferred_element_type=jnp.float32)


@functools.lru_cache(maxsize=None)
def _make_mm(m: int, k: int, n: int):
    return pl.pallas_call(
        _mm_body,
        out_shape=jax.ShapeDtypeStruct((m, n), jnp.float32),
    )


@jax.jit
def kernel(input_batch_inputs_, weight, mat1, mat2):
    bsz, fields = input_batch_inputs_.shape
    num_rows, dim = weight.shape
    idx_t = jnp.swapaxes(input_batch_inputs_, 0, 1).reshape(-1)
    emb_t = _make_gather(num_rows, dim, bsz, fields)(idx_t, weight)
    emb = jnp.transpose(emb_t, (1, 0, 2))
    mm = _make_mm(mat1.shape[0], mat1.shape[1], mat2.shape[1])(mat1, mat2)
    return emb, mm

# --- scband reference (transcript-rebuilt; emitter-appended) ---
"""Pipeline reference for scband-repro-20315195310792 (READ-ONLY COPY).

The authoritative reference and input builder live on the scoring server;
editing this copy changes nothing except your own understanding.
"""

import jax, jax.numpy as jnp
import numpy as np

NUM_EMBEDDINGS = 202048
EMBEDDING_DIM = 256
BATCH = 4096
FIELDS = 26


def setup_inputs(seed: int = 0) -> dict:
    key = jax.random.key(seed)
    k1, k2, k3, k4 = jax.random.split(key, 4)
    return {
        "input_batch_inputs_": jax.random.randint(k1, (BATCH, FIELDS), 0, NUM_EMBEDDINGS, dtype=jnp.int32),
        "weight": jax.random.uniform(k2, (NUM_EMBEDDINGS, EMBEDDING_DIM), dtype=jnp.float32),
        "mat1": jax.random.normal(k3, (32, 64), dtype=jnp.float32),
        "mat2": jax.random.normal(k4, (64, 16), dtype=jnp.float32),
    }


def reference(input_batch_inputs_, weight, mat1, mat2):
    # matmul_result = self.mat1 @ self.mat2
    matmul_result = mat1 @ mat2
    # to = self.weight.to(torch.float32)
    w = weight.astype(jnp.float32)
    # emb = torch.nn.functional.embedding(input_batch_inputs_, to)
    emb = jnp.take(w, input_batch_inputs_, axis=0)
    # DTensor redistribute calls are collectives/no-ops mathematically; omitted.
    return (emb, matmul_result)

if __name__ == "__main__":
    import jax
    _d = setup_inputs()
    print(jax.jit(kernel)(*tuple(_d.values())))

</pallas_src>

<mosaic_0001>
#map = affine_map<(d0, d1) -> (0)>
#map1 = affine_map<(d0, d1) -> (0, 0)>
#map2 = affine_map<(d0, d1) -> (0, 0, 0)>
module attributes {stable_mosaic.version = 14 : i64} {
  func.func @gather(%arg0: i32, %arg1: i32, %arg2: memref<106496xi32, #tpu.memory_space<hbm>>, %arg3: memref<202048x256xf32, #tpu.memory_space<hbm>>, %arg4: memref<26x4096x256xf32, #tpu.memory_space<hbm>>, %arg5: memref<3328xi32, #tpu.memory_space<vmem>>, %arg6: memref<128x256xf32, #tpu.memory_space<vmem>>, %arg7: memref<128x256xf32, #tpu.memory_space<vmem>>, %arg8: memref<128x256xf32, #tpu.memory_space<vmem>>, %arg9: memref<!tpu.dma_semaphore, #tpu.memory_space<semaphore_mem>>, %arg10: memref<!tpu.dma_semaphore, #tpu.memory_space<semaphore_mem>>, %arg11: memref<!tpu.dma_semaphore, #tpu.memory_space<semaphore_mem>>, %arg12: memref<!tpu.dma_semaphore, #tpu.memory_space<semaphore_mem>>, %arg13: memref<!tpu.dma_semaphore, #tpu.memory_space<semaphore_mem>>, %arg14: memref<!tpu.dma_semaphore, #tpu.memory_space<semaphore_mem>>, %arg15: memref<!tpu.dma_semaphore, #tpu.memory_space<semaphore_mem>>) attributes {dimension_semantics = [#tpu.dimension_semantics<core_parallel>, #tpu.dimension_semantics<subcore_parallel>], iteration_bounds = array<i64: 2, 16>, scalar_prefetch = 0 : i64, scratch_operands = 11 : i64, tpu.core_type = #tpu.core_type<sc_vector_subcore>, window_params = [{transform_indices = #map}, {transform_indices = #map1}, {transform_indices = #map2}]} {
    %mul3A = arith.constant 2 : i32
    %mul3A_0 = arith.muli %arg1, %mul3A : i32
    %add3A = arith.addi %mul3A_0, %arg0 : i32
    %mul3A_1 = arith.constant 128 : i32
    %mul3A_2 = arith.muli %add3A, %mul3A_1 : i32
    %add3A_3 = arith.constant 0 : i32
    %add3A_4 = arith.addi %add3A_3, %mul3A_2 : i32
    %dma_start3A = arith.constant 0 : i32
    %dma_start3A_5 = tpu.memref_slice %arg5[%dma_start3A] : memref<3328xi32, #tpu.memory_space<vmem>> -> memref<128xi32, #tpu.memory_space<vmem>>
    %dma_start3A_6 = tpu.memref_slice %arg2[%add3A_4] : memref<106496xi32, #tpu.memory_space<hbm>> -> memref<128xi32, #tpu.memory_space<hbm>>
    %dma_start3A_7 = arith.constant 0 : i32
    %dma_start3A_8 = tpu.memref_slice %arg5[%dma_start3A_7] : memref<3328xi32, #tpu.memory_space<vmem>> -> memref<128xi32, #tpu.memory_space<vmem>>
    %dma_start3A_9 = tpu.memref_slice %arg2[%add3A_4] : memref<106496xi32, #tpu.memory_space<hbm>> -> memref<128xi32, #tpu.memory_space<hbm>>
    tpu.enqueue_dma source(%dma_start3A_9 : memref<128xi32, #tpu.memory_space<hbm>>) target(%dma_start3A_8 : memref<128xi32, #tpu.memory_space<vmem>>) target_semaphore(%arg15 : memref<!tpu.dma_semaphore, #tpu.memory_space<semaphore_mem>>)
    %add3A_10 = arith.constant 4096 : i32
    %add3A_11 = arith.addi %add3A_10, %mul3A_2 : i32
    %dma_start3A_12 = arith.constant 128 : i32
    %dma_start3A_13 = tpu.memref_slice %arg5[%dma_start3A_12] : memref<3328xi32, #tpu.memory_space<vmem>> -> memref<128xi32, #tpu.memory_space<vmem>>
    %dma_start3A_14 = tpu.memref_slice %arg2[%add3A_11] : memref<106496xi32, #tpu.memory_space<hbm>> -> memref<128xi32, #tpu.memory_space<hbm>>
    %dma_start3A_15 = arith.constant 128 : i32
    %dma_start3A_16 = tpu.memref_slice %arg5[%dma_start3A_15] : memref<3328xi32, #tpu.memory_space<vmem>> -> memref<128xi32, #tpu.memory_space<vmem>>
    %dma_start3A_17 = tpu.memref_slice %arg2[%add3A_11] : memref<106496xi32, #tpu.memory_space<hbm>> -> memref<128xi32, #tpu.memory_space<hbm>>
    tpu.enqueue_dma source(%dma_start3A_17 : memref<128xi32, #tpu.memory_space<hbm>>) target(%dma_start3A_16 : memref<128xi32, #tpu.memory_space<vmem>>) target_semaphore(%arg15 : memref<!tpu.dma_semaphore, #tpu.memory_space<semaphore_mem>>)
    %add3A_18 = arith.constant 8192 : i32
    %add3A_19 = arith.addi %add3A_18, %mul3A_2 : i32
    %dma_start3A_20 = arith.constant 256 : i32
    %dma_start3A_21 = tpu.memref_slice %arg5[%dma_start3A_20] : memref<3328xi32, #tpu.memory_space<vmem>> -> memref<128xi32, #tpu.memory_space<vmem>>
    %dma_start3A_22 = tpu.memref_slice %arg2[%add3A_19] : memref<106496xi32, #tpu.memory_space<hbm>> -> memref<128xi32, #tpu.memory_space<hbm>>
    %dma_start3A_23 = arith.constant 256 : i32
    %dma_start3A_24 = tpu.memref_slice %arg5[%dma_start3A_23] : memref<3328xi32, #tpu.memory_space<vmem>> -> memref<128xi32, #tpu.memory_space<vmem>>
    %dma_start3A_25 = tpu.memref_slice %arg2[%add3A_19] : memref<106496xi32, #tpu.memory_space<hbm>> -> memref<128xi32, #tpu.memory_space<hbm>>
    tpu.enqueue_dma source(%dma_start3A_25 : memref<128xi32, #tpu.memory_space<hbm>>) target(%dma_start3A_24 : memref<128xi32, #tpu.memory_space<vmem>>) target_semaphore(%arg15 : memref<!tpu.dma_semaphore, #tpu.memory_space<semaphore_mem>>)
    %add3A_26 = arith.constant 12288 : i32
    %add3A_27 = arith.addi %add3A_26, %mul3A_2 : i32
    %dma_start3A_28 = arith.constant 384 : i32
    %dma_start3A_29 = tpu.memref_slice %arg5[%dma_start3A_28] : memref<3328xi32, #tpu.memory_space<vmem>> -> memref<128xi32, #tpu.memory_space<vmem>>
    %dma_start3A_30 = tpu.memref_slice %arg2[%add3A_27] : memref<106496xi32, #tpu.memory_space<hbm>> -> memref<128xi32, #tpu.memory_space<hbm>>
    %dma_start3A_31 = arith.constant 384 : i32
    %dma_start3A_32 = tpu.memref_slice %arg5[%dma_start3A_31] : memref<3328xi32, #tpu.memory_space<vmem>> -> memref<128xi32, #tpu.memory_space<vmem>>
    %dma_start3A_33 = tpu.memref_slice %arg2[%add3A_27] : memref<106496xi32, #tpu.memory_space<hbm>> -> memref<128xi32, #tpu.memory_space<hbm>>
    tpu.enqueue_dma source(%dma_start3A_33 : memref<128xi32, #tpu.memory_space<hbm>>) target(%dma_start3A_32 : memref<128xi32, #tpu.memory_space<vmem>>) target_semaphore(%arg15 : memref<!tpu.dma_semaphore, #tpu.memory_space<semaphore_mem>>)
    %add3A_34 = arith.constant 16384 : i32
    %add3A_35 = arith.addi %add3A_34, %mul3A_2 : i32
    %dma_start3A_36 = arith.constant 512 : i32
    %dma_start3A_37 = tpu.memref_slice %arg5[%dma_start3A_36] : memref<3328xi32, #tpu.memory_space<vmem>> -> memref<128xi32, #tpu.memory_space<vmem>>
    %dma_start3A_38 = tpu.memref_slice %arg2[%add3A_35] : memref<106496xi32, #tpu.memory_space<hbm>> -> memref<128xi32, #tpu.memory_space<hbm>>
    %dma_start3A_39 = arith.constant 512 : i32
    %dma_start3A_40 = tpu.memref_slice %arg5[%dma_start3A_39] : memref<3328xi32, #tpu.memory_space<vmem>> -> memref<128xi32, #tpu.memory_space<vmem>>
    %dma_start3A_41 = tpu.memref_slice %arg2[%add3A_35] : memref<106496xi32, #tpu.memory_space<hbm>> -> memref<128xi32, #tpu.memory_space<hbm>>
    tpu.enqueue_dma source(%dma_start3A_41 : memref<128xi32, #tpu.memory_space<hbm>>) target(%dma_start3A_40 : memref<128xi32, #tpu.memory_space<vmem>>) target_semaphore(%arg15 : memref<!tpu.dma_semaphore, #tpu.memory_space<semaphore_mem>>)
    %add3A_42 = arith.constant 20480 : i32
    %add3A_43 = arith.addi %add3A_42, %mul3A_2 : i32
    %dma_start3A_44 = arith.constant 640 : i32
    %dma_start3A_45 = tpu.memref_slice %arg5[%dma_start3A_44] : memref<3328xi32, #tpu.memory_space<vmem>> -> memref<128xi32, #tpu.memory_space<vmem>>
    %dma_start3A_46 = tpu.memref_slice %arg2[%add3A_43] : memref<106496xi32, #tpu.memory_space<hbm>> -> memref<128xi32, #tpu.memory_space<hbm>>
    %dma_start3A_47 = arith.constant 640 : i32
    %dma_start3A_48 = tpu.memref_slice %arg5[%dma_start3A_47] : memref<3328xi32, #tpu.memory_space<vmem>> -> memref<128xi32, #tpu.memory_space<vmem>>
    %dma_start3A_49 = tpu.memref_slice %arg2[%add3A_43] : memref<106496xi32, #tpu.memory_space<hbm>> -> memref<128xi32, #tpu.memory_space<hbm>>
    tpu.enqueue_dma source(%dma_start3A_49 : memref<128xi32, #tpu.memory_space<hbm>>) target(%dma_start3A_48 : memref<128xi32, #tpu.memory_space<vmem>>) target_semaphore(%arg15 : memref<!tpu.dma_semaphore, #tpu.memory_space<semaphore_mem>>)
    %add3A_50 = arith.constant 24576 : i32
    %add3A_51 = arith.addi %add3A_50, %mul3A_2 : i32
    %dma_start3A_52 = arith.constant 768 : i32
    %dma_start3A_53 = tpu.memref_slice %arg5[%dma_start3A_52] : memref<3328xi32, #tpu.memory_space<vmem>> -> memref<128xi32, #tpu.memory_space<vmem>>
    %dma_start3A_54 = tpu.memref_slice %arg2[%add3A_51] : memref<106496xi32, #tpu.memory_space<hbm>> -> memref<128xi32, #tpu.memory_space<hbm>>
    %dma_start3A_55 = arith.constant 768 : i32
    %dma_start3A_56 = tpu.memref_slice %arg5[%dma_start3A_55] : memref<3328xi32, #tpu.memory_space<vmem>> -> memref<128xi32, #tpu.memory_space<vmem>>
    %dma_start3A_57 = tpu.memref_slice %arg2[%add3A_51] : memref<106496xi32, #tpu.memory_space<hbm>> -> memref<128xi32, #tpu.memory_space<hbm>>
    tpu.enqueue_dma source(%dma_start3A_57 : memref<128xi32, #tpu.memory_space<hbm>>) target(%dma_start3A_56 : memref<128xi32, #tpu.memory_space<vmem>>) target_semaphore(%arg15 : memref<!tpu.dma_semaphore, #tpu.memory_space<semaphore_mem>>)
    %add3A_58 = arith.constant 28672 : i32
    %add3A_59 = arith.addi %add3A_58, %mul3A_2 : i32
    %dma_start3A_60 = arith.constant 896 : i32
    %dma_start3A_61 = tpu.memref_slice %arg5[%dma_start3A_60] : memref<3328xi32, #tpu.memory_space<vmem>> -> memref<128xi32, #tpu.memory_space<vmem>>
    %dma_start3A_62 = tpu.memref_slice %arg2[%add3A_59] : memref<106496xi32, #tpu.memory_space<hbm>> -> memref<128xi32, #tpu.memory_space<hbm>>
    %dma_start3A_63 = arith.constant 896 : i32
    %dma_start3A_64 = tpu.memref_slice %arg5[%dma_start3A_63] : memref<3328xi32, #tpu.memory_space<vmem>> -> memref<128xi32, #tpu.memory_space<vmem>>
    %dma_start3A_65 = tpu.memref_slice %arg2[%add3A_59] : memref<106496xi32, #tpu.memory_space<hbm>> -> memref<128xi32, #tpu.memory_space<hbm>>
    tpu.enqueue_dma source(%dma_start3A_65 : memref<128xi32, #tpu.memory_space<hbm>>) target(%dma_start3A_64 : memref<128xi32, #tpu.memory_space<vmem>>) target_semaphore(%arg15 : memref<!tpu.dma_semaphore, #tpu.memory_space<semaphore_mem>>)
    %add3A_66 = arith.constant 32768 : i32
    %add3A_67 = arith.addi %add3A_66, %mul3A_2 : i32
    %dma_start3A_68 = arith.constant 1024 : i32
    %dma_start3A_69 = tpu.memref_slice %arg5[%dma_start3A_68] : memref<3328xi32, #tpu.memory_space<vmem>> -> memref<128xi32, #tpu.memory_space<vmem>>
    %dma_start3A_70 = tpu.memref_slice %arg2[%add3A_67] : memref<106496xi32, #tpu.memory_space<hbm>> -> memref<128xi32, #tpu.memory_space<hbm>>
    %dma_start3A_71 = arith.constant 1024 : i32
    %dma_start3A_72 = tpu.memref_slice %arg5[%dma_start3A_71] : memref<3328xi32, #tpu.memory_space<vmem>> -> memref<128xi32, #tpu.memory_space<vmem>>
    %dma_start3A_73 = tpu.memref_slice %arg2[%add3A_67] : memref<106496xi32, #tpu.memory_space<hbm>> -> memref<128xi32, #tpu.memory_space<hbm>>
    tpu.enqueue_dma source(%dma_start3A_73 : memref<128xi32, #tpu.memory_space<hbm>>) target(%dma_start3A_72 : memref<128xi32, #tpu.memory_space<vmem>>) target_semaphore(%arg15 : memref<!tpu.dma_semaphore, #tpu.memory_space<semaphore_mem>>)
    %add3A_74 = arith.constant 36864 : i32
    %add3A_75 = arith.addi %add3A_74, %mul3A_2 : i32
    %dma_start3A_76 = arith.constant 1152 : i32
    %dma_start3A_77 = tpu.memref_slice %arg5[%dma_start3A_76] : memref<3328xi32, #tpu.memory_space<vmem>> -> memref<128xi32, #tpu.memory_space<vmem>>
    %dma_start3A_78 = tpu.memref_slice %arg2[%add3A_75] : memref<106496xi32, #tpu.memory_space<hbm>> -> memref<128xi32, #tpu.memory_space<hbm>>
    %dma_start3A_79 = arith.constant 1152 : i32
    %dma_start3A_80 = tpu.memref_slice %arg5[%dma_start3A_79] : memref<3328xi32, #tpu.memory_space<vmem>> -> memref<128xi32, #tpu.memory_space<vmem>>
    %dma_start3A_81 = tpu.memref_slice %arg2[%add3A_75] : memref<106496xi32, #tpu.memory_space<hbm>> -> memref<128xi32, #tpu.memory_space<hbm>>
    tpu.enqueue_dma source(%dma_start3A_81 : memref<128xi32, #tpu.memory_space<hbm>>) target(%dma_start3A_80 : memref<128xi32, #tpu.memory_space<vmem>>) target_semaphore(%arg15 : memref<!tpu.dma_semaphore, #tpu.memory_space<semaphore_mem>>)
    %add3A_82 = arith.constant 40960 : i32
    %add3A_83 = arith.addi %add3A_82, %mul3A_2 : i32
    %dma_start3A_84 = arith.constant 1280 : i32
    %dma_start3A_85 = tpu.memref_slice %arg5[%dma_start3A_84] : memref<3328xi32, #tpu.memory_space<vmem>> -> memref<128xi32, #tpu.memory_space<vmem>>
    %dma_start3A_86 = tpu.memref_slice %arg2[%add3A_83] : memref<106496xi32, #tpu.memory_space<hbm>> -> memref<128xi32, #tpu.memory_space<hbm>>
    %dma_start3A_87 = arith.constant 1280 : i32
    %dma_start3A_88 = tpu.memref_slice %arg5[%dma_start3A_87] : memref<3328xi32, #tpu.memory_space<vmem>> -> memref<128xi32, #tpu.memory_space<vmem>>
    %dma_start3A_89 = tpu.memref_slice %arg2[%add3A_83] : memref<106496xi32, #tpu.memory_space<hbm>> -> memref<128xi32, #tpu.memory_space<hbm>>
    tpu.enqueue_dma source(%dma_start3A_89 : memref<128xi32, #tpu.memory_space<hbm>>) target(%dma_start3A_88 : memref<128xi32, #tpu.memory_space<vmem>>) target_semaphore(%arg15 : memref<!tpu.dma_semaphore, #tpu.memory_space<semaphore_mem>>)
    %add3A_90 = arith.constant 45056 : i32
    %add3A_91 = arith.addi %add3A_90, %mul3A_2 : i32
    %dma_start3A_92 = arith.constant 1408 : i32
    %dma_start3A_93 = tpu.memref_slice %arg5[%dma_start3A_92] : memref<3328xi32, #tpu.memory_space<vmem>> -> memref<128xi32, #tpu.memory_space<vmem>>
    %dma_start3A_94 = tpu.memref_slice %arg2[%add3A_91] : memref<106496xi32, #tpu.memory_space<hbm>> -> memref<128xi32, #tpu.memory_space<hbm>>
    %dma_start3A_95 = arith.constant 1408 : i32
    %dma_start3A_96 = tpu.memref_slice %arg5[%dma_start3A_95] : memref<3328xi32, #tpu.memory_space<vmem>> -> memref<128xi32, #tpu.memory_space<vmem>>
    %dma_start3A_97 = tpu.memref_slice %arg2[%add3A_91] : memref<106496xi32, #tpu.memory_space<hbm>> -> memref<128xi32, #tpu.memory_space<hbm>>
    tpu.enqueue_dma source(%dma_start3A_97 : memref<128xi32, #tpu.memory_space<hbm>>) target(%dma_start3A_96 : memref<128xi32, #tpu.memory_space<vmem>>) target_semaphore(%arg15 : memref<!tpu.dma_semaphore, #tpu.memory_space<semaphore_mem>>)
    %add3A_98 = arith.constant 49152 : i32
    %add3A_99 = arith.addi %add3A_98, %mul3A_2 : i32
    %dma_start3A_100 = arith.constant 1536 : i32
    %dma_start3A_101 = tpu.memref_slice %arg5[%dma_start3A_100] : memref<3328xi32, #tpu.memory_space<vmem>> -> memref<128xi32, #tpu.memory_space<vmem>>
    %dma_start3A_102 = tpu.memref_slice %arg2[%add3A_99] : memref<106496xi32, #tpu.memory_space<hbm>> -> memref<128xi32, #tpu.memory_space<hbm>>
    %dma_start3A_103 = arith.constant 1536 : i32
    %dma_start3A_104 = tpu.memref_slice %arg5[%dma_start3A_103] : memref<3328xi32, #tpu.memory_space<vmem>> -> memref<128xi32, #tpu.memory_space<vmem>>
    %dma_start3A_105 = tpu.memref_slice %arg2[%add3A_99] : memref<106496xi32, #tpu.memory_space<hbm>> -> memref<128xi32, #tpu.memory_space<hbm>>
    tpu.enqueue_dma source(%dma_start3A_105 : memref<128xi32, #tpu.memory_space<hbm>>) target(%dma_start3A_104 : memref<128xi32, #tpu.memory_space<vmem>>) target_semaphore(%arg15 : memref<!tpu.dma_semaphore, #tpu.memory_space<semaphore_mem>>)
    %add3A_106 = arith.constant 53248 : i32
    %add3A_107 = arith.addi %add3A_106, %mul3A_2 : i32
    %dma_start3A_108 = arith.constant 1664 : i32
    %dma_start3A_109 = tpu.memref_slice %arg5[%dma_start3A_108] : memref<3328xi32, #tpu.memory_space<vmem>> -> memref<128xi32, #tpu.memory_space<vmem>>
    %dma_start3A_110 = tpu.memref_slice %arg2[%add3A_107] : memref<106496xi32, #tpu.memory_space<hbm>> -> memref<128xi32, #tpu.memory_space<hbm>>
    %dma_start3A_111 = arith.constant 1664 : i32
    %dma_start3A_112 = tpu.memref_slice %arg5[%dma_start3A_111] : memref<3328xi32, #tpu.memory_space<vmem>> -> memref<128xi32, #tpu.memory_space<vmem>>
    %dma_start3A_113 = tpu.memref_slice %arg2[%add3A_107] : memref<106496xi32, #tpu.memory_space<hbm>> -> memref<128xi32, #tpu.memory_space<hbm>>
    tpu.enqueue_dma source(%dma_start3A_113 : memref<128xi32, #tpu.memory_space<hbm>>) target(%dma_start3A_112 : memref<128xi32, #tpu.memory_space<vmem>>) target_semaphore(%arg15 : memref<!tpu.dma_semaphore, #tpu.memory_space<semaphore_mem>>)
    %add3A_114 = arith.constant 57344 : i32
    %add3A_115 = arith.addi %add3A_114, %mul3A_2 : i32
    %dma_start3A_116 = arith.constant 1792 : i32
    %dma_start3A_117 = tpu.memref_slice %arg5[%dma_start3A_116] : memref<3328xi32, #tpu.memory_space<vmem>> -> memref<128xi32, #tpu.memory_space<vmem>>
    %dma_start3A_118 = tpu.memref_slice %arg2[%add3A_115] : memref<106496xi32, #tpu.memory_space<hbm>> -> memref<128xi32, #tpu.memory_space<hbm>>
    %dma_start3A_119 = arith.constant 1792 : i32
    %dma_start3A_120 = tpu.memref_slice %arg5[%dma_start3A_119] : memref<3328xi32, #tpu.memory_space<vmem>> -> memref<128xi32, #tpu.memory_space<vmem>>
    %dma_start3A_121 = tpu.memref_slice %arg2[%add3A_115] : memref<106496xi32, #tpu.memory_space<hbm>> -> memref<128xi32, #tpu.memory_space<hbm>>
    tpu.enqueue_dma source(%dma_start3A_121 : memref<128xi32, #tpu.memory_space<hbm>>) target(%dma_start3A_120 : memref<128xi32, #tpu.memory_space<vmem>>) target_semaphore(%arg15 : memref<!tpu.dma_semaphore, #tpu.memory_space<semaphore_mem>>)
    %add3A_122 = arith.constant 61440 : i32
    %add3A_123 = arith.addi %add3A_122, %mul3A_2 : i32
    %dma_start3A_124 = arith.constant 1920 : i32
    %dma_start3A_125 = tpu.memref_slice %arg5[%dma_start3A_124] : memref<3328xi32, #tpu.memory_space<vmem>> -> memref<128xi32, #tpu.memory_space<vmem>>
    %dma_start3A_126 = tpu.memref_slice %arg2[%add3A_123] : memref<106496xi32, #tpu.memory_space<hbm>> -> memref<128xi32, #tpu.memory_space<hbm>>
    %dma_start3A_127 = arith.constant 1920 : i32
    %dma_start3A_128 = tpu.memref_slice %arg5[%dma_start3A_127] : memref<3328xi32, #tpu.memory_space<vmem>> -> memref<128xi32, #tpu.memory_space<vmem>>
    %dma_start3A_129 = tpu.memref_slice %arg2[%add3A_123] : memref<106496xi32, #tpu.memory_space<hbm>> -> memref<128xi32, #tpu.memory_space<hbm>>
    tpu.enqueue_dma source(%dma_start3A_129 : memref<128xi32, #tpu.memory_space<hbm>>) target(%dma_start3A_128 : memref<128xi32, #tpu.memory_space<vmem>>) target_semaphore(%arg15 : memref<!tpu.dma_semaphore, #tpu.memory_space<semaphore_mem>>)
    %add3A_130 = arith.constant 65536 : i32
    %add3A_131 = arith.addi %add3A_130, %mul3A_2 : i32
    %dma_start3A_132 = arith.constant 2048 : i32
    %dma_start3A_133 = tpu.memref_slice %arg5[%dma_start3A_132] : memref<3328xi32, #tpu.memory_space<vmem>> -> memref<128xi32, #tpu.memory_space<vmem>>
    %dma_start3A_134 = tpu.memref_slice %arg2[%add3A_131] : memref<106496xi32, #tpu.memory_space<hbm>> -> memref<128xi32, #tpu.memory_space<hbm>>
    %dma_start3A_135 = arith.constant 2048 : i32
    %dma_start3A_136 = tpu.memref_slice %arg5[%dma_start3A_135] : memref<3328xi32, #tpu.memory_space<vmem>> -> memref<128xi32, #tpu.memory_space<vmem>>
    %dma_start3A_137 = tpu.memref_slice %arg2[%add3A_131] : memref<106496xi32, #tpu.memory_space<hbm>> -> memref<128xi32, #tpu.memory_space<hbm>>
    tpu.enqueue_dma source(%dma_start3A_137 : memref<128xi32, #tpu.memory_space<hbm>>) target(%dma_start3A_136 : memref<128xi32, #tpu.memory_space<vmem>>) target_semaphore(%arg15 : memref<!tpu.dma_semaphore, #tpu.memory_space<semaphore_mem>>)
    %add3A_138 = arith.constant 69632 : i32
    %add3A_139 = arith.addi %add3A_138, %mul3A_2 : i32
    %dma_start3A_140 = arith.constant 2176 : i32
    %dma_start3A_141 = tpu.memref_slice %arg5[%dma_start3A_140] : memref<3328xi32, #tpu.memory_space<vmem>> -> memref<128xi32, #tpu.memory_space<vmem>>
    %dma_start3A_142 = tpu.memref_slice %arg2[%add3A_139] : memref<106496xi32, #tpu.memory_space<hbm>> -> memref<128xi32, #tpu.memory_space<hbm>>
    %dma_start3A_143 = arith.constant 2176 : i32
    %dma_start3A_144 = tpu.memref_slice %arg5[%dma_start3A_143] : memref<3328xi32, #tpu.memory_space<vmem>> -> memref<128xi32, #tpu.memory_space<vmem>>
    %dma_start3A_145 = tpu.memref_slice %arg2[%add3A_139] : memref<106496xi32, #tpu.memory_space<hbm>> -> memref<128xi32, #tpu.memory_space<hbm>>
    tpu.enqueue_dma source(%dma_start3A_145 : memref<128xi32, #tpu.memory_space<hbm>>) target(%dma_start3A_144 : memref<128xi32, #tpu.memory_space<vmem>>) target_semaphore(%arg15 : memref<!tpu.dma_semaphore, #tpu.memory_space<semaphore_mem>>)
    %add3A_146 = arith.constant 73728 : i32
    %add3A_147 = arith.addi %add3A_146, %mul3A_2 : i32
    %dma_start3A_148 = arith.constant 2304 : i32
    %dma_start3A_149 = tpu.memref_slice %arg5[%dma_start3A_148] : memref<3328xi32, #tpu.memory_space<vmem>> -> memref<128xi32, #tpu.memory_space<vmem>>
    %dma_start3A_150 = tpu.memref_slice %arg2[%add3A_147] : memref<106496xi32, #tpu.memory_space<hbm>> -> memref<128xi32, #tpu.memory_space<hbm>>
    %dma_start3A_151 = arith.constant 2304 : i32
    %dma_start3A_152 = tpu.memref_slice %arg5[%dma_start3A_151] : memref<3328xi32, #tpu.memory_space<vmem>> -> memref<128xi32, #tpu.memory_space<vmem>>
    %dma_start3A_153 = tpu.memref_slice %arg2[%add3A_147] : memref<106496xi32, #tpu.memory_space<hbm>> -> memref<128xi32, #tpu.memory_space<hbm>>
    tpu.enqueue_dma source(%dma_start3A_153 : memref<128xi32, #tpu.memory_space<hbm>>) target(%dma_start3A_152 : memref<128xi32, #tpu.memory_space<vmem>>) target_semaphore(%arg15 : memref<!tpu.dma_semaphore, #tpu.memory_space<semaphore_mem>>)
    %add3A_154 = arith.constant 77824 : i32
    %add3A_155 = arith.addi %add3A_154, %mul3A_2 : i32
    %dma_start3A_156 = arith.constant 2432 : i32
    %dma_start3A_157 = tpu.memref_slice %arg5[%dma_start3A_156] : memref<3328xi32, #tpu.memory_space<vmem>> -> memref<128xi32, #tpu.memory_space<vmem>>
    %dma_start3A_158 = tpu.memref_slice %arg2[%add3A_155] : memref<106496xi32, #tpu.memory_space<hbm>> -> memref<128xi32, #tpu.memory_space<hbm>>
    %dma_start3A_159 = arith.constant 2432 : i32
    %dma_start3A_160 = tpu.memref_slice %arg5[%dma_start3A_159] : memref<3328xi32, #tpu.memory_space<vmem>> -> memref<128xi32, #tpu.memory_space<vmem>>
    %dma_start3A_161 = tpu.memref_slice %arg2[%add3A_155] : memref<106496xi32, #tpu.memory_space<hbm>> -> memref<128xi32, #tpu.memory_space<hbm>>
    tpu.enqueue_dma source(%dma_start3A_161 : memref<128xi32, #tpu.memory_space<hbm>>) target(%dma_start3A_160 : memref<128xi32, #tpu.memory_space<vmem>>) target_semaphore(%arg15 : memref<!tpu.dma_semaphore, #tpu.memory_space<semaphore_mem>>)
    %add3A_162 = arith.constant 81920 : i32
    %add3A_163 = arith.addi %add3A_162, %mul3A_2 : i32
    %dma_start3A_164 = arith.constant 2560 : i32
    %dma_start3A_165 = tpu.memref_slice %arg5[%dma_start3A_164] : memref<3328xi32, #tpu.memory_space<vmem>> -> memref<128xi32, #tpu.memory_space<vmem>>
    %dma_start3A_166 = tpu.memref_slice %arg2[%add3A_163] : memref<106496xi32, #tpu.memory_space<hbm>> -> memref<128xi32, #tpu.memory_space<hbm>>
    %dma_start3A_167 = arith.constant 2560 : i32
    %dma_start3A_168 = tpu.memref_slice %arg5[%dma_start3A_167] : memref<3328xi32, #tpu.memory_space<vmem>> -> memref<128xi32, #tpu.memory_space<vmem>>
    %dma_start3A_169 = tpu.memref_slice %arg2[%add3A_163] : memref<106496xi32, #tpu.memory_space<hbm>> -> memref<128xi32, #tpu.memory_space<hbm>>
    tpu.enqueue_dma source(%dma_start3A_169 : memref<128xi32, #tpu.memory_space<hbm>>) target(%dma_start3A_168 : memref<128xi32, #tpu.memory_space<vmem>>) target_semaphore(%arg15 : memref<!tpu.dma_semaphore, #tpu.memory_space<semaphore_mem>>)
    %add3A_170 = arith.constant 86016 : i32
    %add3A_171 = arith.addi %add3A_170, %mul3A_2 : i32
    %dma_start3A_172 = arith.constant 2688 : i32
    %dma_start3A_173 = tpu.memref_slice %arg5[%dma_start3A_172] : memref<3328xi32, #tpu.memory_space<vmem>> -> memref<128xi32, #tpu.memory_space<vmem>>
    %dma_start3A_174 = tpu.memref_slice %arg2[%add3A_171] : memref<106496xi32, #tpu.memory_space<hbm>> -> memref<128xi32, #tpu.memory_space<hbm>>
    %dma_start3A_175 = arith.constant 2688 : i32
    %dma_start3A_176 = tpu.memref_slice %arg5[%dma_start3A_175] : memref<3328xi32, #tpu.memory_space<vmem>> -> memref<128xi32, #tpu.memory_space<vmem>>
    %dma_start3A_177 = tpu.memref_slice %arg2[%add3A_171] : memref<106496xi32, #tpu.memory_space<hbm>> -> memref<128xi32, #tpu.memory_space<hbm>>
    tpu.enqueue_dma source(%dma_start3A_177 : memref<128xi32, #tpu.memory_space<hbm>>) target(%dma_start3A_176 : memref<128xi32, #tpu.memory_space<vmem>>) target_semaphore(%arg15 : memref<!tpu.dma_semaphore, #tpu.memory_space<semaphore_mem>>)
    %add3A_178 = arith.constant 90112 : i32
    %add3A_179 = arith.addi %add3A_178, %mul3A_2 : i32
    %dma_start3A_180 = arith.constant 2816 : i32
    %dma_start3A_181 = tpu.memref_slice %arg5[%dma_start3A_180] : memref<3328xi32, #tpu.memory_space<vmem>> -> memref<128xi32, #tpu.memory_space<vmem>>
    %dma_start3A_182 = tpu.memref_slice %arg2[%add3A_179] : memref<106496xi32, #tpu.memory_space<hbm>> -> memref<128xi32, #tpu.memory_space<hbm>>
    %dma_start3A_183 = arith.constant 2816 : i32
    %dma_start3A_184 = tpu.memref_slice %arg5[%dma_start3A_183] : memref<3328xi32, #tpu.memory_space<vmem>> -> memref<128xi32, #tpu.memory_space<vmem>>
    %dma_start3A_185 = tpu.memref_slice %arg2[%add3A_179] : memref<106496xi32, #tpu.memory_space<hbm>> -> memref<128xi32, #tpu.memory_space<hbm>>
    tpu.enqueue_dma source(%dma_start3A_185 : memref<128xi32, #tpu.memory_space<hbm>>) target(%dma_start3A_184 : memref<128xi32, #tpu.memory_space<vmem>>) target_semaphore(%arg15 : memref<!tpu.dma_semaphore, #tpu.memory_space<semaphore_mem>>)
    %add3A_186 = arith.constant 94208 : i32
    %add3A_187 = arith.addi %add3A_186, %mul3A_2 : i32
    %dma_start3A_188 = arith.constant 2944 : i32
    %dma_start3A_189 = tpu.memref_slice %arg5[%dma_start3A_188] : memref<3328xi32, #tpu.memory_space<vmem>> -> memref<128xi32, #tpu.memory_space<vmem>>
    %dma_start3A_190 = tpu.memref_slice %arg2[%add3A_187] : memref<106496xi32, #tpu.memory_space<hbm>> -> memref<128xi32, #tpu.memory_space<hbm>>
    %dma_start3A_191 = arith.constant 2944 : i32
    %dma_start3A_192 = tpu.memref_slice %arg5[%dma_start3A_191] : memref<3328xi32, #tpu.memory_space<vmem>> -> memref<128xi32, #tpu.memory_space<vmem>>
    %dma_start3A_193 = tpu.memref_slice %arg2[%add3A_187] : memref<106496xi32, #tpu.memory_space<hbm>> -> memref<128xi32, #tpu.memory_space<hbm>>
    tpu.enqueue_dma source(%dma_start3A_193 : memref<128xi32, #tpu.memory_space<hbm>>) target(%dma_start3A_192 : memref<128xi32, #tpu.memory_space<vmem>>) target_semaphore(%arg15 : memref<!tpu.dma_semaphore, #tpu.memory_space<semaphore_mem>>)
    %add3A_194 = arith.constant 98304 : i32
    %add3A_195 = arith.addi %add3A_194, %mul3A_2 : i32
    %dma_start3A_196 = arith.constant 3072 : i32
    %dma_start3A_197 = tpu.memref_slice %arg5[%dma_start3A_196] : memref<3328xi32, #tpu.memory_space<vmem>> -> memref<128xi32, #tpu.memory_space<vmem>>
    %dma_start3A_198 = tpu.memref_slice %arg2[%add3A_195] : memref<106496xi32, #tpu.memory_space<hbm>> -> memref<128xi32, #tpu.memory_space<hbm>>
    %dma_start3A_199 = arith.constant 3072 : i32
    %dma_start3A_200 = tpu.memref_slice %arg5[%dma_start3A_199] : memref<3328xi32, #tpu.memory_space<vmem>> -> memref<128xi32, #tpu.memory_space<vmem>>
    %dma_start3A_201 = tpu.memref_slice %arg2[%add3A_195] : memref<106496xi32, #tpu.memory_space<hbm>> -> memref<128xi32, #tpu.memory_space<hbm>>
    tpu.enqueue_dma source(%dma_start3A_201 : memref<128xi32, #tpu.memory_space<hbm>>) target(%dma_start3A_200 : memref<128xi32, #tpu.memory_space<vmem>>) target_semaphore(%arg15 : memref<!tpu.dma_semaphore, #tpu.memory_space<semaphore_mem>>)
    %add3A_202 = arith.constant 102400 : i32
    %add3A_203 = arith.addi %add3A_202, %mul3A_2 : i32
    %dma_start3A_204 = arith.constant 3200 : i32
    %dma_start3A_205 = tpu.memref_slice %arg5[%dma_start3A_204] : memref<3328xi32, #tpu.memory_space<vmem>> -> memref<128xi32, #tpu.memory_space<vmem>>
    %dma_start3A_206 = tpu.memref_slice %arg2[%add3A_203] : memref<106496xi32, #tpu.memory_space<hbm>> -> memref<128xi32, #tpu.memory_space<hbm>>
    %dma_start3A_207 = arith.constant 3200 : i32
    %dma_start3A_208 = tpu.memref_slice %arg5[%dma_start3A_207] : memref<3328xi32, #tpu.memory_space<vmem>> -> memref<128xi32, #tpu.memory_space<vmem>>
    %dma_start3A_209 = tpu.memref_slice %arg2[%add3A_203] : memref<106496xi32, #tpu.memory_space<hbm>> -> memref<128xi32, #tpu.memory_space<hbm>>
    tpu.enqueue_dma source(%dma_start3A_209 : memref<128xi32, #tpu.memory_space<hbm>>) target(%dma_start3A_208 : memref<128xi32, #tpu.memory_space<vmem>>) target_semaphore(%arg15 : memref<!tpu.dma_semaphore, #tpu.memory_space<semaphore_mem>>)
    %dma_wait3A = arith.constant 0 : i32
    %dma_wait3A_210 = tpu.memref_slice %arg5[%dma_wait3A] : memref<3328xi32, #tpu.memory_space<vmem>> -> memref<128xi32, #tpu.memory_space<vmem>>
    %dma_wait3A_211 = tpu.memref_slice %arg2[%add3A_4] : memref<106496xi32, #tpu.memory_space<hbm>> -> memref<128xi32, #tpu.memory_space<hbm>>
    %dma_wait3A_212 = arith.constant 0 : i32
    %dma_wait3A_213 = tpu.memref_slice %arg5[%dma_wait3A_212] : memref<3328xi32, #tpu.memory_space<vmem>> -> memref<128xi32, #tpu.memory_space<vmem>>
    %dma_wait3A_214 = tpu.memref_slice %arg2[%add3A_4] : memref<106496xi32, #tpu.memory_space<hbm>> -> memref<128xi32, #tpu.memory_space<hbm>>
    tpu.wait_dma2 semaphore(%arg15 : memref<!tpu.dma_semaphore, #tpu.memory_space<semaphore_mem>>) src(%dma_wait3A_214 : memref<128xi32, #tpu.memory_space<hbm>>) dst(%dma_wait3A_213 : memref<128xi32, #tpu.memory_space<vmem>>)
    %dma_wait3A_215 = arith.constant 128 : i32
    %dma_wait3A_216 = tpu.memref_slice %arg5[%dma_wait3A_215] : memref<3328xi32, #tpu.memory_space<vmem>> -> memref<128xi32, #tpu.memory_space<vmem>>
    %dma_wait3A_217 = tpu.memref_slice %arg2[%add3A_11] : memref<106496xi32, #tpu.memory_space<hbm>> -> memref<128xi32, #tpu.memory_space<hbm>>
    %dma_wait3A_218 = arith.constant 128 : i32
    %dma_wait3A_219 = tpu.memref_slice %arg5[%dma_wait3A_218] : memref<3328xi32, #tpu.memory_space<vmem>> -> memref<128xi32, #tpu.memory_space<vmem>>
    %dma_wait3A_220 = tpu.memref_slice %arg2[%add3A_11] : memref<106496xi32, #tpu.memory_space<hbm>> -> memref<128xi32, #tpu.memory_space<hbm>>
    tpu.wait_dma2 semaphore(%arg15 : memref<!tpu.dma_semaphore, #tpu.memory_space<semaphore_mem>>) src(%dma_wait3A_220 : memref<128xi32, #tpu.memory_space<hbm>>) dst(%dma_wait3A_219 : memref<128xi32, #tpu.memory_space<vmem>>)
    %dma_wait3A_221 = arith.constant 256 : i32
    %dma_wait3A_222 = tpu.memref_slice %arg5[%dma_wait3A_221] : memref<3328xi32, #tpu.memory_space<vmem>> -> memref<128xi32, #tpu.memory_space<vmem>>
    %dma_wait3A_223 = tpu.memref_slice %arg2[%add3A_19] : memref<106496xi32, #tpu.memory_space<hbm>> -> memref<128xi32, #tpu.memory_space<hbm>>
    %dma_wait3A_224 = arith.constant 256 : i32
    %dma_wait3A_225 = tpu.memref_slice %arg5[%dma_wait3A_224] : memref<3328xi32, #tpu.memory_space<vmem>> -> memref<128xi32, #tpu.memory_space<vmem>>
    %dma_wait3A_226 = tpu.memref_slice %arg2[%add3A_19] : memref<106496xi32, #tpu.memory_space<hbm>> -> memref<128xi32, #tpu.memory_space<hbm>>
    tpu.wait_dma2 semaphore(%arg15 : memref<!tpu.dma_semaphore, #tpu.memory_space<semaphore_mem>>) src(%dma_wait3A_226 : memref<128xi32, #tpu.memory_space<hbm>>) dst(%dma_wait3A_225 : memref<128xi32, #tpu.memory_space<vmem>>)
    %dma_wait3A_227 = arith.constant 384 : i32
    %dma_wait3A_228 = tpu.memref_slice %arg5[%dma_wait3A_227] : memref<3328xi32, #tpu.memory_space<vmem>> -> memref<128xi32, #tpu.memory_space<vmem>>
    %dma_wait3A_229 = tpu.memref_slice %arg2[%add3A_27] : memref<106496xi32, #tpu.memory_space<hbm>> -> memref<128xi32, #tpu.memory_space<hbm>>
    %dma_wait3A_230 = arith.constant 384 : i32
    %dma_wait3A_231 = tpu.memref_slice %arg5[%dma_wait3A_230] : memref<3328xi32, #tpu.memory_space<vmem>> -> memref<128xi32, #tpu.memory_space<vmem>>
    %dma_wait3A_232 = tpu.memref_slice %arg2[%add3A_27] : memref<106496xi32, #tpu.memory_space<hbm>> -> memref<128xi32, #tpu.memory_space<hbm>>
    tpu.wait_dma2 semaphore(%arg15 : memref<!tpu.dma_semaphore, #tpu.memory_space<semaphore_mem>>) src(%dma_wait3A_232 : memref<128xi32, #tpu.memory_space<hbm>>) dst(%dma_wait3A_231 : memref<128xi32, #tpu.memory_space<vmem>>)
    %dma_wait3A_233 = arith.constant 512 : i32
    %dma_wait3A_234 = tpu.memref_slice %arg5[%dma_wait3A_233] : memref<3328xi32, #tpu.memory_space<vmem>> -> memref<128xi32, #tpu.memory_space<vmem>>
    %dma_wait3A_235 = tpu.memref_slice %arg2[%add3A_35] : memref<106496xi32, #tpu.memory_space<hbm>> -> memref<128xi32, #tpu.memory_space<hbm>>
    %dma_wait3A_236 = arith.constant 512 : i32
    %dma_wait3A_237 = tpu.memref_slice %arg5[%dma_wait3A_236] : memref<3328xi32, #tpu.memory_space<vmem>> -> memref<128xi32, #tpu.memory_space<vmem>>
    %dma_wait3A_238 = tpu.memref_slice %arg2[%add3A_35] : memref<106496xi32, #tpu.memory_space<hbm>> -> memref<128xi32, #tpu.memory_space<hbm>>
    tpu.wait_dma2 semaphore(%arg15 : memref<!tpu.dma_semaphore, #tpu.memory_space<semaphore_mem>>) src(%dma_wait3A_238 : memref<128xi32, #tpu.memory_space<hbm>>) dst(%dma_wait3A_237 : memref<128xi32, #tpu.memory_space<vmem>>)
    %dma_wait3A_239 = arith.constant 640 : i32
    %dma_wait3A_240 = tpu.memref_slice %arg5[%dma_wait3A_239] : memref<3328xi32, #tpu.memory_space<vmem>> -> memref<128xi32, #tpu.memory_space<vmem>>
    %dma_wait3A_241 = tpu.memref_slice %arg2[%add3A_43] : memref<106496xi32, #tpu.memory_space<hbm>> -> memref<128xi32, #tpu.memory_space<hbm>>
    %dma_wait3A_242 = arith.constant 640 : i32
    %dma_wait3A_243 = tpu.memref_slice %arg5[%dma_wait3A_242] : memref<3328xi32, #tpu.memory_space<vmem>> -> memref<128xi32, #tpu.memory_space<vmem>>
    %dma_wait3A_244 = tpu.memref_slice %arg2[%add3A_43] : memref<106496xi32, #tpu.memory_space<hbm>> -> memref<128xi32, #tpu.memory_space<hbm>>
    tpu.wait_dma2 semaphore(%arg15 : memref<!tpu.dma_semaphore, #tpu.memory_space<semaphore_mem>>) src(%dma_wait3A_244 : memref<128xi32, #tpu.memory_space<hbm>>) dst(%dma_wait3A_243 : memref<128xi32, #tpu.memory_space<vmem>>)
    %dma_wait3A_245 = arith.constant 768 : i32
    %dma_wait3A_246 = tpu.memref_slice %arg5[%dma_wait3A_245] : memref<3328xi32, #tpu.memory_space<vmem>> -> memref<128xi32, #tpu.memory_space<vmem>>
    %dma_wait3A_247 = tpu.memref_slice %arg2[%add3A_51] : memref<106496xi32, #tpu.memory_space<hbm>> -> memref<128xi32, #tpu.memory_space<hbm>>
    %dma_wait3A_248 = arith.constant 768 : i32
    %dma_wait3A_249 = tpu.memref_slice %arg5[%dma_wait3A_248] : memref<3328xi32, #tpu.memory_space<vmem>> -> memref<128xi32, #tpu.memory_space<vmem>>
    %dma_wait3A_250 = tpu.memref_slice %arg2[%add3A_51] : memref<106496xi32, #tpu.memory_space<hbm>> -> memref<128xi32, #tpu.memory_space<hbm>>
    tpu.wait_dma2 semaphore(%arg15 : memref<!tpu.dma_semaphore, #tpu.memory_space<semaphore_mem>>) src(%dma_wait3A_250 : memref<128xi32, #tpu.memory_space<hbm>>) dst(%dma_wait3A_249 : memref<128xi32, #tpu.memory_space<vmem>>)
    %dma_wait3A_251 = arith.constant 896 : i32
    %dma_wait3A_252 = tpu.memref_slice %arg5[%dma_wait3A_251] : memref<3328xi32, #tpu.memory_space<vmem>> -> memref<128xi32, #tpu.memory_space<vmem>>
    %dma_wait3A_253 = tpu.memref_slice %arg2[%add3A_59] : memref<106496xi32, #tpu.memory_space<hbm>> -> memref<128xi32, #tpu.memory_space<hbm>>
    %dma_wait3A_254 = arith.constant 896 : i32
    %dma_wait3A_255 = tpu.memref_slice %arg5[%dma_wait3A_254] : memref<3328xi32, #tpu.memory_space<vmem>> -> memref<128xi32, #tpu.memory_space<vmem>>
    %dma_wait3A_256 = tpu.memref_slice %arg2[%add3A_59] : memref<106496xi32, #tpu.memory_space<hbm>> -> memref<128xi32, #tpu.memory_space<hbm>>
    tpu.wait_dma2 semaphore(%arg15 : memref<!tpu.dma_semaphore, #tpu.memory_space<semaphore_mem>>) src(%dma_wait3A_256 : memref<128xi32, #tpu.memory_space<hbm>>) dst(%dma_wait3A_255 : memref<128xi32, #tpu.memory_space<vmem>>)
    %dma_wait3A_257 = arith.constant 1024 : i32
    %dma_wait3A_258 = tpu.memref_slice %arg5[%dma_wait3A_257] : memref<3328xi32, #tpu.memory_space<vmem>> -> memref<128xi32, #tpu.memory_space<vmem>>
    %dma_wait3A_259 = tpu.memref_slice %arg2[%add3A_67] : memref<106496xi32, #tpu.memory_space<hbm>> -> memref<128xi32, #tpu.memory_space<hbm>>
    %dma_wait3A_260 = arith.constant 1024 : i32
    %dma_wait3A_261 = tpu.memref_slice %arg5[%dma_wait3A_260] : memref<3328xi32, #tpu.memory_space<vmem>> -> memref<128xi32, #tpu.memory_space<vmem>>
    %dma_wait3A_262 = tpu.memref_slice %arg2[%add3A_67] : memref<106496xi32, #tpu.memory_space<hbm>> -> memref<128xi32, #tpu.memory_space<hbm>>
    tpu.wait_dma2 semaphore(%arg15 : memref<!tpu.dma_semaphore, #tpu.memory_space<semaphore_mem>>) src(%dma_wait3A_262 : memref<128xi32, #tpu.memory_space<hbm>>) dst(%dma_wait3A_261 : memref<128xi32, #tpu.memory_space<vmem>>)
    %dma_wait3A_263 = arith.constant 1152 : i32
    %dma_wait3A_264 = tpu.memref_slice %arg5[%dma_wait3A_263] : memref<3328xi32, #tpu.memory_space<vmem>> -> memref<128xi32, #tpu.memory_space<vmem>>
    %dma_wait3A_265 = tpu.memref_slice %arg2[%add3A_75] : memref<106496xi32, #tpu.memory_space<hbm>> -> memref<128xi32, #tpu.memory_space<hbm>>
    %dma_wait3A_266 = arith.constant 1152 : i32
    %dma_wait3A_267 = tpu.memref_slice %arg5[%dma_wait3A_266] : memref<3328xi32, #tpu.memory_space<vmem>> -> memref<128xi32, #tpu.memory_space<vmem>>
    %dma_wait3A_268 = tpu.memref_slice %arg2[%add3A_75] : memref<106496xi32, #tpu.memory_space<hbm>> -> memref<128xi32, #tpu.memory_space<hbm>>
    tpu.wait_dma2 semaphore(%arg15 : memref<!tpu.dma_semaphore, #tpu.memory_space<semaphore_mem>>) src(%dma_wait3A_268 : memref<128xi32, #tpu.memory_space<hbm>>) dst(%dma_wait3A_267 : memref<128xi32, #tpu.memory_space<vmem>>)
    %dma_wait3A_269 = arith.constant 1280 : i32
    %dma_wait3A_270 = tpu.memref_slice %arg5[%dma_wait3A_269] : memref<3328xi32, #tpu.memory_space<vmem>> -> memref<128xi32, #tpu.memory_space<vmem>>
    %dma_wait3A_271 = tpu.memref_slice %arg2[%add3A_83] : memref<106496xi32, #tpu.memory_space<hbm>> -> memref<128xi32, #tpu.memory_space<hbm>>
    %dma_wait3A_272 = arith.constant 1280 : i32
    %dma_wait3A_273 = tpu.memref_slice %arg5[%dma_wait3A_272] : memref<3328xi32, #tpu.memory_space<vmem>> -> memref<128xi32, #tpu.memory_space<vmem>>
    %dma_wait3A_274 = tpu.memref_slice %arg2[%add3A_83] : memref<106496xi32, #tpu.memory_space<hbm>> -> memref<128xi32, #tpu.memory_space<hbm>>
    tpu.wait_dma2 semaphore(%arg15 : memref<!tpu.dma_semaphore, #tpu.memory_space<semaphore_mem>>) src(%dma_wait3A_274 : memref<128xi32, #tpu.memory_space<hbm>>) dst(%dma_wait3A_273 : memref<128xi32, #tpu.memory_space<vmem>>)
    %dma_wait3A_275 = arith.constant 1408 : i32
    %dma_wait3A_276 = tpu.memref_slice %arg5[%dma_wait3A_275] : memref<3328xi32, #tpu.memory_space<vmem>> -> memref<128xi32, #tpu.memory_space<vmem>>
    %dma_wait3A_277 = tpu.memref_slice %arg2[%add3A_91] : memref<106496xi32, #tpu.memory_space<hbm>> -> memref<128xi32, #tpu.memory_space<hbm>>
    %dma_wait3A_278 = arith.constant 1408 : i32
    %dma_wait3A_279 = tpu.memref_slice %arg5[%dma_wait3A_278] : memref<3328xi32, #tpu.memory_space<vmem>> -> memref<128xi32, #tpu.memory_space<vmem>>
    %dma_wait3A_280 = tpu.memref_slice %arg2[%add3A_91] : memref<106496xi32, #tpu.memory_space<hbm>> -> memref<128xi32, #tpu.memory_space<hbm>>
    tpu.wait_dma2 semaphore(%arg15 : memref<!tpu.dma_semaphore, #tpu.memory_space<semaphore_mem>>) src(%dma_wait3A_280 : memref<128xi32, #tpu.memory_space<hbm>>) dst(%dma_wait3A_279 : memref<128xi32, #tpu.memory_space<vmem>>)
    %dma_wait3A_281 = arith.constant 1536 : i32
    %dma_wait3A_282 = tpu.memref_slice %arg5[%dma_wait3A_281] : memref<3328xi32, #tpu.memory_space<vmem>> -> memref<128xi32, #tpu.memory_space<vmem>>
    %dma_wait3A_283 = tpu.memref_slice %arg2[%add3A_99] : memref<106496xi32, #tpu.memory_space<hbm>> -> memref<128xi32, #tpu.memory_space<hbm>>
    %dma_wait3A_284 = arith.constant 1536 : i32
    %dma_wait3A_285 = tpu.memref_slice %arg5[%dma_wait3A_284] : memref<3328xi32, #tpu.memory_space<vmem>> -> memref<128xi32, #tpu.memory_space<vmem>>
    %dma_wait3A_286 = tpu.memref_slice %arg2[%add3A_99] : memref<106496xi32, #tpu.memory_space<hbm>> -> memref<128xi32, #tpu.memory_space<hbm>>
    tpu.wait_dma2 semaphore(%arg15 : memref<!tpu.dma_semaphore, #tpu.memory_space<semaphore_mem>>) src(%dma_wait3A_286 : memref<128xi32, #tpu.memory_space<hbm>>) dst(%dma_wait3A_285 : memref<128xi32, #tpu.memory_space<vmem>>)
    %dma_wait3A_287 = arith.constant 1664 : i32
    %dma_wait3A_288 = tpu.memref_slice %arg5[%dma_wait3A_287] : memref<3328xi32, #tpu.memory_space<vmem>> -> memref<128xi32, #tpu.memory_space<vmem>>
    %dma_wait3A_289 = tpu.memref_slice %arg2[%add3A_107] : memref<106496xi32, #tpu.memory_space<hbm>> -> memref<128xi32, #tpu.memory_space<hbm>>
    %dma_wait3A_290 = arith.constant 1664 : i32
    %dma_wait3A_291 = tpu.memref_slice %arg5[%dma_wait3A_290] : memref<3328xi32, #tpu.memory_space<vmem>> -> memref<128xi32, #tpu.memory_space<vmem>>
    %dma_wait3A_292 = tpu.memref_slice %arg2[%add3A_107] : memref<106496xi32, #tpu.memory_space<hbm>> -> memref<128xi32, #tpu.memory_space<hbm>>
    tpu.wait_dma2 semaphore(%arg15 : memref<!tpu.dma_semaphore, #tpu.memory_space<semaphore_mem>>) src(%dma_wait3A_292 : memref<128xi32, #tpu.memory_space<hbm>>) dst(%dma_wait3A_291 : memref<128xi32, #tpu.memory_space<vmem>>)
    %dma_wait3A_293 = arith.constant 1792 : i32
    %dma_wait3A_294 = tpu.memref_slice %arg5[%dma_wait3A_293] : memref<3328xi32, #tpu.memory_space<vmem>> -> memref<128xi32, #tpu.memory_space<vmem>>
    %dma_wait3A_295 = tpu.memref_slice %arg2[%add3A_115] : memref<106496xi32, #tpu.memory_space<hbm>> -> memref<128xi32, #tpu.memory_space<hbm>>
    %dma_wait3A_296 = arith.constant 1792 : i32
    %dma_wait3A_297 = tpu.memref_slice %arg5[%dma_wait3A_296] : memref<3328xi32, #tpu.memory_space<vmem>> -> memref<128xi32, #tpu.memory_space<vmem>>
    %dma_wait3A_298 = tpu.memref_slice %arg2[%add3A_115] : memref<106496xi32, #tpu.memory_space<hbm>> -> memref<128xi32, #tpu.memory_space<hbm>>
    tpu.wait_dma2 semaphore(%arg15 : memref<!tpu.dma_semaphore, #tpu.memory_space<semaphore_mem>>) src(%dma_wait3A_298 : memref<128xi32, #tpu.memory_space<hbm>>) dst(%dma_wait3A_297 : memref<128xi32, #tpu.memory_space<vmem>>)
    %dma_wait3A_299 = arith.constant 1920 : i32
    %dma_wait3A_300 = tpu.memref_slice %arg5[%dma_wait3A_299] : memref<3328xi32, #tpu.memory_space<vmem>> -> memref<128xi32, #tpu.memory_space<vmem>>
    %dma_wait3A_301 = tpu.memref_slice %arg2[%add3A_123] : memref<106496xi32, #tpu.memory_space<hbm>> -> memref<128xi32, #tpu.memory_space<hbm>>
    %dma_wait3A_302 = arith.constant 1920 : i32
    %dma_wait3A_303 = tpu.memref_slice %arg5[%dma_wait3A_302] : memref<3328xi32, #tpu.memory_space<vmem>> -> memref<128xi32, #tpu.memory_space<vmem>>
    %dma_wait3A_304 = tpu.memref_slice %arg2[%add3A_123] : memref<106496xi32, #tpu.memory_space<hbm>> -> memref<128xi32, #tpu.memory_space<hbm>>
    tpu.wait_dma2 semaphore(%arg15 : memref<!tpu.dma_semaphore, #tpu.memory_space<semaphore_mem>>) src(%dma_wait3A_304 : memref<128xi32, #tpu.memory_space<hbm>>) dst(%dma_wait3A_303 : memref<128xi32, #tpu.memory_space<vmem>>)
    %dma_wait3A_305 = arith.constant 2048 : i32
    %dma_wait3A_306 = tpu.memref_slice %arg5[%dma_wait3A_305] : memref<3328xi32, #tpu.memory_space<vmem>> -> memref<128xi32, #tpu.memory_space<vmem>>
    %dma_wait3A_307 = tpu.memref_slice %arg2[%add3A_131] : memref<106496xi32, #tpu.memory_space<hbm>> -> memref<128xi32, #tpu.memory_space<hbm>>
    %dma_wait3A_308 = arith.constant 2048 : i32
    %dma_wait3A_309 = tpu.memref_slice %arg5[%dma_wait3A_308] : memref<3328xi32, #tpu.memory_space<vmem>> -> memref<128xi32, #tpu.memory_space<vmem>>
    %dma_wait3A_310 = tpu.memref_slice %arg2[%add3A_131] : memref<106496xi32, #tpu.memory_space<hbm>> -> memref<128xi32, #tpu.memory_space<hbm>>
    tpu.wait_dma2 semaphore(%arg15 : memref<!tpu.dma_semaphore, #tpu.memory_space<semaphore_mem>>) src(%dma_wait3A_310 : memref<128xi32, #tpu.memory_space<hbm>>) dst(%dma_wait3A_309 : memref<128xi32, #tpu.memory_space<vmem>>)
    %dma_wait3A_311 = arith.constant 2176 : i32
    %dma_wait3A_312 = tpu.memref_slice %arg5[%dma_wait3A_311] : memref<3328xi32, #tpu.memory_space<vmem>> -> memref<128xi32, #tpu.memory_space<vmem>>
    %dma_wait3A_313 = tpu.memref_slice %arg2[%add3A_139] : memref<106496xi32, #tpu.memory_space<hbm>> -> memref<128xi32, #tpu.memory_space<hbm>>
    %dma_wait3A_314 = arith.constant 2176 : i32
    %dma_wait3A_315 = tpu.memref_slice %arg5[%dma_wait3A_314] : memref<3328xi32, #tpu.memory_space<vmem>> -> memref<128xi32, #tpu.memory_space<vmem>>
    %dma_wait3A_316 = tpu.memref_slice %arg2[%add3A_139] : memref<106496xi32, #tpu.memory_space<hbm>> -> memref<128xi32, #tpu.memory_space<hbm>>
    tpu.wait_dma2 semaphore(%arg15 : memref<!tpu.dma_semaphore, #tpu.memory_space<semaphore_mem>>) src(%dma_wait3A_316 : memref<128xi32, #tpu.memory_space<hbm>>) dst(%dma_wait3A_315 : memref<128xi32, #tpu.memory_space<vmem>>)
    %dma_wait3A_317 = arith.constant 2304 : i32
    %dma_wait3A_318 = tpu.memref_slice %arg5[%dma_wait3A_317] : memref<3328xi32, #tpu.memory_space<vmem>> -> memref<128xi32, #tpu.memory_space<vmem>>
    %dma_wait3A_319 = tpu.memref_slice %arg2[%add3A_147] : memref<106496xi32, #tpu.memory_space<hbm>> -> memref<128xi32, #tpu.memory_space<hbm>>
    %dma_wait3A_320 = arith.constant 2304 : i32
    %dma_wait3A_321 = tpu.memref_slice %arg5[%dma_wait3A_320] : memref<3328xi32, #tpu.memory_space<vmem>> -> memref<128xi32, #tpu.memory_space<vmem>>
    %dma_wait3A_322 = tpu.memref_slice %arg2[%add3A_147] : memref<106496xi32, #tpu.memory_space<hbm>> -> memref<128xi32, #tpu.memory_space<hbm>>
    tpu.wait_dma2 semaphore(%arg15 : memref<!tpu.dma_semaphore, #tpu.memory_space<semaphore_mem>>) src(%dma_wait3A_322 : memref<128xi32, #tpu.memory_space<hbm>>) dst(%dma_wait3A_321 : memref<128xi32, #tpu.memory_space<vmem>>)
    %dma_wait3A_323 = arith.constant 2432 : i32
    %dma_wait3A_324 = tpu.memref_slice %arg5[%dma_wait3A_323] : memref<3328xi32, #tpu.memory_space<vmem>> -> memref<128xi32, #tpu.memory_space<vmem>>
    %dma_wait3A_325 = tpu.memref_slice %arg2[%add3A_155] : memref<106496xi32, #tpu.memory_space<hbm>> -> memref<128xi32, #tpu.memory_space<hbm>>
    %dma_wait3A_326 = arith.constant 2432 : i32
    %dma_wait3A_327 = tpu.memref_slice %arg5[%dma_wait3A_326] : memref<3328xi32, #tpu.memory_space<vmem>> -> memref<128xi32, #tpu.memory_space<vmem>>
    %dma_wait3A_328 = tpu.memref_slice %arg2[%add3A_155] : memref<106496xi32, #tpu.memory_space<hbm>> -> memref<128xi32, #tpu.memory_space<hbm>>
    tpu.wait_dma2 semaphore(%arg15 : memref<!tpu.dma_semaphore, #tpu.memory_space<semaphore_mem>>) src(%dma_wait3A_328 : memref<128xi32, #tpu.memory_space<hbm>>) dst(%dma_wait3A_327 : memref<128xi32, #tpu.memory_space<vmem>>)
    %dma_wait3A_329 = arith.constant 2560 : i32
    %dma_wait3A_330 = tpu.memref_slice %arg5[%dma_wait3A_329] : memref<3328xi32, #tpu.memory_space<vmem>> -> memref<128xi32, #tpu.memory_space<vmem>>
    %dma_wait3A_331 = tpu.memref_slice %arg2[%add3A_163] : memref<106496xi32, #tpu.memory_space<hbm>> -> memref<128xi32, #tpu.memory_space<hbm>>
    %dma_wait3A_332 = arith.constant 2560 : i32
    %dma_wait3A_333 = tpu.memref_slice %arg5[%dma_wait3A_332] : memref<3328xi32, #tpu.memory_space<vmem>> -> memref<128xi32, #tpu.memory_space<vmem>>
    %dma_wait3A_334 = tpu.memref_slice %arg2[%add3A_163] : memref<106496xi32, #tpu.memory_space<hbm>> -> memref<128xi32, #tpu.memory_space<hbm>>
    tpu.wait_dma2 semaphore(%arg15 : memref<!tpu.dma_semaphore, #tpu.memory_space<semaphore_mem>>) src(%dma_wait3A_334 : memref<128xi32, #tpu.memory_space<hbm>>) dst(%dma_wait3A_333 : memref<128xi32, #tpu.memory_space<vmem>>)
    %dma_wait3A_335 = arith.constant 2688 : i32
    %dma_wait3A_336 = tpu.memref_slice %arg5[%dma_wait3A_335] : memref<3328xi32, #tpu.memory_space<vmem>> -> memref<128xi32, #tpu.memory_space<vmem>>
    %dma_wait3A_337 = tpu.memref_slice %arg2[%add3A_171] : memref<106496xi32, #tpu.memory_space<hbm>> -> memref<128xi32, #tpu.memory_space<hbm>>
    %dma_wait3A_338 = arith.constant 2688 : i32
    %dma_wait3A_339 = tpu.memref_slice %arg5[%dma_wait3A_338] : memref<3328xi32, #tpu.memory_space<vmem>> -> memref<128xi32, #tpu.memory_space<vmem>>
    %dma_wait3A_340 = tpu.memref_slice %arg2[%add3A_171] : memref<106496xi32, #tpu.memory_space<hbm>> -> memref<128xi32, #tpu.memory_space<hbm>>
    tpu.wait_dma2 semaphore(%arg15 : memref<!tpu.dma_semaphore, #tpu.memory_space<semaphore_mem>>) src(%dma_wait3A_340 : memref<128xi32, #tpu.memory_space<hbm>>) dst(%dma_wait3A_339 : memref<128xi32, #tpu.memory_space<vmem>>)
    %dma_wait3A_341 = arith.constant 2816 : i32
    %dma_wait3A_342 = tpu.memref_slice %arg5[%dma_wait3A_341] : memref<3328xi32, #tpu.memory_space<vmem>> -> memref<128xi32, #tpu.memory_space<vmem>>
    %dma_wait3A_343 = tpu.memref_slice %arg2[%add3A_179] : memref<106496xi32, #tpu.memory_space<hbm>> -> memref<128xi32, #tpu.memory_space<hbm>>
    %dma_wait3A_344 = arith.constant 2816 : i32
    %dma_wait3A_345 = tpu.memref_slice %arg5[%dma_wait3A_344] : memref<3328xi32, #tpu.memory_space<vmem>> -> memref<128xi32, #tpu.memory_space<vmem>>
    %dma_wait3A_346 = tpu.memref_slice %arg2[%add3A_179] : memref<106496xi32, #tpu.memory_space<hbm>> -> memref<128xi32, #tpu.memory_space<hbm>>
    tpu.wait_dma2 semaphore(%arg15 : memref<!tpu.dma_semaphore, #tpu.memory_space<semaphore_mem>>) src(%dma_wait3A_346 : memref<128xi32, #tpu.memory_space<hbm>>) dst(%dma_wait3A_345 : memref<128xi32, #tpu.memory_space<vmem>>)
    %dma_wait3A_347 = arith.constant 2944 : i32
    %dma_wait3A_348 = tpu.memref_slice %arg5[%dma_wait3A_347] : memref<3328xi32, #tpu.memory_space<vmem>> -> memref<128xi32, #tpu.memory_space<vmem>>
    %dma_wait3A_349 = tpu.memref_slice %arg2[%add3A_187] : memref<106496xi32, #tpu.memory_space<hbm>> -> memref<128xi32, #tpu.memory_space<hbm>>
    %dma_wait3A_350 = arith.constant 2944 : i32
    %dma_wait3A_351 = tpu.memref_slice %arg5[%dma_wait3A_350] : memref<3328xi32, #tpu.memory_space<vmem>> -> memref<128xi32, #tpu.memory_space<vmem>>
    %dma_wait3A_352 = tpu.memref_slice %arg2[%add3A_187] : memref<106496xi32, #tpu.memory_space<hbm>> -> memref<128xi32, #tpu.memory_space<hbm>>
    tpu.wait_dma2 semaphore(%arg15 : memref<!tpu.dma_semaphore, #tpu.memory_space<semaphore_mem>>) src(%dma_wait3A_352 : memref<128xi32, #tpu.memory_space<hbm>>) dst(%dma_wait3A_351 : memref<128xi32, #tpu.memory_space<vmem>>)
    %dma_wait3A_353 = arith.constant 3072 : i32
    %dma_wait3A_354 = tpu.memref_slice %arg5[%dma_wait3A_353] : memref<3328xi32, #tpu.memory_space<vmem>> -> memref<128xi32, #tpu.memory_space<vmem>>
    %dma_wait3A_355 = tpu.memref_slice %arg2[%add3A_195] : memref<106496xi32, #tpu.memory_space<hbm>> -> memref<128xi32, #tpu.memory_space<hbm>>
    %dma_wait3A_356 = arith.constant 3072 : i32
    %dma_wait3A_357 = tpu.memref_slice %arg5[%dma_wait3A_356] : memref<3328xi32, #tpu.memory_space<vmem>> -> memref<128xi32, #tpu.memory_space<vmem>>
    %dma_wait3A_358 = tpu.memref_slice %arg2[%add3A_195] : memref<106496xi32, #tpu.memory_space<hbm>> -> memref<128xi32, #tpu.memory_space<hbm>>
    tpu.wait_dma2 semaphore(%arg15 : memref<!tpu.dma_semaphore, #tpu.memory_space<semaphore_mem>>) src(%dma_wait3A_358 : memref<128xi32, #tpu.memory_space<hbm>>) dst(%dma_wait3A_357 : memref<128xi32, #tpu.memory_space<vmem>>)
    %dma_wait3A_359 = arith.constant 3200 : i32
    %dma_wait3A_360 = tpu.memref_slice %arg5[%dma_wait3A_359] : memref<3328xi32, #tpu.memory_space<vmem>> -> memref<128xi32, #tpu.memory_space<vmem>>
    %dma_wait3A_361 = tpu.memref_slice %arg2[%add3A_203] : memref<106496xi32, #tpu.memory_space<hbm>> -> memref<128xi32, #tpu.memory_space<hbm>>
    %dma_wait3A_362 = arith.constant 3200 : i32
    %dma_wait3A_363 = tpu.memref_slice %arg5[%dma_wait3A_362] : memref<3328xi32, #tpu.memory_space<vmem>> -> memref<128xi32, #tpu.memory_space<vmem>>
    %dma_wait3A_364 = tpu.memref_slice %arg2[%add3A_203] : memref<106496xi32, #tpu.memory_space<hbm>> -> memref<128xi32, #tpu.memory_space<hbm>>
    tpu.wait_dma2 semaphore(%arg15 : memref<!tpu.dma_semaphore, #tpu.memory_space<semaphore_mem>>) src(%dma_wait3A_364 : memref<128xi32, #tpu.memory_space<hbm>>) dst(%dma_wait3A_363 : memref<128xi32, #tpu.memory_space<vmem>>)
    %dma_start3A_365 = arith.constant 0 : i32
    %dma_start3A_366 = tpu.memref_slice %arg5[%dma_start3A_365] : memref<3328xi32, #tpu.memory_space<vmem>> -> memref<128xi32, #tpu.memory_space<vmem>>
    %dma_start3A_367 = arith.constant 0 : i32
    %dma_start3A_368 = arith.constant 0 : i32
    %dma_start3A_369 = tpu.memref_slice %arg3[%dma_start3A_367, %dma_start3A_368] : memref<202048x256xf32, #tpu.memory_space<hbm>> -> memref<202048x256xf32, #tpu.memory_space<hbm>>
    tpu.enqueue_indirect_dma source(%dma_start3A_369 : memref<202048x256xf32, #tpu.memory_space<hbm>>) target(%arg6 : memref<128x256xf32, #tpu.memory_space<vmem>>) offsets(%dma_start3A_366 : memref<128xi32, #tpu.memory_space<vmem>>) semaphore(%arg9 : memref<!tpu.dma_semaphore, #tpu.memory_space<semaphore_mem>>)
    %dma_start3A_370 = arith.constant 128 : i32
    %dma_start3A_371 = tpu.memref_slice %arg5[%dma_start3A_370] : memref<3328xi32, #tpu.memory_space<vmem>> -> memref<128xi32, #tpu.memory_space<vmem>>
    %dma_start3A_372 = arith.constant 0 : i32
    %dma_start3A_373 = arith.constant 0 : i32
    %dma_start3A_374 = tpu.memref_slice %arg3[%dma_start3A_372, %dma_start3A_373] : memref<202048x256xf32, #tpu.memory_space<hbm>> -> memref<202048x256xf32, #tpu.memory_space<hbm>>
    tpu.enqueue_indirect_dma source(%dma_start3A_374 : memref<202048x256xf32, #tpu.memory_space<hbm>>) target(%arg7 : memref<128x256xf32, #tpu.memory_space<vmem>>) offsets(%dma_start3A_371 : memref<128xi32, #tpu.memory_space<vmem>>) semaphore(%arg10 : memref<!tpu.dma_semaphore, #tpu.memory_space<semaphore_mem>>)
    %dma_wait3A_375 = arith.constant 0 : i32
    %dma_wait3A_376 = tpu.memref_slice %arg5[%dma_wait3A_375] : memref<3328xi32, #tpu.memory_space<vmem>> -> memref<128xi32, #tpu.memory_space<vmem>>
    %dma_wait3A_377 = arith.constant 0 : i32
    %dma_wait3A_378 = arith.constant 0 : i32
    %dma_wait3A_379 = tpu.memref_slice %arg3[%dma_wait3A_377, %dma_wait3A_378] : memref<202048x256xf32, #tpu.memory_space<hbm>> -> memref<202048x256xf32, #tpu.memory_space<hbm>>
    tpu.wait_indirect_dma semaphore(%arg9 : memref<!tpu.dma_semaphore, #tpu.memory_space<semaphore_mem>>) src(%dma_wait3A_379 : memref<202048x256xf32, #tpu.memory_space<hbm>>) dst(%arg6 : memref<128x256xf32, #tpu.memory_space<vmem>>)
    %dma_start3A_380 = arith.constant 0 : i32
    %dma_start3A_381 = arith.constant 0 : i32
    %dma_start3A_382 = tpu.memref_slice %arg4[%dma_start3A_380, %mul3A_2, %dma_start3A_381] : memref<26x4096x256xf32, #tpu.memory_space<hbm>> -> memref<1x128x256xf32, #tpu.memory_space<hbm>>
    %dma_start3A_383 = tpu.memref_squeeze %dma_start3A_382 : memref<1x128x256xf32, #tpu.memory_space<hbm>> -> memref<128x256xf32, #tpu.memory_space<hbm>>
    %dma_start3A_384 = arith.constant 0 : i32
    %dma_start3A_385 = tpu.memref_slice %arg4[%dma_start3A_380, %mul3A_2, %dma_start3A_384] : memref<26x4096x256xf32, #tpu.memory_space<hbm>> -> memref<1x128x256xf32, #tpu.memory_space<hbm>>
    %dma_start3A_386 = tpu.memref_squeeze %dma_start3A_385 : memref<1x128x256xf32, #tpu.memory_space<hbm>> -> memref<128x256xf32, #tpu.memory_space<hbm>>
    tpu.enqueue_dma source(%arg6 : memref<128x256xf32, #tpu.memory_space<vmem>>) target(%dma_start3A_386 : memref<128x256xf32, #tpu.memory_space<hbm>>) target_semaphore(%arg12 : memref<!tpu.dma_semaphore, #tpu.memory_space<semaphore_mem>>)
    %dma_start3A_387 = arith.constant 256 : i32
    %dma_start3A_388 = tpu.memref_slice %arg5[%dma_start3A_387] : memref<3328xi32, #tpu.memory_space<vmem>> -> memref<128xi32, #tpu.memory_space<vmem>>
    %dma_start3A_389 = arith.constant 0 : i32
    %dma_start3A_390 = arith.constant 0 : i32
    %dma_start3A_391 = tpu.memref_slice %arg3[%dma_start3A_389, %dma_start3A_390] : memref<202048x256xf32, #tpu.memory_space<hbm>> -> memref<202048x256xf32, #tpu.memory_space<hbm>>
    tpu.enqueue_indirect_dma source(%dma_start3A_391 : memref<202048x256xf32, #tpu.memory_space<hbm>>) target(%arg8 : memref<128x256xf32, #tpu.memory_space<vmem>>) offsets(%dma_start3A_388 : memref<128xi32, #tpu.memory_space<vmem>>) semaphore(%arg11 : memref<!tpu.dma_semaphore, #tpu.memory_space<semaphore_mem>>)
    %dma_wait3A_392 = arith.constant 128 : i32
    %dma_wait3A_393 = tpu.memref_slice %arg5[%dma_wait3A_392] : memref<3328xi32, #tpu.memory_space<vmem>> -> memref<128xi32, #tpu.memory_space<vmem>>
    %dma_wait3A_394 = arith.constant 0 : i32
    %dma_wait3A_395 = arith.constant 0 : i32
    %dma_wait3A_396 = tpu.memref_slice %arg3[%dma_wait3A_394, %dma_wait3A_395] : memref<202048x256xf32, #tpu.memory_space<hbm>> -> memref<202048x256xf32, #tpu.memory_space<hbm>>
    tpu.wait_indirect_dma semaphore(%arg10 : memref<!tpu.dma_semaphore, #tpu.memory_space<semaphore_mem>>) src(%dma_wait3A_396 : memref<202048x256xf32, #tpu.memory_space<hbm>>) dst(%arg7 : memref<128x256xf32, #tpu.memory_space<vmem>>)
    %dma_start3A_397 = arith.constant 1 : i32
    %dma_start3A_398 = arith.constant 0 : i32
    %dma_start3A_399 = tpu.memref_slice %arg4[%dma_start3A_397, %mul3A_2, %dma_start3A_398] : memref<26x4096x256xf32, #tpu.memory_space<hbm>> -> memref<1x128x256xf32, #tpu.memory_space<hbm>>
    %dma_start3A_400 = tpu.memref_squeeze %dma_start3A_399 : memref<1x128x256xf32, #tpu.memory_space<hbm>> -> memref<128x256xf32, #tpu.memory_space<hbm>>
    %dma_start3A_401 = arith.constant 0 : i32
    %dma_start3A_402 = tpu.memref_slice %arg4[%dma_start3A_397, %mul3A_2, %dma_start3A_401] : memref<26x4096x256xf32, #tpu.memory_space<hbm>> -> memref<1x128x256xf32, #tpu.memory_space<hbm>>
    %dma_start3A_403 = tpu.memref_squeeze %dma_start3A_402 : memref<1x128x256xf32, #tpu.memory_space<hbm>> -> memref<128x256xf32, #tpu.memory_space<hbm>>
    tpu.enqueue_dma source(%arg7 : memref<128x256xf32, #tpu.memory_space<vmem>>) target(%dma_start3A_403 : memref<128x256xf32, #tpu.memory_space<hbm>>) target_semaphore(%arg13 : memref<!tpu.dma_semaphore, #tpu.memory_space<semaphore_mem>>)
    %dma_wait3A_404 = arith.constant 0 : i32
    %dma_wait3A_405 = arith.constant 0 : i32
    %dma_wait3A_406 = tpu.memref_slice %arg4[%dma_wait3A_404, %mul3A_2, %dma_wait3A_405] : memref<26x4096x256xf32, #tpu.memory_space<hbm>> -> memref<1x128x256xf32, #tpu.memory_space<hbm>>
    %dma_wait3A_407 = tpu.memref_squeeze %dma_wait3A_406 : memref<1x128x256xf32, #tpu.memory_space<hbm>> -> memref<128x256xf32, #tpu.memory_space<hbm>>
    %dma_wait3A_408 = arith.constant 0 : i32
    %dma_wait3A_409 = tpu.memref_slice %arg4[%dma_wait3A_404, %mul3A_2, %dma_wait3A_408] : memref<26x4096x256xf32, #tpu.memory_space<hbm>> -> memref<1x128x256xf32, #tpu.memory_space<hbm>>
    %dma_wait3A_410 = tpu.memref_squeeze %dma_wait3A_409 : memref<1x128x256xf32, #tpu.memory_space<hbm>> -> memref<128x256xf32, #tpu.memory_space<hbm>>
    tpu.wait_dma2 semaphore(%arg12 : memref<!tpu.dma_semaphore, #tpu.memory_space<semaphore_mem>>) src(%arg6 : memref<128x256xf32, #tpu.memory_space<vmem>>) dst(%dma_wait3A_410 : memref<128x256xf32, #tpu.memory_space<hbm>>)
    %dma_start3A_411 = arith.constant 384 : i32
    %dma_start3A_412 = tpu.memref_slice %arg5[%dma_start3A_411] : memref<3328xi32, #tpu.memory_space<vmem>> -> memref<128xi32, #tpu.memory_space<vmem>>
    %dma_start3A_413 = arith.constant 0 : i32
    %dma_start3A_414 = arith.constant 0 : i32
    %dma_start3A_415 = tpu.memref_slice %arg3[%dma_start3A_413, %dma_start3A_414] : memref<202048x256xf32, #tpu.memory_space<hbm>> -> memref<202048x256xf32, #tpu.memory_space<hbm>>
    tpu.enqueue_indirect_dma source(%dma_start3A_415 : memref<202048x256xf32, #tpu.memory_space<hbm>>) target(%arg6 : memref<128x256xf32, #tpu.memory_space<vmem>>) offsets(%dma_start3A_412 : memref<128xi32, #tpu.memory_space<vmem>>) semaphore(%arg9 : memref<!tpu.dma_semaphore, #tpu.memory_space<semaphore_mem>>)
    %dma_wait3A_416 = arith.constant 256 : i32
    %dma_wait3A_417 = tpu.memref_slice %arg5[%dma_wait3A_416] : memref<3328xi32, #tpu.memory_space<vmem>> -> memref<128xi32, #tpu.memory_space<vmem>>
    %dma_wait3A_418 = arith.constant 0 : i32
    %dma_wait3A_419 = arith.constant 0 : i32
    %dma_wait3A_420 = tpu.memref_slice %arg3[%dma_wait3A_418, %dma_wait3A_419] : memref<202048x256xf32, #tpu.memory_space<hbm>> -> memref<202048x256xf32, #tpu.memory_space<hbm>>
    tpu.wait_indirect_dma semaphore(%arg11 : memref<!tpu.dma_semaphore, #tpu.memory_space<semaphore_mem>>) src(%dma_wait3A_420 : memref<202048x256xf32, #tpu.memory_space<hbm>>) dst(%arg8 : memref<128x256xf32, #tpu.memory_space<vmem>>)
    %dma_start3A_421 = arith.constant 2 : i32
    %dma_start3A_422 = arith.constant 0 : i32
    %dma_start3A_423 = tpu.memref_slice %arg4[%dma_start3A_421, %mul3A_2, %dma_start3A_422] : memref<26x4096x256xf32, #tpu.memory_space<hbm>> -> memref<1x128x256xf32, #tpu.memory_space<hbm>>
    %dma_start3A_424 = tpu.memref_squeeze %dma_start3A_423 : memref<1x128x256xf32, #tpu.memory_space<hbm>> -> memref<128x256xf32, #tpu.memory_space<hbm>>
    %dma_start3A_425 = arith.constant 0 : i32
    %dma_start3A_426 = tpu.memref_slice %arg4[%dma_start3A_421, %mul3A_2, %dma_start3A_425] : memref<26x4096x256xf32, #tpu.memory_space<hbm>> -> memref<1x128x256xf32, #tpu.memory_space<hbm>>
    %dma_start3A_427 = tpu.memref_squeeze %dma_start3A_426 : memref<1x128x256xf32, #tpu.memory_space<hbm>> -> memref<128x256xf32, #tpu.memory_space<hbm>>
    tpu.enqueue_dma source(%arg8 : memref<128x256xf32, #tpu.memory_space<vmem>>) target(%dma_start3A_427 : memref<128x256xf32, #tpu.memory_space<hbm>>) target_semaphore(%arg14 : memref<!tpu.dma_semaphore, #tpu.memory_space<semaphore_mem>>)
    %dma_wait3A_428 = arith.constant 1 : i32
    %dma_wait3A_429 = arith.constant 0 : i32
    %dma_wait3A_430 = tpu.memref_slice %arg4[%dma_wait3A_428, %mul3A_2, %dma_wait3A_429] : memref<26x4096x256xf32, #tpu.memory_space<hbm>> -> memref<1x128x256xf32, #tpu.memory_space<hbm>>
    %dma_wait3A_431 = tpu.memref_squeeze %dma_wait3A_430 : memref<1x128x256xf32, #tpu.memory_space<hbm>> -> memref<128x256xf32, #tpu.memory_space<hbm>>
    %dma_wait3A_432 = arith.constant 0 : i32
    %dma_wait3A_433 = tpu.memref_slice %arg4[%dma_wait3A_428, %mul3A_2, %dma_wait3A_432] : memref<26x4096x256xf32, #tpu.memory_space<hbm>> -> memref<1x128x256xf32, #tpu.memory_space<hbm>>
    %dma_wait3A_434 = tpu.memref_squeeze %dma_wait3A_433 : memref<1x128x256xf32, #tpu.memory_space<hbm>> -> memref<128x256xf32, #tpu.memory_space<hbm>>
    tpu.wait_dma2 semaphore(%arg13 : memref<!tpu.dma_semaphore, #tpu.memory_space<semaphore_mem>>) src(%arg7 : memref<128x256xf32, #tpu.memory_space<vmem>>) dst(%dma_wait3A_434 : memref<128x256xf32, #tpu.memory_space<hbm>>)
    %dma_start3A_435 = arith.constant 512 : i32
    %dma_start3A_436 = tpu.memref_slice %arg5[%dma_start3A_435] : memref<3328xi32, #tpu.memory_space<vmem>> -> memref<128xi32, #tpu.memory_space<vmem>>
    %dma_start3A_437 = arith.constant 0 : i32
    %dma_start3A_438 = arith.constant 0 : i32
    %dma_start3A_439 = tpu.memref_slice %arg3[%dma_start3A_437, %dma_start3A_438] : memref<202048x256xf32, #tpu.memory_space<hbm>> -> memref<202048x256xf32, #tpu.memory_space<hbm>>
    tpu.enqueue_indirect_dma source(%dma_start3A_439 : memref<202048x256xf32, #tpu.memory_space<hbm>>) target(%arg7 : memref<128x256xf32, #tpu.memory_space<vmem>>) offsets(%dma_start3A_436 : memref<128xi32, #tpu.memory_space<vmem>>) semaphore(%arg10 : memref<!tpu.dma_semaphore, #tpu.memory_space<semaphore_mem>>)
    %dma_wait3A_440 = arith.constant 384 : i32
    %dma_wait3A_441 = tpu.memref_slice %arg5[%dma_wait3A_440] : memref<3328xi32, #tpu.memory_space<vmem>> -> memref<128xi32, #tpu.memory_space<vmem>>
    %dma_wait3A_442 = arith.constant 0 : i32
    %dma_wait3A_443 = arith.constant 0 : i32
    %dma_wait3A_444 = tpu.memref_slice %arg3[%dma_wait3A_442, %dma_wait3A_443] : memref<202048x256xf32, #tpu.memory_space<hbm>> -> memref<202048x256xf32, #tpu.memory_space<hbm>>
    tpu.wait_indirect_dma semaphore(%arg9 : memref<!tpu.dma_semaphore, #tpu.memory_space<semaphore_mem>>) src(%dma_wait3A_444 : memref<202048x256xf32, #tpu.memory_space<hbm>>) dst(%arg6 : memref<128x256xf32, #tpu.memory_space<vmem>>)
    %dma_start3A_445 = arith.constant 3 : i32
    %dma_start3A_446 = arith.constant 0 : i32
    %dma_start3A_447 = tpu.memref_slice %arg4[%dma_start3A_445, %mul3A_2, %dma_start3A_446] : memref<26x4096x256xf32, #tpu.memory_space<hbm>> -> memref<1x128x256xf32, #tpu.memory_space<hbm>>
    %dma_start3A_448 = tpu.memref_squeeze %dma_start3A_447 : memref<1x128x256xf32, #tpu.memory_space<hbm>> -> memref<128x256xf32, #tpu.memory_space<hbm>>
    %dma_start3A_449 = arith.constant 0 : i32
    %dma_start3A_450 = tpu.memref_slice %arg4[%dma_start3A_445, %mul3A_2, %dma_start3A_449] : memref<26x4096x256xf32, #tpu.memory_space<hbm>> -> memref<1x128x256xf32, #tpu.memory_space<hbm>>
    %dma_start3A_451 = tpu.memref_squeeze %dma_start3A_450 : memref<1x128x256xf32, #tpu.memory_space<hbm>> -> memref<128x256xf32, #tpu.memory_space<hbm>>
    tpu.enqueue_dma source(%arg6 : memref<128x256xf32, #tpu.memory_space<vmem>>) target(%dma_start3A_451 : memref<128x256xf32, #tpu.memory_space<hbm>>) target_semaphore(%arg12 : memref<!tpu.dma_semaphore, #tpu.memory_space<semaphore_mem>>)
    %dma_wait3A_452 = arith.constant 2 : i32
    %dma_wait3A_453 = arith.constant 0 : i32
    %dma_wait3A_454 = tpu.memref_slice %arg4[%dma_wait3A_452, %mul3A_2, %dma_wait3A_453] : memref<26x4096x256xf32, #tpu.memory_space<hbm>> -> memref<1x128x256xf32, #tpu.memory_space<hbm>>
    %dma_wait3A_455 = tpu.memref_squeeze %dma_wait3A_454 : memref<1x128x256xf32, #tpu.memory_space<hbm>> -> memref<128x256xf32, #tpu.memory_space<hbm>>
    %dma_wait3A_456 = arith.constant 0 : i32
    %dma_wait3A_457 = tpu.memref_slice %arg4[%dma_wait3A_452, %mul3A_2, %dma_wait3A_456] : memref<26x4096x256xf32, #tpu.memory_space<hbm>> -> memref<1x128x256xf32, #tpu.memory_space<hbm>>
    %dma_wait3A_458 = tpu.memref_squeeze %dma_wait3A_457 : memref<1x128x256xf32, #tpu.memory_space<hbm>> -> memref<128x256xf32, #tpu.memory_space<hbm>>
    tpu.wait_dma2 semaphore(%arg14 : memref<!tpu.dma_semaphore, #tpu.memory_space<semaphore_mem>>) src(%arg8 : memref<128x256xf32, #tpu.memory_space<vmem>>) dst(%dma_wait3A_458 : memref<128x256xf32, #tpu.memory_space<hbm>>)
    %dma_start3A_459 = arith.constant 640 : i32
    %dma_start3A_460 = tpu.memref_slice %arg5[%dma_start3A_459] : memref<3328xi32, #tpu.memory_space<vmem>> -> memref<128xi32, #tpu.memory_space<vmem>>
    %dma_start3A_461 = arith.constant 0 : i32
    %dma_start3A_462 = arith.constant 0 : i32
    %dma_start3A_463 = tpu.memref_slice %arg3[%dma_start3A_461, %dma_start3A_462] : memref<202048x256xf32, #tpu.memory_space<hbm>> -> memref<202048x256xf32, #tpu.memory_space<hbm>>
    tpu.enqueue_indirect_dma source(%dma_start3A_463 : memref<202048x256xf32, #tpu.memory_space<hbm>>) target(%arg8 : memref<128x256xf32, #tpu.memory_space<vmem>>) offsets(%dma_start3A_460 : memref<128xi32, #tpu.memory_space<vmem>>) semaphore(%arg11 : memref<!tpu.dma_semaphore, #tpu.memory_space<semaphore_mem>>)
    %dma_wait3A_464 = arith.constant 512 : i32
    %dma_wait3A_465 = tpu.memref_slice %arg5[%dma_wait3A_464] : memref<3328xi32, #tpu.memory_space<vmem>> -> memref<128xi32, #tpu.memory_space<vmem>>
    %dma_wait3A_466 = arith.constant 0 : i32
    %dma_wait3A_467 = arith.constant 0 : i32
    %dma_wait3A_468 = tpu.memref_slice %arg3[%dma_wait3A_466, %dma_wait3A_467] : memref<202048x256xf32, #tpu.memory_space<hbm>> -> memref<202048x256xf32, #tpu.memory_space<hbm>>
    tpu.wait_indirect_dma semaphore(%arg10 : memref<!tpu.dma_semaphore, #tpu.memory_space<semaphore_mem>>) src(%dma_wait3A_468 : memref<202048x256xf32, #tpu.memory_space<hbm>>) dst(%arg7 : memref<128x256xf32, #tpu.memory_space<vmem>>)
    %dma_start3A_469 = arith.constant 4 : i32
    %dma_start3A_470 = arith.constant 0 : i32
    %dma_start3A_471 = tpu.memref_slice %arg4[%dma_start3A_469, %mul3A_2, %dma_start3A_470] : memref<26x4096x256xf32, #tpu.memory_space<hbm>> -> memref<1x128x256xf32, #tpu.memory_space<hbm>>
    %dma_start3A_472 = tpu.memref_squeeze %dma_start3A_471 : memref<1x128x256xf32, #tpu.memory_space<hbm>> -> memref<128x256xf32, #tpu.memory_space<hbm>>
    %dma_start3A_473 = arith.constant 0 : i32
    %dma_start3A_474 = tpu.memref_slice %arg4[%dma_start3A_469, %mul3A_2, %dma_start3A_473] : memref<26x4096x256xf32, #tpu.memory_space<hbm>> -> memref<1x128x256xf32, #tpu.memory_space<hbm>>
    %dma_start3A_475 = tpu.memref_squeeze %dma_start3A_474 : memref<1x128x256xf32, #tpu.memory_space<hbm>> -> memref<128x256xf32, #tpu.memory_space<hbm>>
    tpu.enqueue_dma source(%arg7 : memref<128x256xf32, #tpu.memory_space<vmem>>) target(%dma_start3A_475 : memref<128x256xf32, #tpu.memory_space<hbm>>) target_semaphore(%arg13 : memref<!tpu.dma_semaphore, #tpu.memory_space<semaphore_mem>>)
    %dma_wait3A_476 = arith.constant 3 : i32
    %dma_wait3A_477 = arith.constant 0 : i32
    %dma_wait3A_478 = tpu.memref_slice %arg4[%dma_wait3A_476, %mul3A_2, %dma_wait3A_477] : memref<26x4096x256xf32, #tpu.memory_space<hbm>> -> memref<1x128x256xf32, #tpu.memory_space<hbm>>
    %dma_wait3A_479 = tpu.memref_squeeze %dma_wait3A_478 : memref<1x128x256xf32, #tpu.memory_space<hbm>> -> memref<128x256xf32, #tpu.memory_space<hbm>>
    %dma_wait3A_480 = arith.constant 0 : i32
    %dma_wait3A_481 = tpu.memref_slice %arg4[%dma_wait3A_476, %mul3A_2, %dma_wait3A_480] : memref<26x4096x256xf32, #tpu.memory_space<hbm>> -> memref<1x128x256xf32, #tpu.memory_space<hbm>>
    %dma_wait3A_482 = tpu.memref_squeeze %dma_wait3A_481 : memref<1x128x256xf32, #tpu.memory_space<hbm>> -> memref<128x256xf32, #tpu.memory_space<hbm>>
    tpu.wait_dma2 semaphore(%arg12 : memref<!tpu.dma_semaphore, #tpu.memory_space<semaphore_mem>>) src(%arg6 : memref<128x256xf32, #tpu.memory_space<vmem>>) dst(%dma_wait3A_482 : memref<128x256xf32, #tpu.memory_space<hbm>>)
    %dma_start3A_483 = arith.constant 768 : i32
    %dma_start3A_484 = tpu.memref_slice %arg5[%dma_start3A_483] : memref<3328xi32, #tpu.memory_space<vmem>> -> memref<128xi32, #tpu.memory_space<vmem>>
    %dma_start3A_485 = arith.constant 0 : i32
    %dma_start3A_486 = arith.constant 0 : i32
    %dma_start3A_487 = tpu.memref_slice %arg3[%dma_start3A_485, %dma_start3A_486] : memref<202048x256xf32, #tpu.memory_space<hbm>> -> memref<202048x256xf32, #tpu.memory_space<hbm>>
    tpu.enqueue_indirect_dma source(%dma_start3A_487 : memref<202048x256xf32, #tpu.memory_space<hbm>>) target(%arg6 : memref<128x256xf32, #tpu.memory_space<vmem>>) offsets(%dma_start3A_484 : memref<128xi32, #tpu.memory_space<vmem>>) semaphore(%arg9 : memref<!tpu.dma_semaphore, #tpu.memory_space<semaphore_mem>>)
    %dma_wait3A_488 = arith.constant 640 : i32
    %dma_wait3A_489 = tpu.memref_slice %arg5[%dma_wait3A_488] : memref<3328xi32, #tpu.memory_space<vmem>> -> memref<128xi32, #tpu.memory_space<vmem>>
    %dma_wait3A_490 = arith.constant 0 : i32
    %dma_wait3A_491 = arith.constant 0 : i32
    %dma_wait3A_492 = tpu.memref_slice %arg3[%dma_wait3A_490, %dma_wait3A_491] : memref<202048x256xf32, #tpu.memory_space<hbm>> -> memref<202048x256xf32, #tpu.memory_space<hbm>>
    tpu.wait_indirect_dma semaphore(%arg11 : memref<!tpu.dma_semaphore, #tpu.memory_space<semaphore_mem>>) src(%dma_wait3A_492 : memref<202048x256xf32, #tpu.memory_space<hbm>>) dst(%arg8 : memref<128x256xf32, #tpu.memory_space<vmem>>)
    %dma_start3A_493 = arith.constant 5 : i32
    %dma_start3A_494 = arith.constant 0 : i32
    %dma_start3A_495 = tpu.memref_slice %arg4[%dma_start3A_493, %mul3A_2, %dma_start3A_494] : memref<26x4096x256xf32, #tpu.memory_space<hbm>> -> memref<1x128x256xf32, #tpu.memory_space<hbm>>
    %dma_start3A_496 = tpu.memref_squeeze %dma_start3A_495 : memref<1x128x256xf32, #tpu.memory_space<hbm>> -> memref<128x256xf32, #tpu.memory_space<hbm>>
    %dma_start3A_497 = arith.constant 0 : i32
    %dma_start3A_498 = tpu.memref_slice %arg4[%dma_start3A_493, %mul3A_2, %dma_start3A_497] : memref<26x4096x256xf32, #tpu.memory_space<hbm>> -> memref<1x128x256xf32, #tpu.memory_space<hbm>>
    %dma_start3A_499 = tpu.memref_squeeze %dma_start3A_498 : memref<1x128x256xf32, #tpu.memory_space<hbm>> -> memref<128x256xf32, #tpu.memory_space<hbm>>
    tpu.enqueue_dma source(%arg8 : memref<128x256xf32, #tpu.memory_space<vmem>>) target(%dma_start3A_499 : memref<128x256xf32, #tpu.memory_space<hbm>>) target_semaphore(%arg14 : memref<!tpu.dma_semaphore, #tpu.memory_space<semaphore_mem>>)
    %dma_wait3A_500 = arith.constant 4 : i32
    %dma_wait3A_501 = arith.constant 0 : i32
    %dma_wait3A_502 = tpu.memref_slice %arg4[%dma_wait3A_500, %mul3A_2, %dma_wait3A_501] : memref<26x4096x256xf32, #tpu.memory_space<hbm>> -> memref<1x128x256xf32, #tpu.memory_space<hbm>>
    %dma_wait3A_503 = tpu.memref_squeeze %dma_wait3A_502 : memref<1x128x256xf32, #tpu.memory_space<hbm>> -> memref<128x256xf32, #tpu.memory_space<hbm>>
    %dma_wait3A_504 = arith.constant 0 : i32
    %dma_wait3A_505 = tpu.memref_slice %arg4[%dma_wait3A_500, %mul3A_2, %dma_wait3A_504] : memref<26x4096x256xf32, #tpu.memory_space<hbm>> -> memref<1x128x256xf32, #tpu.memory_space<hbm>>
    %dma_wait3A_506 = tpu.memref_squeeze %dma_wait3A_505 : memref<1x128x256xf32, #tpu.memory_space<hbm>> -> memref<128x256xf32, #tpu.memory_space<hbm>>
    tpu.wait_dma2 semaphore(%arg13 : memref<!tpu.dma_semaphore, #tpu.memory_space<semaphore_mem>>) src(%arg7 : memref<128x256xf32, #tpu.memory_space<vmem>>) dst(%dma_wait3A_506 : memref<128x256xf32, #tpu.memory_space<hbm>>)
    %dma_start3A_507 = arith.constant 896 : i32
    %dma_start3A_508 = tpu.memref_slice %arg5[%dma_start3A_507] : memref<3328xi32, #tpu.memory_space<vmem>> -> memref<128xi32, #tpu.memory_space<vmem>>
    %dma_start3A_509 = arith.constant 0 : i32
    %dma_start3A_510 = arith.constant 0 : i32
    %dma_start3A_511 = tpu.memref_slice %arg3[%dma_start3A_509, %dma_start3A_510] : memref<202048x256xf32, #tpu.memory_space<hbm>> -> memref<202048x256xf32, #tpu.memory_space<hbm>>
    tpu.enqueue_indirect_dma source(%dma_start3A_511 : memref<202048x256xf32, #tpu.memory_space<hbm>>) target(%arg7 : memref<128x256xf32, #tpu.memory_space<vmem>>) offsets(%dma_start3A_508 : memref<128xi32, #tpu.memory_space<vmem>>) semaphore(%arg10 : memref<!tpu.dma_semaphore, #tpu.memory_space<semaphore_mem>>)
    %dma_wait3A_512 = arith.constant 768 : i32
    %dma_wait3A_513 = tpu.memref_slice %arg5[%dma_wait3A_512] : memref<3328xi32, #tpu.memory_space<vmem>> -> memref<128xi32, #tpu.memory_space<vmem>>
    %dma_wait3A_514 = arith.constant 0 : i32
    %dma_wait3A_515 = arith.constant 0 : i32
    %dma_wait3A_516 = tpu.memref_slice %arg3[%dma_wait3A_514, %dma_wait3A_515] : memref<202048x256xf32, #tpu.memory_space<hbm>> -> memref<202048x256xf32, #tpu.memory_space<hbm>>
    tpu.wait_indirect_dma semaphore(%arg9 : memref<!tpu.dma_semaphore, #tpu.memory_space<semaphore_mem>>) src(%dma_wait3A_516 : memref<202048x256xf32, #tpu.memory_space<hbm>>) dst(%arg6 : memref<128x256xf32, #tpu.memory_space<vmem>>)
    %dma_start3A_517 = arith.constant 6 : i32
    %dma_start3A_518 = arith.constant 0 : i32
    %dma_start3A_519 = tpu.memref_slice %arg4[%dma_start3A_517, %mul3A_2, %dma_start3A_518] : memref<26x4096x256xf32, #tpu.memory_space<hbm>> -> memref<1x128x256xf32, #tpu.memory_space<hbm>>
    %dma_start3A_520 = tpu.memref_squeeze %dma_start3A_519 : memref<1x128x256xf32, #tpu.memory_space<hbm>> -> memref<128x256xf32, #tpu.memory_space<hbm>>
    %dma_start3A_521 = arith.constant 0 : i32
    %dma_start3A_522 = tpu.memref_slice %arg4[%dma_start3A_517, %mul3A_2, %dma_start3A_521] : memref<26x4096x256xf32, #tpu.memory_space<hbm>> -> memref<1x128x256xf32, #tpu.memory_space<hbm>>
    %dma_start3A_523 = tpu.memref_squeeze %dma_start3A_522 : memref<1x128x256xf32, #tpu.memory_space<hbm>> -> memref<128x256xf32, #tpu.memory_space<hbm>>
    tpu.enqueue_dma source(%arg6 : memref<128x256xf32, #tpu.memory_space<vmem>>) target(%dma_start3A_523 : memref<128x256xf32, #tpu.memory_space<hbm>>) target_semaphore(%arg12 : memref<!tpu.dma_semaphore, #tpu.memory_space<semaphore_mem>>)
    %dma_wait3A_524 = arith.constant 5 : i32
    %dma_wait3A_525 = arith.constant 0 : i32
    %dma_wait3A_526 = tpu.memref_slice %arg4[%dma_wait3A_524, %mul3A_2, %dma_wait3A_525] : memref<26x4096x256xf32, #tpu.memory_space<hbm>> -> memref<1x128x256xf32, #tpu.memory_space<hbm>>
    %dma_wait3A_527 = tpu.memref_squeeze %dma_wait3A_526 : memref<1x128x256xf32, #tpu.memory_space<hbm>> -> memref<128x256xf32, #tpu.memory_space<hbm>>
    %dma_wait3A_528 = arith.constant 0 : i32
    %dma_wait3A_529 = tpu.memref_slice %arg4[%dma_wait3A_524, %mul3A_2, %dma_wait3A_528] : memref<26x4096x256xf32, #tpu.memory_space<hbm>> -> memref<1x128x256xf32, #tpu.memory_space<hbm>>
    %dma_wait3A_530 = tpu.memref_squeeze %dma_wait3A_529 : memref<1x128x256xf32, #tpu.memory_space<hbm>> -> memref<128x256xf32, #tpu.memory_space<hbm>>
    tpu.wait_dma2 semaphore(%arg14 : memref<!tpu.dma_semaphore, #tpu.memory_space<semaphore_mem>>) src(%arg8 : memref<128x256xf32, #tpu.memory_space<vmem>>) dst(%dma_wait3A_530 : memref<128x256xf32, #tpu.memory_space<hbm>>)
    %dma_start3A_531 = arith.constant 1024 : i32
    %dma_start3A_532 = tpu.memref_slice %arg5[%dma_start3A_531] : memref<3328xi32, #tpu.memory_space<vmem>> -> memref<128xi32, #tpu.memory_space<vmem>>
    %dma_start3A_533 = arith.constant 0 : i32
    %dma_start3A_534 = arith.constant 0 : i32
    %dma_start3A_535 = tpu.memref_slice %arg3[%dma_start3A_533, %dma_start3A_534] : memref<202048x256xf32, #tpu.memory_space<hbm>> -> memref<202048x256xf32, #tpu.memory_space<hbm>>
    tpu.enqueue_indirect_dma source(%dma_start3A_535 : memref<202048x256xf32, #tpu.memory_space<hbm>>) target(%arg8 : memref<128x256xf32, #tpu.memory_space<vmem>>) offsets(%dma_start3A_532 : memref<128xi32, #tpu.memory_space<vmem>>) semaphore(%arg11 : memref<!tpu.dma_semaphore, #tpu.memory_space<semaphore_mem>>)
    %dma_wait3A_536 = arith.constant 896 : i32
    %dma_wait3A_537 = tpu.memref_slice %arg5[%dma_wait3A_536] : memref<3328xi32, #tpu.memory_space<vmem>> -> memref<128xi32, #tpu.memory_space<vmem>>
    %dma_wait3A_538 = arith.constant 0 : i32
    %dma_wait3A_539 = arith.constant 0 : i32
    %dma_wait3A_540 = tpu.memref_slice %arg3[%dma_wait3A_538, %dma_wait3A_539] : memref<202048x256xf32, #tpu.memory_space<hbm>> -> memref<202048x256xf32, #tpu.memory_space<hbm>>
    tpu.wait_indirect_dma semaphore(%arg10 : memref<!tpu.dma_semaphore, #tpu.memory_space<semaphore_mem>>) src(%dma_wait3A_540 : memref<202048x256xf32, #tpu.memory_space<hbm>>) dst(%arg7 : memref<128x256xf32, #tpu.memory_space<vmem>>)
    %dma_start3A_541 = arith.constant 7 : i32
    %dma_start3A_542 = arith.constant 0 : i32
    %dma_start3A_543 = tpu.memref_slice %arg4[%dma_start3A_541, %mul3A_2, %dma_start3A_542] : memref<26x4096x256xf32, #tpu.memory_space<hbm>> -> memref<1x128x256xf32, #tpu.memory_space<hbm>>
    %dma_start3A_544 = tpu.memref_squeeze %dma_start3A_543 : memref<1x128x256xf32, #tpu.memory_space<hbm>> -> memref<128x256xf32, #tpu.memory_space<hbm>>
    %dma_start3A_545 = arith.constant 0 : i32
    %dma_start3A_546 = tpu.memref_slice %arg4[%dma_start3A_541, %mul3A_2, %dma_start3A_545] : memref<26x4096x256xf32, #tpu.memory_space<hbm>> -> memref<1x128x256xf32, #tpu.memory_space<hbm>>
    %dma_start3A_547 = tpu.memref_squeeze %dma_start3A_546 : memref<1x128x256xf32, #tpu.memory_space<hbm>> -> memref<128x256xf32, #tpu.memory_space<hbm>>
    tpu.enqueue_dma source(%arg7 : memref<128x256xf32, #tpu.memory_space<vmem>>) target(%dma_start3A_547 : memref<128x256xf32, #tpu.memory_space<hbm>>) target_semaphore(%arg13 : memref<!tpu.dma_semaphore, #tpu.memory_space<semaphore_mem>>)
    %dma_wait3A_548 = arith.constant 6 : i32
    %dma_wait3A_549 = arith.constant 0 : i32
    %dma_wait3A_550 = tpu.memref_slice %arg4[%dma_wait3A_548, %mul3A_2, %dma_wait3A_549] : memref<26x4096x256xf32, #tpu.memory_space<hbm>> -> memref<1x128x256xf32, #tpu.memory_space<hbm>>
    %dma_wait3A_551 = tpu.memref_squeeze %dma_wait3A_550 : memref<1x128x256xf32, #tpu.memory_space<hbm>> -> memref<128x256xf32, #tpu.memory_space<hbm>>
    %dma_wait3A_552 = arith.constant 0 : i32
    %dma_wait3A_553 = tpu.memref_slice %arg4[%dma_wait3A_548, %mul3A_2, %dma_wait3A_552] : memref<26x4096x256xf32, #tpu.memory_space<hbm>> -> memref<1x128x256xf32, #tpu.memory_space<hbm>>
    %dma_wait3A_554 = tpu.memref_squeeze %dma_wait3A_553 : memref<1x128x256xf32, #tpu.memory_space<hbm>> -> memref<128x256xf32, #tpu.memory_space<hbm>>
    tpu.wait_dma2 semaphore(%arg12 : memref<!tpu.dma_semaphore, #tpu.memory_space<semaphore_mem>>) src(%arg6 : memref<128x256xf32, #tpu.memory_space<vmem>>) dst(%dma_wait3A_554 : memref<128x256xf32, #tpu.memory_space<hbm>>)
    %dma_start3A_555 = arith.constant 1152 : i32
    %dma_start3A_556 = tpu.memref_slice %arg5[%dma_start3A_555] : memref<3328xi32, #tpu.memory_space<vmem>> -> memref<128xi32, #tpu.memory_space<vmem>>
    %dma_start3A_557 = arith.constant 0 : i32
    %dma_start3A_558 = arith.constant 0 : i32
    %dma_start3A_559 = tpu.memref_slice %arg3[%dma_start3A_557, %dma_start3A_558] : memref<202048x256xf32, #tpu.memory_space<hbm>> -> memref<202048x256xf32, #tpu.memory_space<hbm>>
    tpu.enqueue_indirect_dma source(%dma_start3A_559 : memref<202048x256xf32, #tpu.memory_space<hbm>>) target(%arg6 : memref<128x256xf32, #tpu.memory_space<vmem>>) offsets(%dma_start3A_556 : memref<128xi32, #tpu.memory_space<vmem>>) semaphore(%arg9 : memref<!tpu.dma_semaphore, #tpu.memory_space<semaphore_mem>>)
    %dma_wait3A_560 = arith.constant 1024 : i32
    %dma_wait3A_561 = tpu.memref_slice %arg5[%dma_wait3A_560] : memref<3328xi32, #tpu.memory_space<vmem>> -> memref<128xi32, #tpu.memory_space<vmem>>
    %dma_wait3A_562 = arith.constant 0 : i32
    %dma_wait3A_563 = arith.constant 0 : i32
    %dma_wait3A_564 = tpu.memref_slice %arg3[%dma_wait3A_562, %dma_wait3A_563] : memref<202048x256xf32, #tpu.memory_space<hbm>> -> memref<202048x256xf32, #tpu.memory_space<hbm>>
    tpu.wait_indirect_dma semaphore(%arg11 : memref<!tpu.dma_semaphore, #tpu.memory_space<semaphore_mem>>) src(%dma_wait3A_564 : memref<202048x256xf32, #tpu.memory_space<hbm>>) dst(%arg8 : memref<128x256xf32, #tpu.memory_space<vmem>>)
    %dma_start3A_565 = arith.constant 8 : i32
    %dma_start3A_566 = arith.constant 0 : i32
    %dma_start3A_567 = tpu.memref_slice %arg4[%dma_start3A_565, %mul3A_2, %dma_start3A_566] : memref<26x4096x256xf32, #tpu.memory_space<hbm>> -> memref<1x128x256xf32, #tpu.memory_space<hbm>>
    %dma_start3A_568 = tpu.memref_squeeze %dma_start3A_567 : memref<1x128x256xf32, #tpu.memory_space<hbm>> -> memref<128x256xf32, #tpu.memory_space<hbm>>
    %dma_start3A_569 = arith.constant 0 : i32
    %dma_start3A_570 = tpu.memref_slice %arg4[%dma_start3A_565, %mul3A_2, %dma_start3A_569] : memref<26x4096x256xf32, #tpu.memory_space<hbm>> -> memref<1x128x256xf32, #tpu.memory_space<hbm>>
    %dma_start3A_571 = tpu.memref_squeeze %dma_start3A_570 : memref<1x128x256xf32, #tpu.memory_space<hbm>> -> memref<128x256xf32, #tpu.memory_space<hbm>>
    tpu.enqueue_dma source(%arg8 : memref<128x256xf32, #tpu.memory_space<vmem>>) target(%dma_start3A_571 : memref<128x256xf32, #tpu.memory_space<hbm>>) target_semaphore(%arg14 : memref<!tpu.dma_semaphore, #tpu.memory_space<semaphore_mem>>)
    %dma_wait3A_572 = arith.constant 7 : i32
    %dma_wait3A_573 = arith.constant 0 : i32
    %dma_wait3A_574 = tpu.memref_slice %arg4[%dma_wait3A_572, %mul3A_2, %dma_wait3A_573] : memref<26x4096x256xf32, #tpu.memory_space<hbm>> -> memref<1x128x256xf32, #tpu.memory_space<hbm>>
    %dma_wait3A_575 = tpu.memref_squeeze %dma_wait3A_574 : memref<1x128x256xf32, #tpu.memory_space<hbm>> -> memref<128x256xf32, #tpu.memory_space<hbm>>
    %dma_wait3A_576 = arith.constant 0 : i32
    %dma_wait3A_577 = tpu.memref_slice %arg4[%dma_wait3A_572, %mul3A_2, %dma_wait3A_576] : memref<26x4096x256xf32, #tpu.memory_space<hbm>> -> memref<1x128x256xf32, #tpu.memory_space<hbm>>
    %dma_wait3A_578 = tpu.memref_squeeze %dma_wait3A_577 : memref<1x128x256xf32, #tpu.memory_space<hbm>> -> memref<128x256xf32, #tpu.memory_space<hbm>>
    tpu.wait_dma2 semaphore(%arg13 : memref<!tpu.dma_semaphore, #tpu.memory_space<semaphore_mem>>) src(%arg7 : memref<128x256xf32, #tpu.memory_space<vmem>>) dst(%dma_wait3A_578 : memref<128x256xf32, #tpu.memory_space<hbm>>)
    %dma_start3A_579 = arith.constant 1280 : i32
    %dma_start3A_580 = tpu.memref_slice %arg5[%dma_start3A_579] : memref<3328xi32, #tpu.memory_space<vmem>> -> memref<128xi32, #tpu.memory_space<vmem>>
    %dma_start3A_581 = arith.constant 0 : i32
    %dma_start3A_582 = arith.constant 0 : i32
    %dma_start3A_583 = tpu.memref_slice %arg3[%dma_start3A_581, %dma_start3A_582] : memref<202048x256xf32, #tpu.memory_space<hbm>> -> memref<202048x256xf32, #tpu.memory_space<hbm>>
    tpu.enqueue_indirect_dma source(%dma_start3A_583 : memref<202048x256xf32, #tpu.memory_space<hbm>>) target(%arg7 : memref<128x256xf32, #tpu.memory_space<vmem>>) offsets(%dma_start3A_580 : memref<128xi32, #tpu.memory_space<vmem>>) semaphore(%arg10 : memref<!tpu.dma_semaphore, #tpu.memory_space<semaphore_mem>>)
    %dma_wait3A_584 = arith.constant 1152 : i32
    %dma_wait3A_585 = tpu.memref_slice %arg5[%dma_wait3A_584] : memref<3328xi32, #tpu.memory_space<vmem>> -> memref<128xi32, #tpu.memory_space<vmem>>
    %dma_wait3A_586 = arith.constant 0 : i32
    %dma_wait3A_587 = arith.constant 0 : i32
    %dma_wait3A_588 = tpu.memref_slice %arg3[%dma_wait3A_586, %dma_wait3A_587] : memref<202048x256xf32, #tpu.memory_space<hbm>> -> memref<202048x256xf32, #tpu.memory_space<hbm>>
    tpu.wait_indirect_dma semaphore(%arg9 : memref<!tpu.dma_semaphore, #tpu.memory_space<semaphore_mem>>) src(%dma_wait3A_588 : memref<202048x256xf32, #tpu.memory_space<hbm>>) dst(%arg6 : memref<128x256xf32, #tpu.memory_space<vmem>>)
    %dma_start3A_589 = arith.constant 9 : i32
    %dma_start3A_590 = arith.constant 0 : i32
    %dma_start3A_591 = tpu.memref_slice %arg4[%dma_start3A_589, %mul3A_2, %dma_start3A_590] : memref<26x4096x256xf32, #tpu.memory_space<hbm>> -> memref<1x128x256xf32, #tpu.memory_space<hbm>>
    %dma_start3A_592 = tpu.memref_squeeze %dma_start3A_591 : memref<1x128x256xf32, #tpu.memory_space<hbm>> -> memref<128x256xf32, #tpu.memory_space<hbm>>
    %dma_start3A_593 = arith.constant 0 : i32
    %dma_start3A_594 = tpu.memref_slice %arg4[%dma_start3A_589, %mul3A_2, %dma_start3A_593] : memref<26x4096x256xf32, #tpu.memory_space<hbm>> -> memref<1x128x256xf32, #tpu.memory_space<hbm>>
    %dma_start3A_595 = tpu.memref_squeeze %dma_start3A_594 : memref<1x128x256xf32, #tpu.memory_space<hbm>> -> memref<128x256xf32, #tpu.memory_space<hbm>>
    tpu.enqueue_dma source(%arg6 : memref<128x256xf32, #tpu.memory_space<vmem>>) target(%dma_start3A_595 : memref<128x256xf32, #tpu.memory_space<hbm>>) target_semaphore(%arg12 : memref<!tpu.dma_semaphore, #tpu.memory_space<semaphore_mem>>)
    %dma_wait3A_596 = arith.constant 8 : i32
    %dma_wait3A_597 = arith.constant 0 : i32
    %dma_wait3A_598 = tpu.memref_slice %arg4[%dma_wait3A_596, %mul3A_2, %dma_wait3A_597] : memref<26x4096x256xf32, #tpu.memory_space<hbm>> -> memref<1x128x256xf32, #tpu.memory_space<hbm>>
    %dma_wait3A_599 = tpu.memref_squeeze %dma_wait3A_598 : memref<1x128x256xf32, #tpu.memory_space<hbm>> -> memref<128x256xf32, #tpu.memory_space<hbm>>
    %dma_wait3A_600 = arith.constant 0 : i32
    %dma_wait3A_601 = tpu.memref_slice %arg4[%dma_wait3A_596, %mul3A_2, %dma_wait3A_600] : memref<26x4096x256xf32, #tpu.memory_space<hbm>> -> memref<1x128x256xf32, #tpu.memory_space<hbm>>
    %dma_wait3A_602 = tpu.memref_squeeze %dma_wait3A_601 : memref<1x128x256xf32, #tpu.memory_space<hbm>> -> memref<128x256xf32, #tpu.memory_space<hbm>>
    tpu.wait_dma2 semaphore(%arg14 : memref<!tpu.dma_semaphore, #tpu.memory_space<semaphore_mem>>) src(%arg8 : memref<128x256xf32, #tpu.memory_space<vmem>>) dst(%dma_wait3A_602 : memref<128x256xf32, #tpu.memory_space<hbm>>)
    %dma_start3A_603 = arith.constant 1408 : i32
    %dma_start3A_604 = tpu.memref_slice %arg5[%dma_start3A_603] : memref<3328xi32, #tpu.memory_space<vmem>> -> memref<128xi32, #tpu.memory_space<vmem>>
    %dma_start3A_605 = arith.constant 0 : i32
    %dma_start3A_606 = arith.constant 0 : i32
    %dma_start3A_607 = tpu.memref_slice %arg3[%dma_start3A_605, %dma_start3A_606] : memref<202048x256xf32, #tpu.memory_space<hbm>> -> memref<202048x256xf32, #tpu.memory_space<hbm>>
    tpu.enqueue_indirect_dma source(%dma_start3A_607 : memref<202048x256xf32, #tpu.memory_space<hbm>>) target(%arg8 : memref<128x256xf32, #tpu.memory_space<vmem>>) offsets(%dma_start3A_604 : memref<128xi32, #tpu.memory_space<vmem>>) semaphore(%arg11 : memref<!tpu.dma_semaphore, #tpu.memory_space<semaphore_mem>>)
    %dma_wait3A_608 = arith.constant 1280 : i32
    %dma_wait3A_609 = tpu.memref_slice %arg5[%dma_wait3A_608] : memref<3328xi32, #tpu.memory_space<vmem>> -> memref<128xi32, #tpu.memory_space<vmem>>
    %dma_wait3A_610 = arith.constant 0 : i32
    %dma_wait3A_611 = arith.constant 0 : i32
    %dma_wait3A_612 = tpu.memref_slice %arg3[%dma_wait3A_610, %dma_wait3A_611] : memref<202048x256xf32, #tpu.memory_space<hbm>> -> memref<202048x256xf32, #tpu.memory_space<hbm>>
    tpu.wait_indirect_dma semaphore(%arg10 : memref<!tpu.dma_semaphore, #tpu.memory_space<semaphore_mem>>) src(%dma_wait3A_612 : memref<202048x256xf32, #tpu.memory_space<hbm>>) dst(%arg7 : memref<128x256xf32, #tpu.memory_space<vmem>>)
    %dma_start3A_613 = arith.constant 10 : i32
    %dma_start3A_614 = arith.constant 0 : i32
    %dma_start3A_615 = tpu.memref_slice %arg4[%dma_start3A_613, %mul3A_2, %dma_start3A_614] : memref<26x4096x256xf32, #tpu.memory_space<hbm>> -> memref<1x128x256xf32, #tpu.memory_space<hbm>>
    %dma_start3A_616 = tpu.memref_squeeze %dma_start3A_615 : memref<1x128x256xf32, #tpu.memory_space<hbm>> -> memref<128x256xf32, #tpu.memory_space<hbm>>
    %dma_start3A_617 = arith.constant 0 : i32
    %dma_start3A_618 = tpu.memref_slice %arg4[%dma_start3A_613, %mul3A_2, %dma_start3A_617] : memref<26x4096x256xf32, #tpu.memory_space<hbm>> -> memref<1x128x256xf32, #tpu.memory_space<hbm>>
    %dma_start3A_619 = tpu.memref_squeeze %dma_start3A_618 : memref<1x128x256xf32, #tpu.memory_space<hbm>> -> memref<128x256xf32, #tpu.memory_space<hbm>>
    tpu.enqueue_dma source(%arg7 : memref<128x256xf32, #tpu.memory_space<vmem>>) target(%dma_start3A_619 : memref<128x256xf32, #tpu.memory_space<hbm>>) target_semaphore(%arg13 : memref<!tpu.dma_semaphore, #tpu.memory_space<semaphore_mem>>)
    %dma_wait3A_620 = arith.constant 9 : i32
    %dma_wait3A_621 = arith.constant 0 : i32
    %dma_wait3A_622 = tpu.memref_slice %arg4[%dma_wait3A_620, %mul3A_2, %dma_wait3A_621] : memref<26x4096x256xf32, #tpu.memory_space<hbm>> -> memref<1x128x256xf32, #tpu.memory_space<hbm>>
    %dma_wait3A_623 = tpu.memref_squeeze %dma_wait3A_622 : memref<1x128x256xf32, #tpu.memory_space<hbm>> -> memref<128x256xf32, #tpu.memory_space<hbm>>
    %dma_wait3A_624 = arith.constant 0 : i32
    %dma_wait3A_625 = tpu.memref_slice %arg4[%dma_wait3A_620, %mul3A_2, %dma_wait3A_624] : memref<26x4096x256xf32, #tpu.memory_space<hbm>> -> memref<1x128x256xf32, #tpu.memory_space<hbm>>
    %dma_wait3A_626 = tpu.memref_squeeze %dma_wait3A_625 : memref<1x128x256xf32, #tpu.memory_space<hbm>> -> memref<128x256xf32, #tpu.memory_space<hbm>>
    tpu.wait_dma2 semaphore(%arg12 : memref<!tpu.dma_semaphore, #tpu.memory_space<semaphore_mem>>) src(%arg6 : memref<128x256xf32, #tpu.memory_space<vmem>>) dst(%dma_wait3A_626 : memref<128x256xf32, #tpu.memory_space<hbm>>)
    %dma_start3A_627 = arith.constant 1536 : i32
    %dma_start3A_628 = tpu.memref_slice %arg5[%dma_start3A_627] : memref<3328xi32, #tpu.memory_space<vmem>> -> memref<128xi32, #tpu.memory_space<vmem>>
    %dma_start3A_629 = arith.constant 0 : i32
    %dma_start3A_630 = arith.constant 0 : i32
    %dma_start3A_631 = tpu.memref_slice %arg3[%dma_start3A_629, %dma_start3A_630] : memref<202048x256xf32, #tpu.memory_space<hbm>> -> memref<202048x256xf32, #tpu.memory_space<hbm>>
    tpu.enqueue_indirect_dma source(%dma_start3A_631 : memref<202048x256xf32, #tpu.memory_space<hbm>>) target(%arg6 : memref<128x256xf32, #tpu.memory_space<vmem>>) offsets(%dma_start3A_628 : memref<128xi32, #tpu.memory_space<vmem>>) semaphore(%arg9 : memref<!tpu.dma_semaphore, #tpu.memory_space<semaphore_mem>>)
    %dma_wait3A_632 = arith.constant 1408 : i32
    %dma_wait3A_633 = tpu.memref_slice %arg5[%dma_wait3A_632] : memref<3328xi32, #tpu.memory_space<vmem>> -> memref<128xi32, #tpu.memory_space<vmem>>
    %dma_wait3A_634 = arith.constant 0 : i32
    %dma_wait3A_635 = arith.constant 0 : i32
    %dma_wait3A_636 = tpu.memref_slice %arg3[%dma_wait3A_634, %dma_wait3A_635] : memref<202048x256xf32, #tpu.memory_space<hbm>> -> memref<202048x256xf32, #tpu.memory_space<hbm>>
    tpu.wait_indirect_dma semaphore(%arg11 : memref<!tpu.dma_semaphore, #tpu.memory_space<semaphore_mem>>) src(%dma_wait3A_636 : memref<202048x256xf32, #tpu.memory_space<hbm>>) dst(%arg8 : memref<128x256xf32, #tpu.memory_space<vmem>>)
    %dma_start3A_637 = arith.constant 11 : i32
    %dma_start3A_638 = arith.constant 0 : i32
    %dma_start3A_639 = tpu.memref_slice %arg4[%dma_start3A_637, %mul3A_2, %dma_start3A_638] : memref<26x4096x256xf32, #tpu.memory_space<hbm>> -> memref<1x128x256xf32, #tpu.memory_space<hbm>>
    %dma_start3A_640 = tpu.memref_squeeze %dma_start3A_639 : memref<1x128x256xf32, #tpu.memory_space<hbm>> -> memref<128x256xf32, #tpu.memory_space<hbm>>
    %dma_start3A_641 = arith.constant 0 : i32
    %dma_start3A_642 = tpu.memref_slice %arg4[%dma_start3A_637, %mul3A_2, %dma_start3A_641] : memref<26x4096x256xf32, #tpu.memory_space<hbm>> -> memref<1x128x256xf32, #tpu.memory_space<hbm>>
    %dma_start3A_643 = tpu.memref_squeeze %dma_start3A_642 : memref<1x128x256xf32, #tpu.memory_space<hbm>> -> memref<128x256xf32, #tpu.memory_space<hbm>>
    tpu.enqueue_dma source(%arg8 : memref<128x256xf32, #tpu.memory_space<vmem>>) target(%dma_start3A_643 : memref<128x256xf32, #tpu.memory_space<hbm>>) target_semaphore(%arg14 : memref<!tpu.dma_semaphore, #tpu.memory_space<semaphore_mem>>)
    %dma_wait3A_644 = arith.constant 10 : i32
    %dma_wait3A_645 = arith.constant 0 : i32
    %dma_wait3A_646 = tpu.memref_slice %arg4[%dma_wait3A_644, %mul3A_2, %dma_wait3A_645] : memref<26x4096x256xf32, #tpu.memory_space<hbm>> -> memref<1x128x256xf32, #tpu.memory_space<hbm>>
    %dma_wait3A_647 = tpu.memref_squeeze %dma_wait3A_646 : memref<1x128x256xf32, #tpu.memory_space<hbm>> -> memref<128x256xf32, #tpu.memory_space<hbm>>
    %dma_wait3A_648 = arith.constant 0 : i32
    %dma_wait3A_649 = tpu.memref_slice %arg4[%dma_wait3A_644, %mul3A_2, %dma_wait3A_648] : memref<26x4096x256xf32, #tpu.memory_space<hbm>> -> memref<1x128x256xf32, #tpu.memory_space<hbm>>
    %dma_wait3A_650 = tpu.memref_squeeze %dma_wait3A_649 : memref<1x128x256xf32, #tpu.memory_space<hbm>> -> memref<128x256xf32, #tpu.memory_space<hbm>>
    tpu.wait_dma2 semaphore(%arg13 : memref<!tpu.dma_semaphore, #tpu.memory_space<semaphore_mem>>) src(%arg7 : memref<128x256xf32, #tpu.memory_space<vmem>>) dst(%dma_wait3A_650 : memref<128x256xf32, #tpu.memory_space<hbm>>)
    %dma_start3A_651 = arith.constant 1664 : i32
    %dma_start3A_652 = tpu.memref_slice %arg5[%dma_start3A_651] : memref<3328xi32, #tpu.memory_space<vmem>> -> memref<128xi32, #tpu.memory_space<vmem>>
    %dma_start3A_653 = arith.constant 0 : i32
    %dma_start3A_654 = arith.constant 0 : i32
    %dma_start3A_655 = tpu.memref_slice %arg3[%dma_start3A_653, %dma_start3A_654] : memref<202048x256xf32, #tpu.memory_space<hbm>> -> memref<202048x256xf32, #tpu.memory_space<hbm>>
    tpu.enqueue_indirect_dma source(%dma_start3A_655 : memref<202048x256xf32, #tpu.memory_space<hbm>>) target(%arg7 : memref<128x256xf32, #tpu.memory_space<vmem>>) offsets(%dma_start3A_652 : memref<128xi32, #tpu.memory_space<vmem>>) semaphore(%arg10 : memref<!tpu.dma_semaphore, #tpu.memory_space<semaphore_mem>>)
    %dma_wait3A_656 = arith.constant 1536 : i32
    %dma_wait3A_657 = tpu.memref_slice %arg5[%dma_wait3A_656] : memref<3328xi32, #tpu.memory_space<vmem>> -> memref<128xi32, #tpu.memory_space<vmem>>
    %dma_wait3A_658 = arith.constant 0 : i32
    %dma_wait3A_659 = arith.constant 0 : i32
    %dma_wait3A_660 = tpu.memref_slice %arg3[%dma_wait3A_658, %dma_wait3A_659] : memref<202048x256xf32, #tpu.memory_space<hbm>> -> memref<202048x256xf32, #tpu.memory_space<hbm>>
    tpu.wait_indirect_dma semaphore(%arg9 : memref<!tpu.dma_semaphore, #tpu.memory_space<semaphore_mem>>) src(%dma_wait3A_660 : memref<202048x256xf32, #tpu.memory_space<hbm>>) dst(%arg6 : memref<128x256xf32, #tpu.memory_space<vmem>>)
    %dma_start3A_661 = arith.constant 12 : i32
    %dma_start3A_662 = arith.constant 0 : i32
    %dma_start3A_663 = tpu.memref_slice %arg4[%dma_start3A_661, %mul3A_2, %dma_start3A_662] : memref<26x4096x256xf32, #tpu.memory_space<hbm>> -> memref<1x128x256xf32, #tpu.memory_space<hbm>>
    %dma_start3A_664 = tpu.memref_squeeze %dma_start3A_663 : memref<1x128x256xf32, #tpu.memory_space<hbm>> -> memref<128x256xf32, #tpu.memory_space<hbm>>
    %dma_start3A_665 = arith.constant 0 : i32
    %dma_start3A_666 = tpu.memref_slice %arg4[%dma_start3A_661, %mul3A_2, %dma_start3A_665] : memref<26x4096x256xf32, #tpu.memory_space<hbm>> -> memref<1x128x256xf32, #tpu.memory_space<hbm>>
    %dma_start3A_667 = tpu.memref_squeeze %dma_start3A_666 : memref<1x128x256xf32, #tpu.memory_space<hbm>> -> memref<128x256xf32, #tpu.memory_space<hbm>>
    tpu.enqueue_dma source(%arg6 : memref<128x256xf32, #tpu.memory_space<vmem>>) target(%dma_start3A_667 : memref<128x256xf32, #tpu.memory_space<hbm>>) target_semaphore(%arg12 : memref<!tpu.dma_semaphore, #tpu.memory_space<semaphore_mem>>)
    %dma_wait3A_668 = arith.constant 11 : i32
    %dma_wait3A_669 = arith.constant 0 : i32
    %dma_wait3A_670 = tpu.memref_slice %arg4[%dma_wait3A_668, %mul3A_2, %dma_wait3A_669] : memref<26x4096x256xf32, #tpu.memory_space<hbm>> -> memref<1x128x256xf32, #tpu.memory_space<hbm>>
    %dma_wait3A_671 = tpu.memref_squeeze %dma_wait3A_670 : memref<1x128x256xf32, #tpu.memory_space<hbm>> -> memref<128x256xf32, #tpu.memory_space<hbm>>
    %dma_wait3A_672 = arith.constant 0 : i32
    %dma_wait3A_673 = tpu.memref_slice %arg4[%dma_wait3A_668, %mul3A_2, %dma_wait3A_672] : memref<26x4096x256xf32, #tpu.memory_space<hbm>> -> memref<1x128x256xf32, #tpu.memory_space<hbm>>
    %dma_wait3A_674 = tpu.memref_squeeze %dma_wait3A_673 : memref<1x128x256xf32, #tpu.memory_space<hbm>> -> memref<128x256xf32, #tpu.memory_space<hbm>>
    tpu.wait_dma2 semaphore(%arg14 : memref<!tpu.dma_semaphore, #tpu.memory_space<semaphore_mem>>) src(%arg8 : memref<128x256xf32, #tpu.memory_space<vmem>>) dst(%dma_wait3A_674 : memref<128x256xf32, #tpu.memory_space<hbm>>)
    %dma_start3A_675 = arith.constant 1792 : i32
    %dma_start3A_676 = tpu.memref_slice %arg5[%dma_start3A_675] : memref<3328xi32, #tpu.memory_space<vmem>> -> memref<128xi32, #tpu.memory_space<vmem>>
    %dma_start3A_677 = arith.constant 0 : i32
    %dma_start3A_678 = arith.constant 0 : i32
    %dma_start3A_679 = tpu.memref_slice %arg3[%dma_start3A_677, %dma_start3A_678] : memref<202048x256xf32, #tpu.memory_space<hbm>> -> memref<202048x256xf32, #tpu.memory_space<hbm>>
    tpu.enqueue_indirect_dma source(%dma_start3A_679 : memref<202048x256xf32, #tpu.memory_space<hbm>>) target(%arg8 : memref<128x256xf32, #tpu.memory_space<vmem>>) offsets(%dma_start3A_676 : memref<128xi32, #tpu.memory_space<vmem>>) semaphore(%arg11 : memref<!tpu.dma_semaphore, #tpu.memory_space<semaphore_mem>>)
    %dma_wait3A_680 = arith.constant 1664 : i32
    %dma_wait3A_681 = tpu.memref_slice %arg5[%dma_wait3A_680] : memref<3328xi32, #tpu.memory_space<vmem>> -> memref<128xi32, #tpu.memory_space<vmem>>
    %dma_wait3A_682 = arith.constant 0 : i32
    %dma_wait3A_683 = arith.constant 0 : i32
    %dma_wait3A_684 = tpu.memref_slice %arg3[%dma_wait3A_682, %dma_wait3A_683] : memref<202048x256xf32, #tpu.memory_space<hbm>> -> memref<202048x256xf32, #tpu.memory_space<hbm>>
    tpu.wait_indirect_dma semaphore(%arg10 : memref<!tpu.dma_semaphore, #tpu.memory_space<semaphore_mem>>) src(%dma_wait3A_684 : memref<202048x256xf32, #tpu.memory_space<hbm>>) dst(%arg7 : memref<128x256xf32, #tpu.memory_space<vmem>>)
    %dma_start3A_685 = arith.constant 13 : i32
    %dma_start3A_686 = arith.constant 0 : i32
    %dma_start3A_687 = tpu.memref_slice %arg4[%dma_start3A_685, %mul3A_2, %dma_start3A_686] : memref<26x4096x256xf32, #tpu.memory_space<hbm>> -> memref<1x128x256xf32, #tpu.memory_space<hbm>>
    %dma_start3A_688 = tpu.memref_squeeze %dma_start3A_687 : memref<1x128x256xf32, #tpu.memory_space<hbm>> -> memref<128x256xf32, #tpu.memory_space<hbm>>
    %dma_start3A_689 = arith.constant 0 : i32
    %dma_start3A_690 = tpu.memref_slice %arg4[%dma_start3A_685, %mul3A_2, %dma_start3A_689] : memref<26x4096x256xf32, #tpu.memory_space<hbm>> -> memref<1x128x256xf32, #tpu.memory_space<hbm>>
    %dma_start3A_691 = tpu.memref_squeeze %dma_start3A_690 : memref<1x128x256xf32, #tpu.memory_space<hbm>> -> memref<128x256xf32, #tpu.memory_space<hbm>>
    tpu.enqueue_dma source(%arg7 : memref<128x256xf32, #tpu.memory_space<vmem>>) target(%dma_start3A_691 : memref<128x256xf32, #tpu.memory_space<hbm>>) target_semaphore(%arg13 : memref<!tpu.dma_semaphore, #tpu.memory_space<semaphore_mem>>)
    %dma_wait3A_692 = arith.constant 12 : i32
    %dma_wait3A_693 = arith.constant 0 : i32
    %dma_wait3A_694 = tpu.memref_slice %arg4[%dma_wait3A_692, %mul3A_2, %dma_wait3A_693] : memref<26x4096x256xf32, #tpu.memory_space<hbm>> -> memref<1x128x256xf32, #tpu.memory_space<hbm>>
    %dma_wait3A_695 = tpu.memref_squeeze %dma_wait3A_694 : memref<1x128x256xf32, #tpu.memory_space<hbm>> -> memref<128x256xf32, #tpu.memory_space<hbm>>
    %dma_wait3A_696 = arith.constant 0 : i32
    %dma_wait3A_697 = tpu.memref_slice %arg4[%dma_wait3A_692, %mul3A_2, %dma_wait3A_696] : memref<26x4096x256xf32, #tpu.memory_space<hbm>> -> memref<1x128x256xf32, #tpu.memory_space<hbm>>
    %dma_wait3A_698 = tpu.memref_squeeze %dma_wait3A_697 : memref<1x128x256xf32, #tpu.memory_space<hbm>> -> memref<128x256xf32, #tpu.memory_space<hbm>>
    tpu.wait_dma2 semaphore(%arg12 : memref<!tpu.dma_semaphore, #tpu.memory_space<semaphore_mem>>) src(%arg6 : memref<128x256xf32, #tpu.memory_space<vmem>>) dst(%dma_wait3A_698 : memref<128x256xf32, #tpu.memory_space<hbm>>)
    %dma_start3A_699 = arith.constant 1920 : i32
    %dma_start3A_700 = tpu.memref_slice %arg5[%dma_start3A_699] : memref<3328xi32, #tpu.memory_space<vmem>> -> memref<128xi32, #tpu.memory_space<vmem>>
    %dma_start3A_701 = arith.constant 0 : i32
    %dma_start3A_702 = arith.constant 0 : i32
    %dma_start3A_703 = tpu.memref_slice %arg3[%dma_start3A_701, %dma_start3A_702] : memref<202048x256xf32, #tpu.memory_space<hbm>> -> memref<202048x256xf32, #tpu.memory_space<hbm>>
    tpu.enqueue_indirect_dma source(%dma_start3A_703 : memref<202048x256xf32, #tpu.memory_space<hbm>>) target(%arg6 : memref<128x256xf32, #tpu.memory_space<vmem>>) offsets(%dma_start3A_700 : memref<128xi32, #tpu.memory_space<vmem>>) semaphore(%arg9 : memref<!tpu.dma_semaphore, #tpu.memory_space<semaphore_mem>>)
    %dma_wait3A_704 = arith.constant 1792 : i32
    %dma_wait3A_705 = tpu.memref_slice %arg5[%dma_wait3A_704] : memref<3328xi32, #tpu.memory_space<vmem>> -> memref<128xi32, #tpu.memory_space<vmem>>
    %dma_wait3A_706 = arith.constant 0 : i32
    %dma_wait3A_707 = arith.constant 0 : i32
    %dma_wait3A_708 = tpu.memref_slice %arg3[%dma_wait3A_706, %dma_wait3A_707] : memref<202048x256xf32, #tpu.memory_space<hbm>> -> memref<202048x256xf32, #tpu.memory_space<hbm>>
    tpu.wait_indirect_dma semaphore(%arg11 : memref<!tpu.dma_semaphore, #tpu.memory_space<semaphore_mem>>) src(%dma_wait3A_708 : memref<202048x256xf32, #tpu.memory_space<hbm>>) dst(%arg8 : memref<128x256xf32, #tpu.memory_space<vmem>>)
    %dma_start3A_709 = arith.constant 14 : i32
    %dma_start3A_710 = arith.constant 0 : i32
    %dma_start3A_711 = tpu.memref_slice %arg4[%dma_start3A_709, %mul3A_2, %dma_start3A_710] : memref<26x4096x256xf32, #tpu.memory_space<hbm>> -> memref<1x128x256xf32, #tpu.memory_space<hbm>>
    %dma_start3A_712 = tpu.memref_squeeze %dma_start3A_711 : memref<1x128x256xf32, #tpu.memory_space<hbm>> -> memref<128x256xf32, #tpu.memory_space<hbm>>
    %dma_start3A_713 = arith.constant 0 : i32
    %dma_start3A_714 = tpu.memref_slice %arg4[%dma_start3A_709, %mul3A_2, %dma_start3A_713] : memref<26x4096x256xf32, #tpu.memory_space<hbm>> -> memref<1x128x256xf32, #tpu.memory_space<hbm>>
    %dma_start3A_715 = tpu.memref_squeeze %dma_start3A_714 : memref<1x128x256xf32, #tpu.memory_space<hbm>> -> memref<128x256xf32, #tpu.memory_space<hbm>>
    tpu.enqueue_dma source(%arg8 : memref<128x256xf32, #tpu.memory_space<vmem>>) target(%dma_start3A_715 : memref<128x256xf32, #tpu.memory_space<hbm>>) target_semaphore(%arg14 : memref<!tpu.dma_semaphore, #tpu.memory_space<semaphore_mem>>)
    %dma_wait3A_716 = arith.constant 13 : i32
    %dma_wait3A_717 = arith.constant 0 : i32
    %dma_wait3A_718 = tpu.memref_slice %arg4[%dma_wait3A_716, %mul3A_2, %dma_wait3A_717] : memref<26x4096x256xf32, #tpu.memory_space<hbm>> -> memref<1x128x256xf32, #tpu.memory_space<hbm>>
    %dma_wait3A_719 = tpu.memref_squeeze %dma_wait3A_718 : memref<1x128x256xf32, #tpu.memory_space<hbm>> -> memref<128x256xf32, #tpu.memory_space<hbm>>
    %dma_wait3A_720 = arith.constant 0 : i32
    %dma_wait3A_721 = tpu.memref_slice %arg4[%dma_wait3A_716, %mul3A_2, %dma_wait3A_720] : memref<26x4096x256xf32, #tpu.memory_space<hbm>> -> memref<1x128x256xf32, #tpu.memory_space<hbm>>
    %dma_wait3A_722 = tpu.memref_squeeze %dma_wait3A_721 : memref<1x128x256xf32, #tpu.memory_space<hbm>> -> memref<128x256xf32, #tpu.memory_space<hbm>>
    tpu.wait_dma2 semaphore(%arg13 : memref<!tpu.dma_semaphore, #tpu.memory_space<semaphore_mem>>) src(%arg7 : memref<128x256xf32, #tpu.memory_space<vmem>>) dst(%dma_wait3A_722 : memref<128x256xf32, #tpu.memory_space<hbm>>)
    %dma_start3A_723 = arith.constant 2048 : i32
    %dma_start3A_724 = tpu.memref_slice %arg5[%dma_start3A_723] : memref<3328xi32, #tpu.memory_space<vmem>> -> memref<128xi32, #tpu.memory_space<vmem>>
    %dma_start3A_725 = arith.constant 0 : i32
    %dma_start3A_726 = arith.constant 0 : i32
    %dma_start3A_727 = tpu.memref_slice %arg3[%dma_start3A_725, %dma_start3A_726] : memref<202048x256xf32, #tpu.memory_space<hbm>> -> memref<202048x256xf32, #tpu.memory_space<hbm>>
    tpu.enqueue_indirect_dma source(%dma_start3A_727 : memref<202048x256xf32, #tpu.memory_space<hbm>>) target(%arg7 : memref<128x256xf32, #tpu.memory_space<vmem>>) offsets(%dma_start3A_724 : memref<128xi32, #tpu.memory_space<vmem>>) semaphore(%arg10 : memref<!tpu.dma_semaphore, #tpu.memory_space<semaphore_mem>>)
    %dma_wait3A_728 = arith.constant 1920 : i32
    %dma_wait3A_729 = tpu.memref_slice %arg5[%dma_wait3A_728] : memref<3328xi32, #tpu.memory_space<vmem>> -> memref<128xi32, #tpu.memory_space<vmem>>
    %dma_wait3A_730 = arith.constant 0 : i32
    %dma_wait3A_731 = arith.constant 0 : i32
    %dma_wait3A_732 = tpu.memref_slice %arg3[%dma_wait3A_730, %dma_wait3A_731] : memref<202048x256xf32, #tpu.memory_space<hbm>> -> memref<202048x256xf32, #tpu.memory_space<hbm>>
    tpu.wait_indirect_dma semaphore(%arg9 : memref<!tpu.dma_semaphore, #tpu.memory_space<semaphore_mem>>) src(%dma_wait3A_732 : memref<202048x256xf32, #tpu.memory_space<hbm>>) dst(%arg6 : memref<128x256xf32, #tpu.memory_space<vmem>>)
    %dma_start3A_733 = arith.constant 15 : i32
    %dma_start3A_734 = arith.constant 0 : i32
    %dma_start3A_735 = tpu.memref_slice %arg4[%dma_start3A_733, %mul3A_2, %dma_start3A_734] : memref<26x4096x256xf32, #tpu.memory_space<hbm>> -> memref<1x128x256xf32, #tpu.memory_space<hbm>>
    %dma_start3A_736 = tpu.memref_squeeze %dma_start3A_735 : memref<1x128x256xf32, #tpu.memory_space<hbm>> -> memref<128x256xf32, #tpu.memory_space<hbm>>
    %dma_start3A_737 = arith.constant 0 : i32
    %dma_start3A_738 = tpu.memref_slice %arg4[%dma_start3A_733, %mul3A_2, %dma_start3A_737] : memref<26x4096x256xf32, #tpu.memory_space<hbm>> -> memref<1x128x256xf32, #tpu.memory_space<hbm>>
    %dma_start3A_739 = tpu.memref_squeeze %dma_start3A_738 : memref<1x128x256xf32, #tpu.memory_space<hbm>> -> memref<128x256xf32, #tpu.memory_space<hbm>>
    tpu.enqueue_dma source(%arg6 : memref<128x256xf32, #tpu.memory_space<vmem>>) target(%dma_start3A_739 : memref<128x256xf32, #tpu.memory_space<hbm>>) target_semaphore(%arg12 : memref<!tpu.dma_semaphore, #tpu.memory_space<semaphore_mem>>)
    %dma_wait3A_740 = arith.constant 14 : i32
    %dma_wait3A_741 = arith.constant 0 : i32
    %dma_wait3A_742 = tpu.memref_slice %arg4[%dma_wait3A_740, %mul3A_2, %dma_wait3A_741] : memref<26x4096x256xf32, #tpu.memory_space<hbm>> -> memref<1x128x256xf32, #tpu.memory_space<hbm>>
    %dma_wait3A_743 = tpu.memref_squeeze %dma_wait3A_742 : memref<1x128x256xf32, #tpu.memory_space<hbm>> -> memref<128x256xf32, #tpu.memory_space<hbm>>
    %dma_wait3A_744 = arith.constant 0 : i32
    %dma_wait3A_745 = tpu.memref_slice %arg4[%dma_wait3A_740, %mul3A_2, %dma_wait3A_744] : memref<26x4096x256xf32, #tpu.memory_space<hbm>> -> memref<1x128x256xf32, #tpu.memory_space<hbm>>
    %dma_wait3A_746 = tpu.memref_squeeze %dma_wait3A_745 : memref<1x128x256xf32, #tpu.memory_space<hbm>> -> memref<128x256xf32, #tpu.memory_space<hbm>>
    tpu.wait_dma2 semaphore(%arg14 : memref<!tpu.dma_semaphore, #tpu.memory_space<semaphore_mem>>) src(%arg8 : memref<128x256xf32, #tpu.memory_space<vmem>>) dst(%dma_wait3A_746 : memref<128x256xf32, #tpu.memory_space<hbm>>)
    %dma_start3A_747 = arith.constant 2176 : i32
    %dma_start3A_748 = tpu.memref_slice %arg5[%dma_start3A_747] : memref<3328xi32, #tpu.memory_space<vmem>> -> memref<128xi32, #tpu.memory_space<vmem>>
    %dma_start3A_749 = arith.constant 0 : i32
    %dma_start3A_750 = arith.constant 0 : i32
    %dma_start3A_751 = tpu.memref_slice %arg3[%dma_start3A_749, %dma_start3A_750] : memref<202048x256xf32, #tpu.memory_space<hbm>> -> memref<202048x256xf32, #tpu.memory_space<hbm>>
    tpu.enqueue_indirect_dma source(%dma_start3A_751 : memref<202048x256xf32, #tpu.memory_space<hbm>>) target(%arg8 : memref<128x256xf32, #tpu.memory_space<vmem>>) offsets(%dma_start3A_748 : memref<128xi32, #tpu.memory_space<vmem>>) semaphore(%arg11 : memref<!tpu.dma_semaphore, #tpu.memory_space<semaphore_mem>>)
    %dma_wait3A_752 = arith.constant 2048 : i32
    %dma_wait3A_753 = tpu.memref_slice %arg5[%dma_wait3A_752] : memref<3328xi32, #tpu.memory_space<vmem>> -> memref<128xi32, #tpu.memory_space<vmem>>
    %dma_wait3A_754 = arith.constant 0 : i32
    %dma_wait3A_755 = arith.constant 0 : i32
    %dma_wait3A_756 = tpu.memref_slice %arg3[%dma_wait3A_754, %dma_wait3A_755] : memref<202048x256xf32, #tpu.memory_space<hbm>> -> memref<202048x256xf32, #tpu.memory_space<hbm>>
    tpu.wait_indirect_dma semaphore(%arg10 : memref<!tpu.dma_semaphore, #tpu.memory_space<semaphore_mem>>) src(%dma_wait3A_756 : memref<202048x256xf32, #tpu.memory_space<hbm>>) dst(%arg7 : memref<128x256xf32, #tpu.memory_space<vmem>>)
    %dma_start3A_757 = arith.constant 16 : i32
    %dma_start3A_758 = arith.constant 0 : i32
    %dma_start3A_759 = tpu.memref_slice %arg4[%dma_start3A_757, %mul3A_2, %dma_start3A_758] : memref<26x4096x256xf32, #tpu.memory_space<hbm>> -> memref<1x128x256xf32, #tpu.memory_space<hbm>>
    %dma_start3A_760 = tpu.memref_squeeze %dma_start3A_759 : memref<1x128x256xf32, #tpu.memory_space<hbm>> -> memref<128x256xf32, #tpu.memory_space<hbm>>
    %dma_start3A_761 = arith.constant 0 : i32
    %dma_start3A_762 = tpu.memref_slice %arg4[%dma_start3A_757, %mul3A_2, %dma_start3A_761] : memref<26x4096x256xf32, #tpu.memory_space<hbm>> -> memref<1x128x256xf32, #tpu.memory_space<hbm>>
    %dma_start3A_763 = tpu.memref_squeeze %dma_start3A_762 : memref<1x128x256xf32, #tpu.memory_space<hbm>> -> memref<128x256xf32, #tpu.memory_space<hbm>>
    tpu.enqueue_dma source(%arg7 : memref<128x256xf32, #tpu.memory_space<vmem>>) target(%dma_start3A_763 : memref<128x256xf32, #tpu.memory_space<hbm>>) target_semaphore(%arg13 : memref<!tpu.dma_semaphore, #tpu.memory_space<semaphore_mem>>)
    %dma_wait3A_764 = arith.constant 15 : i32
    %dma_wait3A_765 = arith.constant 0 : i32
    %dma_wait3A_766 = tpu.memref_slice %arg4[%dma_wait3A_764, %mul3A_2, %dma_wait3A_765] : memref<26x4096x256xf32, #tpu.memory_space<hbm>> -> memref<1x128x256xf32, #tpu.memory_space<hbm>>
    %dma_wait3A_767 = tpu.memref_squeeze %dma_wait3A_766 : memref<1x128x256xf32, #tpu.memory_space<hbm>> -> memref<128x256xf32, #tpu.memory_space<hbm>>
    %dma_wait3A_768 = arith.constant 0 : i32
    %dma_wait3A_769 = tpu.memref_slice %arg4[%dma_wait3A_764, %mul3A_2, %dma_wait3A_768] : memref<26x4096x256xf32, #tpu.memory_space<hbm>> -> memref<1x128x256xf32, #tpu.memory_space<hbm>>
    %dma_wait3A_770 = tpu.memref_squeeze %dma_wait3A_769 : memref<1x128x256xf32, #tpu.memory_space<hbm>> -> memref<128x256xf32, #tpu.memory_space<hbm>>
    tpu.wait_dma2 semaphore(%arg12 : memref<!tpu.dma_semaphore, #tpu.memory_space<semaphore_mem>>) src(%arg6 : memref<128x256xf32, #tpu.memory_space<vmem>>) dst(%dma_wait3A_770 : memref<128x256xf32, #tpu.memory_space<hbm>>)
    %dma_start3A_771 = arith.constant 2304 : i32
    %dma_start3A_772 = tpu.memref_slice %arg5[%dma_start3A_771] : memref<3328xi32, #tpu.memory_space<vmem>> -> memref<128xi32, #tpu.memory_space<vmem>>
    %dma_start3A_773 = arith.constant 0 : i32
    %dma_start3A_774 = arith.constant 0 : i32
    %dma_start3A_775 = tpu.memref_slice %arg3[%dma_start3A_773, %dma_start3A_774] : memref<202048x256xf32, #tpu.memory_space<hbm>> -> memref<202048x256xf32, #tpu.memory_space<hbm>>
    tpu.enqueue_indirect_dma source(%dma_start3A_775 : memref<202048x256xf32, #tpu.memory_space<hbm>>) target(%arg6 : memref<128x256xf32, #tpu.memory_space<vmem>>) offsets(%dma_start3A_772 : memref<128xi32, #tpu.memory_space<vmem>>) semaphore(%arg9 : memref<!tpu.dma_semaphore, #tpu.memory_space<semaphore_mem>>)
    %dma_wait3A_776 = arith.constant 2176 : i32
    %dma_wait3A_777 = tpu.memref_slice %arg5[%dma_wait3A_776] : memref<3328xi32, #tpu.memory_space<vmem>> -> memref<128xi32, #tpu.memory_space<vmem>>
    %dma_wait3A_778 = arith.constant 0 : i32
    %dma_wait3A_779 = arith.constant 0 : i32
    %dma_wait3A_780 = tpu.memref_slice %arg3[%dma_wait3A_778, %dma_wait3A_779] : memref<202048x256xf32, #tpu.memory_space<hbm>> -> memref<202048x256xf32, #tpu.memory_space<hbm>>
    tpu.wait_indirect_dma semaphore(%arg11 : memref<!tpu.dma_semaphore, #tpu.memory_space<semaphore_mem>>) src(%dma_wait3A_780 : memref<202048x256xf32, #tpu.memory_space<hbm>>) dst(%arg8 : memref<128x256xf32, #tpu.memory_space<vmem>>)
    %dma_start3A_781 = arith.constant 17 : i32
    %dma_start3A_782 = arith.constant 0 : i32
    %dma_start3A_783 = tpu.memref_slice %arg4[%dma_start3A_781, %mul3A_2, %dma_start3A_782] : memref<26x4096x256xf32, #tpu.memory_space<hbm>> -> memref<1x128x256xf32, #tpu.memory_space<hbm>>
    %dma_start3A_784 = tpu.memref_squeeze %dma_start3A_783 : memref<1x128x256xf32, #tpu.memory_space<hbm>> -> memref<128x256xf32, #tpu.memory_space<hbm>>
    %dma_start3A_785 = arith.constant 0 : i32
    %dma_start3A_786 = tpu.memref_slice %arg4[%dma_start3A_781, %mul3A_2, %dma_start3A_785] : memref<26x4096x256xf32, #tpu.memory_space<hbm>> -> memref<1x128x256xf32, #tpu.memory_space<hbm>>
    %dma_start3A_787 = tpu.memref_squeeze %dma_start3A_786 : memref<1x128x256xf32, #tpu.memory_space<hbm>> -> memref<128x256xf32, #tpu.memory_space<hbm>>
    tpu.enqueue_dma source(%arg8 : memref<128x256xf32, #tpu.memory_space<vmem>>) target(%dma_start3A_787 : memref<128x256xf32, #tpu.memory_space<hbm>>) target_semaphore(%arg14 : memref<!tpu.dma_semaphore, #tpu.memory_space<semaphore_mem>>)
    %dma_wait3A_788 = arith.constant 16 : i32
    %dma_wait3A_789 = arith.constant 0 : i32
    %dma_wait3A_790 = tpu.memref_slice %arg4[%dma_wait3A_788, %mul3A_2, %dma_wait3A_789] : memref<26x4096x256xf32, #tpu.memory_space<hbm>> -> memref<1x128x256xf32, #tpu.memory_space<hbm>>
    %dma_wait3A_791 = tpu.memref_squeeze %dma_wait3A_790 : memref<1x128x256xf32, #tpu.memory_space<hbm>> -> memref<128x256xf32, #tpu.memory_space<hbm>>
    %dma_wait3A_792 = arith.constant 0 : i32
    %dma_wait3A_793 = tpu.memref_slice %arg4[%dma_wait3A_788, %mul3A_2, %dma_wait3A_792] : memref<26x4096x256xf32, #tpu.memory_space<hbm>> -> memref<1x128x256xf32, #tpu.memory_space<hbm>>
    %dma_wait3A_794 = tpu.memref_squeeze %dma_wait3A_793 : memref<1x128x256xf32, #tpu.memory_space<hbm>> -> memref<128x256xf32, #tpu.memory_space<hbm>>
    tpu.wait_dma2 semaphore(%arg13 : memref<!tpu.dma_semaphore, #tpu.memory_space<semaphore_mem>>) src(%arg7 : memref<128x256xf32, #tpu.memory_space<vmem>>) dst(%dma_wait3A_794 : memref<128x256xf32, #tpu.memory_space<hbm>>)
    %dma_start3A_795 = arith.constant 2432 : i32
    %dma_start3A_796 = tpu.memref_slice %arg5[%dma_start3A_795] : memref<3328xi32, #tpu.memory_space<vmem>> -> memref<128xi32, #tpu.memory_space<vmem>>
    %dma_start3A_797 = arith.constant 0 : i32
    %dma_start3A_798 = arith.constant 0 : i32
    %dma_start3A_799 = tpu.memref_slice %arg3[%dma_start3A_797, %dma_start3A_798] : memref<202048x256xf32, #tpu.memory_space<hbm>> -> memref<202048x256xf32, #tpu.memory_space<hbm>>
    tpu.enqueue_indirect_dma source(%dma_start3A_799 : memref<202048x256xf32, #tpu.memory_space<hbm>>) target(%arg7 : memref<128x256xf32, #tpu.memory_space<vmem>>) offsets(%dma_start3A_796 : memref<128xi32, #tpu.memory_space<vmem>>) semaphore(%arg10 : memref<!tpu.dma_semaphore, #tpu.memory_space<semaphore_mem>>)
    %dma_wait3A_800 = arith.constant 2304 : i32
    %dma_wait3A_801 = tpu.memref_slice %arg5[%dma_wait3A_800] : memref<3328xi32, #tpu.memory_space<vmem>> -> memref<128xi32, #tpu.memory_space<vmem>>
    %dma_wait3A_802 = arith.constant 0 : i32
    %dma_wait3A_803 = arith.constant 0 : i32
    %dma_wait3A_804 = tpu.memref_slice %arg3[%dma_wait3A_802, %dma_wait3A_803] : memref<202048x256xf32, #tpu.memory_space<hbm>> -> memref<202048x256xf32, #tpu.memory_space<hbm>>
    tpu.wait_indirect_dma semaphore(%arg9 : memref<!tpu.dma_semaphore, #tpu.memory_space<semaphore_mem>>) src(%dma_wait3A_804 : memref<202048x256xf32, #tpu.memory_space<hbm>>) dst(%arg6 : memref<128x256xf32, #tpu.memory_space<vmem>>)
    %dma_start3A_805 = arith.constant 18 : i32
    %dma_start3A_806 = arith.constant 0 : i32
    %dma_start3A_807 = tpu.memref_slice %arg4[%dma_start3A_805, %mul3A_2, %dma_start3A_806] : memref<26x4096x256xf32, #tpu.memory_space<hbm>> -> memref<1x128x256xf32, #tpu.memory_space<hbm>>
    %dma_start3A_808 = tpu.memref_squeeze %dma_start3A_807 : memref<1x128x256xf32, #tpu.memory_space<hbm>> -> memref<128x256xf32, #tpu.memory_space<hbm>>
    %dma_start3A_809 = arith.constant 0 : i32
    %dma_start3A_810 = tpu.memref_slice %arg4[%dma_start3A_805, %mul3A_2, %dma_start3A_809] : memref<26x4096x256xf32, #tpu.memory_space<hbm>> -> memref<1x128x256xf32, #tpu.memory_space<hbm>>
    %dma_start3A_811 = tpu.memref_squeeze %dma_start3A_810 : memref<1x128x256xf32, #tpu.memory_space<hbm>> -> memref<128x256xf32, #tpu.memory_space<hbm>>
    tpu.enqueue_dma source(%arg6 : memref<128x256xf32, #tpu.memory_space<vmem>>) target(%dma_start3A_811 : memref<128x256xf32, #tpu.memory_space<hbm>>) target_semaphore(%arg12 : memref<!tpu.dma_semaphore, #tpu.memory_space<semaphore_mem>>)
    %dma_wait3A_812 = arith.constant 17 : i32
    %dma_wait3A_813 = arith.constant 0 : i32
    %dma_wait3A_814 = tpu.memref_slice %arg4[%dma_wait3A_812, %mul3A_2, %dma_wait3A_813] : memref<26x4096x256xf32, #tpu.memory_space<hbm>> -> memref<1x128x256xf32, #tpu.memory_space<hbm>>
    %dma_wait3A_815 = tpu.memref_squeeze %dma_wait3A_814 : memref<1x128x256xf32, #tpu.memory_space<hbm>> -> memref<128x256xf32, #tpu.memory_space<hbm>>
    %dma_wait3A_816 = arith.constant 0 : i32
    %dma_wait3A_817 = tpu.memref_slice %arg4[%dma_wait3A_812, %mul3A_2, %dma_wait3A_816] : memref<26x4096x256xf32, #tpu.memory_space<hbm>> -> memref<1x128x256xf32, #tpu.memory_space<hbm>>
    %dma_wait3A_818 = tpu.memref_squeeze %dma_wait3A_817 : memref<1x128x256xf32, #tpu.memory_space<hbm>> -> memref<128x256xf32, #tpu.memory_space<hbm>>
    tpu.wait_dma2 semaphore(%arg14 : memref<!tpu.dma_semaphore, #tpu.memory_space<semaphore_mem>>) src(%arg8 : memref<128x256xf32, #tpu.memory_space<vmem>>) dst(%dma_wait3A_818 : memref<128x256xf32, #tpu.memory_space<hbm>>)
    %dma_start3A_819 = arith.constant 2560 : i32
    %dma_start3A_820 = tpu.memref_slice %arg5[%dma_start3A_819] : memref<3328xi32, #tpu.memory_space<vmem>> -> memref<128xi32, #tpu.memory_space<vmem>>
    %dma_start3A_821 = arith.constant 0 : i32
    %dma_start3A_822 = arith.constant 0 : i32
    %dma_start3A_823 = tpu.memref_slice %arg3[%dma_start3A_821, %dma_start3A_822] : memref<202048x256xf32, #tpu.memory_space<hbm>> -> memref<202048x256xf32, #tpu.memory_space<hbm>>
    tpu.enqueue_indirect_dma source(%dma_start3A_823 : memref<202048x256xf32, #tpu.memory_space<hbm>>) target(%arg8 : memref<128x256xf32, #tpu.memory_space<vmem>>) offsets(%dma_start3A_820 : memref<128xi32, #tpu.memory_space<vmem>>) semaphore(%arg11 : memref<!tpu.dma_semaphore, #tpu.memory_space<semaphore_mem>>)
    %dma_wait3A_824 = arith.constant 2432 : i32
    %dma_wait3A_825 = tpu.memref_slice %arg5[%dma_wait3A_824] : memref<3328xi32, #tpu.memory_space<vmem>> -> memref<128xi32, #tpu.memory_space<vmem>>
    %dma_wait3A_826 = arith.constant 0 : i32
    %dma_wait3A_827 = arith.constant 0 : i32
    %dma_wait3A_828 = tpu.memref_slice %arg3[%dma_wait3A_826, %dma_wait3A_827] : memref<202048x256xf32, #tpu.memory_space<hbm>> -> memref<202048x256xf32, #tpu.memory_space<hbm>>
    tpu.wait_indirect_dma semaphore(%arg10 : memref<!tpu.dma_semaphore, #tpu.memory_space<semaphore_mem>>) src(%dma_wait3A_828 : memref<202048x256xf32, #tpu.memory_space<hbm>>) dst(%arg7 : memref<128x256xf32, #tpu.memory_space<vmem>>)
    %dma_start3A_829 = arith.constant 19 : i32
    %dma_start3A_830 = arith.constant 0 : i32
    %dma_start3A_831 = tpu.memref_slice %arg4[%dma_start3A_829, %mul3A_2, %dma_start3A_830] : memref<26x4096x256xf32, #tpu.memory_space<hbm>> -> memref<1x128x256xf32, #tpu.memory_space<hbm>>
    %dma_start3A_832 = tpu.memref_squeeze %dma_start3A_831 : memref<1x128x256xf32, #tpu.memory_space<hbm>> -> memref<128x256xf32, #tpu.memory_space<hbm>>
    %dma_start3A_833 = arith.constant 0 : i32
    %dma_start3A_834 = tpu.memref_slice %arg4[%dma_start3A_829, %mul3A_2, %dma_start3A_833] : memref<26x4096x256xf32, #tpu.memory_space<hbm>> -> memref<1x128x256xf32, #tpu.memory_space<hbm>>
    %dma_start3A_835 = tpu.memref_squeeze %dma_start3A_834 : memref<1x128x256xf32, #tpu.memory_space<hbm>> -> memref<128x256xf32, #tpu.memory_space<hbm>>
    tpu.enqueue_dma source(%arg7 : memref<128x256xf32, #tpu.memory_space<vmem>>) target(%dma_start3A_835 : memref<128x256xf32, #tpu.memory_space<hbm>>) target_semaphore(%arg13 : memref<!tpu.dma_semaphore, #tpu.memory_space<semaphore_mem>>)
    %dma_wait3A_836 = arith.constant 18 : i32
    %dma_wait3A_837 = arith.constant 0 : i32
    %dma_wait3A_838 = tpu.memref_slice %arg4[%dma_wait3A_836, %mul3A_2, %dma_wait3A_837] : memref<26x4096x256xf32, #tpu.memory_space<hbm>> -> memref<1x128x256xf32, #tpu.memory_space<hbm>>
    %dma_wait3A_839 = tpu.memref_squeeze %dma_wait3A_838 : memref<1x128x256xf32, #tpu.memory_space<hbm>> -> memref<128x256xf32, #tpu.memory_space<hbm>>
    %dma_wait3A_840 = arith.constant 0 : i32
    %dma_wait3A_841 = tpu.memref_slice %arg4[%dma_wait3A_836, %mul3A_2, %dma_wait3A_840] : memref<26x4096x256xf32, #tpu.memory_space<hbm>> -> memref<1x128x256xf32, #tpu.memory_space<hbm>>
    %dma_wait3A_842 = tpu.memref_squeeze %dma_wait3A_841 : memref<1x128x256xf32, #tpu.memory_space<hbm>> -> memref<128x256xf32, #tpu.memory_space<hbm>>
    tpu.wait_dma2 semaphore(%arg12 : memref<!tpu.dma_semaphore, #tpu.memory_space<semaphore_mem>>) src(%arg6 : memref<128x256xf32, #tpu.memory_space<vmem>>) dst(%dma_wait3A_842 : memref<128x256xf32, #tpu.memory_space<hbm>>)
    %dma_start3A_843 = arith.constant 2688 : i32
    %dma_start3A_844 = tpu.memref_slice %arg5[%dma_start3A_843] : memref<3328xi32, #tpu.memory_space<vmem>> -> memref<128xi32, #tpu.memory_space<vmem>>
    %dma_start3A_845 = arith.constant 0 : i32
    %dma_start3A_846 = arith.constant 0 : i32
    %dma_start3A_847 = tpu.memref_slice %arg3[%dma_start3A_845, %dma_start3A_846] : memref<202048x256xf32, #tpu.memory_space<hbm>> -> memref<202048x256xf32, #tpu.memory_space<hbm>>
    tpu.enqueue_indirect_dma source(%dma_start3A_847 : memref<202048x256xf32, #tpu.memory_space<hbm>>) target(%arg6 : memref<128x256xf32, #tpu.memory_space<vmem>>) offsets(%dma_start3A_844 : memref<128xi32, #tpu.memory_space<vmem>>) semaphore(%arg9 : memref<!tpu.dma_semaphore, #tpu.memory_space<semaphore_mem>>)
    %dma_wait3A_848 = arith.constant 2560 : i32
    %dma_wait3A_849 = tpu.memref_slice %arg5[%dma_wait3A_848] : memref<3328xi32, #tpu.memory_space<vmem>> -> memref<128xi32, #tpu.memory_space<vmem>>
    %dma_wait3A_850 = arith.constant 0 : i32
    %dma_wait3A_851 = arith.constant 0 : i32
    %dma_wait3A_852 = tpu.memref_slice %arg3[%dma_wait3A_850, %dma_wait3A_851] : memref<202048x256xf32, #tpu.memory_space<hbm>> -> memref<202048x256xf32, #tpu.memory_space<hbm>>
    tpu.wait_indirect_dma semaphore(%arg11 : memref<!tpu.dma_semaphore, #tpu.memory_space<semaphore_mem>>) src(%dma_wait3A_852 : memref<202048x256xf32, #tpu.memory_space<hbm>>) dst(%arg8 : memref<128x256xf32, #tpu.memory_space<vmem>>)
    %dma_start3A_853 = arith.constant 20 : i32
    %dma_start3A_854 = arith.constant 0 : i32
    %dma_start3A_855 = tpu.memref_slice %arg4[%dma_start3A_853, %mul3A_2, %dma_start3A_854] : memref<26x4096x256xf32, #tpu.memory_space<hbm>> -> memref<1x128x256xf32, #tpu.memory_space<hbm>>
    %dma_start3A_856 = tpu.memref_squeeze %dma_start3A_855 : memref<1x128x256xf32, #tpu.memory_space<hbm>> -> memref<128x256xf32, #tpu.memory_space<hbm>>
    %dma_start3A_857 = arith.constant 0 : i32
    %dma_start3A_858 = tpu.memref_slice %arg4[%dma_start3A_853, %mul3A_2, %dma_start3A_857] : memref<26x4096x256xf32, #tpu.memory_space<hbm>> -> memref<1x128x256xf32, #tpu.memory_space<hbm>>
    %dma_start3A_859 = tpu.memref_squeeze %dma_start3A_858 : memref<1x128x256xf32, #tpu.memory_space<hbm>> -> memref<128x256xf32, #tpu.memory_space<hbm>>
    tpu.enqueue_dma source(%arg8 : memref<128x256xf32, #tpu.memory_space<vmem>>) target(%dma_start3A_859 : memref<128x256xf32, #tpu.memory_space<hbm>>) target_semaphore(%arg14 : memref<!tpu.dma_semaphore, #tpu.memory_space<semaphore_mem>>)
    %dma_wait3A_860 = arith.constant 19 : i32
    %dma_wait3A_861 = arith.constant 0 : i32
    %dma_wait3A_862 = tpu.memref_slice %arg4[%dma_wait3A_860, %mul3A_2, %dma_wait3A_861] : memref<26x4096x256xf32, #tpu.memory_space<hbm>> -> memref<1x128x256xf32, #tpu.memory_space<hbm>>
    %dma_wait3A_863 = tpu.memref_squeeze %dma_wait3A_862 : memref<1x128x256xf32, #tpu.memory_space<hbm>> -> memref<128x256xf32, #tpu.memory_space<hbm>>
    %dma_wait3A_864 = arith.constant 0 : i32
    %dma_wait3A_865 = tpu.memref_slice %arg4[%dma_wait3A_860, %mul3A_2, %dma_wait3A_864] : memref<26x4096x256xf32, #tpu.memory_space<hbm>> -> memref<1x128x256xf32, #tpu.memory_space<hbm>>
    %dma_wait3A_866 = tpu.memref_squeeze %dma_wait3A_865 : memref<1x128x256xf32, #tpu.memory_space<hbm>> -> memref<128x256xf32, #tpu.memory_space<hbm>>
    tpu.wait_dma2 semaphore(%arg13 : memref<!tpu.dma_semaphore, #tpu.memory_space<semaphore_mem>>) src(%arg7 : memref<128x256xf32, #tpu.memory_space<vmem>>) dst(%dma_wait3A_866 : memref<128x256xf32, #tpu.memory_space<hbm>>)
    %dma_start3A_867 = arith.constant 2816 : i32
    %dma_start3A_868 = tpu.memref_slice %arg5[%dma_start3A_867] : memref<3328xi32, #tpu.memory_space<vmem>> -> memref<128xi32, #tpu.memory_space<vmem>>
    %dma_start3A_869 = arith.constant 0 : i32
    %dma_start3A_870 = arith.constant 0 : i32
    %dma_start3A_871 = tpu.memref_slice %arg3[%dma_start3A_869, %dma_start3A_870] : memref<202048x256xf32, #tpu.memory_space<hbm>> -> memref<202048x256xf32, #tpu.memory_space<hbm>>
    tpu.enqueue_indirect_dma source(%dma_start3A_871 : memref<202048x256xf32, #tpu.memory_space<hbm>>) target(%arg7 : memref<128x256xf32, #tpu.memory_space<vmem>>) offsets(%dma_start3A_868 : memref<128xi32, #tpu.memory_space<vmem>>) semaphore(%arg10 : memref<!tpu.dma_semaphore, #tpu.memory_space<semaphore_mem>>)
    %dma_wait3A_872 = arith.constant 2688 : i32
    %dma_wait3A_873 = tpu.memref_slice %arg5[%dma_wait3A_872] : memref<3328xi32, #tpu.memory_space<vmem>> -> memref<128xi32, #tpu.memory_space<vmem>>
    %dma_wait3A_874 = arith.constant 0 : i32
    %dma_wait3A_875 = arith.constant 0 : i32
    %dma_wait3A_876 = tpu.memref_slice %arg3[%dma_wait3A_874, %dma_wait3A_875] : memref<202048x256xf32, #tpu.memory_space<hbm>> -> memref<202048x256xf32, #tpu.memory_space<hbm>>
    tpu.wait_indirect_dma semaphore(%arg9 : memref<!tpu.dma_semaphore, #tpu.memory_space<semaphore_mem>>) src(%dma_wait3A_876 : memref<202048x256xf32, #tpu.memory_space<hbm>>) dst(%arg6 : memref<128x256xf32, #tpu.memory_space<vmem>>)
    %dma_start3A_877 = arith.constant 21 : i32
    %dma_start3A_878 = arith.constant 0 : i32
    %dma_start3A_879 = tpu.memref_slice %arg4[%dma_start3A_877, %mul3A_2, %dma_start3A_878] : memref<26x4096x256xf32, #tpu.memory_space<hbm>> -> memref<1x128x256xf32, #tpu.memory_space<hbm>>
    %dma_start3A_880 = tpu.memref_squeeze %dma_start3A_879 : memref<1x128x256xf32, #tpu.memory_space<hbm>> -> memref<128x256xf32, #tpu.memory_space<hbm>>
    %dma_start3A_881 = arith.constant 0 : i32
    %dma_start3A_882 = tpu.memref_slice %arg4[%dma_start3A_877, %mul3A_2, %dma_start3A_881] : memref<26x4096x256xf32, #tpu.memory_space<hbm>> -> memref<1x128x256xf32, #tpu.memory_space<hbm>>
    %dma_start3A_883 = tpu.memref_squeeze %dma_start3A_882 : memref<1x128x256xf32, #tpu.memory_space<hbm>> -> memref<128x256xf32, #tpu.memory_space<hbm>>
    tpu.enqueue_dma source(%arg6 : memref<128x256xf32, #tpu.memory_space<vmem>>) target(%dma_start3A_883 : memref<128x256xf32, #tpu.memory_space<hbm>>) target_semaphore(%arg12 : memref<!tpu.dma_semaphore, #tpu.memory_space<semaphore_mem>>)
    %dma_wait3A_884 = arith.constant 20 : i32
    %dma_wait3A_885 = arith.constant 0 : i32
    %dma_wait3A_886 = tpu.memref_slice %arg4[%dma_wait3A_884, %mul3A_2, %dma_wait3A_885] : memref<26x4096x256xf32, #tpu.memory_space<hbm>> -> memref<1x128x256xf32, #tpu.memory_space<hbm>>
    %dma_wait3A_887 = tpu.memref_squeeze %dma_wait3A_886 : memref<1x128x256xf32, #tpu.memory_space<hbm>> -> memref<128x256xf32, #tpu.memory_space<hbm>>
    %dma_wait3A_888 = arith.constant 0 : i32
    %dma_wait3A_889 = tpu.memref_slice %arg4[%dma_wait3A_884, %mul3A_2, %dma_wait3A_888] : memref<26x4096x256xf32, #tpu.memory_space<hbm>> -> memref<1x128x256xf32, #tpu.memory_space<hbm>>
    %dma_wait3A_890 = tpu.memref_squeeze %dma_wait3A_889 : memref<1x128x256xf32, #tpu.memory_space<hbm>> -> memref<128x256xf32, #tpu.memory_space<hbm>>
    tpu.wait_dma2 semaphore(%arg14 : memref<!tpu.dma_semaphore, #tpu.memory_space<semaphore_mem>>) src(%arg8 : memref<128x256xf32, #tpu.memory_space<vmem>>) dst(%dma_wait3A_890 : memref<128x256xf32, #tpu.memory_space<hbm>>)
    %dma_start3A_891 = arith.constant 2944 : i32
    %dma_start3A_892 = tpu.memref_slice %arg5[%dma_start3A_891] : memref<3328xi32, #tpu.memory_space<vmem>> -> memref<128xi32, #tpu.memory_space<vmem>>
    %dma_start3A_893 = arith.constant 0 : i32
    %dma_start3A_894 = arith.constant 0 : i32
    %dma_start3A_895 = tpu.memref_slice %arg3[%dma_start3A_893, %dma_start3A_894] : memref<202048x256xf32, #tpu.memory_space<hbm>> -> memref<202048x256xf32, #tpu.memory_space<hbm>>
    tpu.enqueue_indirect_dma source(%dma_start3A_895 : memref<202048x256xf32, #tpu.memory_space<hbm>>) target(%arg8 : memref<128x256xf32, #tpu.memory_space<vmem>>) offsets(%dma_start3A_892 : memref<128xi32, #tpu.memory_space<vmem>>) semaphore(%arg11 : memref<!tpu.dma_semaphore, #tpu.memory_space<semaphore_mem>>)
    %dma_wait3A_896 = arith.constant 2816 : i32
    %dma_wait3A_897 = tpu.memref_slice %arg5[%dma_wait3A_896] : memref<3328xi32, #tpu.memory_space<vmem>> -> memref<128xi32, #tpu.memory_space<vmem>>
    %dma_wait3A_898 = arith.constant 0 : i32
    %dma_wait3A_899 = arith.constant 0 : i32
    %dma_wait3A_900 = tpu.memref_slice %arg3[%dma_wait3A_898, %dma_wait3A_899] : memref<202048x256xf32, #tpu.memory_space<hbm>> -> memref<202048x256xf32, #tpu.memory_space<hbm>>
    tpu.wait_indirect_dma semaphore(%arg10 : memref<!tpu.dma_semaphore, #tpu.memory_space<semaphore_mem>>) src(%dma_wait3A_900 : memref<202048x256xf32, #tpu.memory_space<hbm>>) dst(%arg7 : memref<128x256xf32, #tpu.memory_space<vmem>>)
    %dma_start3A_901 = arith.constant 22 : i32
    %dma_start3A_902 = arith.constant 0 : i32
    %dma_start3A_903 = tpu.memref_slice %arg4[%dma_start3A_901, %mul3A_2, %dma_start3A_902] : memref<26x4096x256xf32, #tpu.memory_space<hbm>> -> memref<1x128x256xf32, #tpu.memory_space<hbm>>
    %dma_start3A_904 = tpu.memref_squeeze %dma_start3A_903 : memref<1x128x256xf32, #tpu.memory_space<hbm>> -> memref<128x256xf32, #tpu.memory_space<hbm>>
    %dma_start3A_905 = arith.constant 0 : i32
    %dma_start3A_906 = tpu.memref_slice %arg4[%dma_start3A_901, %mul3A_2, %dma_start3A_905] : memref<26x4096x256xf32, #tpu.memory_space<hbm>> -> memref<1x128x256xf32, #tpu.memory_space<hbm>>
    %dma_start3A_907 = tpu.memref_squeeze %dma_start3A_906 : memref<1x128x256xf32, #tpu.memory_space<hbm>> -> memref<128x256xf32, #tpu.memory_space<hbm>>
    tpu.enqueue_dma source(%arg7 : memref<128x256xf32, #tpu.memory_space<vmem>>) target(%dma_start3A_907 : memref<128x256xf32, #tpu.memory_space<hbm>>) target_semaphore(%arg13 : memref<!tpu.dma_semaphore, #tpu.memory_space<semaphore_mem>>)
    %dma_wait3A_908 = arith.constant 21 : i32
    %dma_wait3A_909 = arith.constant 0 : i32
    %dma_wait3A_910 = tpu.memref_slice %arg4[%dma_wait3A_908, %mul3A_2, %dma_wait3A_909] : memref<26x4096x256xf32, #tpu.memory_space<hbm>> -> memref<1x128x256xf32, #tpu.memory_space<hbm>>
    %dma_wait3A_911 = tpu.memref_squeeze %dma_wait3A_910 : memref<1x128x256xf32, #tpu.memory_space<hbm>> -> memref<128x256xf32, #tpu.memory_space<hbm>>
    %dma_wait3A_912 = arith.constant 0 : i32
    %dma_wait3A_913 = tpu.memref_slice %arg4[%dma_wait3A_908, %mul3A_2, %dma_wait3A_912] : memref<26x4096x256xf32, #tpu.memory_space<hbm>> -> memref<1x128x256xf32, #tpu.memory_space<hbm>>
    %dma_wait3A_914 = tpu.memref_squeeze %dma_wait3A_913 : memref<1x128x256xf32, #tpu.memory_space<hbm>> -> memref<128x256xf32, #tpu.memory_space<hbm>>
    tpu.wait_dma2 semaphore(%arg12 : memref<!tpu.dma_semaphore, #tpu.memory_space<semaphore_mem>>) src(%arg6 : memref<128x256xf32, #tpu.memory_space<vmem>>) dst(%dma_wait3A_914 : memref<128x256xf32, #tpu.memory_space<hbm>>)
    %dma_start3A_915 = arith.constant 3072 : i32
    %dma_start3A_916 = tpu.memref_slice %arg5[%dma_start3A_915] : memref<3328xi32, #tpu.memory_space<vmem>> -> memref<128xi32, #tpu.memory_space<vmem>>
    %dma_start3A_917 = arith.constant 0 : i32
    %dma_start3A_918 = arith.constant 0 : i32
    %dma_start3A_919 = tpu.memref_slice %arg3[%dma_start3A_917, %dma_start3A_918] : memref<202048x256xf32, #tpu.memory_space<hbm>> -> memref<202048x256xf32, #tpu.memory_space<hbm>>
    tpu.enqueue_indirect_dma source(%dma_start3A_919 : memref<202048x256xf32, #tpu.memory_space<hbm>>) target(%arg6 : memref<128x256xf32, #tpu.memory_space<vmem>>) offsets(%dma_start3A_916 : memref<128xi32, #tpu.memory_space<vmem>>) semaphore(%arg9 : memref<!tpu.dma_semaphore, #tpu.memory_space<semaphore_mem>>)
    %dma_wait3A_920 = arith.constant 2944 : i32
    %dma_wait3A_921 = tpu.memref_slice %arg5[%dma_wait3A_920] : memref<3328xi32, #tpu.memory_space<vmem>> -> memref<128xi32, #tpu.memory_space<vmem>>
    %dma_wait3A_922 = arith.constant 0 : i32
    %dma_wait3A_923 = arith.constant 0 : i32
    %dma_wait3A_924 = tpu.memref_slice %arg3[%dma_wait3A_922, %dma_wait3A_923] : memref<202048x256xf32, #tpu.memory_space<hbm>> -> memref<202048x256xf32, #tpu.memory_space<hbm>>
    tpu.wait_indirect_dma semaphore(%arg11 : memref<!tpu.dma_semaphore, #tpu.memory_space<semaphore_mem>>) src(%dma_wait3A_924 : memref<202048x256xf32, #tpu.memory_space<hbm>>) dst(%arg8 : memref<128x256xf32, #tpu.memory_space<vmem>>)
    %dma_start3A_925 = arith.constant 23 : i32
    %dma_start3A_926 = arith.constant 0 : i32
    %dma_start3A_927 = tpu.memref_slice %arg4[%dma_start3A_925, %mul3A_2, %dma_start3A_926] : memref<26x4096x256xf32, #tpu.memory_space<hbm>> -> memref<1x128x256xf32, #tpu.memory_space<hbm>>
    %dma_start3A_928 = tpu.memref_squeeze %dma_start3A_927 : memref<1x128x256xf32, #tpu.memory_space<hbm>> -> memref<128x256xf32, #tpu.memory_space<hbm>>
    %dma_start3A_929 = arith.constant 0 : i32
    %dma_start3A_930 = tpu.memref_slice %arg4[%dma_start3A_925, %mul3A_2, %dma_start3A_929] : memref<26x4096x256xf32, #tpu.memory_space<hbm>> -> memref<1x128x256xf32, #tpu.memory_space<hbm>>
    %dma_start3A_931 = tpu.memref_squeeze %dma_start3A_930 : memref<1x128x256xf32, #tpu.memory_space<hbm>> -> memref<128x256xf32, #tpu.memory_space<hbm>>
    tpu.enqueue_dma source(%arg8 : memref<128x256xf32, #tpu.memory_space<vmem>>) target(%dma_start3A_931 : memref<128x256xf32, #tpu.memory_space<hbm>>) target_semaphore(%arg14 : memref<!tpu.dma_semaphore, #tpu.memory_space<semaphore_mem>>)
    %dma_wait3A_932 = arith.constant 22 : i32
    %dma_wait3A_933 = arith.constant 0 : i32
    %dma_wait3A_934 = tpu.memref_slice %arg4[%dma_wait3A_932, %mul3A_2, %dma_wait3A_933] : memref<26x4096x256xf32, #tpu.memory_space<hbm>> -> memref<1x128x256xf32, #tpu.memory_space<hbm>>
    %dma_wait3A_935 = tpu.memref_squeeze %dma_wait3A_934 : memref<1x128x256xf32, #tpu.memory_space<hbm>> -> memref<128x256xf32, #tpu.memory_space<hbm>>
    %dma_wait3A_936 = arith.constant 0 : i32
    %dma_wait3A_937 = tpu.memref_slice %arg4[%dma_wait3A_932, %mul3A_2, %dma_wait3A_936] : memref<26x4096x256xf32, #tpu.memory_space<hbm>> -> memref<1x128x256xf32, #tpu.memory_space<hbm>>
    %dma_wait3A_938 = tpu.memref_squeeze %dma_wait3A_937 : memref<1x128x256xf32, #tpu.memory_space<hbm>> -> memref<128x256xf32, #tpu.memory_space<hbm>>
    tpu.wait_dma2 semaphore(%arg13 : memref<!tpu.dma_semaphore, #tpu.memory_space<semaphore_mem>>) src(%arg7 : memref<128x256xf32, #tpu.memory_space<vmem>>) dst(%dma_wait3A_938 : memref<128x256xf32, #tpu.memory_space<hbm>>)
    %dma_start3A_939 = arith.constant 3200 : i32
    %dma_start3A_940 = tpu.memref_slice %arg5[%dma_start3A_939] : memref<3328xi32, #tpu.memory_space<vmem>> -> memref<128xi32, #tpu.memory_space<vmem>>
    %dma_start3A_941 = arith.constant 0 : i32
    %dma_start3A_942 = arith.constant 0 : i32
    %dma_start3A_943 = tpu.memref_slice %arg3[%dma_start3A_941, %dma_start3A_942] : memref<202048x256xf32, #tpu.memory_space<hbm>> -> memref<202048x256xf32, #tpu.memory_space<hbm>>
    tpu.enqueue_indirect_dma source(%dma_start3A_943 : memref<202048x256xf32, #tpu.memory_space<hbm>>) target(%arg7 : memref<128x256xf32, #tpu.memory_space<vmem>>) offsets(%dma_start3A_940 : memref<128xi32, #tpu.memory_space<vmem>>) semaphore(%arg10 : memref<!tpu.dma_semaphore, #tpu.memory_space<semaphore_mem>>)
    %dma_wait3A_944 = arith.constant 3072 : i32
    %dma_wait3A_945 = tpu.memref_slice %arg5[%dma_wait3A_944] : memref<3328xi32, #tpu.memory_space<vmem>> -> memref<128xi32, #tpu.memory_space<vmem>>
    %dma_wait3A_946 = arith.constant 0 : i32
    %dma_wait3A_947 = arith.constant 0 : i32
    %dma_wait3A_948 = tpu.memref_slice %arg3[%dma_wait3A_946, %dma_wait3A_947] : memref<202048x256xf32, #tpu.memory_space<hbm>> -> memref<202048x256xf32, #tpu.memory_space<hbm>>
    tpu.wait_indirect_dma semaphore(%arg9 : memref<!tpu.dma_semaphore, #tpu.memory_space<semaphore_mem>>) src(%dma_wait3A_948 : memref<202048x256xf32, #tpu.memory_space<hbm>>) dst(%arg6 : memref<128x256xf32, #tpu.memory_space<vmem>>)
    %dma_start3A_949 = arith.constant 24 : i32
    %dma_start3A_950 = arith.constant 0 : i32
    %dma_start3A_951 = tpu.memref_slice %arg4[%dma_start3A_949, %mul3A_2, %dma_start3A_950] : memref<26x4096x256xf32, #tpu.memory_space<hbm>> -> memref<1x128x256xf32, #tpu.memory_space<hbm>>
    %dma_start3A_952 = tpu.memref_squeeze %dma_start3A_951 : memref<1x128x256xf32, #tpu.memory_space<hbm>> -> memref<128x256xf32, #tpu.memory_space<hbm>>
    %dma_start3A_953 = arith.constant 0 : i32
    %dma_start3A_954 = tpu.memref_slice %arg4[%dma_start3A_949, %mul3A_2, %dma_start3A_953] : memref<26x4096x256xf32, #tpu.memory_space<hbm>> -> memref<1x128x256xf32, #tpu.memory_space<hbm>>
    %dma_start3A_955 = tpu.memref_squeeze %dma_start3A_954 : memref<1x128x256xf32, #tpu.memory_space<hbm>> -> memref<128x256xf32, #tpu.memory_space<hbm>>
    tpu.enqueue_dma source(%arg6 : memref<128x256xf32, #tpu.memory_space<vmem>>) target(%dma_start3A_955 : memref<128x256xf32, #tpu.memory_space<hbm>>) target_semaphore(%arg12 : memref<!tpu.dma_semaphore, #tpu.memory_space<semaphore_mem>>)
    %dma_wait3A_956 = arith.constant 3200 : i32
    %dma_wait3A_957 = tpu.memref_slice %arg5[%dma_wait3A_956] : memref<3328xi32, #tpu.memory_space<vmem>> -> memref<128xi32, #tpu.memory_space<vmem>>
    %dma_wait3A_958 = arith.constant 0 : i32
    %dma_wait3A_959 = arith.constant 0 : i32
    %dma_wait3A_960 = tpu.memref_slice %arg3[%dma_wait3A_958, %dma_wait3A_959] : memref<202048x256xf32, #tpu.memory_space<hbm>> -> memref<202048x256xf32, #tpu.memory_space<hbm>>
    tpu.wait_indirect_dma semaphore(%arg10 : memref<!tpu.dma_semaphore, #tpu.memory_space<semaphore_mem>>) src(%dma_wait3A_960 : memref<202048x256xf32, #tpu.memory_space<hbm>>) dst(%arg7 : memref<128x256xf32, #tpu.memory_space<vmem>>)
    %dma_start3A_961 = arith.constant 25 : i32
    %dma_start3A_962 = arith.constant 0 : i32
    %dma_start3A_963 = tpu.memref_slice %arg4[%dma_start3A_961, %mul3A_2, %dma_start3A_962] : memref<26x4096x256xf32, #tpu.memory_space<hbm>> -> memref<1x128x256xf32, #tpu.memory_space<hbm>>
    %dma_start3A_964 = tpu.memref_squeeze %dma_start3A_963 : memref<1x128x256xf32, #tpu.memory_space<hbm>> -> memref<128x256xf32, #tpu.memory_space<hbm>>
    %dma_start3A_965 = arith.constant 0 : i32
    %dma_start3A_966 = tpu.memref_slice %arg4[%dma_start3A_961, %mul3A_2, %dma_start3A_965] : memref<26x4096x256xf32, #tpu.memory_space<hbm>> -> memref<1x128x256xf32, #tpu.memory_space<hbm>>
    %dma_start3A_967 = tpu.memref_squeeze %dma_start3A_966 : memref<1x128x256xf32, #tpu.memory_space<hbm>> -> memref<128x256xf32, #tpu.memory_space<hbm>>
    tpu.enqueue_dma source(%arg7 : memref<128x256xf32, #tpu.memory_space<vmem>>) target(%dma_start3A_967 : memref<128x256xf32, #tpu.memory_space<hbm>>) target_semaphore(%arg13 : memref<!tpu.dma_semaphore, #tpu.memory_space<semaphore_mem>>)
    %dma_wait3A_968 = arith.constant 24 : i32
    %dma_wait3A_969 = arith.constant 0 : i32
    %dma_wait3A_970 = tpu.memref_slice %arg4[%dma_wait3A_968, %mul3A_2, %dma_wait3A_969] : memref<26x4096x256xf32, #tpu.memory_space<hbm>> -> memref<1x128x256xf32, #tpu.memory_space<hbm>>
    %dma_wait3A_971 = tpu.memref_squeeze %dma_wait3A_970 : memref<1x128x256xf32, #tpu.memory_space<hbm>> -> memref<128x256xf32, #tpu.memory_space<hbm>>
    %dma_wait3A_972 = arith.constant 0 : i32
    %dma_wait3A_973 = tpu.memref_slice %arg4[%dma_wait3A_968, %mul3A_2, %dma_wait3A_972] : memref<26x4096x256xf32, #tpu.memory_space<hbm>> -> memref<1x128x256xf32, #tpu.memory_space<hbm>>
    %dma_wait3A_974 = tpu.memref_squeeze %dma_wait3A_973 : memref<1x128x256xf32, #tpu.memory_space<hbm>> -> memref<128x256xf32, #tpu.memory_space<hbm>>
    tpu.wait_dma2 semaphore(%arg12 : memref<!tpu.dma_semaphore, #tpu.memory_space<semaphore_mem>>) src(%arg6 : memref<128x256xf32, #tpu.memory_space<vmem>>) dst(%dma_wait3A_974 : memref<128x256xf32, #tpu.memory_space<hbm>>)
    %dma_wait3A_975 = arith.constant 25 : i32
    %dma_wait3A_976 = arith.constant 0 : i32
    %dma_wait3A_977 = tpu.memref_slice %arg4[%dma_wait3A_975, %mul3A_2, %dma_wait3A_976] : memref<26x4096x256xf32, #tpu.memory_space<hbm>> -> memref<1x128x256xf32, #tpu.memory_space<hbm>>
    %dma_wait3A_978 = tpu.memref_squeeze %dma_wait3A_977 : memref<1x128x256xf32, #tpu.memory_space<hbm>> -> memref<128x256xf32, #tpu.memory_space<hbm>>
    %dma_wait3A_979 = arith.constant 0 : i32
    %dma_wait3A_980 = tpu.memref_slice %arg4[%dma_wait3A_975, %mul3A_2, %dma_wait3A_979] : memref<26x4096x256xf32, #tpu.memory_space<hbm>> -> memref<1x128x256xf32, #tpu.memory_space<hbm>>
    %dma_wait3A_981 = tpu.memref_squeeze %dma_wait3A_980 : memref<1x128x256xf32, #tpu.memory_space<hbm>> -> memref<128x256xf32, #tpu.memory_space<hbm>>
    tpu.wait_dma2 semaphore(%arg13 : memref<!tpu.dma_semaphore, #tpu.memory_space<semaphore_mem>>) src(%arg7 : memref<128x256xf32, #tpu.memory_space<vmem>>) dst(%dma_wait3A_981 : memref<128x256xf32, #tpu.memory_space<hbm>>)
    return
  }
}

module attributes {stable_mosaic.version = 14 : i64} {
  func.func @_mm_body(%arg0: memref<32x64xf32, #tpu.memory_space<vmem>>, %arg1: memref<64x16xf32, #tpu.memory_space<vmem>>, %arg2: memref<32x16xf32, #tpu.memory_space<vmem>>) attributes {dimension_semantics = [], scalar_prefetch = 0 : i64, scratch_operands = 0 : i64, tpu.core_type = #tpu.core_type<tc>} {
    %get3A = arith.constant 0 : index
    %get3A_0 = arith.constant 0 : index
    %get3A_1 = vector.load %arg0[%get3A, %get3A_0] : memref<32x64xf32, #tpu.memory_space<vmem>>, vector<32x64xf32>
    %get3A_2 = arith.constant 0 : index
    %get3A_3 = arith.constant 0 : index
    %get3A_4 = vector.load %arg1[%get3A_2, %get3A_3] : memref<64x16xf32, #tpu.memory_space<vmem>>, vector<64x16xf32>
    %dot_general3A = arith.constant dense<0.000000e+00> : vector<32x16xf32>
    %dot_general3A_5 = tpu.matmul %get3A_1, %get3A_4, %dot_general3A {dimension_numbers = #tpu.dot_dimension_numbers<[1], [0], [0], [1], [0, 0, 1, 1], [], []>, transpose_lhs_hint = false} : vector<32x64xf32>, vector<64x16xf32>, vector<32x16xf32> -> vector<32x16xf32>
    %swap3A = arith.constant 0 : index
    %swap3A_6 = arith.constant 0 : index
    %swap3A_7 = vector.load %arg2[%swap3A, %swap3A_6] : memref<32x16xf32, #tpu.memory_space<vmem>>, vector<32x16xf32>
    tpu.vector_store %arg2[%swap3A, %swap3A_6], %dot_general3A_5 {strides = array<i32>} : memref<32x16xf32, #tpu.memory_space<vmem>>, vector<32x16xf32>,
    return
  }
}

</mosaic_0001>

<sc_bundles>
// kernel: kernel.4.cloned.1.call-start
scs
__scs_entry_jumppad:
0x0: {  	(pc) =	sbr.rel $0x88, $3  }
0x1: {  	(tag) =	ssettag $0x0;
	lr =	simm.s32 $0x1  }
0x2: {  	[smem:$0x3F9D] =	sst lr;
	_ =	strace $0xD0000000  }
0x3: {  	_ = 	snop  }
0x4: {  	_ = 	snop  }
0x5: {  	_ = 	snop  }
0x6: {  	_ = 	snop  }
0x7: {  	_ = 	snop  }
__scs_overlays_trampoline_lowered:
0x8: {  	[smem:$0x3FAC] =	sst s0  }
0x9: {  	[smem:$0x3FAD] =	sst s1  }
0xa: {  	[smem:$0x3FAE] =	sst s2  }
0xb: {  	[smem:$0x3FAF] =	sst s3  }
0xc: {  	[smem:$0x3FB0] =	sst s4  }
0xd: {  	[smem:$0x3FB1] =	sst s5  }
0xe: {  	[smem:$0x3FB2] =	sst s6  }
0xf: {  	[smem:$0x3FB3] =	sst s7  }
0x10: {  	[smem:$0x3FB4] =	sst s8  }
0x11: {  	[smem:$0x3FB5] =	sst s9;
	s0 =	simm.s32 @!p0 $0x0  }
0x12: {  	s1 =	sld [smem:$0x3F9B];
	s0 =	simm.s32 @p0 $0x1  }
0x13: {  	[smem:$0x3FB6] =	sst s0;
	s0 =	simm.s32 @!p1 $0x0  }
0x14: {  	s2 =	sld [smem:$0x3F9A];
	s0 =	simm.s32 @p1 $0x1  }
0x15: {  	[smem:$0x3FB7] =	sst s0;
	s0 =	simm.s32 @!p2 $0x0  }
0x16: {  	s3 =	sld [smem:$0x3FDB];
	s0 =	simm.s32 @p2 $0x1  }
0x17: {  	s4 =	simm.s32 $0x1BF5;
	[smem:$0x3FB9] =	sst s0  }
0x18: {  	s0 =	sld [smem:$0x3F9C];
	_ =	swait.ge [sflag:s4], $0x0  }
0x19: {  	s7 =	sld [smem:$0x3F9D]  }
0x1a: {  	s8 =	sadd.s32 $0xFFFFE003, lr  }
0x1b: {  	s9 =	sadd.s32 $0xFFFFFEF7, lr;
	s5 =	simm.s32 $0xFFFFFFFF;
	p2 =	slt.u32 s8, $0xFFFFF086  }
0x1c: {  	p1 =	slt.u32 s9, $0xF7A;
	s5 =	simm.s32 @!p2 $0x0  }
0x1d: {  	s5 =	simm.s32 @p1 $0x1;
	p0 =	seq.s32 s7, s2  }
0x1e: {  	s7 =	smul.u32 @!p0 $0xF7A, s2;
	p2 =	seq.s32 @!p0 s5, $0x0  }
0x1f: {  	s9 =	smul.u32 $0xF7A, s1;
	s8 =	simm.s32 @!p0 $0x1BF5;
	p2 =	por !p2, p0  }
0x20: {  	[sflag:s8] =	ssyncset.s32 @!p0 $0xFFFFF086;
	s6 =	sadd.s32 @!p0 s3, s7;
	s7 =	simm.s32 @!p0 $0x108  }
0x21: {  	s3 =	sadd.s32 s3, s9;
	s6 =	sadd.s32 @!p0 $0x88, s6;
	s7 =	simm.s32 @p2 $0x1082  }
0x22: {  	[simem:s7], [sflag:s8] =	dma.local @!p0 [hbm:s6], $0xF7A  }
0x23: {  	s9 =	sor.u32 $0xD0000000, s2;
	s6 =	simm.s32 $0x108;
	_ =	swait.ge @!p0 [sflag:s8], $0x0  }
0x24: {  	s3 =	sadd.s32 $0x88, s3;
	s6 =	simm.s32 @!p1 $0x1082;
	[sflag:s4] =	ssyncset.s32 $0xFFFFF086  }
0x25: {  	[simem:s6], [sflag:s4] =	dma.local [hbm:s3], $0xF7A  }
0x26: {  	[smem:$0x3F9D] =	sst s1;
	(tag) =	ssettag s2;
	_ =	strace s9  }
0x27: {  	s1 =	sld [smem:$0x3FAD]  }
0x28: {  	s2 =	sld [smem:$0x3FAE]  }
0x29: {  	s4 =	sld [smem:$0x3FB0]  }
0x2a: {  	p0 =	seq.s32 s5, $0x0;
	s5 =	sld [smem:$0x3FB1]  }
0x2b: {  	s6 =	sld [smem:$0x3FB2]  }
0x2c: {  	s7 =	sld [smem:$0x3FB3]  }
0x2d: {  	s3 =	simm.s32 $0x108;
	s8 =	sld [smem:$0x3FB4]  }
0x2e: {  	s3 =	simm.s32 @!p0 $0x1082;
	s9 =	sld [smem:$0x3FB5]  }
0x2f: {  	lr =	sadd.s32 s0, s3;
	s0 =	sld [smem:$0x3FAC]  }
0x30: {  	s3 =	sld [smem:$0x3FAF]  }
0x31: {  	[smem:$0x3FB8] =	sst s10  }
0x32: {  	s10 =	sld [smem:$0x3FB6];
	_ =	sdelay $0x3  }
0x33: {  	p0 =	seq.s32 s10, $0x1;
	s10 =	sld [smem:$0x3FB8];
	_ =	sdelay $0x3  }
0x34: {  	[smem:$0x3FB8] =	sst s10  }
0x35: {  	s10 =	sld [smem:$0x3FB7];
	_ =	sdelay $0x3  }
0x36: {  	p1 =	seq.s32 s10, $0x1;
	s10 =	sld [smem:$0x3FB8];
	_ =	sdelay $0x3  }
0x37: {  	[smem:$0x3FB8] =	sst s10  }
0x38: {  	s10 =	sld [smem:$0x3FB9]  }
0x39: {  	_ = 	snop;
	(pc) =	sbr.ind lr, $3  }
0x3a: {  	_ = 	snop  }
0x3b: {  	_ = 	snop  }
0x3c: {  	p2 =	seq.s32 s10, $0x1;
	s10 =	sld [smem:$0x3FB8]  }
0x3d: {  	_ =	shalt  }
0x3e: {  	_ =	shalt  }
0x3f: {  	_ =	shalt  }
0x40: {  	_ =	shalt  }
0x41: {  	_ =	shalt  }
0x42: {  	_ =	shalt  }
0x43: {  	_ =	shalt  }
0x44: {  	_ =	shalt  }
0x45: {  	_ =	shalt  }
0x46: {  	_ =	shalt  }
0x47: {  	_ =	shalt  }
0x48: {  	_ =	shalt  }
0x49: {  	_ =	shalt  }
0x4a: {  	_ =	shalt  }
0x4b: {  	_ =	shalt  }
0x4c: {  	_ =	shalt  }
0x4d: {  	_ =	shalt  }
0x4e: {  	_ =	shalt  }
0x4f: {  	_ =	shalt  }
0x50: {  	_ =	shalt  }
0x51: {  	_ =	shalt  }
0x52: {  	_ =	shalt  }
0x53: {  	_ =	shalt  }
0x54: {  	_ =	shalt  }
0x55: {  	_ =	shalt  }
0x56: {  	_ =	shalt  }
0x57: {  	_ =	shalt  }
0x58: {  	_ =	shalt  }
0x59: {  	_ =	shalt  }
0x5a: {  	_ =	shalt  }
0x5b: {  	_ =	shalt  }
0x5c: {  	_ =	shalt  }
0x5d: {  	_ =	shalt  }
0x5e: {  	_ =	shalt  }
0x5f: {  	_ =	shalt  }
0x60: {  	_ =	shalt  }
0x61: {  	_ =	shalt  }
0x62: {  	_ =	shalt  }
0x63: {  	_ =	shalt  }
0x64: {  	_ =	shalt  }
0x65: {  	_ =	shalt  }
0x66: {  	_ =	shalt  }
0x67: {  	_ =	shalt  }
0x68: {  	_ =	shalt  }
0x69: {  	_ =	shalt  }
0x6a: {  	_ =	shalt  }
0x6b: {  	_ =	shalt  }
0x6c: {  	_ =	shalt  }
0x6d: {  	_ =	shalt  }
0x6e: {  	_ =	shalt  }
0x6f: {  	_ =	shalt  }
0x70: {  	_ =	shalt  }
0x71: {  	_ =	shalt  }
0x72: {  	_ =	shalt  }
0x73: {  	_ =	shalt  }
0x74: {  	_ =	shalt  }
0x75: {  	_ =	shalt  }
0x76: {  	_ =	shalt  }
0x77: {  	_ =	shalt  }
0x78: {  	_ =	shalt  }
0x79: {  	_ =	shalt  }
0x7a: {  	_ =	shalt  }
0x7b: {  	_ =	shalt  }
0x7c: {  	_ =	shalt  }
0x7d: {  	_ =	shalt  }
0x7e: {  	_ =	shalt  }
0x7f: {  	_ =	shalt  }
0x80: {  	_ =	shalt  }
0x81: {  	_ =	shalt  }
0x82: {  	_ =	shalt  }
0x83: {  	_ =	shalt  }
0x84: {  	_ =	shalt  }
0x85: {  	_ =	shalt  }
0x86: {  	_ =	shalt  }
0x87: {  	_ =	shalt  }
.Lfunc_end0:
.L_simem_size_0:
called_computation_lowered:
.L_overlay_start_0:
0x88: {  	s2 =	sld [smem:$0x3FD9]  }
0x89: {  	s3 =	sld [smem:$0x3FFE];
	_ =	sdelay $0x1  }
0x8a: {  	s1 =	srdreg.scid  }
0x8b: {  	s0 =	sand.u32 $0x1, s1  }
0x8c: {  	s14 =	sshll.u32 s0, $0xA;
	s2 =	sadd.s32 s3, s2  }
0x8d: {  	s2 =	sadd.s32 s2, s14  }
0x8e: {  	[smem:$0x3FC4] =	sst s2  }
0x8f: {  	_ = 	snop  }
0x90: {  	s2 =	sld [smem:$0x3FD0];
	_ =	sdelay $0x2  }
0x91: {  	s4 =	simm.s32 $0xA;
	s5 =	simm.s32 $0x10;
	s15 =	sld [smem:$0x3FC8]  }
0x92: {  	[smem:s5], [sflag:s4] =	dma.local [hbm:s2], $0x1  }
0x93: {  	_ =	swait.eq [sflag:s4], $0x1  }
0x94: {  	[sflag:s4] =	ssyncset.done $0x0  }
0x95: {  	[sflag:s4] =	ssyncadd.s32 $0xFFFFFFFF  }
0x96: {  	s16 =	sld [smem:$0x10];
	(tm) =	ssettm $0x1  }
0x97: {  	s17 =	sld [smem:$0x3FFB];
	_ =	sdelay $0x3  }
0x98: {  	_ =	strace s17  }
0x99: {  	s4 =	sld [smem:$0x3FFC];
	_ =	sdelay $0x3  }
0x9a: {  	_ =	strace s4  }
0x9b: {  	s4 =	sld [smem:$0x3FFD];
	_ =	sdelay $0x3  }
0x9c: {  	_ =	strace s4  }
0x9d: {  	_ =	strace $0x8FFFFFFF  }
0x9e: {  	s18 =	sld [smem:$0x3FDB];
	_ =	sdelay $0x1  }
0x9f: {  	s19 =	simm.s32 $_scs_section_size  }
0xa0: {  	s6 =	simm.s32 $_size__tile_overlayer_lowered;
	s7 =	simm.s32 $_tile_overlayer_lowered  }
0xa1: {  	s22 =	simm.s32 $0x1BFF;
	s21 =	sshll.u32 s7, $0x1;
	s4 =	sadd.s32 s19, s18  }
0xa2: {  	s8 =	simm.s32 $0x0;
	s20 =	sshll.u32 s6, $0x1;
	s6 =	sadd.s32 s21, s4  }
0xa3: {  	[timem:s8], [sflag:s22] =	dma.local [hbm:s6], s20  }
0xa4: {  	_ =	swait.ge [sflag:s22], s20  }
0xa5: {  	s5 =	ssub.s32 $0x0, s20;
	[sflag:s22] =	ssyncset.done $0x0  }
0xa6: {  	[sflag:s22] =	ssyncadd.s32 s5;
	_ =	sdelay $0x1  }
0xa7: {  	s23 =	simm.s32 $0x1B8B  }
0xa8: {  	_ =	swait.ge [sflag:s23], $0x1  }
0xa9: {  	[sflag:s23] =	ssyncset.done $0x0  }
0xaa: {  	s25 =	simm.s32 $0x1B8E;
	s24 =	sld [smem:$0x3FFE];
	[sflag:s23] =	ssyncadd.s32 $0xFFFFFFFF  }
0xab: {  	s26 =	simm.s32 $execute0_lowered;
	[smem:$0x3FD2] =	sst s25  }
0xac: {  	s6 =	sshll.u32 s26, $0x1;
	_ =	strace $0x80000046;
	[dreg:$0x1] =	wrdreg $0xFFFFFFFF  }
0xad: {  	s28 =	simm.s32 $_size_execute0_lowered;
	s4 =	sadd.s32 s4, s6;
	[dreg:$0x0] =	wrdreg $0x0  }
0xae: {  	s6 =	sshll.u32 s28, $0x1;
	[dreg:$0x2] =	wrdreg s4  }
0xaf: {  	[dreg:$0x3] =	wrdreg s6  }
0xb0: {  	[dreg:$0x4] =	wrdreg $0xC0  }
0xb1: {  	_ =	task [dreg:s8], $0x5FFFF  }
0xb2: {  	[dreg:$0x1] =	wrdreg $0xFFFFFFFF  }
0xb3: {  	[dreg:$0x0] =	wrdreg $0x60  }
0xb4: {  	[dreg:$0x2] =	wrdreg s24  }
0xb5: {  	[dreg:$0x3] =	wrdreg s15  }
0xb6: {  	[dreg:$0x4] =	wrdreg s16  }
0xb7: {  	[dreg:$0x5] =	wrdreg $0x9  }
0xb8: {  	_ =	task.clear_ibuf [dreg:s8], $0x6FFFF;
	_ =	strace $0x90000046  }
0xb9: {  	s29 =	simm.s32 $0x9;
	_ =	strace $0x80000048  }
0xba: {  	_ =	swait.ge [sflag:s29], $0x1  }
0xbb: {  	[sflag:s29] =	ssyncadd.s32 $0xFFFFFFFF  }
0xbc: {  	_ =	strace $0x90000048  }
0xbd: {  	_ =	sfence  }
0xbe: {  	s30 =	sld [smem:$0x0];
	_ =	sdelay $0x2  }
0xbf: {  	s31 =	sshll.u32 s1, $0xD;
	s1 =	sshrl.u32 s1, $0x2  }
0xc0: {  	s3 =	sand.u32 $0x4000, s31;
	s1 =	sadd.s32 s1, s30  }
0xc1: {  	s0 =	sor.u32 s3, s0;
	s1 =	sshll.u32 s1, $0x11  }
0xc2: {  	s0 =	sor.u32 s1, s0  }
0xc3: {  	s0 =	sadd.s32 $0x8F2B, s0  }
0xc4: {  	[sflag:s0] =	ssyncadd.remote.s32 $0x1  }
0xc5: {  	_ =	sfence.sel $0xFFFF  }
0xc6: {  	[dreg:$0x0] =	wrdreg $0xFFFFFFFF;
	(pc) =	sbr.abs _section_cstart, $3  }
0xc7: {  	[dreg:$0x1] =	wrdreg $0xFFFFFFFF  }
0xc8: {  	_ =	task.clear_ibuf [dreg:s8], $0x2FFFF;
	_ =	strace $0x9FFFFFFF  }
0xc9: {  	(tm) =	ssettm $0x7FFFFFFF  }
tec
execute0_lowered:
.L_overlay_start_1:
0x0: {  	(tag) =	ssettag $0x1  }
0x1: {  	s0 =	srdreg.scid  }
0x2: {  	s1 =	rddreg [dreg:$0x0];
	s3 =	stileid.u32;
	s0 =	sand.u32 $0x1, s0  }
0x3: {  	s2 =	rddreg [dreg:$0x1];
	s3 =	sshll.u32 s3, $0x8;
	s4 =	sshll.u32 s0, $0x7  }
0x4: {  	s5 =	rddreg [dreg:$0x2];
	s4 =	sor.u32 s4, s3  }
0x5: {  	s3 =	simm.s32 $0x0;
	s6 =	sshrl.u32 s4, $0x3;
	s4 =	sshll.u32 s4, $0x5  }
0x6: {  	[smem:$0x7FF] =	sst s3;
	s1 =	sadd.s32 s6, s1;
	s4 =	sadd.s32 s5, s4  }
0x7: {  	_ =	strace $0x80000047;
	s5 =	simm.s32 $0x80;
	[smem:$0x7E3] =	sst s4  }
0x8: {  	s6 =	sadd.s32 $0x800, s1;
	[smem:$0x7E5] =	sst s5  }
0x9: {  	s7 =	sadd.s32 $0xA00, s1;
	[dreg:$0x4] =	wrdreg s6  }
0xa: {  	s8 =	sadd.s32 $0xC00, s1;
	[dreg:$0x5] =	wrdreg s7  }
0xb: {  	s9 =	sadd.s32 $0xE00, s1;
	[dreg:$0x6] =	wrdreg s8  }
0xc: {  	s10 =	sadd.s32 $0x1000, s1;
	[dreg:$0x7] =	wrdreg s9  }
0xd: {  	s11 =	sadd.s32 $0x1200, s1;
	[dreg:$0x8] =	wrdreg s10  }
0xe: {  	s12 =	sadd.s32 $0x1400, s1;
	[dreg:$0x9] =	wrdreg s11  }
0xf: {  	s13 =	sadd.s32 $0x1600, s1;
	[dreg:$0xa] =	wrdreg s12  }
0x10: {  	s14 =	sadd.s32 $0x1800, s1;
	[dreg:$0xb] =	wrdreg s13  }
0x11: {  	s15 =	sadd.s32 $0x1A00, s1;
	[dreg:$0xc] =	wrdreg s14  }
0x12: {  	s16 =	sadd.s32 $0x1C00, s1;
	[dreg:$0xd] =	wrdreg s15  }
0x13: {  	s17 =	sadd.s32 $0x1E00, s1;
	[dreg:$0xe] =	wrdreg s16  }
0x14: {  	s18 =	sadd.s32 $0x2000, s1;
	[dreg:$0xf] =	wrdreg s17  }
0x15: {  	s19 =	sadd.s32 $0x2200, s1;
	[dreg:$0x10] =	wrdreg s18  }
0x16: {  	s20 =	sadd.s32 $0x2400, s1;
	[dreg:$0x11] =	wrdreg s19  }
0x17: {  	s21 =	sadd.s32 $0x2600, s1;
	[dreg:$0x12] =	wrdreg s20  }
0x18: {  	s22 =	sadd.s32 $0x2800, s1;
	[dreg:$0x13] =	wrdreg s21  }
0x19: {  	s23 =	sadd.s32 $0x2A00, s1;
	[dreg:$0x14] =	wrdreg s22  }
0x1a: {  	s24 =	sadd.s32 $0x2C00, s1;
	[dreg:$0x15] =	wrdreg s23  }
0x1b: {  	s25 =	sadd.s32 $0x2E00, s1;
	[dreg:$0x16] =	wrdreg s24  }
0x1c: {  	s26 =	sadd.s32 $0x3000, s1;
	[dreg:$0x17] =	wrdreg s25  }
0x1d: {  	s28 =	sadd.s32 $0x3200, s1;
	[dreg:$0x18] =	wrdreg s26  }
0x1e: {  	s29 =	sadd.s32 $0x3400, s1;
	[dreg:$0x19] =	wrdreg s28  }
0x1f: {  	s30 =	sadd.s32 $0x3600, s1;
	[dreg:$0x1a] =	wrdreg s29  }
0x20: {  	s31 =	sadd.s32 $0x3800, s1;
	[dreg:$0x1b] =	wrdreg s30  }
0x21: {  	s1 =	sadd.s32 $0x3A00, s1;
	[dreg:$0x1c] =	wrdreg s31  }
0x22: {  	[dreg:$0x1d] =	wrdreg s1;
	s7 =	sadd.s32 $0x20000, s4  }
0x23: {  	s8 =	sadd.s32 $0x40000, s4;
	[dreg:$0x1e] =	wrdreg s7  }
0x24: {  	s9 =	sadd.s32 $0x60000, s4;
	[dreg:$0x1f] =	wrdreg s8  }
0x25: {  	s10 =	sadd.s32 $0x80000, s4;
	[smem:$0x7CD] =	sst s9  }
0x26: {  	s11 =	sadd.s32 $0xA0000, s4;
	[smem:$0x7CE] =	sst s10  }
0x27: {  	s12 =	sadd.s32 $0xC0000, s4;
	[smem:$0x7CF] =	sst s11  }
0x28: {  	s13 =	sadd.s32 $0xE0000, s4;
	[smem:$0x7D0] =	sst s12  }
0x29: {  	s14 =	sadd.s32 $0x100000, s4;
	[smem:$0x7D1] =	sst s13  }
0x2a: {  	s15 =	sadd.s32 $0x120000, s4;
	[smem:$0x7D2] =	sst s14  }
0x2b: {  	s16 =	sadd.s32 $0x140000, s4;
	[smem:$0x7D3] =	sst s15  }
0x2c: {  	s17 =	sadd.s32 $0x160000, s4;
	[smem:$0x7D4] =	sst s16  }
0x2d: {  	s18 =	sadd.s32 $0x180000, s4;
	[smem:$0x7D5] =	sst s17  }
0x2e: {  	s19 =	sadd.s32 $0x1A0000, s4;
	[smem:$0x7D6] =	sst s18  }
0x2f: {  	s20 =	sadd.s32 $0x1C0000, s4;
	[smem:$0x7D7] =	sst s19  }
0x30: {  	s21 =	sadd.s32 $0x1E0000, s4;
	[smem:$0x7D8] =	sst s20  }
0x31: {  	s22 =	sadd.s32 $0x200000, s4;
	[smem:$0x7D9] =	sst s21  }
0x32: {  	s23 =	sadd.s32 $0x220000, s4;
	[smem:$0x7DA] =	sst s22  }
0x33: {  	s24 =	sadd.s32 $0x240000, s4;
	[smem:$0x7DB] =	sst s23  }
0x34: {  	s25 =	sadd.s32 $0x260000, s4;
	[smem:$0x7DC] =	sst s24  }
0x35: {  	s26 =	sadd.s32 $0x280000, s4;
	[smem:$0x7DD] =	sst s25  }
0x36: {  	s28 =	sadd.s32 $0x2A0000, s4;
	[smem:$0x7DE] =	sst s26  }
0x37: {  	s29 =	sadd.s32 $0x2C0000, s4;
	[smem:$0x7DF] =	sst s28  }
0x38: {  	s30 =	sadd.s32 $0x2E0000, s4;
	[smem:$0x7E0] =	sst s29  }
0x39: {  	s31 =	sadd.s32 $0x300000, s4;
	[smem:$0x7E1] =	sst s30  }
0x3a: {  	s4 =	sadd.s32 $0x320000, s4;
	[smem:$0x7E2] =	sst s31  }
0x3b: {  	s6 =	simm.s32 $0x100;
	[smem:$0x7E4] =	sst s4  }
0x3c: {  	[smem:$0x7E6] =	sst s6;
	s7 =	simm.s32 $0x180  }
0x3d: {  	s8 =	simm.s32 $0x200;
	[smem:$0x7E7] =	sst s7  }
0x3e: {  	s9 =	simm.s32 $0x280;
	[smem:$0x7E8] =	sst s8  }
0x3f: {  	s10 =	simm.s32 $0x300;
	[smem:$0x7E9] =	sst s9  }
0x40: {  	s11 =	simm.s32 $0x380;
	[smem:$0x7EA] =	sst s10  }
0x41: {  	s12 =	simm.s32 $0x400;
	[smem:$0x7EB] =	sst s11  }
0x42: {  	s13 =	simm.s32 $0x480;
	[smem:$0x7EC] =	sst s12  }
0x43: {  	s14 =	simm.s32 $0x500;
	[smem:$0x7ED] =	sst s13  }
0x44: {  	s15 =	simm.s32 $0x580;
	[smem:$0x7EE] =	sst s14  }
0x45: {  	s16 =	simm.s32 $0x600;
	[smem:$0x7EF] =	sst s15  }
0x46: {  	s17 =	simm.s32 $0x680;
	[smem:$0x7F0] =	sst s16  }
0x47: {  	s18 =	simm.s32 $0x700;
	[smem:$0x7F1] =	sst s17  }
0x48: {  	s19 =	simm.s32 $0x780;
	[smem:$0x7F2] =	sst s18  }
0x49: {  	s20 =	simm.s32 $0x800;
	[smem:$0x7F3] =	sst s19  }
0x4a: {  	s21 =	simm.s32 $0x880;
	[smem:$0x7F4] =	sst s20  }
0x4b: {  	s22 =	simm.s32 $0x900;
	[smem:$0x7F5] =	sst s21  }
0x4c: {  	s23 =	simm.s32 $0x980;
	[smem:$0x7F6] =	sst s22  }
0x4d: {  	s24 =	simm.s32 $0xA00;
	[smem:$0x7F7] =	sst s23  }
0x4e: {  	s25 =	simm.s32 $0xA80;
	[smem:$0x7F8] =	sst s24  }
0x4f: {  	s0 =	ssub.s32 $0x2, s0;
	s26 =	simm.s32 $0xB00;
	[smem:$0x7F9] =	sst s25  }
0x50: {  	s28 =	simm.s32 $0xB80;
	s29 =	sshrl.u32 s0, $0x1;
	[smem:$0x7FA] =	sst s26  }
0x51: {  	s30 =	simm.s32 $0xC00;
	s31 =	simm.s32 $0xC80;
	[smem:$0x7FB] =	sst s28  }
0x52: {  	v2 =	vlaneseq.u32;
	s6 =	simm.s32 $0x7;
	s4 =	simm.s32 $0x1;
	[smem:$0x7FC] =	sst s30  }
0x53: {  	vm0 =	vmmov $0xffff;
	v1 =	vshrl.u32 v2, $0x3;
	s0 =	ssub.s32 s0, s29;
	[smem:$0x7FD] =	sst s31;
	s15 =	simm.s32 $0x2  }
0x54: {  	v0 =	vand.u32 $0x7, v2;
	v2 =	vor.u32 $0x8, v2;
	v1 =	vmul.u32 $0x8, v1;
	s16 =	simm.s32 $0x4;
	s18 =	simm.s32 $0x5;
	s0 =	smax.u32 s0, $0x1  }
.LBB2_1:
0x55: {  	[smem:$0x7CC] =	sst s0  }
0x56: {  	s20 =	rddreg [dreg:$0x4]  }
0x57: {  	s21 =	rddreg [dreg:$0x5]  }
0x58: {  	s22 =	sld [smem:$0x7E5]  }
0x59: {  	s26 =	rddreg [dreg:$0x6]  }
0x5a: {  	s28 =	sld [smem:$0x7E6]  }
0x5b: {  	s29 =	rddreg [dreg:$0x7]  }
0x5c: {  	s24 =	sld [smem:$0x7E7]  }
0x5d: {  	s30 =	rddreg [dreg:$0x8]  }
0x5e: {  	s31 =	sld [smem:$0x7E8]  }
0x5f: {  	s0 =	rddreg [dreg:$0x9]  }
0x60: {  	s1 =	sld [smem:$0x7E9]  }
0x61: {  	s5 =	rddreg [dreg:$0xa]  }
0x62: {  	s7 =	sld [smem:$0x7EA]  }
0x63: {  	s8 =	rddreg [dreg:$0xb]  }
0x64: {  	s9 =	sld [smem:$0x7EB]  }
0x65: {  	s10 =	rddreg [dreg:$0xc]  }
0x66: {  	s11 =	sld [smem:$0x7EC]  }
0x67: {  	s12 =	rddreg [dreg:$0xd]  }
0x68: {  	s13 =	sld [smem:$0x7ED]  }
0x69: {  	s14 =	rddreg [dreg:$0xe]  }
0x6a: {  	s17 =	sld [smem:$0x7EE]  }
0x6b: {  	s19 =	rddreg [dreg:$0xf]  }
0x6c: {  	s23 =	sld [smem:$0x7EF]  }
0x6d: {  	[tilespmem:s3], [sflag:$0x7] =	stream.linear.gather [hbm4b:s20+s3], $0x80, $0x38;
	[tilespmem:$0x18D00] =	vst v63  }
0x6e: {  	s25 =	sld [smem:$0x7F0]  }
0x6f: {  	[tilespmem:s22], [sflag:$0x7] =	stream.linear.gather [hbm4b:s21+s3], $0x80, $0x38;
	[tilespmem:$0x18D00] =	vst v63  }
0x70: {  	s22 =	rddreg [dreg:$0x1a]  }
0x71: {  	[tilespmem:s28], [sflag:$0x7] =	stream.linear.gather [hbm4b:s26+s3], $0x80, $0x38;
	[tilespmem:$0x18D00] =	vst v63  }
0x72: {  	s26 =	rddreg [dreg:$0x11]  }
0x73: {  	s28 =	sld [smem:$0x7F1]  }
0x74: {  	[tilespmem:s24], [sflag:$0x7] =	stream.linear.gather [hbm4b:s29+s3], $0x80, $0x38;
	[tilespmem:$0x18D00] =	vst v63  }
0x75: {  	s24 =	rddreg [dreg:$0x10]  }
0x76: {  	s29 =	rddreg [dreg:$0x12]  }
0x77: {  	[tilespmem:s31], [sflag:$0x7] =	stream.linear.gather [hbm4b:s30+s3], $0x80, $0x38;
	[tilespmem:$0x18D00] =	vst v63  }
0x78: {  	s30 =	sld [smem:$0x7F2]  }
0x79: {  	s31 =	rddreg [dreg:$0x13]  }
0x7a: {  	[tilespmem:s1], [sflag:$0x7] =	stream.linear.gather [hbm4b:s0+s3], $0x80, $0x38;
	[tilespmem:$0x18D00] =	vst v63  }
0x7b: {  	s0 =	sld [smem:$0x7F3]  }
0x7c: {  	[tilespmem:s7], [sflag:$0x7] =	stream.linear.gather [hbm4b:s5+s3], $0x80, $0x38;
	[tilespmem:$0x18D00] =	vst v63  }
0x7d: {  	s1 =	rddreg [dreg:$0x14]  }
0x7e: {  	[tilespmem:s9], [sflag:$0x7] =	stream.linear.gather [hbm4b:s8+s3], $0x80, $0x38;
	[tilespmem:$0x18D00] =	vst v63  }
0x7f: {  	s5 =	sld [smem:$0x7F4]  }
0x80: {  	[tilespmem:s11], [sflag:$0x7] =	stream.linear.gather [hbm4b:s10+s3], $0x80, $0x38;
	[tilespmem:$0x18D00] =	vst v63  }
0x81: {  	s7 =	rddreg [dreg:$0x15]  }
0x82: {  	[tilespmem:s13], [sflag:$0x7] =	stream.linear.gather [hbm4b:s12+s3], $0x80, $0x38;
	[tilespmem:$0x18D00] =	vst v63  }
0x83: {  	s8 =	sld [smem:$0x7F5]  }
0x84: {  	[tilespmem:s17], [sflag:$0x7] =	stream.linear.gather [hbm4b:s14+s3], $0x80, $0x38;
	[tilespmem:$0x18D00] =	vst v63  }
0x85: {  	s9 =	rddreg [dreg:$0x16]  }
0x86: {  	[tilespmem:s23], [sflag:$0x7] =	stream.linear.gather [hbm4b:s19+s3], $0x80, $0x38;
	[tilespmem:$0x18D00] =	vst v63  }
0x87: {  	s10 =	sld [smem:$0x7F6]  }
0x88: {  	[tilespmem:s25], [sflag:$0x7] =	stream.linear.gather [hbm4b:s24+s3], $0x80, $0x38;
	[tilespmem:$0x18D00] =	vst v63  }
0x89: {  	s11 =	rddreg [dreg:$0x17]  }
0x8a: {  	[tilespmem:s28], [sflag:$0x7] =	stream.linear.gather [hbm4b:s26+s3], $0x80, $0x38;
	[tilespmem:$0x18D00] =	vst v63  }
0x8b: {  	s12 =	sld [smem:$0x7F7]  }
0x8c: {  	[tilespmem:s30], [sflag:$0x7] =	stream.linear.gather [hbm4b:s29+s3], $0x80, $0x38;
	[tilespmem:$0x18D00] =	vst v63  }
0x8d: {  	s13 =	rddreg [dreg:$0x18]  }
0x8e: {  	[tilespmem:s0], [sflag:$0x7] =	stream.linear.gather [hbm4b:s31+s3], $0x80, $0x38;
	[tilespmem:$0x18D00] =	vst v63  }
0x8f: {  	s14 =	sld [smem:$0x7F8]  }
0x90: {  	[tilespmem:s5], [sflag:$0x7] =	stream.linear.gather [hbm4b:s1+s3], $0x80, $0x38;
	[tilespmem:$0x18D00] =	vst v63  }
0x91: {  	s17 =	rddreg [dreg:$0x19]  }
0x92: {  	[tilespmem:s8], [sflag:$0x7] =	stream.linear.gather [hbm4b:s7+s3], $0x80, $0x38;
	[tilespmem:$0x18D00] =	vst v63  }
0x93: {  	s19 =	sld [smem:$0x7F9]  }
0x94: {  	[tilespmem:s10], [sflag:$0x7] =	stream.linear.gather [hbm4b:s9+s3], $0x80, $0x38;
	[tilespmem:$0x18D00] =	vst v63  }
0x95: {  	s23 =	sld [smem:$0x7FA]  }
0x96: {  	[tilespmem:s12], [sflag:$0x7] =	stream.linear.gather [hbm4b:s11+s3], $0x80, $0x38;
	[tilespmem:$0x18D00] =	vst v63  }
0x97: {  	s24 =	rddreg [dreg:$0x1b]  }
0x98: {  	[tilespmem:s14], [sflag:$0x7] =	stream.linear.gather [hbm4b:s13+s3], $0x80, $0x38;
	[tilespmem:$0x18D00] =	vst v63  }
0x99: {  	s25 =	sld [smem:$0x7FB]  }
0x9a: {  	[tilespmem:s19], [sflag:$0x7] =	stream.linear.gather [hbm4b:s17+s3], $0x80, $0x38;
	[tilespmem:$0x18D00] =	vst v63  }
0x9b: {  	s26 =	rddreg [dreg:$0x1c]  }
0x9c: {  	[tilespmem:s23], [sflag:$0x7] =	stream.linear.gather [hbm4b:s22+s3], $0x80, $0x38;
	[tilespmem:$0x18D00] =	vst v63  }
0x9d: {  	s28 =	sld [smem:$0x7FC]  }
0x9e: {  	[tilespmem:s25], [sflag:$0x7] =	stream.linear.gather [hbm4b:s24+s3], $0x80, $0x38;
	[tilespmem:$0x18D00] =	vst v63  }
0x9f: {  	s30 =	sld [smem:$0x7FD]  }
0xa0: {  	[tilespmem:s28], [sflag:$0x7] =	stream.linear.gather [hbm4b:s26+s3], $0x80, $0x38;
	[tilespmem:$0x18D00] =	vst v63  }
0xa1: {  	s29 =	rddreg [dreg:$0x1d]  }
0xa2: {  	[tilespmem:s30], [sflag:$0x7] =	stream.linear.gather [hbm4b:s29+s3], $0x80, $0x38;
	[tilespmem:$0x18D00] =	vst v63  }
0xa3: {  	_ =	swait.ge [sflag:s6], $0x80  }
0xa4: {  	[sflag:s6] =	ssyncset.done $0x0  }
0xa5: {  	[sflag:s6] =	ssyncadd.s32 $0xFFFFFF80  }
0xa6: {  	_ =	swait.ge [sflag:s6], $0x80  }
0xa7: {  	[sflag:s6] =	ssyncset.done $0x0  }
0xa8: {  	[sflag:s6] =	ssyncadd.s32 $0xFFFFFF80  }
0xa9: {  	_ =	swait.ge [sflag:s6], $0x80  }
0xaa: {  	[sflag:s6] =	ssyncset.done $0x0  }
0xab: {  	[sflag:s6] =	ssyncadd.s32 $0xFFFFFF80  }
0xac: {  	_ =	swait.ge [sflag:s6], $0x80  }
0xad: {  	[sflag:s6] =	ssyncset.done $0x0  }
0xae: {  	[sflag:s6] =	ssyncadd.s32 $0xFFFFFF80  }
0xaf: {  	_ =	swait.ge [sflag:s6], $0x80  }
0xb0: {  	[sflag:s6] =	ssyncset.done $0x0  }
0xb1: {  	[sflag:s6] =	ssyncadd.s32 $0xFFFFFF80  }
0xb2: {  	_ =	swait.ge [sflag:s6], $0x80  }
0xb3: {  	[sflag:s6] =	ssyncset.done $0x0  }
0xb4: {  	[sflag:s6] =	ssyncadd.s32 $0xFFFFFF80  }
0xb5: {  	_ =	swait.ge [sflag:s6], $0x80  }
0xb6: {  	[sflag:s6] =	ssyncset.done $0x0  }
0xb7: {  	[sflag:s6] =	ssyncadd.s32 $0xFFFFFF80  }
0xb8: {  	_ =	swait.ge [sflag:s6], $0x80  }
0xb9: {  	[sflag:s6] =	ssyncset.done $0x0  }
0xba: {  	[sflag:s6] =	ssyncadd.s32 $0xFFFFFF80  }
0xbb: {  	_ =	swait.ge [sflag:s6], $0x80  }
0xbc: {  	[sflag:s6] =	ssyncset.done $0x0  }
0xbd: {  	[sflag:s6] =	ssyncadd.s32 $0xFFFFFF80  }
0xbe: {  	_ =	swait.ge [sflag:s6], $0x80  }
0xbf: {  	[sflag:s6] =	ssyncset.done $0x0  }
0xc0: {  	[sflag:s6] =	ssyncadd.s32 $0xFFFFFF80  }
0xc1: {  	_ =	swait.ge [sflag:s6], $0x80  }
0xc2: {  	[sflag:s6] =	ssyncset.done $0x0  }
0xc3: {  	[sflag:s6] =	ssyncadd.s32 $0xFFFFFF80  }
0xc4: {  	_ =	swait.ge [sflag:s6], $0x80  }
0xc5: {  	[sflag:s6] =	ssyncset.done $0x0  }
0xc6: {  	[sflag:s6] =	ssyncadd.s32 $0xFFFFFF80  }
0xc7: {  	_ =	swait.ge [sflag:s6], $0x80  }
0xc8: {  	[sflag:s6] =	ssyncset.done $0x0  }
0xc9: {  	[sflag:s6] =	ssyncadd.s32 $0xFFFFFF80  }
0xca: {  	_ =	swait.ge [sflag:s6], $0x80  }
0xcb: {  	[sflag:s6] =	ssyncset.done $0x0  }
0xcc: {  	[sflag:s6] =	ssyncadd.s32 $0xFFFFFF80  }
0xcd: {  	_ =	swait.ge [sflag:s6], $0x80  }
0xce: {  	[sflag:s6] =	ssyncset.done $0x0  }
0xcf: {  	[sflag:s6] =	ssyncadd.s32 $0xFFFFFF80  }
0xd0: {  	_ =	swait.ge [sflag:s6], $0x80  }
0xd1: {  	[sflag:s6] =	ssyncset.done $0x0  }
0xd2: {  	[sflag:s6] =	ssyncadd.s32 $0xFFFFFF80  }
0xd3: {  	_ =	swait.ge [sflag:s6], $0x80  }
0xd4: {  	[sflag:s6] =	ssyncset.done $0x0  }
0xd5: {  	[sflag:s6] =	ssyncadd.s32 $0xFFFFFF80  }
0xd6: {  	_ =	swait.ge [sflag:s6], $0x80  }
0xd7: {  	[sflag:s6] =	ssyncset.done $0x0  }
0xd8: {  	[sflag:s6] =	ssyncadd.s32 $0xFFFFFF80  }
0xd9: {  	_ =	swait.ge [sflag:s6], $0x80  }
0xda: {  	[sflag:s6] =	ssyncset.done $0x0  }
0xdb: {  	[sflag:s6] =	ssyncadd.s32 $0xFFFFFF80  }
0xdc: {  	_ =	swait.ge [sflag:s6], $0x80  }
0xdd: {  	[sflag:s6] =	ssyncset.done $0x0  }
0xde: {  	[sflag:s6] =	ssyncadd.s32 $0xFFFFFF80  }
0xdf: {  	_ =	swait.ge [sflag:s6], $0x80  }
0xe0: {  	[sflag:s6] =	ssyncset.done $0x0  }
0xe1: {  	[sflag:s6] =	ssyncadd.s32 $0xFFFFFF80  }
0xe2: {  	_ =	swait.ge [sflag:s6], $0x80  }
0xe3: {  	[sflag:s6] =	ssyncset.done $0x0  }
0xe4: {  	[sflag:s6] =	ssyncadd.s32 $0xFFFFFF80  }
0xe5: {  	_ =	swait.ge [sflag:s6], $0x80  }
0xe6: {  	[sflag:s6] =	ssyncset.done $0x0  }
0xe7: {  	[sflag:s6] =	ssyncadd.s32 $0xFFFFFF80  }
0xe8: {  	_ =	swait.ge [sflag:s6], $0x80  }
0xe9: {  	[sflag:s6] =	ssyncset.done $0x0  }
0xea: {  	[sflag:s6] =	ssyncadd.s32 $0xFFFFFF80  }
0xeb: {  	_ =	swait.ge [sflag:s6], $0x80  }
0xec: {  	[sflag:s6] =	ssyncset.done $0x0  }
0xed: {  	[sflag:s6] =	ssyncadd.s32 $0xFFFFFF80  }
0xee: {  	_ =	swait.ge [sflag:s6], $0x80  }
0xef: {  	[sflag:s6] =	ssyncset.done $0x0  }
0xf0: {  	[sflag:s6] =	ssyncadd.s32 $0xFFFFFF80  }
0xf1: {  	v3 =	vld [tilespmem:$0x0];
	_ =	sdelay $0x4  }
0xf2: {  	v4 =	vshll.u32 v3, $0x1  }
0xf3: {  	v3 =	vand.u32 $0x7, v3;
	v4 =	vand.u32 $0xFFFFFFF0, v4  }
0xf4: {  	v3 =	vor.u32 v3, v4  }
0xf5: {  	v4 =	vperm.xlane v3, v0;
	_ =	sdelay $0x1  }
0xf6: {  	v3 =	vperm.xlane v3, v2;
	v4 =	vadd.s32 v1, v4;
	_ =	sdelay $0x1  }
0xf7: {  	v3 =	vadd.s32 v1, v3;
	_ =	sdelay $0x1  }
0xf8: {  	s31 =	simm.s32 $0xD00  }
0xf9: {  	[tilespmem:s31], [sflag:$0x1] =	stream.indirect_vreg.gather [hbm4b:s2+s3], $0x80, v4, vm0, $0xb8;
	[tilespmem:$0x18D00] =	vst v63  }
0xfa: {  	s1 =	simm.s32 $0x1500  }
0xfb: {  	[tilespmem:s1], [sflag:$0x1] =	stream.indirect_vreg.gather [hbm4b:s2+s3], $0x80, v3, vm0, $0xb8;
	[tilespmem:$0x18D00] =	vst v63  }
0xfc: {  	v3 =	vld [tilespmem:$0x10];
	_ =	sdelay $0x4  }
0xfd: {  	v25 =	vshll.u32 v3, $0x1  }
0xfe: {  	v3 =	vand.u32 $0x7, v3;
	v4 =	vand.u32 $0xFFFFFFF0, v25  }
0xff: {  	v3 =	vor.u32 v3, v4  }
0x100: {  	v4 =	vperm.xlane v3, v0;
	_ =	sdelay $0x1  }
0x101: {  	v3 =	vperm.xlane v3, v2;
	v4 =	vadd.s32 v1, v4;
	_ =	sdelay $0x1  }
0x102: {  	v3 =	vadd.s32 v1, v3;
	_ =	sdelay $0x1  }
0x103: {  	s5 =	simm.s32 $0x1D00  }
0x104: {  	[tilespmem:s5], [sflag:$0x1] =	stream.indirect_vreg.gather [hbm4b:s2+s3], $0x80, v4, vm0, $0xb8;
	[tilespmem:$0x18D00] =	vst v63  }
0x105: {  	s7 =	simm.s32 $0x2500  }
0x106: {  	[tilespmem:s7], [sflag:$0x1] =	stream.indirect_vreg.gather [hbm4b:s2+s3], $0x80, v3, vm0, $0xb8;
	[tilespmem:$0x18D00] =	vst v63  }
0x107: {  	v3 =	vld [tilespmem:$0x20];
	_ =	sdelay $0x4  }
0x108: {  	v26 =	vshll.u32 v3, $0x1  }
0x109: {  	v3 =	vand.u32 $0x7, v3;
	v4 =	vand.u32 $0xFFFFFFF0, v26  }
0x10a: {  	v3 =	vor.u32 v3, v4  }
0x10b: {  	v4 =	vperm.xlane v3, v0;
	_ =	sdelay $0x1  }
0x10c: {  	v3 =	vperm.xlane v3, v2;
	v4 =	vadd.s32 v1, v4;
	_ =	sdelay $0x1  }
0x10d: {  	v3 =	vadd.s32 v1, v3;
	_ =	sdelay $0x1  }
0x10e: {  	s8 =	simm.s32 $0x2D00  }
0x10f: {  	[tilespmem:s8], [sflag:$0x1] =	stream.indirect_vreg.gather [hbm4b:s2+s3], $0x80, v4, vm0, $0xb8;
	[tilespmem:$0x18D00] =	vst v63  }
0x110: {  	s9 =	simm.s32 $0x3500  }
0x111: {  	[tilespmem:s9], [sflag:$0x1] =	stream.indirect_vreg.gather [hbm4b:s2+s3], $0x80, v3, vm0, $0xb8;
	[tilespmem:$0x18D00] =	vst v63  }
0x112: {  	v3 =	vld [tilespmem:$0x30];
	_ =	sdelay $0x4  }
0x113: {  	v27 =	vshll.u32 v3, $0x1  }
0x114: {  	v3 =	vand.u32 $0x7, v3;
	v4 =	vand.u32 $0xFFFFFFF0, v27  }
0x115: {  	v3 =	vor.u32 v3, v4  }
0x116: {  	v4 =	vperm.xlane v3, v0;
	_ =	sdelay $0x1  }
0x117: {  	v3 =	vperm.xlane v3, v2;
	v4 =	vadd.s32 v1, v4;
	_ =	sdelay $0x1  }
0x118: {  	v3 =	vadd.s32 v1, v3;
	_ =	sdelay $0x1  }
0x119: {  	s10 =	simm.s32 $0x3D00  }
0x11a: {  	[tilespmem:s10], [sflag:$0x1] =	stream.indirect_vreg.gather [hbm4b:s2+s3], $0x80, v4, vm0, $0xb8;
	[tilespmem:$0x18D00] =	vst v63  }
0x11b: {  	s12 =	simm.s32 $0x4500  }
0x11c: {  	[tilespmem:s12], [sflag:$0x1] =	stream.indirect_vreg.gather [hbm4b:s2+s3], $0x80, v3, vm0, $0xb8;
	[tilespmem:$0x18D00] =	vst v63  }
0x11d: {  	v3 =	vld [tilespmem:$0x40];
	_ =	sdelay $0x4  }
0x11e: {  	v28 =	vshll.u32 v3, $0x1  }
0x11f: {  	v3 =	vand.u32 $0x7, v3;
	v4 =	vand.u32 $0xFFFFFFF0, v28  }
0x120: {  	v3 =	vor.u32 v3, v4  }
0x121: {  	v4 =	vperm.xlane v3, v0;
	_ =	sdelay $0x1  }
0x122: {  	v3 =	vperm.xlane v3, v2;
	v4 =	vadd.s32 v1, v4;
	_ =	sdelay $0x1  }
0x123: {  	v3 =	vadd.s32 v1, v3;
	_ =	sdelay $0x1  }
0x124: {  	s13 =	simm.s32 $0x4D00  }
0x125: {  	[tilespmem:s13], [sflag:$0x1] =	stream.indirect_vreg.gather [hbm4b:s2+s3], $0x80, v4, vm0, $0xb8;
	[tilespmem:$0x18D00] =	vst v63  }
0x126: {  	s14 =	simm.s32 $0x5500  }
0x127: {  	[tilespmem:s14], [sflag:$0x1] =	stream.indirect_vreg.gather [hbm4b:s2+s3], $0x80, v3, vm0, $0xb8;
	[tilespmem:$0x18D00] =	vst v63  }
0x128: {  	v3 =	vld [tilespmem:$0x50];
	_ =	sdelay $0x4  }
0x129: {  	v29 =	vshll.u32 v3, $0x1  }
0x12a: {  	v3 =	vand.u32 $0x7, v3;
	v4 =	vand.u32 $0xFFFFFFF0, v29  }
0x12b: {  	v3 =	vor.u32 v3, v4  }
0x12c: {  	v4 =	vperm.xlane v3, v0;
	_ =	sdelay $0x1  }
0x12d: {  	v3 =	vperm.xlane v3, v2;
	v4 =	vadd.s32 v1, v4;
	_ =	sdelay $0x1  }
0x12e: {  	v3 =	vadd.s32 v1, v3;
	_ =	sdelay $0x1  }
0x12f: {  	s17 =	simm.s32 $0x5D00  }
0x130: {  	[tilespmem:s17], [sflag:$0x1] =	stream.indirect_vreg.gather [hbm4b:s2+s3], $0x80, v4, vm0, $0xb8;
	[tilespmem:$0x18D00] =	vst v63  }
0x131: {  	s19 =	simm.s32 $0x6500  }
0x132: {  	[tilespmem:s19], [sflag:$0x1] =	stream.indirect_vreg.gather [hbm4b:s2+s3], $0x80, v3, vm0, $0xb8;
	[tilespmem:$0x18D00] =	vst v63  }
0x133: {  	v3 =	vld [tilespmem:$0x60];
	_ =	sdelay $0x4  }
0x134: {  	v30 =	vshll.u32 v3, $0x1  }
0x135: {  	v3 =	vand.u32 $0x7, v3;
	v4 =	vand.u32 $0xFFFFFFF0, v30  }
0x136: {  	v3 =	vor.u32 v3, v4  }
0x137: {  	v4 =	vperm.xlane v3, v0;
	_ =	sdelay $0x1  }
0x138: {  	v3 =	vperm.xlane v3, v2;
	v4 =	vadd.s32 v1, v4;
	_ =	sdelay $0x1  }
0x139: {  	v3 =	vadd.s32 v1, v3;
	_ =	sdelay $0x1  }
0x13a: {  	s20 =	simm.s32 $0x6D00  }
0x13b: {  	[tilespmem:s20], [sflag:$0x1] =	stream.indirect_vreg.gather [hbm4b:s2+s3], $0x80, v4, vm0, $0xb8;
	[tilespmem:$0x18D00] =	vst v63  }
0x13c: {  	s22 =	simm.s32 $0x7500  }
0x13d: {  	[tilespmem:s22], [sflag:$0x1] =	stream.indirect_vreg.gather [hbm4b:s2+s3], $0x80, v3, vm0, $0xb8;
	[tilespmem:$0x18D00] =	vst v63  }
0x13e: {  	v3 =	vld [tilespmem:$0x70];
	_ =	sdelay $0x4  }
0x13f: {  	v31 =	vshll.u32 v3, $0x1  }
0x140: {  	v3 =	vand.u32 $0x7, v3;
	v4 =	vand.u32 $0xFFFFFFF0, v31  }
0x141: {  	v3 =	vor.u32 v3, v4  }
0x142: {  	v4 =	vperm.xlane v3, v0;
	_ =	sdelay $0x1  }
0x143: {  	v3 =	vperm.xlane v3, v2;
	v4 =	vadd.s32 v1, v4;
	_ =	sdelay $0x1  }
0x144: {  	v3 =	vadd.s32 v1, v3;
	_ =	sdelay $0x1  }
0x145: {  	s23 =	simm.s32 $0x7D00  }
0x146: {  	[tilespmem:s23], [sflag:$0x1] =	stream.indirect_vreg.gather [hbm4b:s2+s3], $0x80, v4, vm0, $0xb8;
	[tilespmem:$0x18D00] =	vst v63  }
0x147: {  	s24 =	simm.s32 $0x8500  }
0x148: {  	[tilespmem:s24], [sflag:$0x1] =	stream.indirect_vreg.gather [hbm4b:s2+s3], $0x80, v3, vm0, $0xb8;
	[tilespmem:$0x18D00] =	vst v63  }
0x149: {  	v3 =	vld [tilespmem:$0x80];
	_ =	sdelay $0x4  }
0x14a: {  	v32 =	vshll.u32 v3, $0x1  }
0x14b: {  	v3 =	vand.u32 $0x7, v3;
	v4 =	vand.u32 $0xFFFFFFF0, v32  }
0x14c: {  	v3 =	vor.u32 v3, v4  }
0x14d: {  	v4 =	vperm.xlane v3, v0;
	_ =	sdelay $0x1  }
0x14e: {  	v3 =	vperm.xlane v3, v2;
	v4 =	vadd.s32 v1, v4;
	_ =	sdelay $0x1  }
0x14f: {  	v3 =	vadd.s32 v1, v3;
	_ =	sdelay $0x1  }
0x150: {  	s25 =	simm.s32 $0x8D00  }
0x151: {  	[tilespmem:s25], [sflag:$0x2] =	stream.indirect_vreg.gather [hbm4b:s2+s3], $0x80, v4, vm0, $0xb8;
	[tilespmem:$0x18D00] =	vst v63  }
0x152: {  	s30 =	simm.s32 $0x9500  }
0x153: {  	[tilespmem:s30], [sflag:$0x2] =	stream.indirect_vreg.gather [hbm4b:s2+s3], $0x80, v3, vm0, $0xb8;
	[tilespmem:$0x18D00] =	vst v63  }
0x154: {  	v3 =	vld [tilespmem:$0x90];
	_ =	sdelay $0x4  }
0x155: {  	v33 =	vshll.u32 v3, $0x1  }
0x156: {  	v3 =	vand.u32 $0x7, v3;
	v4 =	vand.u32 $0xFFFFFFF0, v33  }
0x157: {  	v3 =	vor.u32 v3, v4  }
0x158: {  	v4 =	vperm.xlane v3, v0;
	_ =	sdelay $0x1  }
0x159: {  	v3 =	vperm.xlane v3, v2;
	v4 =	vadd.s32 v1, v4;
	_ =	sdelay $0x1  }
0x15a: {  	v3 =	vadd.s32 v1, v3;
	_ =	sdelay $0x1  }
0x15b: {  	s31 =	simm.s32 $0x9D00  }
0x15c: {  	[tilespmem:s31], [sflag:$0x2] =	stream.indirect_vreg.gather [hbm4b:s2+s3], $0x80, v4, vm0, $0xb8;
	[tilespmem:$0x18D00] =	vst v63  }
0x15d: {  	s7 =	simm.s32 $0xA500  }
0x15e: {  	[tilespmem:s7], [sflag:$0x2] =	stream.indirect_vreg.gather [hbm4b:s2+s3], $0x80, v3, vm0, $0xb8;
	[tilespmem:$0x18D00] =	vst v63  }
0x15f: {  	v3 =	vld [tilespmem:$0xA0];
	_ =	sdelay $0x4  }
0x160: {  	v34 =	vshll.u32 v3, $0x1  }
0x161: {  	v3 =	vand.u32 $0x7, v3;
	v4 =	vand.u32 $0xFFFFFFF0, v34  }
0x162: {  	v3 =	vor.u32 v3, v4  }
0x163: {  	v4 =	vperm.xlane v3, v0;
	_ =	sdelay $0x1  }
0x164: {  	v3 =	vperm.xlane v3, v2;
	v4 =	vadd.s32 v1, v4;
	_ =	sdelay $0x1  }
0x165: {  	v3 =	vadd.s32 v1, v3;
	_ =	sdelay $0x1  }
0x166: {  	s8 =	simm.s32 $0xAD00  }
0x167: {  	[tilespmem:s8], [sflag:$0x2] =	stream.indirect_vreg.gather [hbm4b:s2+s3], $0x80, v4, vm0, $0xb8;
	[tilespmem:$0x18D00] =	vst v63  }
0x168: {  	s9 =	simm.s32 $0xB500  }
0x169: {  	[tilespmem:s9], [sflag:$0x2] =	stream.indirect_vreg.gather [hbm4b:s2+s3], $0x80, v3, vm0, $0xb8;
	[tilespmem:$0x18D00] =	vst v63  }
0x16a: {  	v3 =	vld [tilespmem:$0xB0];
	_ =	sdelay $0x4  }
0x16b: {  	v35 =	vshll.u32 v3, $0x1  }
0x16c: {  	v3 =	vand.u32 $0x7, v3;
	v4 =	vand.u32 $0xFFFFFFF0, v35  }
0x16d: {  	v3 =	vor.u32 v3, v4  }
0x16e: {  	v4 =	vperm.xlane v3, v0;
	_ =	sdelay $0x1  }
0x16f: {  	v3 =	vperm.xlane v3, v2;
	v4 =	vadd.s32 v1, v4;
	_ =	sdelay $0x1  }
0x170: {  	v3 =	vadd.s32 v1, v3;
	_ =	sdelay $0x1  }
0x171: {  	s10 =	simm.s32 $0xBD00  }
0x172: {  	[tilespmem:s10], [sflag:$0x2] =	stream.indirect_vreg.gather [hbm4b:s2+s3], $0x80, v4, vm0, $0xb8;
	[tilespmem:$0x18D00] =	vst v63  }
0x173: {  	s12 =	simm.s32 $0xC500  }
0x174: {  	[tilespmem:s12], [sflag:$0x2] =	stream.indirect_vreg.gather [hbm4b:s2+s3], $0x80, v3, vm0, $0xb8;
	[tilespmem:$0x18D00] =	vst v63  }
0x175: {  	v3 =	vld [tilespmem:$0xC0];
	_ =	sdelay $0x4  }
0x176: {  	v36 =	vshll.u32 v3, $0x1  }
0x177: {  	v3 =	vand.u32 $0x7, v3;
	v4 =	vand.u32 $0xFFFFFFF0, v36  }
0x178: {  	v3 =	vor.u32 v3, v4  }
0x179: {  	v4 =	vperm.xlane v3, v0;
	_ =	sdelay $0x1  }
0x17a: {  	v3 =	vperm.xlane v3, v2;
	v4 =	vadd.s32 v1, v4;
	_ =	sdelay $0x1  }
0x17b: {  	v3 =	vadd.s32 v1, v3;
	_ =	sdelay $0x1  }
0x17c: {  	s13 =	simm.s32 $0xCD00  }
0x17d: {  	[tilespmem:s13], [sflag:$0x2] =	stream.indirect_vreg.gather [hbm4b:s2+s3], $0x80, v4, vm0, $0xb8;
	[tilespmem:$0x18D00] =	vst v63  }
0x17e: {  	s20 =	simm.s32 $0xD500  }
0x17f: {  	[tilespmem:s20], [sflag:$0x2] =	stream.indirect_vreg.gather [hbm4b:s2+s3], $0x80, v3, vm0, $0xb8;
	[tilespmem:$0x18D00] =	vst v63  }
0x180: {  	v3 =	vld [tilespmem:$0xD0];
	_ =	sdelay $0x4  }
0x181: {  	v37 =	vshll.u32 v3, $0x1  }
0x182: {  	v3 =	vand.u32 $0x7, v3;
	v4 =	vand.u32 $0xFFFFFFF0, v37  }
0x183: {  	v3 =	vor.u32 v3, v4  }
0x184: {  	v4 =	vperm.xlane v3, v0;
	_ =	sdelay $0x1  }
0x185: {  	v3 =	vperm.xlane v3, v2;
	v4 =	vadd.s32 v1, v4;
	_ =	sdelay $0x1  }
0x186: {  	v3 =	vadd.s32 v1, v3;
	_ =	sdelay $0x1  }
0x187: {  	s22 =	simm.s32 $0xDD00  }
0x188: {  	[tilespmem:s22], [sflag:$0x2] =	stream.indirect_vreg.gather [hbm4b:s2+s3], $0x80, v4, vm0, $0xb8;
	[tilespmem:$0x18D00] =	vst v63  }
0x189: {  	s23 =	simm.s32 $0xE500  }
0x18a: {  	[tilespmem:s23], [sflag:$0x2] =	stream.indirect_vreg.gather [hbm4b:s2+s3], $0x80, v3, vm0, $0xb8;
	[tilespmem:$0x18D00] =	vst v63  }
0x18b: {  	v3 =	vld [tilespmem:$0xE0];
	_ =	sdelay $0x4  }
0x18c: {  	v38 =	vshll.u32 v3, $0x1  }
0x18d: {  	v3 =	vand.u32 $0x7, v3;
	v4 =	vand.u32 $0xFFFFFFF0, v38  }
0x18e: {  	v3 =	vor.u32 v3, v4  }
0x18f: {  	v4 =	vperm.xlane v3, v0;
	_ =	sdelay $0x1  }
0x190: {  	v3 =	vperm.xlane v3, v2;
	v4 =	vadd.s32 v1, v4;
	_ =	sdelay $0x1  }
0x191: {  	v3 =	vadd.s32 v1, v3;
	_ =	sdelay $0x1  }
0x192: {  	s24 =	simm.s32 $0xED00  }
0x193: {  	[tilespmem:s24], [sflag:$0x2] =	stream.indirect_vreg.gather [hbm4b:s2+s3], $0x80, v4, vm0, $0xb8;
	[tilespmem:$0x18D00] =	vst v63  }
0x194: {  	s25 =	simm.s32 $0xF500  }
0x195: {  	[tilespmem:s25], [sflag:$0x2] =	stream.indirect_vreg.gather [hbm4b:s2+s3], $0x80, v3, vm0, $0xb8;
	[tilespmem:$0x18D00] =	vst v63  }
0x196: {  	v3 =	vld [tilespmem:$0xF0];
	_ =	sdelay $0x4  }
0x197: {  	v39 =	vshll.u32 v3, $0x1  }
0x198: {  	v3 =	vand.u32 $0x7, v3;
	v4 =	vand.u32 $0xFFFFFFF0, v39  }
0x199: {  	v3 =	vor.u32 v3, v4  }
0x19a: {  	v4 =	vperm.xlane v3, v0;
	_ =	sdelay $0x1  }
0x19b: {  	v3 =	vperm.xlane v3, v2;
	v4 =	vadd.s32 v1, v4;
	_ =	sdelay $0x1  }
0x19c: {  	v3 =	vadd.s32 v1, v3;
	_ =	sdelay $0x1  }
0x19d: {  	s30 =	simm.s32 $0xFD00  }
0x19e: {  	[tilespmem:s30], [sflag:$0x2] =	stream.indirect_vreg.gather [hbm4b:s2+s3], $0x80, v4, vm0, $0xb8;
	[tilespmem:$0x18D00] =	vst v63  }
0x19f: {  	s31 =	simm.s32 $0x10500  }
0x1a0: {  	[tilespmem:s31], [sflag:$0x2] =	stream.indirect_vreg.gather [hbm4b:s2+s3], $0x80, v3, vm0, $0xb8;
	[tilespmem:$0x18D00] =	vst v63  }
0x1a1: {  	_ =	swait.ge [sflag:s4], $0x8000  }
0x1a2: {  	s0 =	sld [smem:$0x7E3]  }
0x1a3: {  	[sflag:s4] =	ssyncset.done $0x0  }
0x1a4: {  	s12 =	simm.s32 $0xD00;
	[sflag:s4] =	ssyncadd.s32 $0xFFFF8000  }
0x1a5: {  	[hbm4b:s0+s3] =	stream.linear.scatter [tilespmem:s12], [sflag:$0x4], $0x8000, $0x38;
	[tilespmem:$0x18D00] =	vst v63  }
0x1a6: {  	v3 =	vld [tilespmem:$0x100];
	_ =	sdelay $0x4  }
0x1a7: {  	v40 =	vshll.u32 v3, $0x1  }
0x1a8: {  	v3 =	vand.u32 $0x7, v3;
	v4 =	vand.u32 $0xFFFFFFF0, v40  }
0x1a9: {  	v3 =	vor.u32 v3, v4  }
0x1aa: {  	v4 =	vperm.xlane v3, v0;
	_ =	sdelay $0x1  }
0x1ab: {  	v3 =	vperm.xlane v3, v2;
	v4 =	vadd.s32 v1, v4;
	_ =	sdelay $0x1  }
0x1ac: {  	v3 =	vadd.s32 v1, v3;
	_ =	sdelay $0x1  }
0x1ad: {  	s7 =	simm.s32 $0x10D00  }
0x1ae: {  	[tilespmem:s7], [sflag:$0x3] =	stream.indirect_vreg.gather [hbm4b:s2+s3], $0x80, v4, vm0, $0xb8;
	[tilespmem:$0x18D00] =	vst v63  }
0x1af: {  	s13 =	simm.s32 $0x11500  }
0x1b0: {  	[tilespmem:s13], [sflag:$0x3] =	stream.indirect_vreg.gather [hbm4b:s2+s3], $0x80, v3, vm0, $0xb8;
	[tilespmem:$0x18D00] =	vst v63  }
0x1b1: {  	v3 =	vld [tilespmem:$0x110];
	_ =	sdelay $0x4  }
0x1b2: {  	v41 =	vshll.u32 v3, $0x1  }
0x1b3: {  	v3 =	vand.u32 $0x7, v3;
	v4 =	vand.u32 $0xFFFFFFF0, v41  }
0x1b4: {  	v3 =	vor.u32 v3, v4  }
0x1b5: {  	v4 =	vperm.xlane v3, v0;
	_ =	sdelay $0x1  }
0x1b6: {  	v3 =	vperm.xlane v3, v2;
	v4 =	vadd.s32 v1, v4;
	_ =	sdelay $0x1  }
0x1b7: {  	v3 =	vadd.s32 v1, v3;
	_ =	sdelay $0x1  }
0x1b8: {  	s20 =	simm.s32 $0x11D00  }
0x1b9: {  	[tilespmem:s20], [sflag:$0x3] =	stream.indirect_vreg.gather [hbm4b:s2+s3], $0x80, v4, vm0, $0xb8;
	[tilespmem:$0x18D00] =	vst v63  }
0x1ba: {  	s23 =	simm.s32 $0x12500  }
0x1bb: {  	[tilespmem:s23], [sflag:$0x3] =	stream.indirect_vreg.gather [hbm4b:s2+s3], $0x80, v3, vm0, $0xb8;
	[tilespmem:$0x18D00] =	vst v63  }
0x1bc: {  	v3 =	vld [tilespmem:$0x120];
	_ =	sdelay $0x4  }
0x1bd: {  	v42 =	vshll.u32 v3, $0x1  }
0x1be: {  	v3 =	vand.u32 $0x7, v3;
	v4 =	vand.u32 $0xFFFFFFF0, v42  }
0x1bf: {  	v3 =	vor.u32 v3, v4  }
0x1c0: {  	v4 =	vperm.xlane v3, v0;
	_ =	sdelay $0x1  }
0x1c1: {  	v3 =	vperm.xlane v3, v2;
	v4 =	vadd.s32 v1, v4;
	_ =	sdelay $0x1  }
0x1c2: {  	v3 =	vadd.s32 v1, v3;
	_ =	sdelay $0x1  }
0x1c3: {  	s24 =	simm.s32 $0x12D00  }
0x1c4: {  	[tilespmem:s24], [sflag:$0x3] =	stream.indirect_vreg.gather [hbm4b:s2+s3], $0x80, v4, vm0, $0xb8;
	[tilespmem:$0x18D00] =	vst v63  }
0x1c5: {  	s25 =	simm.s32 $0x13500  }
0x1c6: {  	[tilespmem:s25], [sflag:$0x3] =	stream.indirect_vreg.gather [hbm4b:s2+s3], $0x80, v3, vm0, $0xb8;
	[tilespmem:$0x18D00] =	vst v63  }
0x1c7: {  	v3 =	vld [tilespmem:$0x130];
	_ =	sdelay $0x4  }
0x1c8: {  	v43 =	vshll.u32 v3, $0x1  }
0x1c9: {  	v3 =	vand.u32 $0x7, v3;
	v4 =	vand.u32 $0xFFFFFFF0, v43  }
0x1ca: {  	v3 =	vor.u32 v3, v4  }
0x1cb: {  	v4 =	vperm.xlane v3, v0;
	_ =	sdelay $0x1  }
0x1cc: {  	v3 =	vperm.xlane v3, v2;
	v4 =	vadd.s32 v1, v4;
	_ =	sdelay $0x1  }
0x1cd: {  	v3 =	vadd.s32 v1, v3;
	_ =	sdelay $0x1  }
0x1ce: {  	s30 =	simm.s32 $0x13D00  }
0x1cf: {  	[tilespmem:s30], [sflag:$0x3] =	stream.indirect_vreg.gather [hbm4b:s2+s3], $0x80, v4, vm0, $0xb8;
	[tilespmem:$0x18D00] =	vst v63  }
0x1d0: {  	s31 =	simm.s32 $0x14500  }
0x1d1: {  	[tilespmem:s31], [sflag:$0x3] =	stream.indirect_vreg.gather [hbm4b:s2+s3], $0x80, v3, vm0, $0xb8;
	[tilespmem:$0x18D00] =	vst v63  }
0x1d2: {  	v3 =	vld [tilespmem:$0x140];
	_ =	sdelay $0x4  }
0x1d3: {  	v44 =	vshll.u32 v3, $0x1  }
0x1d4: {  	v3 =	vand.u32 $0x7, v3;
	v4 =	vand.u32 $0xFFFFFFF0, v44  }
0x1d5: {  	v3 =	vor.u32 v3, v4  }
0x1d6: {  	v4 =	vperm.xlane v3, v0;
	_ =	sdelay $0x1  }
0x1d7: {  	v3 =	vperm.xlane v3, v2;
	v4 =	vadd.s32 v1, v4;
	_ =	sdelay $0x1  }
0x1d8: {  	v3 =	vadd.s32 v1, v3;
	_ =	sdelay $0x1  }
0x1d9: {  	s7 =	simm.s32 $0x14D00  }
0x1da: {  	[tilespmem:s7], [sflag:$0x3] =	stream.indirect_vreg.gather [hbm4b:s2+s3], $0x80, v4, vm0, $0xb8;
	[tilespmem:$0x18D00] =	vst v63  }
0x1db: {  	s20 =	simm.s32 $0x15500  }
0x1dc: {  	[tilespmem:s20], [sflag:$0x3] =	stream.indirect_vreg.gather [hbm4b:s2+s3], $0x80, v3, vm0, $0xb8;
	[tilespmem:$0x18D00] =	vst v63  }
0x1dd: {  	v3 =	vld [tilespmem:$0x150];
	_ =	sdelay $0x4  }
0x1de: {  	v45 =	vshll.u32 v3, $0x1  }
0x1df: {  	v3 =	vand.u32 $0x7, v3;
	v4 =	vand.u32 $0xFFFFFFF0, v45  }
0x1e0: {  	v3 =	vor.u32 v3, v4  }
0x1e1: {  	v4 =	vperm.xlane v3, v0;
	_ =	sdelay $0x1  }
0x1e2: {  	v3 =	vperm.xlane v3, v2;
	v4 =	vadd.s32 v1, v4;
	_ =	sdelay $0x1  }
0x1e3: {  	v3 =	vadd.s32 v1, v3;
	_ =	sdelay $0x1  }
0x1e4: {  	s23 =	simm.s32 $0x15D00  }
0x1e5: {  	[tilespmem:s23], [sflag:$0x3] =	stream.indirect_vreg.gather [hbm4b:s2+s3], $0x80, v4, vm0, $0xb8;
	[tilespmem:$0x18D00] =	vst v63  }
0x1e6: {  	s24 =	simm.s32 $0x16500  }
0x1e7: {  	[tilespmem:s24], [sflag:$0x3] =	stream.indirect_vreg.gather [hbm4b:s2+s3], $0x80, v3, vm0, $0xb8;
	[tilespmem:$0x18D00] =	vst v63  }
0x1e8: {  	v3 =	vld [tilespmem:$0x160];
	_ =	sdelay $0x4  }
0x1e9: {  	v46 =	vshll.u32 v3, $0x1  }
0x1ea: {  	v3 =	vand.u32 $0x7, v3;
	v4 =	vand.u32 $0xFFFFFFF0, v46  }
0x1eb: {  	v3 =	vor.u32 v3, v4  }
0x1ec: {  	v4 =	vperm.xlane v3, v0;
	_ =	sdelay $0x1  }
0x1ed: {  	v3 =	vperm.xlane v3, v2;
	v4 =	vadd.s32 v1, v4;
	_ =	sdelay $0x1  }
0x1ee: {  	v3 =	vadd.s32 v1, v3;
	_ =	sdelay $0x1  }
0x1ef: {  	s25 =	simm.s32 $0x16D00  }
0x1f0: {  	[tilespmem:s25], [sflag:$0x3] =	stream.indirect_vreg.gather [hbm4b:s2+s3], $0x80, v4, vm0, $0xb8;
	[tilespmem:$0x18D00] =	vst v63  }
0x1f1: {  	s30 =	simm.s32 $0x17500  }
0x1f2: {  	[tilespmem:s30], [sflag:$0x3] =	stream.indirect_vreg.gather [hbm4b:s2+s3], $0x80, v3, vm0, $0xb8;
	[tilespmem:$0x18D00] =	vst v63  }
0x1f3: {  	v3 =	vld [tilespmem:$0x170];
	_ =	sdelay $0x4  }
0x1f4: {  	v47 =	vshll.u32 v3, $0x1  }
0x1f5: {  	v3 =	vand.u32 $0x7, v3;
	v4 =	vand.u32 $0xFFFFFFF0, v47  }
0x1f6: {  	v3 =	vor.u32 v3, v4  }
0x1f7: {  	v4 =	vperm.xlane v3, v0;
	_ =	sdelay $0x1  }
0x1f8: {  	v3 =	vperm.xlane v3, v2;
	v4 =	vadd.s32 v1, v4;
	_ =	sdelay $0x1  }
0x1f9: {  	v3 =	vadd.s32 v1, v3;
	_ =	sdelay $0x1  }
0x1fa: {  	s7 =	simm.s32 $0x17D00  }
0x1fb: {  	[tilespmem:s7], [sflag:$0x3] =	stream.indirect_vreg.gather [hbm4b:s2+s3], $0x80, v4, vm0, $0xb8;
	[tilespmem:$0x18D00] =	vst v63  }
0x1fc: {  	s20 =	simm.s32 $0x18500  }
0x1fd: {  	[tilespmem:s20], [sflag:$0x3] =	stream.indirect_vreg.gather [hbm4b:s2+s3], $0x80, v3, vm0, $0xb8;
	[tilespmem:$0x18D00] =	vst v63  }
0x1fe: {  	_ =	swait.ge [sflag:s15], $0x8000  }
0x1ff: {  	[sflag:s15] =	ssyncset.done $0x0  }
0x200: {  	s7 =	simm.s32 $0x8D00;
	s23 =	rddreg [dreg:$0x1e];
	[sflag:s15] =	ssyncadd.s32 $0xFFFF8000  }
0x201: {  	[hbm4b:s23+s3] =	stream.linear.scatter [tilespmem:s7], [sflag:$0x5], $0x8000, $0x38;
	[tilespmem:$0x18D00] =	vst v63  }
0x202: {  	_ =	swait.ge [sflag:s16], $0x8000  }
0x203: {  	[sflag:s16] =	ssyncset.done $0x0  }
0x204: {  	[sflag:s16] =	ssyncadd.s32 $0xFFFF8000  }
0x205: {  	v3 =	vld [tilespmem:$0x180];
	_ =	sdelay $0x4  }
0x206: {  	v48 =	vshll.u32 v3, $0x1  }
0x207: {  	v3 =	vand.u32 $0x7, v3;
	v4 =	vand.u32 $0xFFFFFFF0, v48  }
0x208: {  	v3 =	vor.u32 v3, v4  }
0x209: {  	v4 =	vperm.xlane v3, v0;
	_ =	sdelay $0x1  }
0x20a: {  	v3 =	vperm.xlane v3, v2;
	v4 =	vadd.s32 v1, v4;
	_ =	sdelay $0x1  }
0x20b: {  	v3 =	vadd.s32 v1, v3;
	_ =	sdelay $0x2  }
0x20c: {  	[tilespmem:s12], [sflag:$0x1] =	stream.indirect_vreg.gather [hbm4b:s2+s3], $0x80, v4, vm0, $0xb8;
	[tilespmem:$0x18D00] =	vst v63  }
0x20d: {  	s21 =	simm.s32 $0x1500  }
0x20e: {  	[tilespmem:s21], [sflag:$0x1] =	stream.indirect_vreg.gather [hbm4b:s2+s3], $0x80, v3, vm0, $0xb8;
	[tilespmem:$0x18D00] =	vst v63  }
0x20f: {  	v3 =	vld [tilespmem:$0x190];
	_ =	sdelay $0x4  }
0x210: {  	v49 =	vshll.u32 v3, $0x1  }
0x211: {  	v3 =	vand.u32 $0x7, v3;
	v4 =	vand.u32 $0xFFFFFFF0, v49  }
0x212: {  	v3 =	vor.u32 v3, v4  }
0x213: {  	v4 =	vperm.xlane v3, v0;
	_ =	sdelay $0x1  }
0x214: {  	v3 =	vperm.xlane v3, v2;
	v4 =	vadd.s32 v1, v4;
	_ =	sdelay $0x1  }
0x215: {  	v3 =	vadd.s32 v1, v3;
	_ =	sdelay $0x1  }
0x216: {  	s11 =	simm.s32 $0x1D00  }
0x217: {  	[tilespmem:s11], [sflag:$0x1] =	stream.indirect_vreg.gather [hbm4b:s2+s3], $0x80, v4, vm0, $0xb8;
	[tilespmem:$0x18D00] =	vst v63  }
0x218: {  	s26 =	simm.s32 $0x2500  }
0x219: {  	[tilespmem:s26], [sflag:$0x1] =	stream.indirect_vreg.gather [hbm4b:s2+s3], $0x80, v3, vm0, $0xb8;
	[tilespmem:$0x18D00] =	vst v63  }
0x21a: {  	v3 =	vld [tilespmem:$0x1A0];
	_ =	sdelay $0x4  }
0x21b: {  	v50 =	vshll.u32 v3, $0x1  }
0x21c: {  	v3 =	vand.u32 $0x7, v3;
	v4 =	vand.u32 $0xFFFFFFF0, v50  }
0x21d: {  	v3 =	vor.u32 v3, v4  }
0x21e: {  	v4 =	vperm.xlane v3, v0;
	_ =	sdelay $0x1  }
0x21f: {  	v3 =	vperm.xlane v3, v2;
	v4 =	vadd.s32 v1, v4;
	_ =	sdelay $0x1  }
0x220: {  	v3 =	vadd.s32 v1, v3;
	_ =	sdelay $0x1  }
0x221: {  	s11 =	simm.s32 $0x2D00  }
0x222: {  	[tilespmem:s11], [sflag:$0x1] =	stream.indirect_vreg.gather [hbm4b:s2+s3], $0x80, v4, vm0, $0xb8;
	[tilespmem:$0x18D00] =	vst v63  }
0x223: {  	s28 =	simm.s32 $0x3500  }
0x224: {  	[tilespmem:s28], [sflag:$0x1] =	stream.indirect_vreg.gather [hbm4b:s2+s3], $0x80, v3, vm0, $0xb8;
	[tilespmem:$0x18D00] =	vst v63  }
0x225: {  	v3 =	vld [tilespmem:$0x1B0];
	_ =	sdelay $0x4  }
0x226: {  	v51 =	vshll.u32 v3, $0x1  }
0x227: {  	v3 =	vand.u32 $0x7, v3;
	v4 =	vand.u32 $0xFFFFFFF0, v51  }
0x228: {  	v3 =	vor.u32 v3, v4  }
0x229: {  	v4 =	vperm.xlane v3, v0;
	_ =	sdelay $0x1  }
0x22a: {  	v3 =	vperm.xlane v3, v2;
	v4 =	vadd.s32 v1, v4;
	_ =	sdelay $0x1  }
0x22b: {  	v3 =	vadd.s32 v1, v3;
	_ =	sdelay $0x1  }
0x22c: {  	s26 =	simm.s32 $0x3D00  }
0x22d: {  	[tilespmem:s26], [sflag:$0x1] =	stream.indirect_vreg.gather [hbm4b:s2+s3], $0x80, v4, vm0, $0xb8;
	[tilespmem:$0x18D00] =	vst v63  }
0x22e: {  	s29 =	simm.s32 $0x4500  }
0x22f: {  	[tilespmem:s29], [sflag:$0x1] =	stream.indirect_vreg.gather [hbm4b:s2+s3], $0x80, v3, vm0, $0xb8;
	[tilespmem:$0x18D00] =	vst v63  }
0x230: {  	v3 =	vld [tilespmem:$0x1C0];
	_ =	sdelay $0x4  }
0x231: {  	v52 =	vshll.u32 v3, $0x1  }
0x232: {  	v3 =	vand.u32 $0x7, v3;
	v4 =	vand.u32 $0xFFFFFFF0, v52  }
0x233: {  	v3 =	vor.u32 v3, v4  }
0x234: {  	v4 =	vperm.xlane v3, v0;
	_ =	sdelay $0x1  }
0x235: {  	v3 =	vperm.xlane v3, v2;
	v4 =	vadd.s32 v1, v4;
	_ =	sdelay $0x1  }
0x236: {  	v3 =	vadd.s32 v1, v3;
	_ =	sdelay $0x1  }
0x237: {  	s28 =	simm.s32 $0x4D00  }
0x238: {  	[tilespmem:s28], [sflag:$0x1] =	stream.indirect_vreg.gather [hbm4b:s2+s3], $0x80, v4, vm0, $0xb8;
	[tilespmem:$0x18D00] =	vst v63  }
0x239: {  	s5 =	simm.s32 $0x5500  }
0x23a: {  	[tilespmem:s5], [sflag:$0x1] =	stream.indirect_vreg.gather [hbm4b:s2+s3], $0x80, v3, vm0, $0xb8;
	[tilespmem:$0x18D00] =	vst v63  }
0x23b: {  	v3 =	vld [tilespmem:$0x1D0];
	_ =	sdelay $0x4  }
0x23c: {  	v53 =	vshll.u32 v3, $0x1  }
0x23d: {  	v3 =	vand.u32 $0x7, v3;
	v4 =	vand.u32 $0xFFFFFFF0, v53  }
0x23e: {  	v3 =	vor.u32 v3, v4  }
0x23f: {  	v4 =	vperm.xlane v3, v0;
	_ =	sdelay $0x1  }
0x240: {  	v3 =	vperm.xlane v3, v2;
	v4 =	vadd.s32 v1, v4;
	_ =	sdelay $0x1  }
0x241: {  	v3 =	vadd.s32 v1, v3;
	_ =	sdelay $0x1  }
0x242: {  	s29 =	simm.s32 $0x5D00  }
0x243: {  	[tilespmem:s29], [sflag:$0x1] =	stream.indirect_vreg.gather [hbm4b:s2+s3], $0x80, v4, vm0, $0xb8;
	[tilespmem:$0x18D00] =	vst v63  }
0x244: {  	s19 =	simm.s32 $0x6500  }
0x245: {  	[tilespmem:s19], [sflag:$0x1] =	stream.indirect_vreg.gather [hbm4b:s2+s3], $0x80, v3, vm0, $0xb8;
	[tilespmem:$0x18D00] =	vst v63  }
0x246: {  	v3 =	vld [tilespmem:$0x1E0];
	_ =	sdelay $0x4  }
0x247: {  	v54 =	vshll.u32 v3, $0x1  }
0x248: {  	v3 =	vand.u32 $0x7, v3;
	v4 =	vand.u32 $0xFFFFFFF0, v54  }
0x249: {  	v3 =	vor.u32 v3, v4  }
0x24a: {  	v4 =	vperm.xlane v3, v0;
	_ =	sdelay $0x1  }
0x24b: {  	v3 =	vperm.xlane v3, v2;
	v4 =	vadd.s32 v1, v4;
	_ =	sdelay $0x1  }
0x24c: {  	v3 =	vadd.s32 v1, v3;
	_ =	sdelay $0x1  }
0x24d: {  	s23 =	simm.s32 $0x6D00  }
0x24e: {  	[tilespmem:s23], [sflag:$0x1] =	stream.indirect_vreg.gather [hbm4b:s2+s3], $0x80, v4, vm0, $0xb8;
	[tilespmem:$0x18D00] =	vst v63  }
0x24f: {  	s5 =	simm.s32 $0x7500  }
0x250: {  	[tilespmem:s5], [sflag:$0x1] =	stream.indirect_vreg.gather [hbm4b:s2+s3], $0x80, v3, vm0, $0xb8;
	[tilespmem:$0x18D00] =	vst v63  }
0x251: {  	v3 =	vld [tilespmem:$0x1F0];
	_ =	sdelay $0x4  }
0x252: {  	v55 =	vshll.u32 v3, $0x1  }
0x253: {  	v3 =	vand.u32 $0x7, v3;
	v4 =	vand.u32 $0xFFFFFFF0, v55  }
0x254: {  	v3 =	vor.u32 v3, v4  }
0x255: {  	v4 =	vperm.xlane v3, v0;
	_ =	sdelay $0x1  }
0x256: {  	v3 =	vperm.xlane v3, v2;
	v4 =	vadd.s32 v1, v4;
	_ =	sdelay $0x1  }
0x257: {  	v3 =	vadd.s32 v1, v3;
	_ =	sdelay $0x1  }
0x258: {  	s25 =	simm.s32 $0x7D00  }
0x259: {  	[tilespmem:s25], [sflag:$0x1] =	stream.indirect_vreg.gather [hbm4b:s2+s3], $0x80, v4, vm0, $0xb8;
	[tilespmem:$0x18D00] =	vst v63  }
0x25a: {  	s0 =	simm.s32 $0x3;
	s30 =	simm.s32 $0x8500  }
0x25b: {  	[tilespmem:s30], [sflag:$0x1] =	stream.indirect_vreg.gather [hbm4b:s2+s3], $0x80, v3, vm0, $0xb8;
	[tilespmem:$0x18D00] =	vst v63  }
0x25c: {  	_ =	swait.ge [sflag:s0], $0x8000  }
0x25d: {  	[sflag:s0] =	ssyncset.done $0x0  }
0x25e: {  	s19 =	simm.s32 $0x10D00;
	s24 =	rddreg [dreg:$0x1f];
	[sflag:s0] =	ssyncadd.s32 $0xFFFF8000  }
0x25f: {  	[hbm4b:s24+s3] =	stream.linear.scatter [tilespmem:s19], [sflag:$0x6], $0x8000, $0x38;
	[tilespmem:$0x18D00] =	vst v63  }
0x260: {  	_ =	swait.ge [sflag:s18], $0x8000  }
0x261: {  	[sflag:s18] =	ssyncset.done $0x0  }
0x262: {  	[sflag:s18] =	ssyncadd.s32 $0xFFFF8000  }
0x263: {  	v3 =	vld [tilespmem:$0x200];
	_ =	sdelay $0x4  }
0x264: {  	v56 =	vshll.u32 v3, $0x1  }
0x265: {  	v3 =	vand.u32 $0x7, v3;
	v4 =	vand.u32 $0xFFFFFFF0, v56  }
0x266: {  	v3 =	vor.u32 v3, v4  }
0x267: {  	v4 =	vperm.xlane v3, v0;
	_ =	sdelay $0x1  }
0x268: {  	v3 =	vperm.xlane v3, v2;
	v4 =	vadd.s32 v1, v4;
	_ =	sdelay $0x1  }
0x269: {  	v3 =	vadd.s32 v1, v3;
	_ =	sdelay $0x2  }
0x26a: {  	[tilespmem:s7], [sflag:$0x2] =	stream.indirect_vreg.gather [hbm4b:s2+s3], $0x80, v4, vm0, $0xb8;
	[tilespmem:$0x18D00] =	vst v63  }
0x26b: {  	s1 =	simm.s32 $0x9500  }
0x26c: {  	[tilespmem:s1], [sflag:$0x2] =	stream.indirect_vreg.gather [hbm4b:s2+s3], $0x80, v3, vm0, $0xb8;
	[tilespmem:$0x18D00] =	vst v63  }
0x26d: {  	v3 =	vld [tilespmem:$0x210];
	_ =	sdelay $0x4  }
0x26e: {  	v57 =	vshll.u32 v3, $0x1  }
0x26f: {  	v3 =	vand.u32 $0x7, v3;
	v4 =	vand.u32 $0xFFFFFFF0, v57  }
0x270: {  	v3 =	vor.u32 v3, v4  }
0x271: {  	v4 =	vperm.xlane v3, v0;
	_ =	sdelay $0x1  }
0x272: {  	v3 =	vperm.xlane v3, v2;
	v4 =	vadd.s32 v1, v4;
	_ =	sdelay $0x1  }
0x273: {  	v3 =	vadd.s32 v1, v3;
	_ =	sdelay $0x1  }
0x274: {  	s21 =	simm.s32 $0x9D00  }
0x275: {  	[tilespmem:s21], [sflag:$0x2] =	stream.indirect_vreg.gather [hbm4b:s2+s3], $0x80, v4, vm0, $0xb8;
	[tilespmem:$0x18D00] =	vst v63  }
0x276: {  	s17 =	simm.s32 $0xA500  }
0x277: {  	[tilespmem:s17], [sflag:$0x2] =	stream.indirect_vreg.gather [hbm4b:s2+s3], $0x80, v3, vm0, $0xb8;
	[tilespmem:$0x18D00] =	vst v63  }
0x278: {  	v3 =	vld [tilespmem:$0x220];
	_ =	sdelay $0x4  }
0x279: {  	v58 =	vshll.u32 v3, $0x1  }
0x27a: {  	v3 =	vand.u32 $0x7, v3;
	v4 =	vand.u32 $0xFFFFFFF0, v58  }
0x27b: {  	v3 =	vor.u32 v3, v4  }
0x27c: {  	v4 =	vperm.xlane v3, v0;
	_ =	sdelay $0x1  }
0x27d: {  	v3 =	vperm.xlane v3, v2;
	v4 =	vadd.s32 v1, v4;
	_ =	sdelay $0x1  }
0x27e: {  	v3 =	vadd.s32 v1, v3;
	_ =	sdelay $0x1  }
0x27f: {  	s24 =	simm.s32 $0xAD00  }
0x280: {  	[tilespmem:s24], [sflag:$0x2] =	stream.indirect_vreg.gather [hbm4b:s2+s3], $0x80, v4, vm0, $0xb8;
	[tilespmem:$0x18D00] =	vst v63  }
0x281: {  	s14 =	simm.s32 $0xB500  }
0x282: {  	[tilespmem:s14], [sflag:$0x2] =	stream.indirect_vreg.gather [hbm4b:s2+s3], $0x80, v3, vm0, $0xb8;
	[tilespmem:$0x18D00] =	vst v63  }
0x283: {  	v3 =	vld [tilespmem:$0x230];
	_ =	sdelay $0x4  }
0x284: {  	v59 =	vshll.u32 v3, $0x1  }
0x285: {  	v3 =	vand.u32 $0x7, v3;
	v4 =	vand.u32 $0xFFFFFFF0, v59  }
0x286: {  	v3 =	vor.u32 v3, v4  }
0x287: {  	v4 =	vperm.xlane v3, v0;
	_ =	sdelay $0x1  }
0x288: {  	v3 =	vperm.xlane v3, v2;
	v4 =	vadd.s32 v1, v4;
	_ =	sdelay $0x1  }
0x289: {  	v3 =	vadd.s32 v1, v3;
	_ =	sdelay $0x1  }
0x28a: {  	s7 =	simm.s32 $0xBD00  }
0x28b: {  	[tilespmem:s7], [sflag:$0x2] =	stream.indirect_vreg.gather [hbm4b:s2+s3], $0x80, v4, vm0, $0xb8;
	[tilespmem:$0x18D00] =	vst v63  }
0x28c: {  	s8 =	simm.s32 $0xC500  }
0x28d: {  	[tilespmem:s8], [sflag:$0x2] =	stream.indirect_vreg.gather [hbm4b:s2+s3], $0x80, v3, vm0, $0xb8;
	[tilespmem:$0x18D00] =	vst v63  }
0x28e: {  	v3 =	vld [tilespmem:$0x240];
	_ =	sdelay $0x4  }
0x28f: {  	v60 =	vshll.u32 v3, $0x1  }
0x290: {  	v3 =	vand.u32 $0x7, v3;
	v4 =	vand.u32 $0xFFFFFFF0, v60  }
0x291: {  	v3 =	vor.u32 v3, v4  }
0x292: {  	v4 =	vperm.xlane v3, v0;
	_ =	sdelay $0x1  }
0x293: {  	v3 =	vperm.xlane v3, v2;
	v4 =	vadd.s32 v1, v4;
	_ =	sdelay $0x1  }
0x294: {  	v3 =	vadd.s32 v1, v3;
	_ =	sdelay $0x1  }
0x295: {  	s8 =	simm.s32 $0xCD00  }
0x296: {  	[tilespmem:s8], [sflag:$0x2] =	stream.indirect_vreg.gather [hbm4b:s2+s3], $0x80, v4, vm0, $0xb8;
	[tilespmem:$0x18D00] =	vst v63  }
0x297: {  	s9 =	simm.s32 $0xD500  }
0x298: {  	[tilespmem:s9], [sflag:$0x2] =	stream.indirect_vreg.gather [hbm4b:s2+s3], $0x80, v3, vm0, $0xb8;
	[tilespmem:$0x18D00] =	vst v63  }
0x299: {  	v3 =	vld [tilespmem:$0x250];
	_ =	sdelay $0x4  }
0x29a: {  	v61 =	vshll.u32 v3, $0x1  }
0x29b: {  	v3 =	vand.u32 $0x7, v3;
	v4 =	vand.u32 $0xFFFFFFF0, v61  }
0x29c: {  	v3 =	vor.u32 v3, v4  }
0x29d: {  	v4 =	vperm.xlane v3, v0;
	_ =	sdelay $0x1  }
0x29e: {  	v3 =	vperm.xlane v3, v2;
	v4 =	vadd.s32 v1, v4;
	_ =	sdelay $0x1  }
0x29f: {  	v3 =	vadd.s32 v1, v3;
	_ =	sdelay $0x1  }
0x2a0: {  	s8 =	simm.s32 $0xDD00  }
0x2a1: {  	[tilespmem:s8], [sflag:$0x2] =	stream.indirect_vreg.gather [hbm4b:s2+s3], $0x80, v4, vm0, $0xb8;
	[tilespmem:$0x18D00] =	vst v63  }
0x2a2: {  	s10 =	simm.s32 $0xE500  }
0x2a3: {  	[tilespmem:s10], [sflag:$0x2] =	stream.indirect_vreg.gather [hbm4b:s2+s3], $0x80, v3, vm0, $0xb8;
	[tilespmem:$0x18D00] =	vst v63  }
0x2a4: {  	v3 =	vld [tilespmem:$0x260];
	_ =	sdelay $0x4  }
0x2a5: {  	v62 =	vshll.u32 v3, $0x1  }
0x2a6: {  	v3 =	vand.u32 $0x7, v3;
	v4 =	vand.u32 $0xFFFFFFF0, v62  }
0x2a7: {  	v3 =	vor.u32 v3, v4  }
0x2a8: {  	v4 =	vperm.xlane v3, v0;
	_ =	sdelay $0x1  }
0x2a9: {  	v3 =	vperm.xlane v3, v2;
	v4 =	vadd.s32 v1, v4;
	_ =	sdelay $0x1  }
0x2aa: {  	v3 =	vadd.s32 v1, v3;
	_ =	sdelay $0x1  }
0x2ab: {  	s9 =	simm.s32 $0xED00  }
0x2ac: {  	[tilespmem:s9], [sflag:$0x2] =	stream.indirect_vreg.gather [hbm4b:s2+s3], $0x80, v4, vm0, $0xb8;
	[tilespmem:$0x18D00] =	vst v63  }
0x2ad: {  	s12 =	simm.s32 $0xF500  }
0x2ae: {  	[tilespmem:s12], [sflag:$0x2] =	stream.indirect_vreg.gather [hbm4b:s2+s3], $0x80, v3, vm0, $0xb8;
	[tilespmem:$0x18D00] =	vst v63  }
0x2af: {  	v3 =	vld [tilespmem:$0x270];
	_ =	sdelay $0x4  }
0x2b0: {  	v63 =	vshll.u32 v3, $0x1  }
0x2b1: {  	v3 =	vand.u32 $0x7, v3;
	v4 =	vand.u32 $0xFFFFFFF0, v63  }
0x2b2: {  	v3 =	vor.u32 v3, v4  }
0x2b3: {  	v4 =	vperm.xlane v3, v0;
	_ =	sdelay $0x1  }
0x2b4: {  	v3 =	vperm.xlane v3, v2;
	v4 =	vadd.s32 v1, v4;
	_ =	sdelay $0x1  }
0x2b5: {  	v3 =	vadd.s32 v1, v3;
	_ =	sdelay $0x1  }
0x2b6: {  	s14 =	simm.s32 $0xFD00  }
0x2b7: {  	[tilespmem:s14], [sflag:$0x2] =	stream.indirect_vreg.gather [hbm4b:s2+s3], $0x80, v4, vm0, $0xb8;
	[tilespmem:$0x18D00] =	vst v63  }
0x2b8: {  	s22 =	simm.s32 $0x10500  }
0x2b9: {  	[tilespmem:s22], [sflag:$0x2] =	stream.indirect_vreg.gather [hbm4b:s2+s3], $0x80, v3, vm0, $0xb8;
	[tilespmem:$0x18D00] =	vst v63  }
0x2ba: {  	_ =	swait.ge [sflag:s4], $0x8000  }
0x2bb: {  	s17 =	sld [smem:$0x7CD]  }
0x2bc: {  	[sflag:s4] =	ssyncset.done $0x0  }
0x2bd: {  	s7 =	simm.s32 $0xD00;
	[sflag:s4] =	ssyncadd.s32 $0xFFFF8000  }
0x2be: {  	[hbm4b:s17+s3] =	stream.linear.scatter [tilespmem:s7], [sflag:$0x4], $0x8000, $0x38;
	[tilespmem:$0x18D00] =	vst v63  }
0x2bf: {  	s17 =	simm.s32 $0x6  }
0x2c0: {  	_ =	swait.ge [sflag:s17], $0x8000  }
0x2c1: {  	[sflag:s17] =	ssyncset.done $0x0  }
0x2c2: {  	[sflag:s17] =	ssyncadd.s32 $0xFFFF8000  }
0x2c3: {  	v3 =	vld [tilespmem:$0x280];
	_ =	sdelay $0x4  }
0x2c4: {  	v8 =	vshll.u32 v3, $0x1  }
0x2c5: {  	v3 =	vand.u32 $0x7, v3;
	v4 =	vand.u32 $0xFFFFFFF0, v8  }
0x2c6: {  	v3 =	vor.u32 v3, v4  }
0x2c7: {  	v4 =	vperm.xlane v3, v0;
	_ =	sdelay $0x1  }
0x2c8: {  	v3 =	vperm.xlane v3, v2;
	v4 =	vadd.s32 v1, v4;
	_ =	sdelay $0x1  }
0x2c9: {  	v3 =	vadd.s32 v1, v3;
	_ =	sdelay $0x2  }
0x2ca: {  	[tilespmem:s19], [sflag:$0x3] =	stream.indirect_vreg.gather [hbm4b:s2+s3], $0x80, v4, vm0, $0xb8;
	[tilespmem:$0x18D00] =	vst v63  }
0x2cb: {  	s13 =	simm.s32 $0x11500  }
0x2cc: {  	[tilespmem:s13], [sflag:$0x3] =	stream.indirect_vreg.gather [hbm4b:s2+s3], $0x80, v3, vm0, $0xb8;
	[tilespmem:$0x18D00] =	vst v63  }
0x2cd: {  	v3 =	vld [tilespmem:$0x290];
	_ =	sdelay $0x4  }
0x2ce: {  	v9 =	vshll.u32 v3, $0x1  }
0x2cf: {  	v3 =	vand.u32 $0x7, v3;
	v4 =	vand.u32 $0xFFFFFFF0, v9  }
0x2d0: {  	v3 =	vor.u32 v3, v4  }
0x2d1: {  	v4 =	vperm.xlane v3, v0;
	_ =	sdelay $0x1  }
0x2d2: {  	v3 =	vperm.xlane v3, v2;
	v4 =	vadd.s32 v1, v4;
	_ =	sdelay $0x1  }
0x2d3: {  	v3 =	vadd.s32 v1, v3;
	_ =	sdelay $0x1  }
0x2d4: {  	s22 =	simm.s32 $0x11D00  }
0x2d5: {  	[tilespmem:s22], [sflag:$0x3] =	stream.indirect_vreg.gather [hbm4b:s2+s3], $0x80, v4, vm0, $0xb8;
	[tilespmem:$0x18D00] =	vst v63  }
0x2d6: {  	s19 =	simm.s32 $0x12500  }
0x2d7: {  	[tilespmem:s19], [sflag:$0x3] =	stream.indirect_vreg.gather [hbm4b:s2+s3], $0x80, v3, vm0, $0xb8;
	[tilespmem:$0x18D00] =	vst v63  }
0x2d8: {  	v3 =	vld [tilespmem:$0x2A0];
	_ =	sdelay $0x4  }
0x2d9: {  	v10 =	vshll.u32 v3, $0x1  }
0x2da: {  	v3 =	vand.u32 $0x7, v3;
	v4 =	vand.u32 $0xFFFFFFF0, v10  }
0x2db: {  	v3 =	vor.u32 v3, v4  }
0x2dc: {  	v4 =	vperm.xlane v3, v0;
	_ =	sdelay $0x1  }
0x2dd: {  	v3 =	vperm.xlane v3, v2;
	v4 =	vadd.s32 v1, v4;
	_ =	sdelay $0x1  }
0x2de: {  	v3 =	vadd.s32 v1, v3;
	_ =	sdelay $0x1  }
0x2df: {  	s13 =	simm.s32 $0x12D00  }
0x2e0: {  	[tilespmem:s13], [sflag:$0x3] =	stream.indirect_vreg.gather [hbm4b:s2+s3], $0x80, v4, vm0, $0xb8;
	[tilespmem:$0x18D00] =	vst v63  }
0x2e1: {  	s20 =	simm.s32 $0x13500  }
0x2e2: {  	[tilespmem:s20], [sflag:$0x3] =	stream.indirect_vreg.gather [hbm4b:s2+s3], $0x80, v3, vm0, $0xb8;
	[tilespmem:$0x18D00] =	vst v63  }
0x2e3: {  	v3 =	vld [tilespmem:$0x2B0];
	_ =	sdelay $0x4  }
0x2e4: {  	v11 =	vshll.u32 v3, $0x1  }
0x2e5: {  	v3 =	vand.u32 $0x7, v3;
	v4 =	vand.u32 $0xFFFFFFF0, v11  }
0x2e6: {  	v3 =	vor.u32 v3, v4  }
0x2e7: {  	v4 =	vperm.xlane v3, v0;
	_ =	sdelay $0x1  }
0x2e8: {  	v3 =	vperm.xlane v3, v2;
	v4 =	vadd.s32 v1, v4;
	_ =	sdelay $0x1  }
0x2e9: {  	v3 =	vadd.s32 v1, v3;
	_ =	sdelay $0x1  }
0x2ea: {  	s10 =	simm.s32 $0x13D00  }
0x2eb: {  	[tilespmem:s10], [sflag:$0x3] =	stream.indirect_vreg.gather [hbm4b:s2+s3], $0x80, v4, vm0, $0xb8;
	[tilespmem:$0x18D00] =	vst v63  }
0x2ec: {  	s12 =	simm.s32 $0x14500  }
0x2ed: {  	[tilespmem:s12], [sflag:$0x3] =	stream.indirect_vreg.gather [hbm4b:s2+s3], $0x80, v3, vm0, $0xb8;
	[tilespmem:$0x18D00] =	vst v63  }
0x2ee: {  	v3 =	vld [tilespmem:$0x2C0];
	_ =	sdelay $0x4  }
0x2ef: {  	v12 =	vshll.u32 v3, $0x1  }
0x2f0: {  	v3 =	vand.u32 $0x7, v3;
	v4 =	vand.u32 $0xFFFFFFF0, v12  }
0x2f1: {  	v3 =	vor.u32 v3, v4  }
0x2f2: {  	v4 =	vperm.xlane v3, v0;
	_ =	sdelay $0x1  }
0x2f3: {  	v3 =	vperm.xlane v3, v2;
	v4 =	vadd.s32 v1, v4;
	_ =	sdelay $0x1  }
0x2f4: {  	v3 =	vadd.s32 v1, v3;
	_ =	sdelay $0x1  }
0x2f5: {  	s31 =	simm.s32 $0x14D00  }
0x2f6: {  	[tilespmem:s31], [sflag:$0x3] =	stream.indirect_vreg.gather [hbm4b:s2+s3], $0x80, v4, vm0, $0xb8;
	[tilespmem:$0x18D00] =	vst v63  }
0x2f7: {  	s14 =	simm.s32 $0x15500  }
0x2f8: {  	[tilespmem:s14], [sflag:$0x3] =	stream.indirect_vreg.gather [hbm4b:s2+s3], $0x80, v3, vm0, $0xb8;
	[tilespmem:$0x18D00] =	vst v63  }
0x2f9: {  	v3 =	vld [tilespmem:$0x2D0];
	_ =	sdelay $0x4  }
0x2fa: {  	v13 =	vshll.u32 v3, $0x1  }
0x2fb: {  	v3 =	vand.u32 $0x7, v3;
	v4 =	vand.u32 $0xFFFFFFF0, v13  }
0x2fc: {  	v3 =	vor.u32 v3, v4  }
0x2fd: {  	v4 =	vperm.xlane v3, v0;
	_ =	sdelay $0x1  }
0x2fe: {  	v3 =	vperm.xlane v3, v2;
	v4 =	vadd.s32 v1, v4;
	_ =	sdelay $0x1  }
0x2ff: {  	v3 =	vadd.s32 v1, v3;
	_ =	sdelay $0x1  }
0x300: {  	s19 =	simm.s32 $0x15D00  }
0x301: {  	[tilespmem:s19], [sflag:$0x3] =	stream.indirect_vreg.gather [hbm4b:s2+s3], $0x80, v4, vm0, $0xb8;
	[tilespmem:$0x18D00] =	vst v63  }
0x302: {  	s20 =	simm.s32 $0x16500  }
0x303: {  	[tilespmem:s20], [sflag:$0x3] =	stream.indirect_vreg.gather [hbm4b:s2+s3], $0x80, v3, vm0, $0xb8;
	[tilespmem:$0x18D00] =	vst v63  }
0x304: {  	v3 =	vld [tilespmem:$0x2E0];
	_ =	sdelay $0x4  }
0x305: {  	v14 =	vshll.u32 v3, $0x1  }
0x306: {  	v3 =	vand.u32 $0x7, v3;
	v4 =	vand.u32 $0xFFFFFFF0, v14  }
0x307: {  	v3 =	vor.u32 v3, v4  }
0x308: {  	v4 =	vperm.xlane v3, v0;
	_ =	sdelay $0x1  }
0x309: {  	v3 =	vperm.xlane v3, v2;
	v4 =	vadd.s32 v1, v4;
	_ =	sdelay $0x1  }
0x30a: {  	v3 =	vadd.s32 v1, v3;
	_ =	sdelay $0x1  }
0x30b: {  	s31 =	simm.s32 $0x16D00  }
0x30c: {  	[tilespmem:s31], [sflag:$0x3] =	stream.indirect_vreg.gather [hbm4b:s2+s3], $0x80, v4, vm0, $0xb8;
	[tilespmem:$0x18D00] =	vst v63  }
0x30d: {  	s10 =	simm.s32 $0x17500  }
0x30e: {  	[tilespmem:s10], [sflag:$0x3] =	stream.indirect_vreg.gather [hbm4b:s2+s3], $0x80, v3, vm0, $0xb8;
	[tilespmem:$0x18D00] =	vst v63  }
0x30f: {  	v3 =	vld [tilespmem:$0x2F0];
	_ =	sdelay $0x4  }
0x310: {  	v15 =	vshll.u32 v3, $0x1  }
0x311: {  	v3 =	vand.u32 $0x7, v3;
	v4 =	vand.u32 $0xFFFFFFF0, v15  }
0x312: {  	v3 =	vor.u32 v3, v4  }
0x313: {  	v4 =	vperm.xlane v3, v0;
	_ =	sdelay $0x1  }
0x314: {  	v3 =	vperm.xlane v3, v2;
	v4 =	vadd.s32 v1, v4;
	_ =	sdelay $0x1  }
0x315: {  	v3 =	vadd.s32 v1, v3;
	_ =	sdelay $0x1  }
0x316: {  	s12 =	simm.s32 $0x17D00  }
0x317: {  	[tilespmem:s12], [sflag:$0x3] =	stream.indirect_vreg.gather [hbm4b:s2+s3], $0x80, v4, vm0, $0xb8;
	[tilespmem:$0x18D00] =	vst v63  }
0x318: {  	s14 =	simm.s32 $0x18500  }
0x319: {  	[tilespmem:s14], [sflag:$0x3] =	stream.indirect_vreg.gather [hbm4b:s2+s3], $0x80, v3, vm0, $0xb8;
	[tilespmem:$0x18D00] =	vst v63  }
0x31a: {  	_ =	swait.ge [sflag:s15], $0x8000  }
0x31b: {  	s19 =	sld [smem:$0x7CE]  }
0x31c: {  	[sflag:s15] =	ssyncset.done $0x0  }
0x31d: {  	s31 =	simm.s32 $0x8D00;
	[sflag:s15] =	ssyncadd.s32 $0xFFFF8000  }
0x31e: {  	[hbm4b:s19+s3] =	stream.linear.scatter [tilespmem:s31], [sflag:$0x5], $0x8000, $0x38;
	[tilespmem:$0x18D00] =	vst v63  }
0x31f: {  	_ =	swait.ge [sflag:s16], $0x8000  }
0x320: {  	[sflag:s16] =	ssyncset.done $0x0  }
0x321: {  	[sflag:s16] =	ssyncadd.s32 $0xFFFF8000  }
0x322: {  	v3 =	vld [tilespmem:$0x300];
	_ =	sdelay $0x4  }
0x323: {  	v16 =	vshll.u32 v3, $0x1  }
0x324: {  	v3 =	vand.u32 $0x7, v3;
	v4 =	vand.u32 $0xFFFFFFF0, v16  }
0x325: {  	v3 =	vor.u32 v3, v4  }
0x326: {  	v4 =	vperm.xlane v3, v0;
	_ =	sdelay $0x1  }
0x327: {  	v3 =	vperm.xlane v3, v2;
	v4 =	vadd.s32 v1, v4;
	_ =	sdelay $0x1  }
0x328: {  	v3 =	vadd.s32 v1, v3;
	_ =	sdelay $0x2  }
0x329: {  	[tilespmem:s7], [sflag:$0x1] =	stream.indirect_vreg.gather [hbm4b:s2+s3], $0x80, v4, vm0, $0xb8;
	[tilespmem:$0x18D00] =	vst v63  }
0x32a: {  	s10 =	simm.s32 $0x1500  }
0x32b: {  	[tilespmem:s10], [sflag:$0x1] =	stream.indirect_vreg.gather [hbm4b:s2+s3], $0x80, v3, vm0, $0xb8;
	[tilespmem:$0x18D00] =	vst v63  }
0x32c: {  	v3 =	vld [tilespmem:$0x310];
	_ =	sdelay $0x4  }
0x32d: {  	v17 =	vshll.u32 v3, $0x1  }
0x32e: {  	v3 =	vand.u32 $0x7, v3;
	v4 =	vand.u32 $0xFFFFFFF0, v17  }
0x32f: {  	v3 =	vor.u32 v3, v4  }
0x330: {  	v4 =	vperm.xlane v3, v0;
	_ =	sdelay $0x1  }
0x331: {  	v3 =	vperm.xlane v3, v2;
	v4 =	vadd.s32 v1, v4;
	_ =	sdelay $0x1  }
0x332: {  	v3 =	vadd.s32 v1, v3;
	_ =	sdelay $0x1  }
0x333: {  	s19 =	simm.s32 $0x1D00  }
0x334: {  	[tilespmem:s19], [sflag:$0x1] =	stream.indirect_vreg.gather [hbm4b:s2+s3], $0x80, v4, vm0, $0xb8;
	[tilespmem:$0x18D00] =	vst v63  }
0x335: {  	s20 =	simm.s32 $0x2500  }
0x336: {  	[tilespmem:s20], [sflag:$0x1] =	stream.indirect_vreg.gather [hbm4b:s2+s3], $0x80, v3, vm0, $0xb8;
	[tilespmem:$0x18D00] =	vst v63  }
0x337: {  	v3 =	vld [tilespmem:$0x320];
	_ =	sdelay $0x4  }
0x338: {  	v18 =	vshll.u32 v3, $0x1  }
0x339: {  	v3 =	vand.u32 $0x7, v3;
	v4 =	vand.u32 $0xFFFFFFF0, v18  }
0x33a: {  	v3 =	vor.u32 v3, v4  }
0x33b: {  	v4 =	vperm.xlane v3, v0;
	_ =	sdelay $0x1  }
0x33c: {  	v3 =	vperm.xlane v3, v2;
	v4 =	vadd.s32 v1, v4;
	_ =	sdelay $0x1  }
0x33d: {  	v3 =	vadd.s32 v1, v3;
	_ =	sdelay $0x2  }
0x33e: {  	[tilespmem:s11], [sflag:$0x1] =	stream.indirect_vreg.gather [hbm4b:s2+s3], $0x80, v4, vm0, $0xb8;
	[tilespmem:$0x18D00] =	vst v63  }
0x33f: {  	s11 =	simm.s32 $0x3500  }
0x340: {  	[tilespmem:s11], [sflag:$0x1] =	stream.indirect_vreg.gather [hbm4b:s2+s3], $0x80, v3, vm0, $0xb8;
	[tilespmem:$0x18D00] =	vst v63  }
0x341: {  	v3 =	vld [tilespmem:$0x330];
	_ =	sdelay $0x4  }
0x342: {  	v19 =	vshll.u32 v3, $0x1  }
0x343: {  	v3 =	vand.u32 $0x7, v3;
	v4 =	vand.u32 $0xFFFFFFF0, v19  }
0x344: {  	v3 =	vor.u32 v3, v4  }
0x345: {  	v4 =	vperm.xlane v3, v0;
	_ =	sdelay $0x1  }
0x346: {  	v3 =	vperm.xlane v3, v2;
	v4 =	vadd.s32 v1, v4;
	_ =	sdelay $0x1  }
0x347: {  	v3 =	vadd.s32 v1, v3;
	_ =	sdelay $0x2  }
0x348: {  	[tilespmem:s26], [sflag:$0x1] =	stream.indirect_vreg.gather [hbm4b:s2+s3], $0x80, v4, vm0, $0xb8;
	[tilespmem:$0x18D00] =	vst v63  }
0x349: {  	s12 =	simm.s32 $0x4500  }
0x34a: {  	[tilespmem:s12], [sflag:$0x1] =	stream.indirect_vreg.gather [hbm4b:s2+s3], $0x80, v3, vm0, $0xb8;
	[tilespmem:$0x18D00] =	vst v63  }
0x34b: {  	v3 =	vld [tilespmem:$0x340];
	_ =	sdelay $0x4  }
0x34c: {  	v20 =	vshll.u32 v3, $0x1  }
0x34d: {  	v3 =	vand.u32 $0x7, v3;
	v4 =	vand.u32 $0xFFFFFFF0, v20  }
0x34e: {  	v3 =	vor.u32 v3, v4  }
0x34f: {  	v4 =	vperm.xlane v3, v0;
	_ =	sdelay $0x1  }
0x350: {  	v3 =	vperm.xlane v3, v2;
	v4 =	vadd.s32 v1, v4;
	_ =	sdelay $0x1  }
0x351: {  	v3 =	vadd.s32 v1, v3;
	_ =	sdelay $0x2  }
0x352: {  	[tilespmem:s28], [sflag:$0x1] =	stream.indirect_vreg.gather [hbm4b:s2+s3], $0x80, v4, vm0, $0xb8;
	[tilespmem:$0x18D00] =	vst v63  }
0x353: {  	s14 =	simm.s32 $0x5500  }
0x354: {  	[tilespmem:s14], [sflag:$0x1] =	stream.indirect_vreg.gather [hbm4b:s2+s3], $0x80, v3, vm0, $0xb8;
	[tilespmem:$0x18D00] =	vst v63  }
0x355: {  	v3 =	vld [tilespmem:$0x350];
	_ =	sdelay $0x4  }
0x356: {  	v21 =	vshll.u32 v3, $0x1  }
0x357: {  	v3 =	vand.u32 $0x7, v3;
	v4 =	vand.u32 $0xFFFFFFF0, v21  }
0x358: {  	v3 =	vor.u32 v3, v4  }
0x359: {  	v4 =	vperm.xlane v3, v0;
	_ =	sdelay $0x1  }
0x35a: {  	v3 =	vperm.xlane v3, v2;
	v4 =	vadd.s32 v1, v4;
	_ =	sdelay $0x1  }
0x35b: {  	v3 =	vadd.s32 v1, v3;
	_ =	sdelay $0x2  }
0x35c: {  	[tilespmem:s29], [sflag:$0x1] =	stream.indirect_vreg.gather [hbm4b:s2+s3], $0x80, v4, vm0, $0xb8;
	[tilespmem:$0x18D00] =	vst v63  }
0x35d: {  	s19 =	simm.s32 $0x6500  }
0x35e: {  	[tilespmem:s19], [sflag:$0x1] =	stream.indirect_vreg.gather [hbm4b:s2+s3], $0x80, v3, vm0, $0xb8;
	[tilespmem:$0x18D00] =	vst v63  }
0x35f: {  	v3 =	vld [tilespmem:$0x360];
	_ =	sdelay $0x4  }
0x360: {  	v22 =	vshll.u32 v3, $0x1  }
0x361: {  	v3 =	vand.u32 $0x7, v3;
	v4 =	vand.u32 $0xFFFFFFF0, v22  }
0x362: {  	v3 =	vor.u32 v3, v4  }
0x363: {  	v4 =	vperm.xlane v3, v0;
	_ =	sdelay $0x1  }
0x364: {  	v3 =	vperm.xlane v3, v2;
	v4 =	vadd.s32 v1, v4;
	_ =	sdelay $0x1  }
0x365: {  	v3 =	vadd.s32 v1, v3;
	_ =	sdelay $0x2  }
0x366: {  	[tilespmem:s23], [sflag:$0x1] =	stream.indirect_vreg.gather [hbm4b:s2+s3], $0x80, v4, vm0, $0xb8;
	[tilespmem:$0x18D00] =	vst v63  }
0x367: {  	_ = 	snop  }
0x368: {  	[tilespmem:s5], [sflag:$0x1] =	stream.indirect_vreg.gather [hbm4b:s2+s3], $0x80, v3, vm0, $0xb8;
	[tilespmem:$0x18D00] =	vst v63  }
0x369: {  	v3 =	vld [tilespmem:$0x370];
	_ =	sdelay $0x4  }
0x36a: {  	v23 =	vshll.u32 v3, $0x1  }
0x36b: {  	v3 =	vand.u32 $0x7, v3;
	v4 =	vand.u32 $0xFFFFFFF0, v23  }
0x36c: {  	v3 =	vor.u32 v3, v4  }
0x36d: {  	v4 =	vperm.xlane v3, v0;
	_ =	sdelay $0x1  }
0x36e: {  	v3 =	vperm.xlane v3, v2;
	v4 =	vadd.s32 v1, v4;
	_ =	sdelay $0x1  }
0x36f: {  	v3 =	vadd.s32 v1, v3;
	_ =	sdelay $0x2  }
0x370: {  	[tilespmem:s25], [sflag:$0x1] =	stream.indirect_vreg.gather [hbm4b:s2+s3], $0x80, v4, vm0, $0xb8;
	[tilespmem:$0x18D00] =	vst v63  }
0x371: {  	_ = 	snop  }
0x372: {  	[tilespmem:s30], [sflag:$0x1] =	stream.indirect_vreg.gather [hbm4b:s2+s3], $0x80, v3, vm0, $0xb8;
	[tilespmem:$0x18D00] =	vst v63  }
0x373: {  	_ =	swait.ge [sflag:s0], $0x8000  }
0x374: {  	s23 =	sld [smem:$0x7CF]  }
0x375: {  	[sflag:s0] =	ssyncset.done $0x0  }
0x376: {  	s25 =	simm.s32 $0x10D00;
	[sflag:s0] =	ssyncadd.s32 $0xFFFF8000  }
0x377: {  	[hbm4b:s23+s3] =	stream.linear.scatter [tilespmem:s25], [sflag:$0x6], $0x8000, $0x38;
	[tilespmem:$0x18D00] =	vst v63  }
0x378: {  	_ =	swait.ge [sflag:s18], $0x8000  }
0x379: {  	[sflag:s18] =	ssyncset.done $0x0  }
0x37a: {  	[sflag:s18] =	ssyncadd.s32 $0xFFFF8000  }
0x37b: {  	v3 =	vld [tilespmem:$0x380];
	_ =	sdelay $0x4  }
0x37c: {  	v24 =	vshll.u32 v3, $0x1  }
0x37d: {  	v3 =	vand.u32 $0x7, v3;
	v4 =	vand.u32 $0xFFFFFFF0, v24  }
0x37e: {  	v3 =	vor.u32 v3, v4  }
0x37f: {  	v4 =	vperm.xlane v3, v0;
	_ =	sdelay $0x1  }
0x380: {  	v3 =	vperm.xlane v3, v2;
	v4 =	vadd.s32 v1, v4;
	_ =	sdelay $0x1  }
0x381: {  	v3 =	vadd.s32 v1, v3;
	_ =	sdelay $0x2  }
0x382: {  	[tilespmem:s31], [sflag:$0x2] =	stream.indirect_vreg.gather [hbm4b:s2+s3], $0x80, v4, vm0, $0xb8;
	[tilespmem:$0x18D00] =	vst v63  }
0x383: {  	s30 =	simm.s32 $0x9500  }
0x384: {  	[tilespmem:s30], [sflag:$0x2] =	stream.indirect_vreg.gather [hbm4b:s2+s3], $0x80, v3, vm0, $0xb8;
	[tilespmem:$0x18D00] =	vst v63  }
0x385: {  	v3 =	vld [tilespmem:$0x390];
	_ =	sdelay $0x4  }
0x386: {  	v25 =	vshll.u32 v3, $0x1  }
0x387: {  	v3 =	vand.u32 $0x7, v3;
	v4 =	vand.u32 $0xFFFFFFF0, v25  }
0x388: {  	v3 =	vor.u32 v3, v4  }
0x389: {  	v4 =	vperm.xlane v3, v0;
	_ =	sdelay $0x1  }
0x38a: {  	v3 =	vperm.xlane v3, v2;
	v4 =	vadd.s32 v1, v4;
	_ =	sdelay $0x1  }
0x38b: {  	v3 =	vadd.s32 v1, v3;
	_ =	sdelay $0x2  }
0x38c: {  	[tilespmem:s21], [sflag:$0x2] =	stream.indirect_vreg.gather [hbm4b:s2+s3], $0x80, v4, vm0, $0xb8;
	[tilespmem:$0x18D00] =	vst v63  }
0x38d: {  	s1 =	simm.s32 $0xA500  }
0x38e: {  	[tilespmem:s1], [sflag:$0x2] =	stream.indirect_vreg.gather [hbm4b:s2+s3], $0x80, v3, vm0, $0xb8;
	[tilespmem:$0x18D00] =	vst v63  }
0x38f: {  	v3 =	vld [tilespmem:$0x3A0];
	_ =	sdelay $0x4  }
0x390: {  	v26 =	vshll.u32 v3, $0x1  }
0x391: {  	v3 =	vand.u32 $0x7, v3;
	v4 =	vand.u32 $0xFFFFFFF0, v26  }
0x392: {  	v3 =	vor.u32 v3, v4  }
0x393: {  	v4 =	vperm.xlane v3, v0;
	_ =	sdelay $0x1  }
0x394: {  	v3 =	vperm.xlane v3, v2;
	v4 =	vadd.s32 v1, v4;
	_ =	sdelay $0x1  }
0x395: {  	v3 =	vadd.s32 v1, v3;
	_ =	sdelay $0x2  }
0x396: {  	[tilespmem:s24], [sflag:$0x2] =	stream.indirect_vreg.gather [hbm4b:s2+s3], $0x80, v4, vm0, $0xb8;
	[tilespmem:$0x18D00] =	vst v63  }
0x397: {  	s31 =	simm.s32 $0xB500  }
0x398: {  	[tilespmem:s31], [sflag:$0x2] =	stream.indirect_vreg.gather [hbm4b:s2+s3], $0x80, v3, vm0, $0xb8;
	[tilespmem:$0x18D00] =	vst v63  }
0x399: {  	v3 =	vld [tilespmem:$0x3B0];
	_ =	sdelay $0x4  }
0x39a: {  	v27 =	vshll.u32 v3, $0x1  }
0x39b: {  	v3 =	vand.u32 $0x7, v3;
	v4 =	vand.u32 $0xFFFFFFF0, v27  }
0x39c: {  	v3 =	vor.u32 v3, v4  }
0x39d: {  	v4 =	vperm.xlane v3, v0;
	_ =	sdelay $0x1  }
0x39e: {  	v3 =	vperm.xlane v3, v2;
	v4 =	vadd.s32 v1, v4;
	_ =	sdelay $0x1  }
0x39f: {  	v3 =	vadd.s32 v1, v3;
	_ =	sdelay $0x1  }
0x3a0: {  	s7 =	simm.s32 $0xBD00  }
0x3a1: {  	[tilespmem:s7], [sflag:$0x2] =	stream.indirect_vreg.gather [hbm4b:s2+s3], $0x80, v4, vm0, $0xb8;
	[tilespmem:$0x18D00] =	vst v63  }
0x3a2: {  	s5 =	simm.s32 $0xC500  }
0x3a3: {  	[tilespmem:s5], [sflag:$0x2] =	stream.indirect_vreg.gather [hbm4b:s2+s3], $0x80, v3, vm0, $0xb8;
	[tilespmem:$0x18D00] =	vst v63  }
0x3a4: {  	v3 =	vld [tilespmem:$0x3C0];
	_ =	sdelay $0x4  }
0x3a5: {  	v28 =	vshll.u32 v3, $0x1  }
0x3a6: {  	v3 =	vand.u32 $0x7, v3;
	v4 =	vand.u32 $0xFFFFFFF0, v28  }
0x3a7: {  	v3 =	vor.u32 v3, v4  }
0x3a8: {  	v4 =	vperm.xlane v3, v0;
	_ =	sdelay $0x1  }
0x3a9: {  	v3 =	vperm.xlane v3, v2;
	v4 =	vadd.s32 v1, v4;
	_ =	sdelay $0x1  }
0x3aa: {  	v3 =	vadd.s32 v1, v3;
	_ =	sdelay $0x1  }
0x3ab: {  	s20 =	simm.s32 $0xCD00  }
0x3ac: {  	[tilespmem:s20], [sflag:$0x2] =	stream.indirect_vreg.gather [hbm4b:s2+s3], $0x80, v4, vm0, $0xb8;
	[tilespmem:$0x18D00] =	vst v63  }
0x3ad: {  	s7 =	simm.s32 $0xD500  }
0x3ae: {  	[tilespmem:s7], [sflag:$0x2] =	stream.indirect_vreg.gather [hbm4b:s2+s3], $0x80, v3, vm0, $0xb8;
	[tilespmem:$0x18D00] =	vst v63  }
0x3af: {  	v3 =	vld [tilespmem:$0x3D0];
	_ =	sdelay $0x4  }
0x3b0: {  	v29 =	vshll.u32 v3, $0x1  }
0x3b1: {  	v3 =	vand.u32 $0x7, v3;
	v4 =	vand.u32 $0xFFFFFFF0, v29  }
0x3b2: {  	v3 =	vor.u32 v3, v4  }
0x3b3: {  	v4 =	vperm.xlane v3, v0;
	_ =	sdelay $0x1  }
0x3b4: {  	v3 =	vperm.xlane v3, v2;
	v4 =	vadd.s32 v1, v4;
	_ =	sdelay $0x1  }
0x3b5: {  	v3 =	vadd.s32 v1, v3;
	_ =	sdelay $0x2  }
0x3b6: {  	[tilespmem:s8], [sflag:$0x2] =	stream.indirect_vreg.gather [hbm4b:s2+s3], $0x80, v4, vm0, $0xb8;
	[tilespmem:$0x18D00] =	vst v63  }
0x3b7: {  	s8 =	simm.s32 $0xE500  }
0x3b8: {  	[tilespmem:s8], [sflag:$0x2] =	stream.indirect_vreg.gather [hbm4b:s2+s3], $0x80, v3, vm0, $0xb8;
	[tilespmem:$0x18D00] =	vst v63  }
0x3b9: {  	v3 =	vld [tilespmem:$0x3E0];
	_ =	sdelay $0x4  }
0x3ba: {  	v30 =	vshll.u32 v3, $0x1  }
0x3bb: {  	v3 =	vand.u32 $0x7, v3;
	v4 =	vand.u32 $0xFFFFFFF0, v30  }
0x3bc: {  	v3 =	vor.u32 v3, v4  }
0x3bd: {  	v4 =	vperm.xlane v3, v0;
	_ =	sdelay $0x1  }
0x3be: {  	v3 =	vperm.xlane v3, v2;
	v4 =	vadd.s32 v1, v4;
	_ =	sdelay $0x1  }
0x3bf: {  	v3 =	vadd.s32 v1, v3;
	_ =	sdelay $0x2  }
0x3c0: {  	[tilespmem:s9], [sflag:$0x2] =	stream.indirect_vreg.gather [hbm4b:s2+s3], $0x80, v4, vm0, $0xb8;
	[tilespmem:$0x18D00] =	vst v63  }
0x3c1: {  	s21 =	simm.s32 $0xF500  }
0x3c2: {  	[tilespmem:s21], [sflag:$0x2] =	stream.indirect_vreg.gather [hbm4b:s2+s3], $0x80, v3, vm0, $0xb8;
	[tilespmem:$0x18D00] =	vst v63  }
0x3c3: {  	v3 =	vld [tilespmem:$0x3F0];
	_ =	sdelay $0x4  }
0x3c4: {  	v31 =	vshll.u32 v3, $0x1  }
0x3c5: {  	v3 =	vand.u32 $0x7, v3;
	v4 =	vand.u32 $0xFFFFFFF0, v31  }
0x3c6: {  	v3 =	vor.u32 v3, v4  }
0x3c7: {  	v4 =	vperm.xlane v3, v0;
	_ =	sdelay $0x1  }
0x3c8: {  	v3 =	vperm.xlane v3, v2;
	v4 =	vadd.s32 v1, v4;
	_ =	sdelay $0x1  }
0x3c9: {  	v3 =	vadd.s32 v1, v3;
	_ =	sdelay $0x1  }
0x3ca: {  	s23 =	simm.s32 $0xFD00  }
0x3cb: {  	[tilespmem:s23], [sflag:$0x2] =	stream.indirect_vreg.gather [hbm4b:s2+s3], $0x80, v4, vm0, $0xb8;
	[tilespmem:$0x18D00] =	vst v63  }
0x3cc: {  	s9 =	simm.s32 $0x10500  }
0x3cd: {  	[tilespmem:s9], [sflag:$0x2] =	stream.indirect_vreg.gather [hbm4b:s2+s3], $0x80, v3, vm0, $0xb8;
	[tilespmem:$0x18D00] =	vst v63  }
0x3ce: {  	_ =	swait.ge [sflag:s4], $0x8000  }
0x3cf: {  	s24 =	sld [smem:$0x7D0]  }
0x3d0: {  	[sflag:s4] =	ssyncset.done $0x0  }
0x3d1: {  	s26 =	simm.s32 $0xD00;
	[sflag:s4] =	ssyncadd.s32 $0xFFFF8000  }
0x3d2: {  	[hbm4b:s24+s3] =	stream.linear.scatter [tilespmem:s26], [sflag:$0x4], $0x8000, $0x38;
	[tilespmem:$0x18D00] =	vst v63  }
0x3d3: {  	_ =	swait.ge [sflag:s17], $0x8000  }
0x3d4: {  	[sflag:s17] =	ssyncset.done $0x0  }
0x3d5: {  	[sflag:s17] =	ssyncadd.s32 $0xFFFF8000  }
0x3d6: {  	v3 =	vld [tilespmem:$0x400];
	_ =	sdelay $0x4  }
0x3d7: {  	v32 =	vshll.u32 v3, $0x1  }
0x3d8: {  	v3 =	vand.u32 $0x7, v3;
	v4 =	vand.u32 $0xFFFFFFF0, v32  }
0x3d9: {  	v3 =	vor.u32 v3, v4  }
0x3da: {  	v4 =	vperm.xlane v3, v0;
	_ =	sdelay $0x1  }
0x3db: {  	v3 =	vperm.xlane v3, v2;
	v4 =	vadd.s32 v1, v4;
	_ =	sdelay $0x1  }
0x3dc: {  	v3 =	vadd.s32 v1, v3;
	_ =	sdelay $0x2  }
0x3dd: {  	[tilespmem:s25], [sflag:$0x3] =	stream.indirect_vreg.gather [hbm4b:s2+s3], $0x80, v4, vm0, $0xb8;
	[tilespmem:$0x18D00] =	vst v63  }
0x3de: {  	s25 =	simm.s32 $0x11500  }
0x3df: {  	[tilespmem:s25], [sflag:$0x3] =	stream.indirect_vreg.gather [hbm4b:s2+s3], $0x80, v3, vm0, $0xb8;
	[tilespmem:$0x18D00] =	vst v63  }
0x3e0: {  	v3 =	vld [tilespmem:$0x410];
	_ =	sdelay $0x4  }
0x3e1: {  	v33 =	vshll.u32 v3, $0x1  }
0x3e2: {  	v3 =	vand.u32 $0x7, v3;
	v4 =	vand.u32 $0xFFFFFFF0, v33  }
0x3e3: {  	v3 =	vor.u32 v3, v4  }
0x3e4: {  	v4 =	vperm.xlane v3, v0;
	_ =	sdelay $0x1  }
0x3e5: {  	v3 =	vperm.xlane v3, v2;
	v4 =	vadd.s32 v1, v4;
	_ =	sdelay $0x1  }
0x3e6: {  	v3 =	vadd.s32 v1, v3;
	_ =	sdelay $0x2  }
0x3e7: {  	[tilespmem:s22], [sflag:$0x3] =	stream.indirect_vreg.gather [hbm4b:s2+s3], $0x80, v4, vm0, $0xb8;
	[tilespmem:$0x18D00] =	vst v63  }
0x3e8: {  	s28 =	simm.s32 $0x12500  }
0x3e9: {  	[tilespmem:s28], [sflag:$0x3] =	stream.indirect_vreg.gather [hbm4b:s2+s3], $0x80, v3, vm0, $0xb8;
	[tilespmem:$0x18D00] =	vst v63  }
0x3ea: {  	v3 =	vld [tilespmem:$0x420];
	_ =	sdelay $0x4  }
0x3eb: {  	v34 =	vshll.u32 v3, $0x1  }
0x3ec: {  	v3 =	vand.u32 $0x7, v3;
	v4 =	vand.u32 $0xFFFFFFF0, v34  }
0x3ed: {  	v3 =	vor.u32 v3, v4  }
0x3ee: {  	v4 =	vperm.xlane v3, v0;
	_ =	sdelay $0x1  }
0x3ef: {  	v3 =	vperm.xlane v3, v2;
	v4 =	vadd.s32 v1, v4;
	_ =	sdelay $0x1  }
0x3f0: {  	v3 =	vadd.s32 v1, v3;
	_ =	sdelay $0x2  }
0x3f1: {  	[tilespmem:s13], [sflag:$0x3] =	stream.indirect_vreg.gather [hbm4b:s2+s3], $0x80, v4, vm0, $0xb8;
	[tilespmem:$0x18D00] =	vst v63  }
0x3f2: {  	s20 =	simm.s32 $0x13500  }
0x3f3: {  	[tilespmem:s20], [sflag:$0x3] =	stream.indirect_vreg.gather [hbm4b:s2+s3], $0x80, v3, vm0, $0xb8;
	[tilespmem:$0x18D00] =	vst v63  }
0x3f4: {  	v3 =	vld [tilespmem:$0x430];
	_ =	sdelay $0x4  }
0x3f5: {  	v35 =	vshll.u32 v3, $0x1  }
0x3f6: {  	v3 =	vand.u32 $0x7, v3;
	v4 =	vand.u32 $0xFFFFFFF0, v35  }
0x3f7: {  	v3 =	vor.u32 v3, v4  }
0x3f8: {  	v4 =	vperm.xlane v3, v0;
	_ =	sdelay $0x1  }
0x3f9: {  	v3 =	vperm.xlane v3, v2;
	v4 =	vadd.s32 v1, v4;
	_ =	sdelay $0x1  }
0x3fa: {  	v3 =	vadd.s32 v1, v3;
	_ =	sdelay $0x1  }
0x3fb: {  	s21 =	simm.s32 $0x13D00  }
0x3fc: {  	[tilespmem:s21], [sflag:$0x3] =	stream.indirect_vreg.gather [hbm4b:s2+s3], $0x80, v4, vm0, $0xb8;
	[tilespmem:$0x18D00] =	vst v63  }
0x3fd: {  	s22 =	simm.s32 $0x14500  }
0x3fe: {  	[tilespmem:s22], [sflag:$0x3] =	stream.indirect_vreg.gather [hbm4b:s2+s3], $0x80, v3, vm0, $0xb8;
	[tilespmem:$0x18D00] =	vst v63  }
0x3ff: {  	v3 =	vld [tilespmem:$0x440];
	_ =	sdelay $0x4  }
0x400: {  	v36 =	vshll.u32 v3, $0x1  }
0x401: {  	v3 =	vand.u32 $0x7, v3;
	v4 =	vand.u32 $0xFFFFFFF0, v36  }
0x402: {  	v3 =	vor.u32 v3, v4  }
0x403: {  	v4 =	vperm.xlane v3, v0;
	_ =	sdelay $0x1  }
0x404: {  	v3 =	vperm.xlane v3, v2;
	v4 =	vadd.s32 v1, v4;
	_ =	sdelay $0x1  }
0x405: {  	v3 =	vadd.s32 v1, v3;
	_ =	sdelay $0x1  }
0x406: {  	s24 =	simm.s32 $0x14D00  }
0x407: {  	[tilespmem:s24], [sflag:$0x3] =	stream.indirect_vreg.gather [hbm4b:s2+s3], $0x80, v4, vm0, $0xb8;
	[tilespmem:$0x18D00] =	vst v63  }
0x408: {  	s23 =	simm.s32 $0x15500  }
0x409: {  	[tilespmem:s23], [sflag:$0x3] =	stream.indirect_vreg.gather [hbm4b:s2+s3], $0x80, v3, vm0, $0xb8;
	[tilespmem:$0x18D00] =	vst v63  }
0x40a: {  	v3 =	vld [tilespmem:$0x450];
	_ =	sdelay $0x4  }
0x40b: {  	v37 =	vshll.u32 v3, $0x1  }
0x40c: {  	v3 =	vand.u32 $0x7, v3;
	v4 =	vand.u32 $0xFFFFFFF0, v37  }
0x40d: {  	v3 =	vor.u32 v3, v4  }
0x40e: {  	v4 =	vperm.xlane v3, v0;
	_ =	sdelay $0x1  }
0x40f: {  	v3 =	vperm.xlane v3, v2;
	v4 =	vadd.s32 v1, v4;
	_ =	sdelay $0x1  }
0x410: {  	v3 =	vadd.s32 v1, v3;
	_ =	sdelay $0x1  }
0x411: {  	s21 =	simm.s32 $0x15D00  }
0x412: {  	[tilespmem:s21], [sflag:$0x3] =	stream.indirect_vreg.gather [hbm4b:s2+s3], $0x80, v4, vm0, $0xb8;
	[tilespmem:$0x18D00] =	vst v63  }
0x413: {  	s25 =	simm.s32 $0x16500  }
0x414: {  	[tilespmem:s25], [sflag:$0x3] =	stream.indirect_vreg.gather [hbm4b:s2+s3], $0x80, v3, vm0, $0xb8;
	[tilespmem:$0x18D00] =	vst v63  }
0x415: {  	v3 =	vld [tilespmem:$0x460];
	_ =	sdelay $0x4  }
0x416: {  	v38 =	vshll.u32 v3, $0x1  }
0x417: {  	v3 =	vand.u32 $0x7, v3;
	v4 =	vand.u32 $0xFFFFFFF0, v38  }
0x418: {  	v3 =	vor.u32 v3, v4  }
0x419: {  	v4 =	vperm.xlane v3, v0;
	_ =	sdelay $0x1  }
0x41a: {  	v3 =	vperm.xlane v3, v2;
	v4 =	vadd.s32 v1, v4;
	_ =	sdelay $0x1  }
0x41b: {  	v3 =	vadd.s32 v1, v3;
	_ =	sdelay $0x1  }
0x41c: {  	s22 =	simm.s32 $0x16D00  }
0x41d: {  	[tilespmem:s22], [sflag:$0x3] =	stream.indirect_vreg.gather [hbm4b:s2+s3], $0x80, v4, vm0, $0xb8;
	[tilespmem:$0x18D00] =	vst v63  }
0x41e: {  	s28 =	simm.s32 $0x17500  }
0x41f: {  	[tilespmem:s28], [sflag:$0x3] =	stream.indirect_vreg.gather [hbm4b:s2+s3], $0x80, v3, vm0, $0xb8;
	[tilespmem:$0x18D00] =	vst v63  }
0x420: {  	v3 =	vld [tilespmem:$0x470];
	_ =	sdelay $0x4  }
0x421: {  	v39 =	vshll.u32 v3, $0x1  }
0x422: {  	v3 =	vand.u32 $0x7, v3;
	v4 =	vand.u32 $0xFFFFFFF0, v39  }
0x423: {  	v3 =	vor.u32 v3, v4  }
0x424: {  	v4 =	vperm.xlane v3, v0;
	_ =	sdelay $0x1  }
0x425: {  	v3 =	vperm.xlane v3, v2;
	v4 =	vadd.s32 v1, v4;
	_ =	sdelay $0x1  }
0x426: {  	v3 =	vadd.s32 v1, v3;
	_ =	sdelay $0x1  }
0x427: {  	s20 =	simm.s32 $0x17D00  }
0x428: {  	[tilespmem:s20], [sflag:$0x3] =	stream.indirect_vreg.gather [hbm4b:s2+s3], $0x80, v4, vm0, $0xb8;
	[tilespmem:$0x18D00] =	vst v63  }
0x429: {  	s23 =	simm.s32 $0x18500  }
0x42a: {  	[tilespmem:s23], [sflag:$0x3] =	stream.indirect_vreg.gather [hbm4b:s2+s3], $0x80, v3, vm0, $0xb8;
	[tilespmem:$0x18D00] =	vst v63  }
0x42b: {  	_ =	swait.ge [sflag:s15], $0x8000  }
0x42c: {  	s25 =	sld [smem:$0x7D1]  }
0x42d: {  	[sflag:s15] =	ssyncset.done $0x0  }
0x42e: {  	s13 =	simm.s32 $0x8D00;
	[sflag:s15] =	ssyncadd.s32 $0xFFFF8000  }
0x42f: {  	[hbm4b:s25+s3] =	stream.linear.scatter [tilespmem:s13], [sflag:$0x5], $0x8000, $0x38;
	[tilespmem:$0x18D00] =	vst v63  }
0x430: {  	_ =	swait.ge [sflag:s16], $0x8000  }
0x431: {  	[sflag:s16] =	ssyncset.done $0x0  }
0x432: {  	[sflag:s16] =	ssyncadd.s32 $0xFFFF8000  }
0x433: {  	v3 =	vld [tilespmem:$0x480];
	_ =	sdelay $0x4  }
0x434: {  	v40 =	vshll.u32 v3, $0x1  }
0x435: {  	v3 =	vand.u32 $0x7, v3;
	v4 =	vand.u32 $0xFFFFFFF0, v40  }
0x436: {  	v3 =	vor.u32 v3, v4  }
0x437: {  	v4 =	vperm.xlane v3, v0;
	_ =	sdelay $0x1  }
0x438: {  	v3 =	vperm.xlane v3, v2;
	v4 =	vadd.s32 v1, v4;
	_ =	sdelay $0x1  }
0x439: {  	v3 =	vadd.s32 v1, v3;
	_ =	sdelay $0x2  }
0x43a: {  	[tilespmem:s26], [sflag:$0x1] =	stream.indirect_vreg.gather [hbm4b:s2+s3], $0x80, v4, vm0, $0xb8;
	[tilespmem:$0x18D00] =	vst v63  }
0x43b: {  	_ = 	snop  }
0x43c: {  	[tilespmem:s10], [sflag:$0x1] =	stream.indirect_vreg.gather [hbm4b:s2+s3], $0x80, v3, vm0, $0xb8;
	[tilespmem:$0x18D00] =	vst v63  }
0x43d: {  	v3 =	vld [tilespmem:$0x490];
	_ =	sdelay $0x4  }
0x43e: {  	v41 =	vshll.u32 v3, $0x1  }
0x43f: {  	v3 =	vand.u32 $0x7, v3;
	v4 =	vand.u32 $0xFFFFFFF0, v41  }
0x440: {  	v3 =	vor.u32 v3, v4  }
0x441: {  	v4 =	vperm.xlane v3, v0;
	_ =	sdelay $0x1  }
0x442: {  	v3 =	vperm.xlane v3, v2;
	v4 =	vadd.s32 v1, v4;
	_ =	sdelay $0x1  }
0x443: {  	v3 =	vadd.s32 v1, v3;
	_ =	sdelay $0x1  }
0x444: {  	s26 =	simm.s32 $0x1D00  }
0x445: {  	[tilespmem:s26], [sflag:$0x1] =	stream.indirect_vreg.gather [hbm4b:s2+s3], $0x80, v4, vm0, $0xb8;
	[tilespmem:$0x18D00] =	vst v63  }
0x446: {  	s28 =	simm.s32 $0x2500  }
0x447: {  	[tilespmem:s28], [sflag:$0x1] =	stream.indirect_vreg.gather [hbm4b:s2+s3], $0x80, v3, vm0, $0xb8;
	[tilespmem:$0x18D00] =	vst v63  }
0x448: {  	v3 =	vld [tilespmem:$0x4A0];
	_ =	sdelay $0x4  }
0x449: {  	v42 =	vshll.u32 v3, $0x1  }
0x44a: {  	v3 =	vand.u32 $0x7, v3;
	v4 =	vand.u32 $0xFFFFFFF0, v42  }
0x44b: {  	v3 =	vor.u32 v3, v4  }
0x44c: {  	v4 =	vperm.xlane v3, v0;
	_ =	sdelay $0x1  }
0x44d: {  	v3 =	vperm.xlane v3, v2;
	v4 =	vadd.s32 v1, v4;
	_ =	sdelay $0x1  }
0x44e: {  	v3 =	vadd.s32 v1, v3;
	_ =	sdelay $0x1  }
0x44f: {  	s20 =	simm.s32 $0x2D00  }
0x450: {  	[tilespmem:s20], [sflag:$0x1] =	stream.indirect_vreg.gather [hbm4b:s2+s3], $0x80, v4, vm0, $0xb8;
	[tilespmem:$0x18D00] =	vst v63  }
0x451: {  	_ = 	snop  }
0x452: {  	[tilespmem:s11], [sflag:$0x1] =	stream.indirect_vreg.gather [hbm4b:s2+s3], $0x80, v3, vm0, $0xb8;
	[tilespmem:$0x18D00] =	vst v63  }
0x453: {  	v3 =	vld [tilespmem:$0x4B0];
	_ =	sdelay $0x4  }
0x454: {  	v43 =	vshll.u32 v3, $0x1  }
0x455: {  	v3 =	vand.u32 $0x7, v3;
	v4 =	vand.u32 $0xFFFFFFF0, v43  }
0x456: {  	v3 =	vor.u32 v3, v4  }
0x457: {  	v4 =	vperm.xlane v3, v0;
	_ =	sdelay $0x1  }
0x458: {  	v3 =	vperm.xlane v3, v2;
	v4 =	vadd.s32 v1, v4;
	_ =	sdelay $0x1  }
0x459: {  	v3 =	vadd.s32 v1, v3;
	_ =	sdelay $0x1  }
0x45a: {  	s26 =	simm.s32 $0x3D00  }
0x45b: {  	[tilespmem:s26], [sflag:$0x1] =	stream.indirect_vreg.gather [hbm4b:s2+s3], $0x80, v4, vm0, $0xb8;
	[tilespmem:$0x18D00] =	vst v63  }
0x45c: {  	_ = 	snop  }
0x45d: {  	[tilespmem:s12], [sflag:$0x1] =	stream.indirect_vreg.gather [hbm4b:s2+s3], $0x80, v3, vm0, $0xb8;
	[tilespmem:$0x18D00] =	vst v63  }
0x45e: {  	v3 =	vld [tilespmem:$0x4C0];
	_ =	sdelay $0x4  }
0x45f: {  	v44 =	vshll.u32 v3, $0x1  }
0x460: {  	v3 =	vand.u32 $0x7, v3;
	v4 =	vand.u32 $0xFFFFFFF0, v44  }
0x461: {  	v3 =	vor.u32 v3, v4  }
0x462: {  	v4 =	vperm.xlane v3, v0;
	_ =	sdelay $0x1  }
0x463: {  	v3 =	vperm.xlane v3, v2;
	v4 =	vadd.s32 v1, v4;
	_ =	sdelay $0x1  }
0x464: {  	v3 =	vadd.s32 v1, v3;
	_ =	sdelay $0x1  }
0x465: {  	s28 =	simm.s32 $0x4D00  }
0x466: {  	[tilespmem:s28], [sflag:$0x1] =	stream.indirect_vreg.gather [hbm4b:s2+s3], $0x80, v4, vm0, $0xb8;
	[tilespmem:$0x18D00] =	vst v63  }
0x467: {  	_ = 	snop  }
0x468: {  	[tilespmem:s14], [sflag:$0x1] =	stream.indirect_vreg.gather [hbm4b:s2+s3], $0x80, v3, vm0, $0xb8;
	[tilespmem:$0x18D00] =	vst v63  }
0x469: {  	v3 =	vld [tilespmem:$0x4D0];
	_ =	sdelay $0x4  }
0x46a: {  	v45 =	vshll.u32 v3, $0x1  }
0x46b: {  	v3 =	vand.u32 $0x7, v3;
	v4 =	vand.u32 $0xFFFFFFF0, v45  }
0x46c: {  	v3 =	vor.u32 v3, v4  }
0x46d: {  	v4 =	vperm.xlane v3, v0;
	_ =	sdelay $0x1  }
0x46e: {  	v3 =	vperm.xlane v3, v2;
	v4 =	vadd.s32 v1, v4;
	_ =	sdelay $0x1  }
0x46f: {  	v3 =	vadd.s32 v1, v3;
	_ =	sdelay $0x1  }
0x470: {  	s23 =	simm.s32 $0x5D00  }
0x471: {  	[tilespmem:s23], [sflag:$0x1] =	stream.indirect_vreg.gather [hbm4b:s2+s3], $0x80, v4, vm0, $0xb8;
	[tilespmem:$0x18D00] =	vst v63  }
0x472: {  	_ = 	snop  }
0x473: {  	[tilespmem:s19], [sflag:$0x1] =	stream.indirect_vreg.gather [hbm4b:s2+s3], $0x80, v3, vm0, $0xb8;
	[tilespmem:$0x18D00] =	vst v63  }
0x474: {  	v3 =	vld [tilespmem:$0x4E0];
	_ =	sdelay $0x4  }
0x475: {  	v46 =	vshll.u32 v3, $0x1  }
0x476: {  	v3 =	vand.u32 $0x7, v3;
	v4 =	vand.u32 $0xFFFFFFF0, v46  }
0x477: {  	v3 =	vor.u32 v3, v4  }
0x478: {  	v4 =	vperm.xlane v3, v0;
	_ =	sdelay $0x1  }
0x479: {  	v3 =	vperm.xlane v3, v2;
	v4 =	vadd.s32 v1, v4;
	_ =	sdelay $0x1  }
0x47a: {  	v3 =	vadd.s32 v1, v3;
	_ =	sdelay $0x1  }
0x47b: {  	s25 =	simm.s32 $0x6D00  }
0x47c: {  	[tilespmem:s25], [sflag:$0x1] =	stream.indirect_vreg.gather [hbm4b:s2+s3], $0x80, v4, vm0, $0xb8;
	[tilespmem:$0x18D00] =	vst v63  }
0x47d: {  	s29 =	simm.s32 $0x7500  }
0x47e: {  	[tilespmem:s29], [sflag:$0x1] =	stream.indirect_vreg.gather [hbm4b:s2+s3], $0x80, v3, vm0, $0xb8;
	[tilespmem:$0x18D00] =	vst v63  }
0x47f: {  	v3 =	vld [tilespmem:$0x4F0];
	_ =	sdelay $0x4  }
0x480: {  	v47 =	vshll.u32 v3, $0x1  }
0x481: {  	v3 =	vand.u32 $0x7, v3;
	v4 =	vand.u32 $0xFFFFFFF0, v47  }
0x482: {  	v3 =	vor.u32 v3, v4  }
0x483: {  	v4 =	vperm.xlane v3, v0;
	_ =	sdelay $0x1  }
0x484: {  	v3 =	vperm.xlane v3, v2;
	v4 =	vadd.s32 v1, v4;
	_ =	sdelay $0x1  }
0x485: {  	v3 =	vadd.s32 v1, v3;
	_ =	sdelay $0x1  }
0x486: {  	s29 =	simm.s32 $0x7D00  }
0x487: {  	[tilespmem:s29], [sflag:$0x1] =	stream.indirect_vreg.gather [hbm4b:s2+s3], $0x80, v4, vm0, $0xb8;
	[tilespmem:$0x18D00] =	vst v63  }
0x488: {  	s25 =	simm.s32 $0x8500  }
0x489: {  	[tilespmem:s25], [sflag:$0x1] =	stream.indirect_vreg.gather [hbm4b:s2+s3], $0x80, v3, vm0, $0xb8;
	[tilespmem:$0x18D00] =	vst v63  }
0x48a: {  	_ =	swait.ge [sflag:s0], $0x8000  }
0x48b: {  	s11 =	sld [smem:$0x7D2]  }
0x48c: {  	[sflag:s0] =	ssyncset.done $0x0  }
0x48d: {  	s12 =	simm.s32 $0x10D00;
	[sflag:s0] =	ssyncadd.s32 $0xFFFF8000  }
0x48e: {  	[hbm4b:s11+s3] =	stream.linear.scatter [tilespmem:s12], [sflag:$0x6], $0x8000, $0x38;
	[tilespmem:$0x18D00] =	vst v63  }
0x48f: {  	_ =	swait.ge [sflag:s18], $0x8000  }
0x490: {  	[sflag:s18] =	ssyncset.done $0x0  }
0x491: {  	[sflag:s18] =	ssyncadd.s32 $0xFFFF8000  }
0x492: {  	v3 =	vld [tilespmem:$0x500];
	_ =	sdelay $0x4  }
0x493: {  	v48 =	vshll.u32 v3, $0x1  }
0x494: {  	v3 =	vand.u32 $0x7, v3;
	v4 =	vand.u32 $0xFFFFFFF0, v48  }
0x495: {  	v3 =	vor.u32 v3, v4  }
0x496: {  	v4 =	vperm.xlane v3, v0;
	_ =	sdelay $0x1  }
0x497: {  	v3 =	vperm.xlane v3, v2;
	v4 =	vadd.s32 v1, v4;
	_ =	sdelay $0x1  }
0x498: {  	v3 =	vadd.s32 v1, v3;
	_ =	sdelay $0x2  }
0x499: {  	[tilespmem:s13], [sflag:$0x2] =	stream.indirect_vreg.gather [hbm4b:s2+s3], $0x80, v4, vm0, $0xb8;
	[tilespmem:$0x18D00] =	vst v63  }
0x49a: {  	_ = 	snop  }
0x49b: {  	[tilespmem:s30], [sflag:$0x2] =	stream.indirect_vreg.gather [hbm4b:s2+s3], $0x80, v3, vm0, $0xb8;
	[tilespmem:$0x18D00] =	vst v63  }
0x49c: {  	v3 =	vld [tilespmem:$0x510];
	_ =	sdelay $0x4  }
0x49d: {  	v49 =	vshll.u32 v3, $0x1  }
0x49e: {  	v3 =	vand.u32 $0x7, v3;
	v4 =	vand.u32 $0xFFFFFFF0, v49  }
0x49f: {  	v3 =	vor.u32 v3, v4  }
0x4a0: {  	v4 =	vperm.xlane v3, v0;
	_ =	sdelay $0x1  }
0x4a1: {  	v3 =	vperm.xlane v3, v2;
	v4 =	vadd.s32 v1, v4;
	_ =	sdelay $0x1  }
0x4a2: {  	v3 =	vadd.s32 v1, v3;
	_ =	sdelay $0x1  }
0x4a3: {  	s10 =	simm.s32 $0x9D00  }
0x4a4: {  	[tilespmem:s10], [sflag:$0x2] =	stream.indirect_vreg.gather [hbm4b:s2+s3], $0x80, v4, vm0, $0xb8;
	[tilespmem:$0x18D00] =	vst v63  }
0x4a5: {  	_ = 	snop  }
0x4a6: {  	[tilespmem:s1], [sflag:$0x2] =	stream.indirect_vreg.gather [hbm4b:s2+s3], $0x80, v3, vm0, $0xb8;
	[tilespmem:$0x18D00] =	vst v63  }
0x4a7: {  	v3 =	vld [tilespmem:$0x520];
	_ =	sdelay $0x4  }
0x4a8: {  	v50 =	vshll.u32 v3, $0x1  }
0x4a9: {  	v3 =	vand.u32 $0x7, v3;
	v4 =	vand.u32 $0xFFFFFFF0, v50  }
0x4aa: {  	v3 =	vor.u32 v3, v4  }
0x4ab: {  	v4 =	vperm.xlane v3, v0;
	_ =	sdelay $0x1  }
0x4ac: {  	v3 =	vperm.xlane v3, v2;
	v4 =	vadd.s32 v1, v4;
	_ =	sdelay $0x1  }
0x4ad: {  	v3 =	vadd.s32 v1, v3;
	_ =	sdelay $0x1  }
0x4ae: {  	s30 =	simm.s32 $0xAD00  }
0x4af: {  	[tilespmem:s30], [sflag:$0x2] =	stream.indirect_vreg.gather [hbm4b:s2+s3], $0x80, v4, vm0, $0xb8;
	[tilespmem:$0x18D00] =	vst v63  }
0x4b0: {  	_ = 	snop  }
0x4b1: {  	[tilespmem:s31], [sflag:$0x2] =	stream.indirect_vreg.gather [hbm4b:s2+s3], $0x80, v3, vm0, $0xb8;
	[tilespmem:$0x18D00] =	vst v63  }
0x4b2: {  	v3 =	vld [tilespmem:$0x530];
	_ =	sdelay $0x4  }
0x4b3: {  	v51 =	vshll.u32 v3, $0x1  }
0x4b4: {  	v3 =	vand.u32 $0x7, v3;
	v4 =	vand.u32 $0xFFFFFFF0, v51  }
0x4b5: {  	v3 =	vor.u32 v3, v4  }
0x4b6: {  	v4 =	vperm.xlane v3, v0;
	_ =	sdelay $0x1  }
0x4b7: {  	v3 =	vperm.xlane v3, v2;
	v4 =	vadd.s32 v1, v4;
	_ =	sdelay $0x1  }
0x4b8: {  	v3 =	vadd.s32 v1, v3;
	_ =	sdelay $0x1  }
0x4b9: {  	s14 =	simm.s32 $0xBD00  }
0x4ba: {  	[tilespmem:s14], [sflag:$0x2] =	stream.indirect_vreg.gather [hbm4b:s2+s3], $0x80, v4, vm0, $0xb8;
	[tilespmem:$0x18D00] =	vst v63  }
0x4bb: {  	_ = 	snop  }
0x4bc: {  	[tilespmem:s5], [sflag:$0x2] =	stream.indirect_vreg.gather [hbm4b:s2+s3], $0x80, v3, vm0, $0xb8;
	[tilespmem:$0x18D00] =	vst v63  }
0x4bd: {  	v3 =	vld [tilespmem:$0x540];
	_ =	sdelay $0x4  }
0x4be: {  	v52 =	vshll.u32 v3, $0x1  }
0x4bf: {  	v3 =	vand.u32 $0x7, v3;
	v4 =	vand.u32 $0xFFFFFFF0, v52  }
0x4c0: {  	v3 =	vor.u32 v3, v4  }
0x4c1: {  	v4 =	vperm.xlane v3, v0;
	_ =	sdelay $0x1  }
0x4c2: {  	v3 =	vperm.xlane v3, v2;
	v4 =	vadd.s32 v1, v4;
	_ =	sdelay $0x1  }
0x4c3: {  	v3 =	vadd.s32 v1, v3;
	_ =	sdelay $0x1  }
0x4c4: {  	s19 =	simm.s32 $0xCD00  }
0x4c5: {  	[tilespmem:s19], [sflag:$0x2] =	stream.indirect_vreg.gather [hbm4b:s2+s3], $0x80, v4, vm0, $0xb8;
	[tilespmem:$0x18D00] =	vst v63  }
0x4c6: {  	_ = 	snop  }
0x4c7: {  	[tilespmem:s7], [sflag:$0x2] =	stream.indirect_vreg.gather [hbm4b:s2+s3], $0x80, v3, vm0, $0xb8;
	[tilespmem:$0x18D00] =	vst v63  }
0x4c8: {  	v3 =	vld [tilespmem:$0x550];
	_ =	sdelay $0x4  }
0x4c9: {  	v53 =	vshll.u32 v3, $0x1  }
0x4ca: {  	v3 =	vand.u32 $0x7, v3;
	v4 =	vand.u32 $0xFFFFFFF0, v53  }
0x4cb: {  	v3 =	vor.u32 v3, v4  }
0x4cc: {  	v4 =	vperm.xlane v3, v0;
	_ =	sdelay $0x1  }
0x4cd: {  	v3 =	vperm.xlane v3, v2;
	v4 =	vadd.s32 v1, v4;
	_ =	sdelay $0x1  }
0x4ce: {  	v3 =	vadd.s32 v1, v3;
	_ =	sdelay $0x1  }
0x4cf: {  	s20 =	simm.s32 $0xDD00  }
0x4d0: {  	[tilespmem:s20], [sflag:$0x2] =	stream.indirect_vreg.gather [hbm4b:s2+s3], $0x80, v4, vm0, $0xb8;
	[tilespmem:$0x18D00] =	vst v63  }
0x4d1: {  	_ = 	snop  }
0x4d2: {  	[tilespmem:s8], [sflag:$0x2] =	stream.indirect_vreg.gather [hbm4b:s2+s3], $0x80, v3, vm0, $0xb8;
	[tilespmem:$0x18D00] =	vst v63  }
0x4d3: {  	v3 =	vld [tilespmem:$0x560];
	_ =	sdelay $0x4  }
0x4d4: {  	v54 =	vshll.u32 v3, $0x1  }
0x4d5: {  	v3 =	vand.u32 $0x7, v3;
	v4 =	vand.u32 $0xFFFFFFF0, v54  }
0x4d6: {  	v3 =	vor.u32 v3, v4  }
0x4d7: {  	v4 =	vperm.xlane v3, v0;
	_ =	sdelay $0x1  }
0x4d8: {  	v3 =	vperm.xlane v3, v2;
	v4 =	vadd.s32 v1, v4;
	_ =	sdelay $0x1  }
0x4d9: {  	v3 =	vadd.s32 v1, v3;
	_ =	sdelay $0x1  }
0x4da: {  	s31 =	simm.s32 $0xED00  }
0x4db: {  	[tilespmem:s31], [sflag:$0x2] =	stream.indirect_vreg.gather [hbm4b:s2+s3], $0x80, v4, vm0, $0xb8;
	[tilespmem:$0x18D00] =	vst v63  }
0x4dc: {  	s5 =	simm.s32 $0xF500  }
0x4dd: {  	[tilespmem:s5], [sflag:$0x2] =	stream.indirect_vreg.gather [hbm4b:s2+s3], $0x80, v3, vm0, $0xb8;
	[tilespmem:$0x18D00] =	vst v63  }
0x4de: {  	v3 =	vld [tilespmem:$0x570];
	_ =	sdelay $0x4  }
0x4df: {  	v55 =	vshll.u32 v3, $0x1  }
0x4e0: {  	v3 =	vand.u32 $0x7, v3;
	v4 =	vand.u32 $0xFFFFFFF0, v55  }
0x4e1: {  	v3 =	vor.u32 v3, v4  }
0x4e2: {  	v4 =	vperm.xlane v3, v0;
	_ =	sdelay $0x1  }
0x4e3: {  	v3 =	vperm.xlane v3, v2;
	v4 =	vadd.s32 v1, v4;
	_ =	sdelay $0x1  }
0x4e4: {  	v3 =	vadd.s32 v1, v3;
	_ =	sdelay $0x1  }
0x4e5: {  	s11 =	simm.s32 $0xFD00  }
0x4e6: {  	[tilespmem:s11], [sflag:$0x2] =	stream.indirect_vreg.gather [hbm4b:s2+s3], $0x80, v4, vm0, $0xb8;
	[tilespmem:$0x18D00] =	vst v63  }
0x4e7: {  	_ = 	snop  }
0x4e8: {  	[tilespmem:s9], [sflag:$0x2] =	stream.indirect_vreg.gather [hbm4b:s2+s3], $0x80, v3, vm0, $0xb8;
	[tilespmem:$0x18D00] =	vst v63  }
0x4e9: {  	_ =	swait.ge [sflag:s4], $0x8000  }
0x4ea: {  	s7 =	sld [smem:$0x7D3]  }
0x4eb: {  	[sflag:s4] =	ssyncset.done $0x0  }
0x4ec: {  	s8 =	simm.s32 $0xD00;
	[sflag:s4] =	ssyncadd.s32 $0xFFFF8000  }
0x4ed: {  	[hbm4b:s7+s3] =	stream.linear.scatter [tilespmem:s8], [sflag:$0x4], $0x8000, $0x38;
	[tilespmem:$0x18D00] =	vst v63  }
0x4ee: {  	_ =	swait.ge [sflag:s17], $0x8000  }
0x4ef: {  	[sflag:s17] =	ssyncset.done $0x0  }
0x4f0: {  	[sflag:s17] =	ssyncadd.s32 $0xFFFF8000  }
0x4f1: {  	v3 =	vld [tilespmem:$0x580];
	_ =	sdelay $0x4  }
0x4f2: {  	v56 =	vshll.u32 v3, $0x1  }
0x4f3: {  	v3 =	vand.u32 $0x7, v3;
	v4 =	vand.u32 $0xFFFFFFF0, v56  }
0x4f4: {  	v3 =	vor.u32 v3, v4  }
0x4f5: {  	v4 =	vperm.xlane v3, v0;
	_ =	sdelay $0x1  }
0x4f6: {  	v3 =	vperm.xlane v3, v2;
	v4 =	vadd.s32 v1, v4;
	_ =	sdelay $0x1  }
0x4f7: {  	v3 =	vadd.s32 v1, v3;
	_ =	sdelay $0x2  }
0x4f8: {  	[tilespmem:s12], [sflag:$0x3] =	stream.indirect_vreg.gather [hbm4b:s2+s3], $0x80, v4, vm0, $0xb8;
	[tilespmem:$0x18D00] =	vst v63  }
0x4f9: {  	s9 =	simm.s32 $0x11500  }
0x4fa: {  	[tilespmem:s9], [sflag:$0x3] =	stream.indirect_vreg.gather [hbm4b:s2+s3], $0x80, v3, vm0, $0xb8;
	[tilespmem:$0x18D00] =	vst v63  }
0x4fb: {  	v3 =	vld [tilespmem:$0x590];
	_ =	sdelay $0x4  }
0x4fc: {  	v57 =	vshll.u32 v3, $0x1  }
0x4fd: {  	v3 =	vand.u32 $0x7, v3;
	v4 =	vand.u32 $0xFFFFFFF0, v57  }
0x4fe: {  	v3 =	vor.u32 v3, v4  }
0x4ff: {  	v4 =	vperm.xlane v3, v0;
	_ =	sdelay $0x1  }
0x500: {  	v3 =	vperm.xlane v3, v2;
	v4 =	vadd.s32 v1, v4;
	_ =	sdelay $0x1  }
0x501: {  	v3 =	vadd.s32 v1, v3;
	_ =	sdelay $0x1  }
0x502: {  	s23 =	simm.s32 $0x11D00  }
0x503: {  	[tilespmem:s23], [sflag:$0x3] =	stream.indirect_vreg.gather [hbm4b:s2+s3], $0x80, v4, vm0, $0xb8;
	[tilespmem:$0x18D00] =	vst v63  }
0x504: {  	s12 =	simm.s32 $0x12500  }
0x505: {  	[tilespmem:s12], [sflag:$0x3] =	stream.indirect_vreg.gather [hbm4b:s2+s3], $0x80, v3, vm0, $0xb8;
	[tilespmem:$0x18D00] =	vst v63  }
0x506: {  	v3 =	vld [tilespmem:$0x5A0];
	_ =	sdelay $0x4  }
0x507: {  	v58 =	vshll.u32 v3, $0x1  }
0x508: {  	v3 =	vand.u32 $0x7, v3;
	v4 =	vand.u32 $0xFFFFFFF0, v58  }
0x509: {  	v3 =	vor.u32 v3, v4  }
0x50a: {  	v4 =	vperm.xlane v3, v0;
	_ =	sdelay $0x1  }
0x50b: {  	v3 =	vperm.xlane v3, v2;
	v4 =	vadd.s32 v1, v4;
	_ =	sdelay $0x1  }
0x50c: {  	v3 =	vadd.s32 v1, v3;
	_ =	sdelay $0x1  }
0x50d: {  	s14 =	simm.s32 $0x12D00  }
0x50e: {  	[tilespmem:s14], [sflag:$0x3] =	stream.indirect_vreg.gather [hbm4b:s2+s3], $0x80, v4, vm0, $0xb8;
	[tilespmem:$0x18D00] =	vst v63  }
0x50f: {  	s19 =	simm.s32 $0x13500  }
0x510: {  	[tilespmem:s19], [sflag:$0x3] =	stream.indirect_vreg.gather [hbm4b:s2+s3], $0x80, v3, vm0, $0xb8;
	[tilespmem:$0x18D00] =	vst v63  }
0x511: {  	v3 =	vld [tilespmem:$0x5B0];
	_ =	sdelay $0x4  }
0x512: {  	v59 =	vshll.u32 v3, $0x1  }
0x513: {  	v3 =	vand.u32 $0x7, v3;
	v4 =	vand.u32 $0xFFFFFFF0, v59  }
0x514: {  	v3 =	vor.u32 v3, v4  }
0x515: {  	v4 =	vperm.xlane v3, v0;
	_ =	sdelay $0x1  }
0x516: {  	v3 =	vperm.xlane v3, v2;
	v4 =	vadd.s32 v1, v4;
	_ =	sdelay $0x1  }
0x517: {  	v3 =	vadd.s32 v1, v3;
	_ =	sdelay $0x1  }
0x518: {  	s20 =	simm.s32 $0x13D00  }
0x519: {  	[tilespmem:s20], [sflag:$0x3] =	stream.indirect_vreg.gather [hbm4b:s2+s3], $0x80, v4, vm0, $0xb8;
	[tilespmem:$0x18D00] =	vst v63  }
0x51a: {  	s31 =	simm.s32 $0x14500  }
0x51b: {  	[tilespmem:s31], [sflag:$0x3] =	stream.indirect_vreg.gather [hbm4b:s2+s3], $0x80, v3, vm0, $0xb8;
	[tilespmem:$0x18D00] =	vst v63  }
0x51c: {  	v3 =	vld [tilespmem:$0x5C0];
	_ =	sdelay $0x4  }
0x51d: {  	v60 =	vshll.u32 v3, $0x1  }
0x51e: {  	v3 =	vand.u32 $0x7, v3;
	v4 =	vand.u32 $0xFFFFFFF0, v60  }
0x51f: {  	v3 =	vor.u32 v3, v4  }
0x520: {  	v4 =	vperm.xlane v3, v0;
	_ =	sdelay $0x1  }
0x521: {  	v3 =	vperm.xlane v3, v2;
	v4 =	vadd.s32 v1, v4;
	_ =	sdelay $0x1  }
0x522: {  	v3 =	vadd.s32 v1, v3;
	_ =	sdelay $0x2  }
0x523: {  	[tilespmem:s24], [sflag:$0x3] =	stream.indirect_vreg.gather [hbm4b:s2+s3], $0x80, v4, vm0, $0xb8;
	[tilespmem:$0x18D00] =	vst v63  }
0x524: {  	s12 =	simm.s32 $0x15500  }
0x525: {  	[tilespmem:s12], [sflag:$0x3] =	stream.indirect_vreg.gather [hbm4b:s2+s3], $0x80, v3, vm0, $0xb8;
	[tilespmem:$0x18D00] =	vst v63  }
0x526: {  	v3 =	vld [tilespmem:$0x5D0];
	_ =	sdelay $0x4  }
0x527: {  	v61 =	vshll.u32 v3, $0x1  }
0x528: {  	v3 =	vand.u32 $0x7, v3;
	v4 =	vand.u32 $0xFFFFFFF0, v61  }
0x529: {  	v3 =	vor.u32 v3, v4  }
0x52a: {  	v4 =	vperm.xlane v3, v0;
	_ =	sdelay $0x1  }
0x52b: {  	v3 =	vperm.xlane v3, v2;
	v4 =	vadd.s32 v1, v4;
	_ =	sdelay $0x1  }
0x52c: {  	v3 =	vadd.s32 v1, v3;
	_ =	sdelay $0x2  }
0x52d: {  	[tilespmem:s21], [sflag:$0x3] =	stream.indirect_vreg.gather [hbm4b:s2+s3], $0x80, v4, vm0, $0xb8;
	[tilespmem:$0x18D00] =	vst v63  }
0x52e: {  	s21 =	simm.s32 $0x16500  }
0x52f: {  	[tilespmem:s21], [sflag:$0x3] =	stream.indirect_vreg.gather [hbm4b:s2+s3], $0x80, v3, vm0, $0xb8;
	[tilespmem:$0x18D00] =	vst v63  }
0x530: {  	v3 =	vld [tilespmem:$0x5E0];
	_ =	sdelay $0x4  }
0x531: {  	v62 =	vshll.u32 v3, $0x1  }
0x532: {  	v3 =	vand.u32 $0x7, v3;
	v4 =	vand.u32 $0xFFFFFFF0, v62  }
0x533: {  	v3 =	vor.u32 v3, v4  }
0x534: {  	v4 =	vperm.xlane v3, v0;
	_ =	sdelay $0x1  }
0x535: {  	v3 =	vperm.xlane v3, v2;
	v4 =	vadd.s32 v1, v4;
	_ =	sdelay $0x1  }
0x536: {  	v3 =	vadd.s32 v1, v3;
	_ =	sdelay $0x2  }
0x537: {  	[tilespmem:s22], [sflag:$0x3] =	stream.indirect_vreg.gather [hbm4b:s2+s3], $0x80, v4, vm0, $0xb8;
	[tilespmem:$0x18D00] =	vst v63  }
0x538: {  	s14 =	simm.s32 $0x17500  }
0x539: {  	[tilespmem:s14], [sflag:$0x3] =	stream.indirect_vreg.gather [hbm4b:s2+s3], $0x80, v3, vm0, $0xb8;
	[tilespmem:$0x18D00] =	vst v63  }
0x53a: {  	v3 =	vld [tilespmem:$0x5F0];
	_ =	sdelay $0x4  }
0x53b: {  	v63 =	vshll.u32 v3, $0x1  }
0x53c: {  	v3 =	vand.u32 $0x7, v3;
	v4 =	vand.u32 $0xFFFFFFF0, v63  }
0x53d: {  	v3 =	vor.u32 v3, v4  }
0x53e: {  	v4 =	vperm.xlane v3, v0;
	_ =	sdelay $0x1  }
0x53f: {  	v3 =	vperm.xlane v3, v2;
	v4 =	vadd.s32 v1, v4;
	_ =	sdelay $0x1  }
0x540: {  	v3 =	vadd.s32 v1, v3;
	_ =	sdelay $0x1  }
0x541: {  	s5 =	simm.s32 $0x17D00  }
0x542: {  	[tilespmem:s5], [sflag:$0x3] =	stream.indirect_vreg.gather [hbm4b:s2+s3], $0x80, v4, vm0, $0xb8;
	[tilespmem:$0x18D00] =	vst v63  }
0x543: {  	s19 =	simm.s32 $0x18500  }
0x544: {  	[tilespmem:s19], [sflag:$0x3] =	stream.indirect_vreg.gather [hbm4b:s2+s3], $0x80, v3, vm0, $0xb8;
	[tilespmem:$0x18D00] =	vst v63  }
0x545: {  	_ =	swait.ge [sflag:s15], $0x8000  }
0x546: {  	s7 =	sld [smem:$0x7D4]  }
0x547: {  	[sflag:s15] =	ssyncset.done $0x0  }
0x548: {  	s24 =	simm.s32 $0x8D00;
	[sflag:s15] =	ssyncadd.s32 $0xFFFF8000  }
0x549: {  	[hbm4b:s7+s3] =	stream.linear.scatter [tilespmem:s24], [sflag:$0x5], $0x8000, $0x38;
	[tilespmem:$0x18D00] =	vst v63  }
0x54a: {  	_ =	swait.ge [sflag:s16], $0x8000  }
0x54b: {  	[sflag:s16] =	ssyncset.done $0x0  }
0x54c: {  	[sflag:s16] =	ssyncadd.s32 $0xFFFF8000  }
0x54d: {  	v3 =	vld [tilespmem:$0x600];
	_ =	sdelay $0x4  }
0x54e: {  	v8 =	vshll.u32 v3, $0x1  }
0x54f: {  	v3 =	vand.u32 $0x7, v3;
	v4 =	vand.u32 $0xFFFFFFF0, v8  }
0x550: {  	v3 =	vor.u32 v3, v4  }
0x551: {  	v4 =	vperm.xlane v3, v0;
	_ =	sdelay $0x1  }
0x552: {  	v3 =	vperm.xlane v3, v2;
	v4 =	vadd.s32 v1, v4;
	_ =	sdelay $0x1  }
0x553: {  	v3 =	vadd.s32 v1, v3;
	_ =	sdelay $0x2  }
0x554: {  	[tilespmem:s8], [sflag:$0x1] =	stream.indirect_vreg.gather [hbm4b:s2+s3], $0x80, v4, vm0, $0xb8;
	[tilespmem:$0x18D00] =	vst v63  }
0x555: {  	s22 =	simm.s32 $0x1500  }
0x556: {  	[tilespmem:s22], [sflag:$0x1] =	stream.indirect_vreg.gather [hbm4b:s2+s3], $0x80, v3, vm0, $0xb8;
	[tilespmem:$0x18D00] =	vst v63  }
0x557: {  	v3 =	vld [tilespmem:$0x610];
	_ =	sdelay $0x4  }
0x558: {  	v9 =	vshll.u32 v3, $0x1  }
0x559: {  	v3 =	vand.u32 $0x7, v3;
	v4 =	vand.u32 $0xFFFFFFF0, v9  }
0x55a: {  	v3 =	vor.u32 v3, v4  }
0x55b: {  	v4 =	vperm.xlane v3, v0;
	_ =	sdelay $0x1  }
0x55c: {  	v3 =	vperm.xlane v3, v2;
	v4 =	vadd.s32 v1, v4;
	_ =	sdelay $0x1  }
0x55d: {  	v3 =	vadd.s32 v1, v3;
	_ =	sdelay $0x1  }
0x55e: {  	s8 =	simm.s32 $0x1D00  }
0x55f: {  	[tilespmem:s8], [sflag:$0x1] =	stream.indirect_vreg.gather [hbm4b:s2+s3], $0x80, v4, vm0, $0xb8;
	[tilespmem:$0x18D00] =	vst v63  }
0x560: {  	s13 =	simm.s32 $0x2500  }
0x561: {  	[tilespmem:s13], [sflag:$0x1] =	stream.indirect_vreg.gather [hbm4b:s2+s3], $0x80, v3, vm0, $0xb8;
	[tilespmem:$0x18D00] =	vst v63  }
0x562: {  	v3 =	vld [tilespmem:$0x620];
	_ =	sdelay $0x4  }
0x563: {  	v10 =	vshll.u32 v3, $0x1  }
0x564: {  	v3 =	vand.u32 $0x7, v3;
	v4 =	vand.u32 $0xFFFFFFF0, v10  }
0x565: {  	v3 =	vor.u32 v3, v4  }
0x566: {  	v4 =	vperm.xlane v3, v0;
	_ =	sdelay $0x1  }
0x567: {  	v3 =	vperm.xlane v3, v2;
	v4 =	vadd.s32 v1, v4;
	_ =	sdelay $0x1  }
0x568: {  	v3 =	vadd.s32 v1, v3;
	_ =	sdelay $0x1  }
0x569: {  	s9 =	simm.s32 $0x2D00  }
0x56a: {  	[tilespmem:s9], [sflag:$0x1] =	stream.indirect_vreg.gather [hbm4b:s2+s3], $0x80, v4, vm0, $0xb8;
	[tilespmem:$0x18D00] =	vst v63  }
0x56b: {  	s20 =	simm.s32 $0x3500  }
0x56c: {  	[tilespmem:s20], [sflag:$0x1] =	stream.indirect_vreg.gather [hbm4b:s2+s3], $0x80, v3, vm0, $0xb8;
	[tilespmem:$0x18D00] =	vst v63  }
0x56d: {  	v3 =	vld [tilespmem:$0x630];
	_ =	sdelay $0x4  }
0x56e: {  	v11 =	vshll.u32 v3, $0x1  }
0x56f: {  	v3 =	vand.u32 $0x7, v3;
	v4 =	vand.u32 $0xFFFFFFF0, v11  }
0x570: {  	v3 =	vor.u32 v3, v4  }
0x571: {  	v4 =	vperm.xlane v3, v0;
	_ =	sdelay $0x1  }
0x572: {  	v3 =	vperm.xlane v3, v2;
	v4 =	vadd.s32 v1, v4;
	_ =	sdelay $0x1  }
0x573: {  	v3 =	vadd.s32 v1, v3;
	_ =	sdelay $0x2  }
0x574: {  	[tilespmem:s26], [sflag:$0x1] =	stream.indirect_vreg.gather [hbm4b:s2+s3], $0x80, v4, vm0, $0xb8;
	[tilespmem:$0x18D00] =	vst v63  }
0x575: {  	s26 =	simm.s32 $0x4500  }
0x576: {  	[tilespmem:s26], [sflag:$0x1] =	stream.indirect_vreg.gather [hbm4b:s2+s3], $0x80, v3, vm0, $0xb8;
	[tilespmem:$0x18D00] =	vst v63  }
0x577: {  	v3 =	vld [tilespmem:$0x640];
	_ =	sdelay $0x4  }
0x578: {  	v12 =	vshll.u32 v3, $0x1  }
0x579: {  	v3 =	vand.u32 $0x7, v3;
	v4 =	vand.u32 $0xFFFFFFF0, v12  }
0x57a: {  	v3 =	vor.u32 v3, v4  }
0x57b: {  	v4 =	vperm.xlane v3, v0;
	_ =	sdelay $0x1  }
0x57c: {  	v3 =	vperm.xlane v3, v2;
	v4 =	vadd.s32 v1, v4;
	_ =	sdelay $0x1  }
0x57d: {  	v3 =	vadd.s32 v1, v3;
	_ =	sdelay $0x2  }
0x57e: {  	[tilespmem:s28], [sflag:$0x1] =	stream.indirect_vreg.gather [hbm4b:s2+s3], $0x80, v4, vm0, $0xb8;
	[tilespmem:$0x18D00] =	vst v63  }
0x57f: {  	s28 =	simm.s32 $0x5500  }
0x580: {  	[tilespmem:s28], [sflag:$0x1] =	stream.indirect_vreg.gather [hbm4b:s2+s3], $0x80, v3, vm0, $0xb8;
	[tilespmem:$0x18D00] =	vst v63  }
0x581: {  	v3 =	vld [tilespmem:$0x650];
	_ =	sdelay $0x4  }
0x582: {  	v13 =	vshll.u32 v3, $0x1  }
0x583: {  	v3 =	vand.u32 $0x7, v3;
	v4 =	vand.u32 $0xFFFFFFF0, v13  }
0x584: {  	v3 =	vor.u32 v3, v4  }
0x585: {  	v4 =	vperm.xlane v3, v0;
	_ =	sdelay $0x1  }
0x586: {  	v3 =	vperm.xlane v3, v2;
	v4 =	vadd.s32 v1, v4;
	_ =	sdelay $0x1  }
0x587: {  	v3 =	vadd.s32 v1, v3;
	_ =	sdelay $0x1  }
0x588: {  	s31 =	simm.s32 $0x5D00  }
0x589: {  	[tilespmem:s31], [sflag:$0x1] =	stream.indirect_vreg.gather [hbm4b:s2+s3], $0x80, v4, vm0, $0xb8;
	[tilespmem:$0x18D00] =	vst v63  }
0x58a: {  	s5 =	simm.s32 $0x6500  }
0x58b: {  	[tilespmem:s5], [sflag:$0x1] =	stream.indirect_vreg.gather [hbm4b:s2+s3], $0x80, v3, vm0, $0xb8;
	[tilespmem:$0x18D00] =	vst v63  }
0x58c: {  	v3 =	vld [tilespmem:$0x660];
	_ =	sdelay $0x4  }
0x58d: {  	v14 =	vshll.u32 v3, $0x1  }
0x58e: {  	v3 =	vand.u32 $0x7, v3;
	v4 =	vand.u32 $0xFFFFFFF0, v14  }
0x58f: {  	v3 =	vor.u32 v3, v4  }
0x590: {  	v4 =	vperm.xlane v3, v0;
	_ =	sdelay $0x1  }
0x591: {  	v3 =	vperm.xlane v3, v2;
	v4 =	vadd.s32 v1, v4;
	_ =	sdelay $0x1  }
0x592: {  	v3 =	vadd.s32 v1, v3;
	_ =	sdelay $0x1  }
0x593: {  	s7 =	simm.s32 $0x6D00  }
0x594: {  	[tilespmem:s7], [sflag:$0x1] =	stream.indirect_vreg.gather [hbm4b:s2+s3], $0x80, v4, vm0, $0xb8;
	[tilespmem:$0x18D00] =	vst v63  }
0x595: {  	s8 =	simm.s32 $0x7500  }
0x596: {  	[tilespmem:s8], [sflag:$0x1] =	stream.indirect_vreg.gather [hbm4b:s2+s3], $0x80, v3, vm0, $0xb8;
	[tilespmem:$0x18D00] =	vst v63  }
0x597: {  	v3 =	vld [tilespmem:$0x670];
	_ =	sdelay $0x4  }
0x598: {  	v15 =	vshll.u32 v3, $0x1  }
0x599: {  	v3 =	vand.u32 $0x7, v3;
	v4 =	vand.u32 $0xFFFFFFF0, v15  }
0x59a: {  	v3 =	vor.u32 v3, v4  }
0x59b: {  	v4 =	vperm.xlane v3, v0;
	_ =	sdelay $0x1  }
0x59c: {  	v3 =	vperm.xlane v3, v2;
	v4 =	vadd.s32 v1, v4;
	_ =	sdelay $0x1  }
0x59d: {  	v3 =	vadd.s32 v1, v3;
	_ =	sdelay $0x2  }
0x59e: {  	[tilespmem:s29], [sflag:$0x1] =	stream.indirect_vreg.gather [hbm4b:s2+s3], $0x80, v4, vm0, $0xb8;
	[tilespmem:$0x18D00] =	vst v63  }
0x59f: {  	_ = 	snop  }
0x5a0: {  	[tilespmem:s25], [sflag:$0x1] =	stream.indirect_vreg.gather [hbm4b:s2+s3], $0x80, v3, vm0, $0xb8;
	[tilespmem:$0x18D00] =	vst v63  }
0x5a1: {  	_ =	swait.ge [sflag:s0], $0x8000  }
0x5a2: {  	s9 =	sld [smem:$0x7D5]  }
0x5a3: {  	[sflag:s0] =	ssyncset.done $0x0  }
0x5a4: {  	s28 =	simm.s32 $0x10D00;
	[sflag:s0] =	ssyncadd.s32 $0xFFFF8000  }
0x5a5: {  	[hbm4b:s9+s3] =	stream.linear.scatter [tilespmem:s28], [sflag:$0x6], $0x8000, $0x38;
	[tilespmem:$0x18D00] =	vst v63  }
0x5a6: {  	_ =	swait.ge [sflag:s18], $0x8000  }
0x5a7: {  	[sflag:s18] =	ssyncset.done $0x0  }
0x5a8: {  	[sflag:s18] =	ssyncadd.s32 $0xFFFF8000  }
0x5a9: {  	v3 =	vld [tilespmem:$0x680];
	_ =	sdelay $0x4  }
0x5aa: {  	v16 =	vshll.u32 v3, $0x1  }
0x5ab: {  	v3 =	vand.u32 $0x7, v3;
	v4 =	vand.u32 $0xFFFFFFF0, v16  }
0x5ac: {  	v3 =	vor.u32 v3, v4  }
0x5ad: {  	v4 =	vperm.xlane v3, v0;
	_ =	sdelay $0x1  }
0x5ae: {  	v3 =	vperm.xlane v3, v2;
	v4 =	vadd.s32 v1, v4;
	_ =	sdelay $0x1  }
0x5af: {  	v3 =	vadd.s32 v1, v3;
	_ =	sdelay $0x2  }
0x5b0: {  	[tilespmem:s24], [sflag:$0x2] =	stream.indirect_vreg.gather [hbm4b:s2+s3], $0x80, v4, vm0, $0xb8;
	[tilespmem:$0x18D00] =	vst v63  }
0x5b1: {  	s1 =	simm.s32 $0x9500  }
0x5b2: {  	[tilespmem:s1], [sflag:$0x2] =	stream.indirect_vreg.gather [hbm4b:s2+s3], $0x80, v3, vm0, $0xb8;
	[tilespmem:$0x18D00] =	vst v63  }
0x5b3: {  	v3 =	vld [tilespmem:$0x690];
	_ =	sdelay $0x4  }
0x5b4: {  	v17 =	vshll.u32 v3, $0x1  }
0x5b5: {  	v3 =	vand.u32 $0x7, v3;
	v4 =	vand.u32 $0xFFFFFFF0, v17  }
0x5b6: {  	v3 =	vor.u32 v3, v4  }
0x5b7: {  	v4 =	vperm.xlane v3, v0;
	_ =	sdelay $0x1  }
0x5b8: {  	v3 =	vperm.xlane v3, v2;
	v4 =	vadd.s32 v1, v4;
	_ =	sdelay $0x1  }
0x5b9: {  	v3 =	vadd.s32 v1, v3;
	_ =	sdelay $0x2  }
0x5ba: {  	[tilespmem:s10], [sflag:$0x2] =	stream.indirect_vreg.gather [hbm4b:s2+s3], $0x80, v4, vm0, $0xb8;
	[tilespmem:$0x18D00] =	vst v63  }
0x5bb: {  	s31 =	simm.s32 $0xA500  }
0x5bc: {  	[tilespmem:s31], [sflag:$0x2] =	stream.indirect_vreg.gather [hbm4b:s2+s3], $0x80, v3, vm0, $0xb8;
	[tilespmem:$0x18D00] =	vst v63  }
0x5bd: {  	v3 =	vld [tilespmem:$0x6A0];
	_ =	sdelay $0x4  }
0x5be: {  	v18 =	vshll.u32 v3, $0x1  }
0x5bf: {  	v3 =	vand.u32 $0x7, v3;
	v4 =	vand.u32 $0xFFFFFFF0, v18  }
0x5c0: {  	v3 =	vor.u32 v3, v4  }
0x5c1: {  	v4 =	vperm.xlane v3, v0;
	_ =	sdelay $0x1  }
0x5c2: {  	v3 =	vperm.xlane v3, v2;
	v4 =	vadd.s32 v1, v4;
	_ =	sdelay $0x1  }
0x5c3: {  	v3 =	vadd.s32 v1, v3;
	_ =	sdelay $0x2  }
0x5c4: {  	[tilespmem:s30], [sflag:$0x2] =	stream.indirect_vreg.gather [hbm4b:s2+s3], $0x80, v4, vm0, $0xb8;
	[tilespmem:$0x18D00] =	vst v63  }
0x5c5: {  	s5 =	simm.s32 $0xB500  }
0x5c6: {  	[tilespmem:s5], [sflag:$0x2] =	stream.indirect_vreg.gather [hbm4b:s2+s3], $0x80, v3, vm0, $0xb8;
	[tilespmem:$0x18D00] =	vst v63  }
0x5c7: {  	v3 =	vld [tilespmem:$0x6B0];
	_ =	sdelay $0x4  }
0x5c8: {  	v19 =	vshll.u32 v3, $0x1  }
0x5c9: {  	v3 =	vand.u32 $0x7, v3;
	v4 =	vand.u32 $0xFFFFFFF0, v19  }
0x5ca: {  	v3 =	vor.u32 v3, v4  }
0x5cb: {  	v4 =	vperm.xlane v3, v0;
	_ =	sdelay $0x1  }
0x5cc: {  	v3 =	vperm.xlane v3, v2;
	v4 =	vadd.s32 v1, v4;
	_ =	sdelay $0x1  }
0x5cd: {  	v3 =	vadd.s32 v1, v3;
	_ =	sdelay $0x1  }
0x5ce: {  	s25 =	simm.s32 $0xBD00  }
0x5cf: {  	[tilespmem:s25], [sflag:$0x2] =	stream.indirect_vreg.gather [hbm4b:s2+s3], $0x80, v4, vm0, $0xb8;
	[tilespmem:$0x18D00] =	vst v63  }
0x5d0: {  	s7 =	simm.s32 $0xC500  }
0x5d1: {  	[tilespmem:s7], [sflag:$0x2] =	stream.indirect_vreg.gather [hbm4b:s2+s3], $0x80, v3, vm0, $0xb8;
	[tilespmem:$0x18D00] =	vst v63  }
0x5d2: {  	v3 =	vld [tilespmem:$0x6C0];
	_ =	sdelay $0x4  }
0x5d3: {  	v20 =	vshll.u32 v3, $0x1  }
0x5d4: {  	v3 =	vand.u32 $0x7, v3;
	v4 =	vand.u32 $0xFFFFFFF0, v20  }
0x5d5: {  	v3 =	vor.u32 v3, v4  }
0x5d6: {  	v4 =	vperm.xlane v3, v0;
	_ =	sdelay $0x1  }
0x5d7: {  	v3 =	vperm.xlane v3, v2;
	v4 =	vadd.s32 v1, v4;
	_ =	sdelay $0x1  }
0x5d8: {  	v3 =	vadd.s32 v1, v3;
	_ =	sdelay $0x1  }
0x5d9: {  	s26 =	simm.s32 $0xCD00  }
0x5da: {  	[tilespmem:s26], [sflag:$0x2] =	stream.indirect_vreg.gather [hbm4b:s2+s3], $0x80, v4, vm0, $0xb8;
	[tilespmem:$0x18D00] =	vst v63  }
0x5db: {  	s8 =	simm.s32 $0xD500  }
0x5dc: {  	[tilespmem:s8], [sflag:$0x2] =	stream.indirect_vreg.gather [hbm4b:s2+s3], $0x80, v3, vm0, $0xb8;
	[tilespmem:$0x18D00] =	vst v63  }
0x5dd: {  	v3 =	vld [tilespmem:$0x6D0];
	_ =	sdelay $0x4  }
0x5de: {  	v21 =	vshll.u32 v3, $0x1  }
0x5df: {  	v3 =	vand.u32 $0x7, v3;
	v4 =	vand.u32 $0xFFFFFFF0, v21  }
0x5e0: {  	v3 =	vor.u32 v3, v4  }
0x5e1: {  	v4 =	vperm.xlane v3, v0;
	_ =	sdelay $0x1  }
0x5e2: {  	v3 =	vperm.xlane v3, v2;
	v4 =	vadd.s32 v1, v4;
	_ =	sdelay $0x1  }
0x5e3: {  	v3 =	vadd.s32 v1, v3;
	_ =	sdelay $0x1  }
0x5e4: {  	s29 =	simm.s32 $0xDD00  }
0x5e5: {  	[tilespmem:s29], [sflag:$0x2] =	stream.indirect_vreg.gather [hbm4b:s2+s3], $0x80, v4, vm0, $0xb8;
	[tilespmem:$0x18D00] =	vst v63  }
0x5e6: {  	s9 =	simm.s32 $0xE500  }
0x5e7: {  	[tilespmem:s9], [sflag:$0x2] =	stream.indirect_vreg.gather [hbm4b:s2+s3], $0x80, v3, vm0, $0xb8;
	[tilespmem:$0x18D00] =	vst v63  }
0x5e8: {  	v3 =	vld [tilespmem:$0x6E0];
	_ =	sdelay $0x4  }
0x5e9: {  	v22 =	vshll.u32 v3, $0x1  }
0x5ea: {  	v3 =	vand.u32 $0x7, v3;
	v4 =	vand.u32 $0xFFFFFFF0, v22  }
0x5eb: {  	v3 =	vor.u32 v3, v4  }
0x5ec: {  	v4 =	vperm.xlane v3, v0;
	_ =	sdelay $0x1  }
0x5ed: {  	v3 =	vperm.xlane v3, v2;
	v4 =	vadd.s32 v1, v4;
	_ =	sdelay $0x1  }
0x5ee: {  	v3 =	vadd.s32 v1, v3;
	_ =	sdelay $0x1  }
0x5ef: {  	s30 =	simm.s32 $0xED00  }
0x5f0: {  	[tilespmem:s30], [sflag:$0x2] =	stream.indirect_vreg.gather [hbm4b:s2+s3], $0x80, v4, vm0, $0xb8;
	[tilespmem:$0x18D00] =	vst v63  }
0x5f1: {  	s20 =	simm.s32 $0xF500  }
0x5f2: {  	[tilespmem:s20], [sflag:$0x2] =	stream.indirect_vreg.gather [hbm4b:s2+s3], $0x80, v3, vm0, $0xb8;
	[tilespmem:$0x18D00] =	vst v63  }
0x5f3: {  	v3 =	vld [tilespmem:$0x6F0];
	_ =	sdelay $0x4  }
0x5f4: {  	v23 =	vshll.u32 v3, $0x1  }
0x5f5: {  	v3 =	vand.u32 $0x7, v3;
	v4 =	vand.u32 $0xFFFFFFF0, v23  }
0x5f6: {  	v3 =	vor.u32 v3, v4  }
0x5f7: {  	v4 =	vperm.xlane v3, v0;
	_ =	sdelay $0x1  }
0x5f8: {  	v3 =	vperm.xlane v3, v2;
	v4 =	vadd.s32 v1, v4;
	_ =	sdelay $0x1  }
0x5f9: {  	v3 =	vadd.s32 v1, v3;
	_ =	sdelay $0x2  }
0x5fa: {  	[tilespmem:s11], [sflag:$0x2] =	stream.indirect_vreg.gather [hbm4b:s2+s3], $0x80, v4, vm0, $0xb8;
	[tilespmem:$0x18D00] =	vst v63  }
0x5fb: {  	s10 =	simm.s32 $0x10500  }
0x5fc: {  	[tilespmem:s10], [sflag:$0x2] =	stream.indirect_vreg.gather [hbm4b:s2+s3], $0x80, v3, vm0, $0xb8;
	[tilespmem:$0x18D00] =	vst v63  }
0x5fd: {  	_ =	swait.ge [sflag:s4], $0x8000  }
0x5fe: {  	s24 =	sld [smem:$0x7D6]  }
0x5ff: {  	[sflag:s4] =	ssyncset.done $0x0  }
0x600: {  	s29 =	simm.s32 $0xD00;
	[sflag:s4] =	ssyncadd.s32 $0xFFFF8000  }
0x601: {  	[hbm4b:s24+s3] =	stream.linear.scatter [tilespmem:s29], [sflag:$0x4], $0x8000, $0x38;
	[tilespmem:$0x18D00] =	vst v63  }
0x602: {  	_ =	swait.ge [sflag:s17], $0x8000  }
0x603: {  	[sflag:s17] =	ssyncset.done $0x0  }
0x604: {  	[sflag:s17] =	ssyncadd.s32 $0xFFFF8000  }
0x605: {  	v3 =	vld [tilespmem:$0x700];
	_ =	sdelay $0x4  }
0x606: {  	v24 =	vshll.u32 v3, $0x1  }
0x607: {  	v3 =	vand.u32 $0x7, v3;
	v4 =	vand.u32 $0xFFFFFFF0, v24  }
0x608: {  	v3 =	vor.u32 v3, v4  }
0x609: {  	v4 =	vperm.xlane v3, v0;
	_ =	sdelay $0x1  }
0x60a: {  	v3 =	vperm.xlane v3, v2;
	v4 =	vadd.s32 v1, v4;
	_ =	sdelay $0x1  }
0x60b: {  	v3 =	vadd.s32 v1, v3;
	_ =	sdelay $0x2  }
0x60c: {  	[tilespmem:s28], [sflag:$0x3] =	stream.indirect_vreg.gather [hbm4b:s2+s3], $0x80, v4, vm0, $0xb8;
	[tilespmem:$0x18D00] =	vst v63  }
0x60d: {  	s25 =	simm.s32 $0x11500  }
0x60e: {  	[tilespmem:s25], [sflag:$0x3] =	stream.indirect_vreg.gather [hbm4b:s2+s3], $0x80, v3, vm0, $0xb8;
	[tilespmem:$0x18D00] =	vst v63  }
0x60f: {  	v3 =	vld [tilespmem:$0x710];
	_ =	sdelay $0x4  }
0x610: {  	v25 =	vshll.u32 v3, $0x1  }
0x611: {  	v3 =	vand.u32 $0x7, v3;
	v4 =	vand.u32 $0xFFFFFFF0, v25  }
0x612: {  	v3 =	vor.u32 v3, v4  }
0x613: {  	v4 =	vperm.xlane v3, v0;
	_ =	sdelay $0x1  }
0x614: {  	v3 =	vperm.xlane v3, v2;
	v4 =	vadd.s32 v1, v4;
	_ =	sdelay $0x1  }
0x615: {  	v3 =	vadd.s32 v1, v3;
	_ =	sdelay $0x2  }
0x616: {  	[tilespmem:s23], [sflag:$0x3] =	stream.indirect_vreg.gather [hbm4b:s2+s3], $0x80, v4, vm0, $0xb8;
	[tilespmem:$0x18D00] =	vst v63  }
0x617: {  	s11 =	simm.s32 $0x12500  }
0x618: {  	[tilespmem:s11], [sflag:$0x3] =	stream.indirect_vreg.gather [hbm4b:s2+s3], $0x80, v3, vm0, $0xb8;
	[tilespmem:$0x18D00] =	vst v63  }
0x619: {  	v3 =	vld [tilespmem:$0x720];
	_ =	sdelay $0x4  }
0x61a: {  	v26 =	vshll.u32 v3, $0x1  }
0x61b: {  	v3 =	vand.u32 $0x7, v3;
	v4 =	vand.u32 $0xFFFFFFF0, v26  }
0x61c: {  	v3 =	vor.u32 v3, v4  }
0x61d: {  	v4 =	vperm.xlane v3, v0;
	_ =	sdelay $0x1  }
0x61e: {  	v3 =	vperm.xlane v3, v2;
	v4 =	vadd.s32 v1, v4;
	_ =	sdelay $0x1  }
0x61f: {  	v3 =	vadd.s32 v1, v3;
	_ =	sdelay $0x1  }
0x620: {  	s23 =	simm.s32 $0x12D00  }
0x621: {  	[tilespmem:s23], [sflag:$0x3] =	stream.indirect_vreg.gather [hbm4b:s2+s3], $0x80, v4, vm0, $0xb8;
	[tilespmem:$0x18D00] =	vst v63  }
0x622: {  	s24 =	simm.s32 $0x13500  }
0x623: {  	[tilespmem:s24], [sflag:$0x3] =	stream.indirect_vreg.gather [hbm4b:s2+s3], $0x80, v3, vm0, $0xb8;
	[tilespmem:$0x18D00] =	vst v63  }
0x624: {  	v3 =	vld [tilespmem:$0x730];
	_ =	sdelay $0x4  }
0x625: {  	v27 =	vshll.u32 v3, $0x1  }
0x626: {  	v3 =	vand.u32 $0x7, v3;
	v4 =	vand.u32 $0xFFFFFFF0, v27  }
0x627: {  	v3 =	vor.u32 v3, v4  }
0x628: {  	v4 =	vperm.xlane v3, v0;
	_ =	sdelay $0x1  }
0x629: {  	v3 =	vperm.xlane v3, v2;
	v4 =	vadd.s32 v1, v4;
	_ =	sdelay $0x1  }
0x62a: {  	v3 =	vadd.s32 v1, v3;
	_ =	sdelay $0x1  }
0x62b: {  	s26 =	simm.s32 $0x13D00  }
0x62c: {  	[tilespmem:s26], [sflag:$0x3] =	stream.indirect_vreg.gather [hbm4b:s2+s3], $0x80, v4, vm0, $0xb8;
	[tilespmem:$0x18D00] =	vst v63  }
0x62d: {  	s28 =	simm.s32 $0x14500  }
0x62e: {  	[tilespmem:s28], [sflag:$0x3] =	stream.indirect_vreg.gather [hbm4b:s2+s3], $0x80, v3, vm0, $0xb8;
	[tilespmem:$0x18D00] =	vst v63  }
0x62f: {  	v3 =	vld [tilespmem:$0x740];
	_ =	sdelay $0x4  }
0x630: {  	v28 =	vshll.u32 v3, $0x1  }
0x631: {  	v3 =	vand.u32 $0x7, v3;
	v4 =	vand.u32 $0xFFFFFFF0, v28  }
0x632: {  	v3 =	vor.u32 v3, v4  }
0x633: {  	v4 =	vperm.xlane v3, v0;
	_ =	sdelay $0x1  }
0x634: {  	v3 =	vperm.xlane v3, v2;
	v4 =	vadd.s32 v1, v4;
	_ =	sdelay $0x1  }
0x635: {  	v3 =	vadd.s32 v1, v3;
	_ =	sdelay $0x1  }
0x636: {  	s30 =	simm.s32 $0x14D00  }
0x637: {  	[tilespmem:s30], [sflag:$0x3] =	stream.indirect_vreg.gather [hbm4b:s2+s3], $0x80, v4, vm0, $0xb8;
	[tilespmem:$0x18D00] =	vst v63  }
0x638: {  	_ = 	snop  }
0x639: {  	[tilespmem:s12], [sflag:$0x3] =	stream.indirect_vreg.gather [hbm4b:s2+s3], $0x80, v3, vm0, $0xb8;
	[tilespmem:$0x18D00] =	vst v63  }
0x63a: {  	v3 =	vld [tilespmem:$0x750];
	_ =	sdelay $0x4  }
0x63b: {  	v29 =	vshll.u32 v3, $0x1  }
0x63c: {  	v3 =	vand.u32 $0x7, v3;
	v4 =	vand.u32 $0xFFFFFFF0, v29  }
0x63d: {  	v3 =	vor.u32 v3, v4  }
0x63e: {  	v4 =	vperm.xlane v3, v0;
	_ =	sdelay $0x1  }
0x63f: {  	v3 =	vperm.xlane v3, v2;
	v4 =	vadd.s32 v1, v4;
	_ =	sdelay $0x1  }
0x640: {  	v3 =	vadd.s32 v1, v3;
	_ =	sdelay $0x1  }
0x641: {  	s20 =	simm.s32 $0x15D00  }
0x642: {  	[tilespmem:s20], [sflag:$0x3] =	stream.indirect_vreg.gather [hbm4b:s2+s3], $0x80, v4, vm0, $0xb8;
	[tilespmem:$0x18D00] =	vst v63  }
0x643: {  	_ = 	snop  }
0x644: {  	[tilespmem:s21], [sflag:$0x3] =	stream.indirect_vreg.gather [hbm4b:s2+s3], $0x80, v3, vm0, $0xb8;
	[tilespmem:$0x18D00] =	vst v63  }
0x645: {  	v3 =	vld [tilespmem:$0x760];
	_ =	sdelay $0x4  }
0x646: {  	v30 =	vshll.u32 v3, $0x1  }
0x647: {  	v3 =	vand.u32 $0x7, v3;
	v4 =	vand.u32 $0xFFFFFFF0, v30  }
0x648: {  	v3 =	vor.u32 v3, v4  }
0x649: {  	v4 =	vperm.xlane v3, v0;
	_ =	sdelay $0x1  }
0x64a: {  	v3 =	vperm.xlane v3, v2;
	v4 =	vadd.s32 v1, v4;
	_ =	sdelay $0x1  }
0x64b: {  	v3 =	vadd.s32 v1, v3;
	_ =	sdelay $0x1  }
0x64c: {  	s25 =	simm.s32 $0x16D00  }
0x64d: {  	[tilespmem:s25], [sflag:$0x3] =	stream.indirect_vreg.gather [hbm4b:s2+s3], $0x80, v4, vm0, $0xb8;
	[tilespmem:$0x18D00] =	vst v63  }
0x64e: {  	_ = 	snop  }
0x64f: {  	[tilespmem:s14], [sflag:$0x3] =	stream.indirect_vreg.gather [hbm4b:s2+s3], $0x80, v3, vm0, $0xb8;
	[tilespmem:$0x18D00] =	vst v63  }
0x650: {  	v3 =	vld [tilespmem:$0x770];
	_ =	sdelay $0x4  }
0x651: {  	v31 =	vshll.u32 v3, $0x1  }
0x652: {  	v3 =	vand.u32 $0x7, v3;
	v4 =	vand.u32 $0xFFFFFFF0, v31  }
0x653: {  	v3 =	vor.u32 v3, v4  }
0x654: {  	v4 =	vperm.xlane v3, v0;
	_ =	sdelay $0x1  }
0x655: {  	v3 =	vperm.xlane v3, v2;
	v4 =	vadd.s32 v1, v4;
	_ =	sdelay $0x1  }
0x656: {  	v3 =	vadd.s32 v1, v3;
	_ =	sdelay $0x1  }
0x657: {  	s26 =	simm.s32 $0x17D00  }
0x658: {  	[tilespmem:s26], [sflag:$0x3] =	stream.indirect_vreg.gather [hbm4b:s2+s3], $0x80, v4, vm0, $0xb8;
	[tilespmem:$0x18D00] =	vst v63  }
0x659: {  	_ = 	snop  }
0x65a: {  	[tilespmem:s19], [sflag:$0x3] =	stream.indirect_vreg.gather [hbm4b:s2+s3], $0x80, v3, vm0, $0xb8;
	[tilespmem:$0x18D00] =	vst v63  }
0x65b: {  	_ =	swait.ge [sflag:s15], $0x8000  }
0x65c: {  	s28 =	sld [smem:$0x7D7]  }
0x65d: {  	[sflag:s15] =	ssyncset.done $0x0  }
0x65e: {  	s26 =	simm.s32 $0x8D00;
	[sflag:s15] =	ssyncadd.s32 $0xFFFF8000  }
0x65f: {  	[hbm4b:s28+s3] =	stream.linear.scatter [tilespmem:s26], [sflag:$0x5], $0x8000, $0x38;
	[tilespmem:$0x18D00] =	vst v63  }
0x660: {  	_ =	swait.ge [sflag:s16], $0x8000  }
0x661: {  	[sflag:s16] =	ssyncset.done $0x0  }
0x662: {  	[sflag:s16] =	ssyncadd.s32 $0xFFFF8000  }
0x663: {  	v3 =	vld [tilespmem:$0x780];
	_ =	sdelay $0x4  }
0x664: {  	v32 =	vshll.u32 v3, $0x1  }
0x665: {  	v3 =	vand.u32 $0x7, v3;
	v4 =	vand.u32 $0xFFFFFFF0, v32  }
0x666: {  	v3 =	vor.u32 v3, v4  }
0x667: {  	v4 =	vperm.xlane v3, v0;
	_ =	sdelay $0x1  }
0x668: {  	v3 =	vperm.xlane v3, v2;
	v4 =	vadd.s32 v1, v4;
	_ =	sdelay $0x1  }
0x669: {  	v3 =	vadd.s32 v1, v3;
	_ =	sdelay $0x2  }
0x66a: {  	[tilespmem:s29], [sflag:$0x1] =	stream.indirect_vreg.gather [hbm4b:s2+s3], $0x80, v4, vm0, $0xb8;
	[tilespmem:$0x18D00] =	vst v63  }
0x66b: {  	_ = 	snop  }
0x66c: {  	[tilespmem:s22], [sflag:$0x1] =	stream.indirect_vreg.gather [hbm4b:s2+s3], $0x80, v3, vm0, $0xb8;
	[tilespmem:$0x18D00] =	vst v63  }
0x66d: {  	v3 =	vld [tilespmem:$0x790];
	_ =	sdelay $0x4  }
0x66e: {  	v33 =	vshll.u32 v3, $0x1  }
0x66f: {  	v3 =	vand.u32 $0x7, v3;
	v4 =	vand.u32 $0xFFFFFFF0, v33  }
0x670: {  	v3 =	vor.u32 v3, v4  }
0x671: {  	v4 =	vperm.xlane v3, v0;
	_ =	sdelay $0x1  }
0x672: {  	v3 =	vperm.xlane v3, v2;
	v4 =	vadd.s32 v1, v4;
	_ =	sdelay $0x1  }
0x673: {  	v3 =	vadd.s32 v1, v3;
	_ =	sdelay $0x1  }
0x674: {  	s30 =	simm.s32 $0x1D00  }
0x675: {  	[tilespmem:s30], [sflag:$0x1] =	stream.indirect_vreg.gather [hbm4b:s2+s3], $0x80, v4, vm0, $0xb8;
	[tilespmem:$0x18D00] =	vst v63  }
0x676: {  	_ = 	snop  }
0x677: {  	[tilespmem:s13], [sflag:$0x1] =	stream.indirect_vreg.gather [hbm4b:s2+s3], $0x80, v3, vm0, $0xb8;
	[tilespmem:$0x18D00] =	vst v63  }
0x678: {  	v3 =	vld [tilespmem:$0x7A0];
	_ =	sdelay $0x4  }
0x679: {  	v34 =	vshll.u32 v3, $0x1  }
0x67a: {  	v3 =	vand.u32 $0x7, v3;
	v4 =	vand.u32 $0xFFFFFFF0, v34  }
0x67b: {  	v3 =	vor.u32 v3, v4  }
0x67c: {  	v4 =	vperm.xlane v3, v0;
	_ =	sdelay $0x1  }
0x67d: {  	v3 =	vperm.xlane v3, v2;
	v4 =	vadd.s32 v1, v4;
	_ =	sdelay $0x1  }
0x67e: {  	v3 =	vadd.s32 v1, v3;
	_ =	sdelay $0x1  }
0x67f: {  	s14 =	simm.s32 $0x2D00  }
0x680: {  	[tilespmem:s14], [sflag:$0x1] =	stream.indirect_vreg.gather [hbm4b:s2+s3], $0x80, v4, vm0, $0xb8;
	[tilespmem:$0x18D00] =	vst v63  }
0x681: {  	s13 =	simm.s32 $0x3500  }
0x682: {  	[tilespmem:s13], [sflag:$0x1] =	stream.indirect_vreg.gather [hbm4b:s2+s3], $0x80, v3, vm0, $0xb8;
	[tilespmem:$0x18D00] =	vst v63  }
0x683: {  	v3 =	vld [tilespmem:$0x7B0];
	_ =	sdelay $0x4  }
0x684: {  	v35 =	vshll.u32 v3, $0x1  }
0x685: {  	v3 =	vand.u32 $0x7, v3;
	v4 =	vand.u32 $0xFFFFFFF0, v35  }
0x686: {  	v3 =	vor.u32 v3, v4  }
0x687: {  	v4 =	vperm.xlane v3, v0;
	_ =	sdelay $0x1  }
0x688: {  	v3 =	vperm.xlane v3, v2;
	v4 =	vadd.s32 v1, v4;
	_ =	sdelay $0x1  }
0x689: {  	v3 =	vadd.s32 v1, v3;
	_ =	sdelay $0x1  }
0x68a: {  	s19 =	simm.s32 $0x3D00  }
0x68b: {  	[tilespmem:s19], [sflag:$0x1] =	stream.indirect_vreg.gather [hbm4b:s2+s3], $0x80, v4, vm0, $0xb8;
	[tilespmem:$0x18D00] =	vst v63  }
0x68c: {  	s19 =	simm.s32 $0x4500  }
0x68d: {  	[tilespmem:s19], [sflag:$0x1] =	stream.indirect_vreg.gather [hbm4b:s2+s3], $0x80, v3, vm0, $0xb8;
	[tilespmem:$0x18D00] =	vst v63  }
0x68e: {  	v3 =	vld [tilespmem:$0x7C0];
	_ =	sdelay $0x4  }
0x68f: {  	v36 =	vshll.u32 v3, $0x1  }
0x690: {  	v3 =	vand.u32 $0x7, v3;
	v4 =	vand.u32 $0xFFFFFFF0, v36  }
0x691: {  	v3 =	vor.u32 v3, v4  }
0x692: {  	v4 =	vperm.xlane v3, v0;
	_ =	sdelay $0x1  }
0x693: {  	v3 =	vperm.xlane v3, v2;
	v4 =	vadd.s32 v1, v4;
	_ =	sdelay $0x1  }
0x694: {  	v3 =	vadd.s32 v1, v3;
	_ =	sdelay $0x1  }
0x695: {  	s20 =	simm.s32 $0x4D00  }
0x696: {  	[tilespmem:s20], [sflag:$0x1] =	stream.indirect_vreg.gather [hbm4b:s2+s3], $0x80, v4, vm0, $0xb8;
	[tilespmem:$0x18D00] =	vst v63  }
0x697: {  	s21 =	simm.s32 $0x5500  }
0x698: {  	[tilespmem:s21], [sflag:$0x1] =	stream.indirect_vreg.gather [hbm4b:s2+s3], $0x80, v3, vm0, $0xb8;
	[tilespmem:$0x18D00] =	vst v63  }
0x699: {  	v3 =	vld [tilespmem:$0x7D0];
	_ =	sdelay $0x4  }
0x69a: {  	v37 =	vshll.u32 v3, $0x1  }
0x69b: {  	v3 =	vand.u32 $0x7, v3;
	v4 =	vand.u32 $0xFFFFFFF0, v37  }
0x69c: {  	v3 =	vor.u32 v3, v4  }
0x69d: {  	v4 =	vperm.xlane v3, v0;
	_ =	sdelay $0x1  }
0x69e: {  	v3 =	vperm.xlane v3, v2;
	v4 =	vadd.s32 v1, v4;
	_ =	sdelay $0x1  }
0x69f: {  	v3 =	vadd.s32 v1, v3;
	_ =	sdelay $0x1  }
0x6a0: {  	s22 =	simm.s32 $0x5D00  }
0x6a1: {  	[tilespmem:s22], [sflag:$0x1] =	stream.indirect_vreg.gather [hbm4b:s2+s3], $0x80, v4, vm0, $0xb8;
	[tilespmem:$0x18D00] =	vst v63  }
0x6a2: {  	s14 =	simm.s32 $0x6500  }
0x6a3: {  	[tilespmem:s14], [sflag:$0x1] =	stream.indirect_vreg.gather [hbm4b:s2+s3], $0x80, v3, vm0, $0xb8;
	[tilespmem:$0x18D00] =	vst v63  }
0x6a4: {  	v3 =	vld [tilespmem:$0x7E0];
	_ =	sdelay $0x4  }
0x6a5: {  	v38 =	vshll.u32 v3, $0x1  }
0x6a6: {  	v3 =	vand.u32 $0x7, v3;
	v4 =	vand.u32 $0xFFFFFFF0, v38  }
0x6a7: {  	v3 =	vor.u32 v3, v4  }
0x6a8: {  	v4 =	vperm.xlane v3, v0;
	_ =	sdelay $0x1  }
0x6a9: {  	v3 =	vperm.xlane v3, v2;
	v4 =	vadd.s32 v1, v4;
	_ =	sdelay $0x1  }
0x6aa: {  	v3 =	vadd.s32 v1, v3;
	_ =	sdelay $0x1  }
0x6ab: {  	s25 =	simm.s32 $0x6D00  }
0x6ac: {  	[tilespmem:s25], [sflag:$0x1] =	stream.indirect_vreg.gather [hbm4b:s2+s3], $0x80, v4, vm0, $0xb8;
	[tilespmem:$0x18D00] =	vst v63  }
0x6ad: {  	s21 =	simm.s32 $0x7500  }
0x6ae: {  	[tilespmem:s21], [sflag:$0x1] =	stream.indirect_vreg.gather [hbm4b:s2+s3], $0x80, v3, vm0, $0xb8;
	[tilespmem:$0x18D00] =	vst v63  }
0x6af: {  	v3 =	vld [tilespmem:$0x7F0];
	_ =	sdelay $0x4  }
0x6b0: {  	v39 =	vshll.u32 v3, $0x1  }
0x6b1: {  	v3 =	vand.u32 $0x7, v3;
	v4 =	vand.u32 $0xFFFFFFF0, v39  }
0x6b2: {  	v3 =	vor.u32 v3, v4  }
0x6b3: {  	v4 =	vperm.xlane v3, v0;
	_ =	sdelay $0x1  }
0x6b4: {  	v3 =	vperm.xlane v3, v2;
	v4 =	vadd.s32 v1, v4;
	_ =	sdelay $0x1  }
0x6b5: {  	v3 =	vadd.s32 v1, v3;
	_ =	sdelay $0x1  }
0x6b6: {  	s28 =	simm.s32 $0x7D00  }
0x6b7: {  	[tilespmem:s28], [sflag:$0x1] =	stream.indirect_vreg.gather [hbm4b:s2+s3], $0x80, v4, vm0, $0xb8;
	[tilespmem:$0x18D00] =	vst v63  }
0x6b8: {  	s29 =	simm.s32 $0x8500  }
0x6b9: {  	[tilespmem:s29], [sflag:$0x1] =	stream.indirect_vreg.gather [hbm4b:s2+s3], $0x80, v3, vm0, $0xb8;
	[tilespmem:$0x18D00] =	vst v63  }
0x6ba: {  	_ =	swait.ge [sflag:s0], $0x8000  }
0x6bb: {  	s30 =	sld [smem:$0x7D8]  }
0x6bc: {  	[sflag:s0] =	ssyncset.done $0x0  }
0x6bd: {  	s12 =	simm.s32 $0x10D00;
	[sflag:s0] =	ssyncadd.s32 $0xFFFF8000  }
0x6be: {  	[hbm4b:s30+s3] =	stream.linear.scatter [tilespmem:s12], [sflag:$0x6], $0x8000, $0x38;
	[tilespmem:$0x18D00] =	vst v63  }
0x6bf: {  	_ =	swait.ge [sflag:s18], $0x8000  }
0x6c0: {  	[sflag:s18] =	ssyncset.done $0x0  }
0x6c1: {  	[sflag:s18] =	ssyncadd.s32 $0xFFFF8000  }
0x6c2: {  	v3 =	vld [tilespmem:$0x800];
	_ =	sdelay $0x4  }
0x6c3: {  	v40 =	vshll.u32 v3, $0x1  }
0x6c4: {  	v3 =	vand.u32 $0x7, v3;
	v4 =	vand.u32 $0xFFFFFFF0, v40  }
0x6c5: {  	v3 =	vor.u32 v3, v4  }
0x6c6: {  	v4 =	vperm.xlane v3, v0;
	_ =	sdelay $0x1  }
0x6c7: {  	v3 =	vperm.xlane v3, v2;
	v4 =	vadd.s32 v1, v4;
	_ =	sdelay $0x1  }
0x6c8: {  	v3 =	vadd.s32 v1, v3;
	_ =	sdelay $0x2  }
0x6c9: {  	[tilespmem:s26], [sflag:$0x2] =	stream.indirect_vreg.gather [hbm4b:s2+s3], $0x80, v4, vm0, $0xb8;
	[tilespmem:$0x18D00] =	vst v63  }
0x6ca: {  	_ = 	snop  }
0x6cb: {  	[tilespmem:s1], [sflag:$0x2] =	stream.indirect_vreg.gather [hbm4b:s2+s3], $0x80, v3, vm0, $0xb8;
	[tilespmem:$0x18D00] =	vst v63  }
0x6cc: {  	v3 =	vld [tilespmem:$0x810];
	_ =	sdelay $0x4  }
0x6cd: {  	v41 =	vshll.u32 v3, $0x1  }
0x6ce: {  	v3 =	vand.u32 $0x7, v3;
	v4 =	vand.u32 $0xFFFFFFF0, v41  }
0x6cf: {  	v3 =	vor.u32 v3, v4  }
0x6d0: {  	v4 =	vperm.xlane v3, v0;
	_ =	sdelay $0x1  }
0x6d1: {  	v3 =	vperm.xlane v3, v2;
	v4 =	vadd.s32 v1, v4;
	_ =	sdelay $0x1  }
0x6d2: {  	v3 =	vadd.s32 v1, v3;
	_ =	sdelay $0x1  }
0x6d3: {  	s22 =	simm.s32 $0x9D00  }
0x6d4: {  	[tilespmem:s22], [sflag:$0x2] =	stream.indirect_vreg.gather [hbm4b:s2+s3], $0x80, v4, vm0, $0xb8;
	[tilespmem:$0x18D00] =	vst v63  }
0x6d5: {  	_ = 	snop  }
0x6d6: {  	[tilespmem:s31], [sflag:$0x2] =	stream.indirect_vreg.gather [hbm4b:s2+s3], $0x80, v3, vm0, $0xb8;
	[tilespmem:$0x18D00] =	vst v63  }
0x6d7: {  	v3 =	vld [tilespmem:$0x820];
	_ =	sdelay $0x4  }
0x6d8: {  	v42 =	vshll.u32 v3, $0x1  }
0x6d9: {  	v3 =	vand.u32 $0x7, v3;
	v4 =	vand.u32 $0xFFFFFFF0, v42  }
0x6da: {  	v3 =	vor.u32 v3, v4  }
0x6db: {  	v4 =	vperm.xlane v3, v0;
	_ =	sdelay $0x1  }
0x6dc: {  	v3 =	vperm.xlane v3, v2;
	v4 =	vadd.s32 v1, v4;
	_ =	sdelay $0x1  }
0x6dd: {  	v3 =	vadd.s32 v1, v3;
	_ =	sdelay $0x1  }
0x6de: {  	s26 =	simm.s32 $0xAD00  }
0x6df: {  	[tilespmem:s26], [sflag:$0x2] =	stream.indirect_vreg.gather [hbm4b:s2+s3], $0x80, v4, vm0, $0xb8;
	[tilespmem:$0x18D00] =	vst v63  }
0x6e0: {  	_ = 	snop  }
0x6e1: {  	[tilespmem:s5], [sflag:$0x2] =	stream.indirect_vreg.gather [hbm4b:s2+s3], $0x80, v3, vm0, $0xb8;
	[tilespmem:$0x18D00] =	vst v63  }
0x6e2: {  	v3 =	vld [tilespmem:$0x830];
	_ =	sdelay $0x4  }
0x6e3: {  	v43 =	vshll.u32 v3, $0x1  }
0x6e4: {  	v3 =	vand.u32 $0x7, v3;
	v4 =	vand.u32 $0xFFFFFFF0, v43  }
0x6e5: {  	v3 =	vor.u32 v3, v4  }
0x6e6: {  	v4 =	vperm.xlane v3, v0;
	_ =	sdelay $0x1  }
0x6e7: {  	v3 =	vperm.xlane v3, v2;
	v4 =	vadd.s32 v1, v4;
	_ =	sdelay $0x1  }
0x6e8: {  	v3 =	vadd.s32 v1, v3;
	_ =	sdelay $0x1  }
0x6e9: {  	s30 =	simm.s32 $0xBD00  }
0x6ea: {  	[tilespmem:s30], [sflag:$0x2] =	stream.indirect_vreg.gather [hbm4b:s2+s3], $0x80, v4, vm0, $0xb8;
	[tilespmem:$0x18D00] =	vst v63  }
0x6eb: {  	_ = 	snop  }
0x6ec: {  	[tilespmem:s7], [sflag:$0x2] =	stream.indirect_vreg.gather [hbm4b:s2+s3], $0x80, v3, vm0, $0xb8;
	[tilespmem:$0x18D00] =	vst v63  }
0x6ed: {  	v3 =	vld [tilespmem:$0x840];
	_ =	sdelay $0x4  }
0x6ee: {  	v44 =	vshll.u32 v3, $0x1  }
0x6ef: {  	v3 =	vand.u32 $0x7, v3;
	v4 =	vand.u32 $0xFFFFFFF0, v44  }
0x6f0: {  	v3 =	vor.u32 v3, v4  }
0x6f1: {  	v4 =	vperm.xlane v3, v0;
	_ =	sdelay $0x1  }
0x6f2: {  	v3 =	vperm.xlane v3, v2;
	v4 =	vadd.s32 v1, v4;
	_ =	sdelay $0x1  }
0x6f3: {  	v3 =	vadd.s32 v1, v3;
	_ =	sdelay $0x1  }
0x6f4: {  	s31 =	simm.s32 $0xCD00  }
0x6f5: {  	[tilespmem:s31], [sflag:$0x2] =	stream.indirect_vreg.gather [hbm4b:s2+s3], $0x80, v4, vm0, $0xb8;
	[tilespmem:$0x18D00] =	vst v63  }
0x6f6: {  	_ = 	snop  }
0x6f7: {  	[tilespmem:s8], [sflag:$0x2] =	stream.indirect_vreg.gather [hbm4b:s2+s3], $0x80, v3, vm0, $0xb8;
	[tilespmem:$0x18D00] =	vst v63  }
0x6f8: {  	v3 =	vld [tilespmem:$0x850];
	_ =	sdelay $0x4  }
0x6f9: {  	v45 =	vshll.u32 v3, $0x1  }
0x6fa: {  	v3 =	vand.u32 $0x7, v3;
	v4 =	vand.u32 $0xFFFFFFF0, v45  }
0x6fb: {  	v3 =	vor.u32 v3, v4  }
0x6fc: {  	v4 =	vperm.xlane v3, v0;
	_ =	sdelay $0x1  }
0x6fd: {  	v3 =	vperm.xlane v3, v2;
	v4 =	vadd.s32 v1, v4;
	_ =	sdelay $0x1  }
0x6fe: {  	v3 =	vadd.s32 v1, v3;
	_ =	sdelay $0x1  }
0x6ff: {  	s5 =	simm.s32 $0xDD00  }
0x700: {  	[tilespmem:s5], [sflag:$0x2] =	stream.indirect_vreg.gather [hbm4b:s2+s3], $0x80, v4, vm0, $0xb8;
	[tilespmem:$0x18D00] =	vst v63  }
0x701: {  	_ = 	snop  }
0x702: {  	[tilespmem:s9], [sflag:$0x2] =	stream.indirect_vreg.gather [hbm4b:s2+s3], $0x80, v3, vm0, $0xb8;
	[tilespmem:$0x18D00] =	vst v63  }
0x703: {  	v3 =	vld [tilespmem:$0x860];
	_ =	sdelay $0x4  }
0x704: {  	v46 =	vshll.u32 v3, $0x1  }
0x705: {  	v3 =	vand.u32 $0x7, v3;
	v4 =	vand.u32 $0xFFFFFFF0, v46  }
0x706: {  	v3 =	vor.u32 v3, v4  }
0x707: {  	v4 =	vperm.xlane v3, v0;
	_ =	sdelay $0x1  }
0x708: {  	v3 =	vperm.xlane v3, v2;
	v4 =	vadd.s32 v1, v4;
	_ =	sdelay $0x1  }
0x709: {  	v3 =	vadd.s32 v1, v3;
	_ =	sdelay $0x1  }
0x70a: {  	s7 =	simm.s32 $0xED00  }
0x70b: {  	[tilespmem:s7], [sflag:$0x2] =	stream.indirect_vreg.gather [hbm4b:s2+s3], $0x80, v4, vm0, $0xb8;
	[tilespmem:$0x18D00] =	vst v63  }
0x70c: {  	s29 =	simm.s32 $0xF500  }
0x70d: {  	[tilespmem:s29], [sflag:$0x2] =	stream.indirect_vreg.gather [hbm4b:s2+s3], $0x80, v3, vm0, $0xb8;
	[tilespmem:$0x18D00] =	vst v63  }
0x70e: {  	v3 =	vld [tilespmem:$0x870];
	_ =	sdelay $0x4  }
0x70f: {  	v47 =	vshll.u32 v3, $0x1  }
0x710: {  	v3 =	vand.u32 $0x7, v3;
	v4 =	vand.u32 $0xFFFFFFF0, v47  }
0x711: {  	v3 =	vor.u32 v3, v4  }
0x712: {  	v4 =	vperm.xlane v3, v0;
	_ =	sdelay $0x1  }
0x713: {  	v3 =	vperm.xlane v3, v2;
	v4 =	vadd.s32 v1, v4;
	_ =	sdelay $0x1  }
0x714: {  	v3 =	vadd.s32 v1, v3;
	_ =	sdelay $0x1  }
0x715: {  	s28 =	simm.s32 $0xFD00  }
0x716: {  	[tilespmem:s28], [sflag:$0x2] =	stream.indirect_vreg.gather [hbm4b:s2+s3], $0x80, v4, vm0, $0xb8;
	[tilespmem:$0x18D00] =	vst v63  }
0x717: {  	_ = 	snop  }
0x718: {  	[tilespmem:s10], [sflag:$0x2] =	stream.indirect_vreg.gather [hbm4b:s2+s3], $0x80, v3, vm0, $0xb8;
	[tilespmem:$0x18D00] =	vst v63  }
0x719: {  	_ =	swait.ge [sflag:s4], $0x8000  }
0x71a: {  	s8 =	sld [smem:$0x7D9]  }
0x71b: {  	[sflag:s4] =	ssyncset.done $0x0  }
0x71c: {  	s30 =	simm.s32 $0xD00;
	[sflag:s4] =	ssyncadd.s32 $0xFFFF8000  }
0x71d: {  	[hbm4b:s8+s3] =	stream.linear.scatter [tilespmem:s30], [sflag:$0x4], $0x8000, $0x38;
	[tilespmem:$0x18D00] =	vst v63  }
0x71e: {  	_ =	swait.ge [sflag:s17], $0x8000  }
0x71f: {  	[sflag:s17] =	ssyncset.done $0x0  }
0x720: {  	[sflag:s17] =	ssyncadd.s32 $0xFFFF8000  }
0x721: {  	v3 =	vld [tilespmem:$0x880];
	_ =	sdelay $0x4  }
0x722: {  	v48 =	vshll.u32 v3, $0x1  }
0x723: {  	v3 =	vand.u32 $0x7, v3;
	v4 =	vand.u32 $0xFFFFFFF0, v48  }
0x724: {  	v3 =	vor.u32 v3, v4  }
0x725: {  	v4 =	vperm.xlane v3, v0;
	_ =	sdelay $0x1  }
0x726: {  	v3 =	vperm.xlane v3, v2;
	v4 =	vadd.s32 v1, v4;
	_ =	sdelay $0x1  }
0x727: {  	v3 =	vadd.s32 v1, v3;
	_ =	sdelay $0x2  }
0x728: {  	[tilespmem:s12], [sflag:$0x3] =	stream.indirect_vreg.gather [hbm4b:s2+s3], $0x80, v4, vm0, $0xb8;
	[tilespmem:$0x18D00] =	vst v63  }
0x729: {  	s9 =	simm.s32 $0x11500  }
0x72a: {  	[tilespmem:s9], [sflag:$0x3] =	stream.indirect_vreg.gather [hbm4b:s2+s3], $0x80, v3, vm0, $0xb8;
	[tilespmem:$0x18D00] =	vst v63  }
0x72b: {  	v3 =	vld [tilespmem:$0x890];
	_ =	sdelay $0x4  }
0x72c: {  	v49 =	vshll.u32 v3, $0x1  }
0x72d: {  	v3 =	vand.u32 $0x7, v3;
	v4 =	vand.u32 $0xFFFFFFF0, v49  }
0x72e: {  	v3 =	vor.u32 v3, v4  }
0x72f: {  	v4 =	vperm.xlane v3, v0;
	_ =	sdelay $0x1  }
0x730: {  	v3 =	vperm.xlane v3, v2;
	v4 =	vadd.s32 v1, v4;
	_ =	sdelay $0x1  }
0x731: {  	v3 =	vadd.s32 v1, v3;
	_ =	sdelay $0x1  }
0x732: {  	s10 =	simm.s32 $0x11D00  }
0x733: {  	[tilespmem:s10], [sflag:$0x3] =	stream.indirect_vreg.gather [hbm4b:s2+s3], $0x80, v4, vm0, $0xb8;
	[tilespmem:$0x18D00] =	vst v63  }
0x734: {  	_ = 	snop  }
0x735: {  	[tilespmem:s11], [sflag:$0x3] =	stream.indirect_vreg.gather [hbm4b:s2+s3], $0x80, v3, vm0, $0xb8;
	[tilespmem:$0x18D00] =	vst v63  }
0x736: {  	v3 =	vld [tilespmem:$0x8A0];
	_ =	sdelay $0x4  }
0x737: {  	v50 =	vshll.u32 v3, $0x1  }
0x738: {  	v3 =	vand.u32 $0x7, v3;
	v4 =	vand.u32 $0xFFFFFFF0, v50  }
0x739: {  	v3 =	vor.u32 v3, v4  }
0x73a: {  	v4 =	vperm.xlane v3, v0;
	_ =	sdelay $0x1  }
0x73b: {  	v3 =	vperm.xlane v3, v2;
	v4 =	vadd.s32 v1, v4;
	_ =	sdelay $0x1  }
0x73c: {  	v3 =	vadd.s32 v1, v3;
	_ =	sdelay $0x2  }
0x73d: {  	[tilespmem:s23], [sflag:$0x3] =	stream.indirect_vreg.gather [hbm4b:s2+s3], $0x80, v4, vm0, $0xb8;
	[tilespmem:$0x18D00] =	vst v63  }
0x73e: {  	_ = 	snop  }
0x73f: {  	[tilespmem:s24], [sflag:$0x3] =	stream.indirect_vreg.gather [hbm4b:s2+s3], $0x80, v3, vm0, $0xb8;
	[tilespmem:$0x18D00] =	vst v63  }
0x740: {  	v3 =	vld [tilespmem:$0x8B0];
	_ =	sdelay $0x4  }
0x741: {  	v51 =	vshll.u32 v3, $0x1  }
0x742: {  	v3 =	vand.u32 $0x7, v3;
	v4 =	vand.u32 $0xFFFFFFF0, v51  }
0x743: {  	v3 =	vor.u32 v3, v4  }
0x744: {  	v4 =	vperm.xlane v3, v0;
	_ =	sdelay $0x1  }
0x745: {  	v3 =	vperm.xlane v3, v2;
	v4 =	vadd.s32 v1, v4;
	_ =	sdelay $0x1  }
0x746: {  	v3 =	vadd.s32 v1, v3;
	_ =	sdelay $0x1  }
0x747: {  	s12 =	simm.s32 $0x13D00  }
0x748: {  	[tilespmem:s12], [sflag:$0x3] =	stream.indirect_vreg.gather [hbm4b:s2+s3], $0x80, v4, vm0, $0xb8;
	[tilespmem:$0x18D00] =	vst v63  }
0x749: {  	s12 =	simm.s32 $0x14500  }
0x74a: {  	[tilespmem:s12], [sflag:$0x3] =	stream.indirect_vreg.gather [hbm4b:s2+s3], $0x80, v3, vm0, $0xb8;
	[tilespmem:$0x18D00] =	vst v63  }
0x74b: {  	v3 =	vld [tilespmem:$0x8C0];
	_ =	sdelay $0x4  }
0x74c: {  	v52 =	vshll.u32 v3, $0x1  }
0x74d: {  	v3 =	vand.u32 $0x7, v3;
	v4 =	vand.u32 $0xFFFFFFF0, v52  }
0x74e: {  	v3 =	vor.u32 v3, v4  }
0x74f: {  	v4 =	vperm.xlane v3, v0;
	_ =	sdelay $0x1  }
0x750: {  	v3 =	vperm.xlane v3, v2;
	v4 =	vadd.s32 v1, v4;
	_ =	sdelay $0x1  }
0x751: {  	v3 =	vadd.s32 v1, v3;
	_ =	sdelay $0x1  }
0x752: {  	s24 =	simm.s32 $0x14D00  }
0x753: {  	[tilespmem:s24], [sflag:$0x3] =	stream.indirect_vreg.gather [hbm4b:s2+s3], $0x80, v4, vm0, $0xb8;
	[tilespmem:$0x18D00] =	vst v63  }
0x754: {  	s20 =	simm.s32 $0x15500  }
0x755: {  	[tilespmem:s20], [sflag:$0x3] =	stream.indirect_vreg.gather [hbm4b:s2+s3], $0x80, v3, vm0, $0xb8;
	[tilespmem:$0x18D00] =	vst v63  }
0x756: {  	v3 =	vld [tilespmem:$0x8D0];
	_ =	sdelay $0x4  }
0x757: {  	v53 =	vshll.u32 v3, $0x1  }
0x758: {  	v3 =	vand.u32 $0x7, v3;
	v4 =	vand.u32 $0xFFFFFFF0, v53  }
0x759: {  	v3 =	vor.u32 v3, v4  }
0x75a: {  	v4 =	vperm.xlane v3, v0;
	_ =	sdelay $0x1  }
0x75b: {  	v3 =	vperm.xlane v3, v2;
	v4 =	vadd.s32 v1, v4;
	_ =	sdelay $0x1  }
0x75c: {  	v3 =	vadd.s32 v1, v3;
	_ =	sdelay $0x1  }
0x75d: {  	s25 =	simm.s32 $0x15D00  }
0x75e: {  	[tilespmem:s25], [sflag:$0x3] =	stream.indirect_vreg.gather [hbm4b:s2+s3], $0x80, v4, vm0, $0xb8;
	[tilespmem:$0x18D00] =	vst v63  }
0x75f: {  	s23 =	simm.s32 $0x16500  }
0x760: {  	[tilespmem:s23], [sflag:$0x3] =	stream.indirect_vreg.gather [hbm4b:s2+s3], $0x80, v3, vm0, $0xb8;
	[tilespmem:$0x18D00] =	vst v63  }
0x761: {  	v3 =	vld [tilespmem:$0x8E0];
	_ =	sdelay $0x4  }
0x762: {  	v54 =	vshll.u32 v3, $0x1  }
0x763: {  	v3 =	vand.u32 $0x7, v3;
	v4 =	vand.u32 $0xFFFFFFF0, v54  }
0x764: {  	v3 =	vor.u32 v3, v4  }
0x765: {  	v4 =	vperm.xlane v3, v0;
	_ =	sdelay $0x1  }
0x766: {  	v3 =	vperm.xlane v3, v2;
	v4 =	vadd.s32 v1, v4;
	_ =	sdelay $0x1  }
0x767: {  	v3 =	vadd.s32 v1, v3;
	_ =	sdelay $0x1  }
0x768: {  	s31 =	simm.s32 $0x16D00  }
0x769: {  	[tilespmem:s31], [sflag:$0x3] =	stream.indirect_vreg.gather [hbm4b:s2+s3], $0x80, v4, vm0, $0xb8;
	[tilespmem:$0x18D00] =	vst v63  }
0x76a: {  	s7 =	simm.s32 $0x17500  }
0x76b: {  	[tilespmem:s7], [sflag:$0x3] =	stream.indirect_vreg.gather [hbm4b:s2+s3], $0x80, v3, vm0, $0xb8;
	[tilespmem:$0x18D00] =	vst v63  }
0x76c: {  	v3 =	vld [tilespmem:$0x8F0];
	_ =	sdelay $0x4  }
0x76d: {  	v55 =	vshll.u32 v3, $0x1  }
0x76e: {  	v3 =	vand.u32 $0x7, v3;
	v4 =	vand.u32 $0xFFFFFFF0, v55  }
0x76f: {  	v3 =	vor.u32 v3, v4  }
0x770: {  	v4 =	vperm.xlane v3, v0;
	_ =	sdelay $0x1  }
0x771: {  	v3 =	vperm.xlane v3, v2;
	v4 =	vadd.s32 v1, v4;
	_ =	sdelay $0x1  }
0x772: {  	v3 =	vadd.s32 v1, v3;
	_ =	sdelay $0x1  }
0x773: {  	s23 =	simm.s32 $0x17D00  }
0x774: {  	[tilespmem:s23], [sflag:$0x3] =	stream.indirect_vreg.gather [hbm4b:s2+s3], $0x80, v4, vm0, $0xb8;
	[tilespmem:$0x18D00] =	vst v63  }
0x775: {  	s8 =	simm.s32 $0x18500  }
0x776: {  	[tilespmem:s8], [sflag:$0x3] =	stream.indirect_vreg.gather [hbm4b:s2+s3], $0x80, v3, vm0, $0xb8;
	[tilespmem:$0x18D00] =	vst v63  }
0x777: {  	_ =	swait.ge [sflag:s15], $0x8000  }
0x778: {  	s9 =	sld [smem:$0x7DA]  }
0x779: {  	[sflag:s15] =	ssyncset.done $0x0  }
0x77a: {  	s31 =	simm.s32 $0x8D00;
	[sflag:s15] =	ssyncadd.s32 $0xFFFF8000  }
0x77b: {  	[hbm4b:s9+s3] =	stream.linear.scatter [tilespmem:s31], [sflag:$0x5], $0x8000, $0x38;
	[tilespmem:$0x18D00] =	vst v63  }
0x77c: {  	_ =	swait.ge [sflag:s16], $0x8000  }
0x77d: {  	[sflag:s16] =	ssyncset.done $0x0  }
0x77e: {  	[sflag:s16] =	ssyncadd.s32 $0xFFFF8000  }
0x77f: {  	v3 =	vld [tilespmem:$0x900];
	_ =	sdelay $0x4  }
0x780: {  	v56 =	vshll.u32 v3, $0x1  }
0x781: {  	v3 =	vand.u32 $0x7, v3;
	v4 =	vand.u32 $0xFFFFFFF0, v56  }
0x782: {  	v3 =	vor.u32 v3, v4  }
0x783: {  	v4 =	vperm.xlane v3, v0;
	_ =	sdelay $0x1  }
0x784: {  	v3 =	vperm.xlane v3, v2;
	v4 =	vadd.s32 v1, v4;
	_ =	sdelay $0x1  }
0x785: {  	v3 =	vadd.s32 v1, v3;
	_ =	sdelay $0x2  }
0x786: {  	[tilespmem:s30], [sflag:$0x1] =	stream.indirect_vreg.gather [hbm4b:s2+s3], $0x80, v4, vm0, $0xb8;
	[tilespmem:$0x18D00] =	vst v63  }
0x787: {  	s11 =	simm.s32 $0x1500  }
0x788: {  	[tilespmem:s11], [sflag:$0x1] =	stream.indirect_vreg.gather [hbm4b:s2+s3], $0x80, v3, vm0, $0xb8;
	[tilespmem:$0x18D00] =	vst v63  }
0x789: {  	v3 =	vld [tilespmem:$0x910];
	_ =	sdelay $0x4  }
0x78a: {  	v57 =	vshll.u32 v3, $0x1  }
0x78b: {  	v3 =	vand.u32 $0x7, v3;
	v4 =	vand.u32 $0xFFFFFFF0, v57  }
0x78c: {  	v3 =	vor.u32 v3, v4  }
0x78d: {  	v4 =	vperm.xlane v3, v0;
	_ =	sdelay $0x1  }
0x78e: {  	v3 =	vperm.xlane v3, v2;
	v4 =	vadd.s32 v1, v4;
	_ =	sdelay $0x1  }
0x78f: {  	v3 =	vadd.s32 v1, v3;
	_ =	sdelay $0x1  }
0x790: {  	s30 =	simm.s32 $0x1D00  }
0x791: {  	[tilespmem:s30], [sflag:$0x1] =	stream.indirect_vreg.gather [hbm4b:s2+s3], $0x80, v4, vm0, $0xb8;
	[tilespmem:$0x18D00] =	vst v63  }
0x792: {  	s10 =	simm.s32 $0x2500  }
0x793: {  	[tilespmem:s10], [sflag:$0x1] =	stream.indirect_vreg.gather [hbm4b:s2+s3], $0x80, v3, vm0, $0xb8;
	[tilespmem:$0x18D00] =	vst v63  }
0x794: {  	v3 =	vld [tilespmem:$0x920];
	_ =	sdelay $0x4  }
0x795: {  	v58 =	vshll.u32 v3, $0x1  }
0x796: {  	v3 =	vand.u32 $0x7, v3;
	v4 =	vand.u32 $0xFFFFFFF0, v58  }
0x797: {  	v3 =	vor.u32 v3, v4  }
0x798: {  	v4 =	vperm.xlane v3, v0;
	_ =	sdelay $0x1  }
0x799: {  	v3 =	vperm.xlane v3, v2;
	v4 =	vadd.s32 v1, v4;
	_ =	sdelay $0x1  }
0x79a: {  	v3 =	vadd.s32 v1, v3;
	_ =	sdelay $0x1  }
0x79b: {  	s20 =	simm.s32 $0x2D00  }
0x79c: {  	[tilespmem:s20], [sflag:$0x1] =	stream.indirect_vreg.gather [hbm4b:s2+s3], $0x80, v4, vm0, $0xb8;
	[tilespmem:$0x18D00] =	vst v63  }
0x79d: {  	_ = 	snop  }
0x79e: {  	[tilespmem:s13], [sflag:$0x1] =	stream.indirect_vreg.gather [hbm4b:s2+s3], $0x80, v3, vm0, $0xb8;
	[tilespmem:$0x18D00] =	vst v63  }
0x79f: {  	v3 =	vld [tilespmem:$0x930];
	_ =	sdelay $0x4  }
0x7a0: {  	v59 =	vshll.u32 v3, $0x1  }
0x7a1: {  	v3 =	vand.u32 $0x7, v3;
	v4 =	vand.u32 $0xFFFFFFF0, v59  }
0x7a2: {  	v3 =	vor.u32 v3, v4  }
0x7a3: {  	v4 =	vperm.xlane v3, v0;
	_ =	sdelay $0x1  }
0x7a4: {  	v3 =	vperm.xlane v3, v2;
	v4 =	vadd.s32 v1, v4;
	_ =	sdelay $0x1  }
0x7a5: {  	v3 =	vadd.s32 v1, v3;
	_ =	sdelay $0x1  }
0x7a6: {  	s8 =	simm.s32 $0x3D00  }
0x7a7: {  	[tilespmem:s8], [sflag:$0x1] =	stream.indirect_vreg.gather [hbm4b:s2+s3], $0x80, v4, vm0, $0xb8;
	[tilespmem:$0x18D00] =	vst v63  }
0x7a8: {  	_ = 	snop  }
0x7a9: {  	[tilespmem:s19], [sflag:$0x1] =	stream.indirect_vreg.gather [hbm4b:s2+s3], $0x80, v3, vm0, $0xb8;
	[tilespmem:$0x18D00] =	vst v63  }
0x7aa: {  	v3 =	vld [tilespmem:$0x940];
	_ =	sdelay $0x4  }
0x7ab: {  	v60 =	vshll.u32 v3, $0x1  }
0x7ac: {  	v3 =	vand.u32 $0x7, v3;
	v4 =	vand.u32 $0xFFFFFFF0, v60  }
0x7ad: {  	v3 =	vor.u32 v3, v4  }
0x7ae: {  	v4 =	vperm.xlane v3, v0;
	_ =	sdelay $0x1  }
0x7af: {  	v3 =	vperm.xlane v3, v2;
	v4 =	vadd.s32 v1, v4;
	_ =	sdelay $0x1  }
0x7b0: {  	v3 =	vadd.s32 v1, v3;
	_ =	sdelay $0x1  }
0x7b1: {  	s9 =	simm.s32 $0x4D00  }
0x7b2: {  	[tilespmem:s9], [sflag:$0x1] =	stream.indirect_vreg.gather [hbm4b:s2+s3], $0x80, v4, vm0, $0xb8;
	[tilespmem:$0x18D00] =	vst v63  }
0x7b3: {  	s10 =	simm.s32 $0x5500  }
0x7b4: {  	[tilespmem:s10], [sflag:$0x1] =	stream.indirect_vreg.gather [hbm4b:s2+s3], $0x80, v3, vm0, $0xb8;
	[tilespmem:$0x18D00] =	vst v63  }
0x7b5: {  	v3 =	vld [tilespmem:$0x950];
	_ =	sdelay $0x4  }
0x7b6: {  	v61 =	vshll.u32 v3, $0x1  }
0x7b7: {  	v3 =	vand.u32 $0x7, v3;
	v4 =	vand.u32 $0xFFFFFFF0, v61  }
0x7b8: {  	v3 =	vor.u32 v3, v4  }
0x7b9: {  	v4 =	vperm.xlane v3, v0;
	_ =	sdelay $0x1  }
0x7ba: {  	v3 =	vperm.xlane v3, v2;
	v4 =	vadd.s32 v1, v4;
	_ =	sdelay $0x1  }
0x7bb: {  	v3 =	vadd.s32 v1, v3;
	_ =	sdelay $0x1  }
0x7bc: {  	s13 =	simm.s32 $0x5D00  }
0x7bd: {  	[tilespmem:s13], [sflag:$0x1] =	stream.indirect_vreg.gather [hbm4b:s2+s3], $0x80, v4, vm0, $0xb8;
	[tilespmem:$0x18D00] =	vst v63  }
0x7be: {  	_ = 	snop  }
0x7bf: {  	[tilespmem:s14], [sflag:$0x1] =	stream.indirect_vreg.gather [hbm4b:s2+s3], $0x80, v3, vm0, $0xb8;
	[tilespmem:$0x18D00] =	vst v63  }
0x7c0: {  	v3 =	vld [tilespmem:$0x960];
	_ =	sdelay $0x4  }
0x7c1: {  	v62 =	vshll.u32 v3, $0x1  }
0x7c2: {  	v3 =	vand.u32 $0x7, v3;
	v4 =	vand.u32 $0xFFFFFFF0, v62  }
0x7c3: {  	v3 =	vor.u32 v3, v4  }
0x7c4: {  	v4 =	vperm.xlane v3, v0;
	_ =	sdelay $0x1  }
0x7c5: {  	v3 =	vperm.xlane v3, v2;
	v4 =	vadd.s32 v1, v4;
	_ =	sdelay $0x1  }
0x7c6: {  	v3 =	vadd.s32 v1, v3;
	_ =	sdelay $0x1  }
0x7c7: {  	s19 =	simm.s32 $0x6D00  }
0x7c8: {  	[tilespmem:s19], [sflag:$0x1] =	stream.indirect_vreg.gather [hbm4b:s2+s3], $0x80, v4, vm0, $0xb8;
	[tilespmem:$0x18D00] =	vst v63  }
0x7c9: {  	_ = 	snop  }
0x7ca: {  	[tilespmem:s21], [sflag:$0x1] =	stream.indirect_vreg.gather [hbm4b:s2+s3], $0x80, v3, vm0, $0xb8;
	[tilespmem:$0x18D00] =	vst v63  }
0x7cb: {  	v3 =	vld [tilespmem:$0x970];
	_ =	sdelay $0x4  }
0x7cc: {  	v63 =	vshll.u32 v3, $0x1  }
0x7cd: {  	v3 =	vand.u32 $0x7, v3;
	v4 =	vand.u32 $0xFFFFFFF0, v63  }
0x7ce: {  	v3 =	vor.u32 v3, v4  }
0x7cf: {  	v4 =	vperm.xlane v3, v0;
	_ =	sdelay $0x1  }
0x7d0: {  	v3 =	vperm.xlane v3, v2;
	v4 =	vadd.s32 v1, v4;
	_ =	sdelay $0x1  }
0x7d1: {  	v3 =	vadd.s32 v1, v3;
	_ =	sdelay $0x1  }
0x7d2: {  	s20 =	simm.s32 $0x7D00  }
0x7d3: {  	[tilespmem:s20], [sflag:$0x1] =	stream.indirect_vreg.gather [hbm4b:s2+s3], $0x80, v4, vm0, $0xb8;
	[tilespmem:$0x18D00] =	vst v63  }
0x7d4: {  	s21 =	simm.s32 $0x8500  }
0x7d5: {  	[tilespmem:s21], [sflag:$0x1] =	stream.indirect_vreg.gather [hbm4b:s2+s3], $0x80, v3, vm0, $0xb8;
	[tilespmem:$0x18D00] =	vst v63  }
0x7d6: {  	_ =	swait.ge [sflag:s0], $0x8000  }
0x7d7: {  	s8 =	sld [smem:$0x7DB]  }
0x7d8: {  	[sflag:s0] =	ssyncset.done $0x0  }
0x7d9: {  	s5 =	simm.s32 $0x10D00;
	[sflag:s0] =	ssyncadd.s32 $0xFFFF8000  }
0x7da: {  	[hbm4b:s8+s3] =	stream.linear.scatter [tilespmem:s5], [sflag:$0x6], $0x8000, $0x38;
	[tilespmem:$0x18D00] =	vst v63  }
0x7db: {  	_ =	swait.ge [sflag:s18], $0x8000  }
0x7dc: {  	[sflag:s18] =	ssyncset.done $0x0  }
0x7dd: {  	[sflag:s18] =	ssyncadd.s32 $0xFFFF8000  }
0x7de: {  	v3 =	vld [tilespmem:$0x980];
	_ =	sdelay $0x4  }
0x7df: {  	v8 =	vshll.u32 v3, $0x1  }
0x7e0: {  	v3 =	vand.u32 $0x7, v3;
	v4 =	vand.u32 $0xFFFFFFF0, v8  }
0x7e1: {  	v3 =	vor.u32 v3, v4  }
0x7e2: {  	v4 =	vperm.xlane v3, v0;
	_ =	sdelay $0x1  }
0x7e3: {  	v3 =	vperm.xlane v3, v2;
	v4 =	vadd.s32 v1, v4;
	_ =	sdelay $0x1  }
0x7e4: {  	v3 =	vadd.s32 v1, v3;
	_ =	sdelay $0x2  }
0x7e5: {  	[tilespmem:s31], [sflag:$0x2] =	stream.indirect_vreg.gather [hbm4b:s2+s3], $0x80, v4, vm0, $0xb8;
	[tilespmem:$0x18D00] =	vst v63  }
0x7e6: {  	s31 =	simm.s32 $0x9500  }
0x7e7: {  	[tilespmem:s31], [sflag:$0x2] =	stream.indirect_vreg.gather [hbm4b:s2+s3], $0x80, v3, vm0, $0xb8;
	[tilespmem:$0x18D00] =	vst v63  }
0x7e8: {  	v3 =	vld [tilespmem:$0x990];
	_ =	sdelay $0x4  }
0x7e9: {  	v9 =	vshll.u32 v3, $0x1  }
0x7ea: {  	v3 =	vand.u32 $0x7, v3;
	v4 =	vand.u32 $0xFFFFFFF0, v9  }
0x7eb: {  	v3 =	vor.u32 v3, v4  }
0x7ec: {  	v4 =	vperm.xlane v3, v0;
	_ =	sdelay $0x1  }
0x7ed: {  	v3 =	vperm.xlane v3, v2;
	v4 =	vadd.s32 v1, v4;
	_ =	sdelay $0x1  }
0x7ee: {  	v3 =	vadd.s32 v1, v3;
	_ =	sdelay $0x2  }
0x7ef: {  	[tilespmem:s22], [sflag:$0x2] =	stream.indirect_vreg.gather [hbm4b:s2+s3], $0x80, v4, vm0, $0xb8;
	[tilespmem:$0x18D00] =	vst v63  }
0x7f0: {  	s21 =	simm.s32 $0xA500  }
0x7f1: {  	[tilespmem:s21], [sflag:$0x2] =	stream.indirect_vreg.gather [hbm4b:s2+s3], $0x80, v3, vm0, $0xb8;
	[tilespmem:$0x18D00] =	vst v63  }
0x7f2: {  	v3 =	vld [tilespmem:$0x9A0];
	_ =	sdelay $0x4  }
0x7f3: {  	v10 =	vshll.u32 v3, $0x1  }
0x7f4: {  	v3 =	vand.u32 $0x7, v3;
	v4 =	vand.u32 $0xFFFFFFF0, v10  }
0x7f5: {  	v3 =	vor.u32 v3, v4  }
0x7f6: {  	v4 =	vperm.xlane v3, v0;
	_ =	sdelay $0x1  }
0x7f7: {  	v3 =	vperm.xlane v3, v2;
	v4 =	vadd.s32 v1, v4;
	_ =	sdelay $0x1  }
0x7f8: {  	v3 =	vadd.s32 v1, v3;
	_ =	sdelay $0x2  }
0x7f9: {  	[tilespmem:s26], [sflag:$0x2] =	stream.indirect_vreg.gather [hbm4b:s2+s3], $0x80, v4, vm0, $0xb8;
	[tilespmem:$0x18D00] =	vst v63  }
0x7fa: {  	s14 =	simm.s32 $0xB500  }
0x7fb: {  	[tilespmem:s14], [sflag:$0x2] =	stream.indirect_vreg.gather [hbm4b:s2+s3], $0x80, v3, vm0, $0xb8;
	[tilespmem:$0x18D00] =	vst v63  }
0x7fc: {  	v3 =	vld [tilespmem:$0x9B0];
	_ =	sdelay $0x4  }
0x7fd: {  	v11 =	vshll.u32 v3, $0x1  }
0x7fe: {  	v3 =	vand.u32 $0x7, v3;
	v4 =	vand.u32 $0xFFFFFFF0, v11  }
0x7ff: {  	v3 =	vor.u32 v3, v4  }
0x800: {  	v4 =	vperm.xlane v3, v0;
	_ =	sdelay $0x1  }
0x801: {  	v3 =	vperm.xlane v3, v2;
	v4 =	vadd.s32 v1, v4;
	_ =	sdelay $0x1  }
0x802: {  	v3 =	vadd.s32 v1, v3;
	_ =	sdelay $0x1  }
0x803: {  	s9 =	simm.s32 $0xBD00  }
0x804: {  	[tilespmem:s9], [sflag:$0x2] =	stream.indirect_vreg.gather [hbm4b:s2+s3], $0x80, v4, vm0, $0xb8;
	[tilespmem:$0x18D00] =	vst v63  }
0x805: {  	s19 =	simm.s32 $0xC500  }
0x806: {  	[tilespmem:s19], [sflag:$0x2] =	stream.indirect_vreg.gather [hbm4b:s2+s3], $0x80, v3, vm0, $0xb8;
	[tilespmem:$0x18D00] =	vst v63  }
0x807: {  	v3 =	vld [tilespmem:$0x9C0];
	_ =	sdelay $0x4  }
0x808: {  	v12 =	vshll.u32 v3, $0x1  }
0x809: {  	v3 =	vand.u32 $0x7, v3;
	v4 =	vand.u32 $0xFFFFFFF0, v12  }
0x80a: {  	v3 =	vor.u32 v3, v4  }
0x80b: {  	v4 =	vperm.xlane v3, v0;
	_ =	sdelay $0x1  }
0x80c: {  	v3 =	vperm.xlane v3, v2;
	v4 =	vadd.s32 v1, v4;
	_ =	sdelay $0x1  }
0x80d: {  	v3 =	vadd.s32 v1, v3;
	_ =	sdelay $0x1  }
0x80e: {  	s10 =	simm.s32 $0xCD00  }
0x80f: {  	[tilespmem:s10], [sflag:$0x2] =	stream.indirect_vreg.gather [hbm4b:s2+s3], $0x80, v4, vm0, $0xb8;
	[tilespmem:$0x18D00] =	vst v63  }
0x810: {  	s8 =	simm.s32 $0xD500  }
0x811: {  	[tilespmem:s8], [sflag:$0x2] =	stream.indirect_vreg.gather [hbm4b:s2+s3], $0x80, v3, vm0, $0xb8;
	[tilespmem:$0x18D00] =	vst v63  }
0x812: {  	v3 =	vld [tilespmem:$0x9D0];
	_ =	sdelay $0x4  }
0x813: {  	v13 =	vshll.u32 v3, $0x1  }
0x814: {  	v3 =	vand.u32 $0x7, v3;
	v4 =	vand.u32 $0xFFFFFFF0, v13  }
0x815: {  	v3 =	vor.u32 v3, v4  }
0x816: {  	v4 =	vperm.xlane v3, v0;
	_ =	sdelay $0x1  }
0x817: {  	v3 =	vperm.xlane v3, v2;
	v4 =	vadd.s32 v1, v4;
	_ =	sdelay $0x1  }
0x818: {  	v3 =	vadd.s32 v1, v3;
	_ =	sdelay $0x1  }
0x819: {  	s13 =	simm.s32 $0xDD00  }
0x81a: {  	[tilespmem:s13], [sflag:$0x2] =	stream.indirect_vreg.gather [hbm4b:s2+s3], $0x80, v4, vm0, $0xb8;
	[tilespmem:$0x18D00] =	vst v63  }
0x81b: {  	s9 =	simm.s32 $0xE500  }
0x81c: {  	[tilespmem:s9], [sflag:$0x2] =	stream.indirect_vreg.gather [hbm4b:s2+s3], $0x80, v3, vm0, $0xb8;
	[tilespmem:$0x18D00] =	vst v63  }
0x81d: {  	v3 =	vld [tilespmem:$0x9E0];
	_ =	sdelay $0x4  }
0x81e: {  	v14 =	vshll.u32 v3, $0x1  }
0x81f: {  	v3 =	vand.u32 $0x7, v3;
	v4 =	vand.u32 $0xFFFFFFF0, v14  }
0x820: {  	v3 =	vor.u32 v3, v4  }
0x821: {  	v4 =	vperm.xlane v3, v0;
	_ =	sdelay $0x1  }
0x822: {  	v3 =	vperm.xlane v3, v2;
	v4 =	vadd.s32 v1, v4;
	_ =	sdelay $0x1  }
0x823: {  	v3 =	vadd.s32 v1, v3;
	_ =	sdelay $0x1  }
0x824: {  	s20 =	simm.s32 $0xED00  }
0x825: {  	[tilespmem:s20], [sflag:$0x2] =	stream.indirect_vreg.gather [hbm4b:s2+s3], $0x80, v4, vm0, $0xb8;
	[tilespmem:$0x18D00] =	vst v63  }
0x826: {  	_ = 	snop  }
0x827: {  	[tilespmem:s29], [sflag:$0x2] =	stream.indirect_vreg.gather [hbm4b:s2+s3], $0x80, v3, vm0, $0xb8;
	[tilespmem:$0x18D00] =	vst v63  }
0x828: {  	v3 =	vld [tilespmem:$0x9F0];
	_ =	sdelay $0x4  }
0x829: {  	v15 =	vshll.u32 v3, $0x1  }
0x82a: {  	v3 =	vand.u32 $0x7, v3;
	v4 =	vand.u32 $0xFFFFFFF0, v15  }
0x82b: {  	v3 =	vor.u32 v3, v4  }
0x82c: {  	v4 =	vperm.xlane v3, v0;
	_ =	sdelay $0x1  }
0x82d: {  	v3 =	vperm.xlane v3, v2;
	v4 =	vadd.s32 v1, v4;
	_ =	sdelay $0x1  }
0x82e: {  	v3 =	vadd.s32 v1, v3;
	_ =	sdelay $0x2  }
0x82f: {  	[tilespmem:s28], [sflag:$0x2] =	stream.indirect_vreg.gather [hbm4b:s2+s3], $0x80, v4, vm0, $0xb8;
	[tilespmem:$0x18D00] =	vst v63  }
0x830: {  	s10 =	simm.s32 $0x10500  }
0x831: {  	[tilespmem:s10], [sflag:$0x2] =	stream.indirect_vreg.gather [hbm4b:s2+s3], $0x80, v3, vm0, $0xb8;
	[tilespmem:$0x18D00] =	vst v63  }
0x832: {  	_ =	swait.ge [sflag:s4], $0x8000  }
0x833: {  	s22 =	sld [smem:$0x7DC]  }
0x834: {  	[sflag:s4] =	ssyncset.done $0x0  }
0x835: {  	s7 =	simm.s32 $0xD00;
	[sflag:s4] =	ssyncadd.s32 $0xFFFF8000  }
0x836: {  	[hbm4b:s22+s3] =	stream.linear.scatter [tilespmem:s7], [sflag:$0x4], $0x8000, $0x38;
	[tilespmem:$0x18D00] =	vst v63  }
0x837: {  	_ =	swait.ge [sflag:s17], $0x8000  }
0x838: {  	[sflag:s17] =	ssyncset.done $0x0  }
0x839: {  	[sflag:s17] =	ssyncadd.s32 $0xFFFF8000  }
0x83a: {  	v3 =	vld [tilespmem:$0xA00];
	_ =	sdelay $0x4  }
0x83b: {  	v16 =	vshll.u32 v3, $0x1  }
0x83c: {  	v3 =	vand.u32 $0x7, v3;
	v4 =	vand.u32 $0xFFFFFFF0, v16  }
0x83d: {  	v3 =	vor.u32 v3, v4  }
0x83e: {  	v4 =	vperm.xlane v3, v0;
	_ =	sdelay $0x1  }
0x83f: {  	v3 =	vperm.xlane v3, v2;
	v4 =	vadd.s32 v1, v4;
	_ =	sdelay $0x1  }
0x840: {  	v3 =	vadd.s32 v1, v3;
	_ =	sdelay $0x2  }
0x841: {  	[tilespmem:s5], [sflag:$0x3] =	stream.indirect_vreg.gather [hbm4b:s2+s3], $0x80, v4, vm0, $0xb8;
	[tilespmem:$0x18D00] =	vst v63  }
0x842: {  	s28 =	simm.s32 $0x11500  }
0x843: {  	[tilespmem:s28], [sflag:$0x3] =	stream.indirect_vreg.gather [hbm4b:s2+s3], $0x80, v3, vm0, $0xb8;
	[tilespmem:$0x18D00] =	vst v63  }
0x844: {  	v3 =	vld [tilespmem:$0xA10];
	_ =	sdelay $0x4  }
0x845: {  	v17 =	vshll.u32 v3, $0x1  }
0x846: {  	v3 =	vand.u32 $0x7, v3;
	v4 =	vand.u32 $0xFFFFFFF0, v17  }
0x847: {  	v3 =	vor.u32 v3, v4  }
0x848: {  	v4 =	vperm.xlane v3, v0;
	_ =	sdelay $0x1  }
0x849: {  	v3 =	vperm.xlane v3, v2;
	v4 =	vadd.s32 v1, v4;
	_ =	sdelay $0x1  }
0x84a: {  	v3 =	vadd.s32 v1, v3;
	_ =	sdelay $0x1  }
0x84b: {  	s29 =	simm.s32 $0x11D00  }
0x84c: {  	[tilespmem:s29], [sflag:$0x3] =	stream.indirect_vreg.gather [hbm4b:s2+s3], $0x80, v4, vm0, $0xb8;
	[tilespmem:$0x18D00] =	vst v63  }
0x84d: {  	s26 =	simm.s32 $0x12500  }
0x84e: {  	[tilespmem:s26], [sflag:$0x3] =	stream.indirect_vreg.gather [hbm4b:s2+s3], $0x80, v3, vm0, $0xb8;
	[tilespmem:$0x18D00] =	vst v63  }
0x84f: {  	v3 =	vld [tilespmem:$0xA20];
	_ =	sdelay $0x4  }
0x850: {  	v18 =	vshll.u32 v3, $0x1  }
0x851: {  	v3 =	vand.u32 $0x7, v3;
	v4 =	vand.u32 $0xFFFFFFF0, v18  }
0x852: {  	v3 =	vor.u32 v3, v4  }
0x853: {  	v4 =	vperm.xlane v3, v0;
	_ =	sdelay $0x1  }
0x854: {  	v3 =	vperm.xlane v3, v2;
	v4 =	vadd.s32 v1, v4;
	_ =	sdelay $0x1  }
0x855: {  	v3 =	vadd.s32 v1, v3;
	_ =	sdelay $0x1  }
0x856: {  	s22 =	simm.s32 $0x12D00  }
0x857: {  	[tilespmem:s22], [sflag:$0x3] =	stream.indirect_vreg.gather [hbm4b:s2+s3], $0x80, v4, vm0, $0xb8;
	[tilespmem:$0x18D00] =	vst v63  }
0x858: {  	s5 =	simm.s32 $0x13500  }
0x859: {  	[tilespmem:s5], [sflag:$0x3] =	stream.indirect_vreg.gather [hbm4b:s2+s3], $0x80, v3, vm0, $0xb8;
	[tilespmem:$0x18D00] =	vst v63  }
0x85a: {  	v3 =	vld [tilespmem:$0xA30];
	_ =	sdelay $0x4  }
0x85b: {  	v19 =	vshll.u32 v3, $0x1  }
0x85c: {  	v3 =	vand.u32 $0x7, v3;
	v4 =	vand.u32 $0xFFFFFFF0, v19  }
0x85d: {  	v3 =	vor.u32 v3, v4  }
0x85e: {  	v4 =	vperm.xlane v3, v0;
	_ =	sdelay $0x1  }
0x85f: {  	v3 =	vperm.xlane v3, v2;
	v4 =	vadd.s32 v1, v4;
	_ =	sdelay $0x1  }
0x860: {  	v3 =	vadd.s32 v1, v3;
	_ =	sdelay $0x1  }
0x861: {  	s26 =	simm.s32 $0x13D00  }
0x862: {  	[tilespmem:s26], [sflag:$0x3] =	stream.indirect_vreg.gather [hbm4b:s2+s3], $0x80, v4, vm0, $0xb8;
	[tilespmem:$0x18D00] =	vst v63  }
0x863: {  	_ = 	snop  }
0x864: {  	[tilespmem:s12], [sflag:$0x3] =	stream.indirect_vreg.gather [hbm4b:s2+s3], $0x80, v3, vm0, $0xb8;
	[tilespmem:$0x18D00] =	vst v63  }
0x865: {  	v3 =	vld [tilespmem:$0xA40];
	_ =	sdelay $0x4  }
0x866: {  	v20 =	vshll.u32 v3, $0x1  }
0x867: {  	v3 =	vand.u32 $0x7, v3;
	v4 =	vand.u32 $0xFFFFFFF0, v20  }
0x868: {  	v3 =	vor.u32 v3, v4  }
0x869: {  	v4 =	vperm.xlane v3, v0;
	_ =	sdelay $0x1  }
0x86a: {  	v3 =	vperm.xlane v3, v2;
	v4 =	vadd.s32 v1, v4;
	_ =	sdelay $0x1  }
0x86b: {  	v3 =	vadd.s32 v1, v3;
	_ =	sdelay $0x2  }
0x86c: {  	[tilespmem:s24], [sflag:$0x3] =	stream.indirect_vreg.gather [hbm4b:s2+s3], $0x80, v4, vm0, $0xb8;
	[tilespmem:$0x18D00] =	vst v63  }
0x86d: {  	s13 =	simm.s32 $0x15500  }
0x86e: {  	[tilespmem:s13], [sflag:$0x3] =	stream.indirect_vreg.gather [hbm4b:s2+s3], $0x80, v3, vm0, $0xb8;
	[tilespmem:$0x18D00] =	vst v63  }
0x86f: {  	v3 =	vld [tilespmem:$0xA50];
	_ =	sdelay $0x4  }
0x870: {  	v21 =	vshll.u32 v3, $0x1  }
0x871: {  	v3 =	vand.u32 $0x7, v3;
	v4 =	vand.u32 $0xFFFFFFF0, v21  }
0x872: {  	v3 =	vor.u32 v3, v4  }
0x873: {  	v4 =	vperm.xlane v3, v0;
	_ =	sdelay $0x1  }
0x874: {  	v3 =	vperm.xlane v3, v2;
	v4 =	vadd.s32 v1, v4;
	_ =	sdelay $0x1  }
0x875: {  	v3 =	vadd.s32 v1, v3;
	_ =	sdelay $0x2  }
0x876: {  	[tilespmem:s25], [sflag:$0x3] =	stream.indirect_vreg.gather [hbm4b:s2+s3], $0x80, v4, vm0, $0xb8;
	[tilespmem:$0x18D00] =	vst v63  }
0x877: {  	s20 =	simm.s32 $0x16500  }
0x878: {  	[tilespmem:s20], [sflag:$0x3] =	stream.indirect_vreg.gather [hbm4b:s2+s3], $0x80, v3, vm0, $0xb8;
	[tilespmem:$0x18D00] =	vst v63  }
0x879: {  	v3 =	vld [tilespmem:$0xA60];
	_ =	sdelay $0x4  }
0x87a: {  	v22 =	vshll.u32 v3, $0x1  }
0x87b: {  	v3 =	vand.u32 $0x7, v3;
	v4 =	vand.u32 $0xFFFFFFF0, v22  }
0x87c: {  	v3 =	vor.u32 v3, v4  }
0x87d: {  	v4 =	vperm.xlane v3, v0;
	_ =	sdelay $0x1  }
0x87e: {  	v3 =	vperm.xlane v3, v2;
	v4 =	vadd.s32 v1, v4;
	_ =	sdelay $0x1  }
0x87f: {  	v3 =	vadd.s32 v1, v3;
	_ =	sdelay $0x1  }
0x880: {  	s24 =	simm.s32 $0x16D00  }
0x881: {  	[tilespmem:s24], [sflag:$0x3] =	stream.indirect_vreg.gather [hbm4b:s2+s3], $0x80, v4, vm0, $0xb8;
	[tilespmem:$0x18D00] =	vst v63  }
0x882: {  	s25 =	simm.s32 $0x17500  }
0x883: {  	[tilespmem:s25], [sflag:$0x3] =	stream.indirect_vreg.gather [hbm4b:s2+s3], $0x80, v3, vm0, $0xb8;
	[tilespmem:$0x18D00] =	vst v63  }
0x884: {  	v3 =	vld [tilespmem:$0xA70];
	_ =	sdelay $0x4  }
0x885: {  	v23 =	vshll.u32 v3, $0x1  }
0x886: {  	v3 =	vand.u32 $0x7, v3;
	v4 =	vand.u32 $0xFFFFFFF0, v23  }
0x887: {  	v3 =	vor.u32 v3, v4  }
0x888: {  	v4 =	vperm.xlane v3, v0;
	_ =	sdelay $0x1  }
0x889: {  	v3 =	vperm.xlane v3, v2;
	v4 =	vadd.s32 v1, v4;
	_ =	sdelay $0x1  }
0x88a: {  	v3 =	vadd.s32 v1, v3;
	_ =	sdelay $0x2  }
0x88b: {  	[tilespmem:s23], [sflag:$0x3] =	stream.indirect_vreg.gather [hbm4b:s2+s3], $0x80, v4, vm0, $0xb8;
	[tilespmem:$0x18D00] =	vst v63  }
0x88c: {  	s1 =	simm.s32 $0x18500  }
0x88d: {  	[tilespmem:s1], [sflag:$0x3] =	stream.indirect_vreg.gather [hbm4b:s2+s3], $0x80, v3, vm0, $0xb8;
	[tilespmem:$0x18D00] =	vst v63  }
0x88e: {  	_ =	swait.ge [sflag:s15], $0x8000  }
0x88f: {  	s5 =	sld [smem:$0x7DD]  }
0x890: {  	[sflag:s15] =	ssyncset.done $0x0  }
0x891: {  	s1 =	simm.s32 $0x8D00;
	[sflag:s15] =	ssyncadd.s32 $0xFFFF8000  }
0x892: {  	[hbm4b:s5+s3] =	stream.linear.scatter [tilespmem:s1], [sflag:$0x5], $0x8000, $0x38;
	[tilespmem:$0x18D00] =	vst v63  }
0x893: {  	_ =	swait.ge [sflag:s16], $0x8000  }
0x894: {  	[sflag:s16] =	ssyncset.done $0x0  }
0x895: {  	[sflag:s16] =	ssyncadd.s32 $0xFFFF8000  }
0x896: {  	v3 =	vld [tilespmem:$0xA80];
	_ =	sdelay $0x4  }
0x897: {  	v24 =	vshll.u32 v3, $0x1  }
0x898: {  	v3 =	vand.u32 $0x7, v3;
	v4 =	vand.u32 $0xFFFFFFF0, v24  }
0x899: {  	v3 =	vor.u32 v3, v4  }
0x89a: {  	v4 =	vperm.xlane v3, v0;
	_ =	sdelay $0x1  }
0x89b: {  	v3 =	vperm.xlane v3, v2;
	v4 =	vadd.s32 v1, v4;
	_ =	sdelay $0x1  }
0x89c: {  	v3 =	vadd.s32 v1, v3;
	_ =	sdelay $0x2  }
0x89d: {  	[tilespmem:s7], [sflag:$0x1] =	stream.indirect_vreg.gather [hbm4b:s2+s3], $0x80, v4, vm0, $0xb8;
	[tilespmem:$0x18D00] =	vst v63  }
0x89e: {  	_ = 	snop  }
0x89f: {  	[tilespmem:s11], [sflag:$0x1] =	stream.indirect_vreg.gather [hbm4b:s2+s3], $0x80, v3, vm0, $0xb8;
	[tilespmem:$0x18D00] =	vst v63  }
0x8a0: {  	v3 =	vld [tilespmem:$0xA90];
	_ =	sdelay $0x4  }
0x8a1: {  	v25 =	vshll.u32 v3, $0x1  }
0x8a2: {  	v3 =	vand.u32 $0x7, v3;
	v4 =	vand.u32 $0xFFFFFFF0, v25  }
0x8a3: {  	v3 =	vor.u32 v3, v4  }
0x8a4: {  	v4 =	vperm.xlane v3, v0;
	_ =	sdelay $0x1  }
0x8a5: {  	v3 =	vperm.xlane v3, v2;
	v4 =	vadd.s32 v1, v4;
	_ =	sdelay $0x1  }
0x8a6: {  	v3 =	vadd.s32 v1, v3;
	_ =	sdelay $0x2  }
0x8a7: {  	[tilespmem:s30], [sflag:$0x1] =	stream.indirect_vreg.gather [hbm4b:s2+s3], $0x80, v4, vm0, $0xb8;
	[tilespmem:$0x18D00] =	vst v63  }
0x8a8: {  	s12 =	simm.s32 $0x2500  }
0x8a9: {  	[tilespmem:s12], [sflag:$0x1] =	stream.indirect_vreg.gather [hbm4b:s2+s3], $0x80, v3, vm0, $0xb8;
	[tilespmem:$0x18D00] =	vst v63  }
0x8aa: {  	v3 =	vld [tilespmem:$0xAA0];
	_ =	sdelay $0x4  }
0x8ab: {  	v26 =	vshll.u32 v3, $0x1  }
0x8ac: {  	v3 =	vand.u32 $0x7, v3;
	v4 =	vand.u32 $0xFFFFFFF0, v26  }
0x8ad: {  	v3 =	vor.u32 v3, v4  }
0x8ae: {  	v4 =	vperm.xlane v3, v0;
	_ =	sdelay $0x1  }
0x8af: {  	v3 =	vperm.xlane v3, v2;
	v4 =	vadd.s32 v1, v4;
	_ =	sdelay $0x1  }
0x8b0: {  	v3 =	vadd.s32 v1, v3;
	_ =	sdelay $0x1  }
0x8b1: {  	s24 =	simm.s32 $0x2D00  }
0x8b2: {  	[tilespmem:s24], [sflag:$0x1] =	stream.indirect_vreg.gather [hbm4b:s2+s3], $0x80, v4, vm0, $0xb8;
	[tilespmem:$0x18D00] =	vst v63  }
0x8b3: {  	s7 =	simm.s32 $0x3500  }
0x8b4: {  	[tilespmem:s7], [sflag:$0x1] =	stream.indirect_vreg.gather [hbm4b:s2+s3], $0x80, v3, vm0, $0xb8;
	[tilespmem:$0x18D00] =	vst v63  }
0x8b5: {  	v3 =	vld [tilespmem:$0xAB0];
	_ =	sdelay $0x4  }
0x8b6: {  	v27 =	vshll.u32 v3, $0x1  }
0x8b7: {  	v3 =	vand.u32 $0x7, v3;
	v4 =	vand.u32 $0xFFFFFFF0, v27  }
0x8b8: {  	v3 =	vor.u32 v3, v4  }
0x8b9: {  	v4 =	vperm.xlane v3, v0;
	_ =	sdelay $0x1  }
0x8ba: {  	v3 =	vperm.xlane v3, v2;
	v4 =	vadd.s32 v1, v4;
	_ =	sdelay $0x1  }
0x8bb: {  	v3 =	vadd.s32 v1, v3;
	_ =	sdelay $0x1  }
0x8bc: {  	s25 =	simm.s32 $0x3D00  }
0x8bd: {  	[tilespmem:s25], [sflag:$0x1] =	stream.indirect_vreg.gather [hbm4b:s2+s3], $0x80, v4, vm0, $0xb8;
	[tilespmem:$0x18D00] =	vst v63  }
0x8be: {  	s11 =	simm.s32 $0x4500  }
0x8bf: {  	[tilespmem:s11], [sflag:$0x1] =	stream.indirect_vreg.gather [hbm4b:s2+s3], $0x80, v3, vm0, $0xb8;
	[tilespmem:$0x18D00] =	vst v63  }
0x8c0: {  	v3 =	vld [tilespmem:$0xAC0];
	_ =	sdelay $0x4  }
0x8c1: {  	v28 =	vshll.u32 v3, $0x1  }
0x8c2: {  	v3 =	vand.u32 $0x7, v3;
	v4 =	vand.u32 $0xFFFFFFF0, v28  }
0x8c3: {  	v3 =	vor.u32 v3, v4  }
0x8c4: {  	v4 =	vperm.xlane v3, v0;
	_ =	sdelay $0x1  }
0x8c5: {  	v3 =	vperm.xlane v3, v2;
	v4 =	vadd.s32 v1, v4;
	_ =	sdelay $0x1  }
0x8c6: {  	v3 =	vadd.s32 v1, v3;
	_ =	sdelay $0x1  }
0x8c7: {  	s30 =	simm.s32 $0x4D00  }
0x8c8: {  	[tilespmem:s30], [sflag:$0x1] =	stream.indirect_vreg.gather [hbm4b:s2+s3], $0x80, v4, vm0, $0xb8;
	[tilespmem:$0x18D00] =	vst v63  }
0x8c9: {  	s12 =	simm.s32 $0x5500  }
0x8ca: {  	[tilespmem:s12], [sflag:$0x1] =	stream.indirect_vreg.gather [hbm4b:s2+s3], $0x80, v3, vm0, $0xb8;
	[tilespmem:$0x18D00] =	vst v63  }
0x8cb: {  	v3 =	vld [tilespmem:$0xAD0];
	_ =	sdelay $0x4  }
0x8cc: {  	v29 =	vshll.u32 v3, $0x1  }
0x8cd: {  	v3 =	vand.u32 $0x7, v3;
	v4 =	vand.u32 $0xFFFFFFF0, v29  }
0x8ce: {  	v3 =	vor.u32 v3, v4  }
0x8cf: {  	v4 =	vperm.xlane v3, v0;
	_ =	sdelay $0x1  }
0x8d0: {  	v3 =	vperm.xlane v3, v2;
	v4 =	vadd.s32 v1, v4;
	_ =	sdelay $0x1  }
0x8d1: {  	v3 =	vadd.s32 v1, v3;
	_ =	sdelay $0x1  }
0x8d2: {  	s20 =	simm.s32 $0x5D00  }
0x8d3: {  	[tilespmem:s20], [sflag:$0x1] =	stream.indirect_vreg.gather [hbm4b:s2+s3], $0x80, v4, vm0, $0xb8;
	[tilespmem:$0x18D00] =	vst v63  }
0x8d4: {  	s13 =	simm.s32 $0x6500  }
0x8d5: {  	[tilespmem:s13], [sflag:$0x1] =	stream.indirect_vreg.gather [hbm4b:s2+s3], $0x80, v3, vm0, $0xb8;
	[tilespmem:$0x18D00] =	vst v63  }
0x8d6: {  	v3 =	vld [tilespmem:$0xAE0];
	_ =	sdelay $0x4  }
0x8d7: {  	v30 =	vshll.u32 v3, $0x1  }
0x8d8: {  	v3 =	vand.u32 $0x7, v3;
	v4 =	vand.u32 $0xFFFFFFF0, v30  }
0x8d9: {  	v3 =	vor.u32 v3, v4  }
0x8da: {  	v4 =	vperm.xlane v3, v0;
	_ =	sdelay $0x1  }
0x8db: {  	v3 =	vperm.xlane v3, v2;
	v4 =	vadd.s32 v1, v4;
	_ =	sdelay $0x1  }
0x8dc: {  	v3 =	vadd.s32 v1, v3;
	_ =	sdelay $0x1  }
0x8dd: {  	s23 =	simm.s32 $0x6D00  }
0x8de: {  	[tilespmem:s23], [sflag:$0x1] =	stream.indirect_vreg.gather [hbm4b:s2+s3], $0x80, v4, vm0, $0xb8;
	[tilespmem:$0x18D00] =	vst v63  }
0x8df: {  	s23 =	simm.s32 $0x7500  }
0x8e0: {  	[tilespmem:s23], [sflag:$0x1] =	stream.indirect_vreg.gather [hbm4b:s2+s3], $0x80, v3, vm0, $0xb8;
	[tilespmem:$0x18D00] =	vst v63  }
0x8e1: {  	v3 =	vld [tilespmem:$0xAF0];
	_ =	sdelay $0x4  }
0x8e2: {  	v31 =	vshll.u32 v3, $0x1  }
0x8e3: {  	v3 =	vand.u32 $0x7, v3;
	v4 =	vand.u32 $0xFFFFFFF0, v31  }
0x8e4: {  	v3 =	vor.u32 v3, v4  }
0x8e5: {  	v4 =	vperm.xlane v3, v0;
	_ =	sdelay $0x1  }
0x8e6: {  	v3 =	vperm.xlane v3, v2;
	v4 =	vadd.s32 v1, v4;
	_ =	sdelay $0x1  }
0x8e7: {  	v3 =	vadd.s32 v1, v3;
	_ =	sdelay $0x1  }
0x8e8: {  	s20 =	simm.s32 $0x7D00  }
0x8e9: {  	[tilespmem:s20], [sflag:$0x1] =	stream.indirect_vreg.gather [hbm4b:s2+s3], $0x80, v4, vm0, $0xb8;
	[tilespmem:$0x18D00] =	vst v63  }
0x8ea: {  	s20 =	simm.s32 $0x8500  }
0x8eb: {  	[tilespmem:s20], [sflag:$0x1] =	stream.indirect_vreg.gather [hbm4b:s2+s3], $0x80, v3, vm0, $0xb8;
	[tilespmem:$0x18D00] =	vst v63  }
0x8ec: {  	_ =	swait.ge [sflag:s0], $0x8000  }
0x8ed: {  	s20 =	sld [smem:$0x7DE]  }
0x8ee: {  	[sflag:s0] =	ssyncset.done $0x0  }
0x8ef: {  	s5 =	simm.s32 $0x10D00;
	[sflag:s0] =	ssyncadd.s32 $0xFFFF8000  }
0x8f0: {  	[hbm4b:s20+s3] =	stream.linear.scatter [tilespmem:s5], [sflag:$0x6], $0x8000, $0x38;
	[tilespmem:$0x18D00] =	vst v63  }
0x8f1: {  	_ =	swait.ge [sflag:s18], $0x8000  }
0x8f2: {  	[sflag:s18] =	ssyncset.done $0x0  }
0x8f3: {  	[sflag:s18] =	ssyncadd.s32 $0xFFFF8000  }
0x8f4: {  	v3 =	vld [tilespmem:$0xB00];
	_ =	sdelay $0x4  }
0x8f5: {  	v32 =	vshll.u32 v3, $0x1  }
0x8f6: {  	v3 =	vand.u32 $0x7, v3;
	v4 =	vand.u32 $0xFFFFFFF0, v32  }
0x8f7: {  	v3 =	vor.u32 v3, v4  }
0x8f8: {  	v4 =	vperm.xlane v3, v0;
	_ =	sdelay $0x1  }
0x8f9: {  	v3 =	vperm.xlane v3, v2;
	v4 =	vadd.s32 v1, v4;
	_ =	sdelay $0x1  }
0x8fa: {  	v3 =	vadd.s32 v1, v3;
	_ =	sdelay $0x2  }
0x8fb: {  	[tilespmem:s1], [sflag:$0x2] =	stream.indirect_vreg.gather [hbm4b:s2+s3], $0x80, v4, vm0, $0xb8;
	[tilespmem:$0x18D00] =	vst v63  }
0x8fc: {  	_ = 	snop  }
0x8fd: {  	[tilespmem:s31], [sflag:$0x2] =	stream.indirect_vreg.gather [hbm4b:s2+s3], $0x80, v3, vm0, $0xb8;
	[tilespmem:$0x18D00] =	vst v63  }
0x8fe: {  	v3 =	vld [tilespmem:$0xB10];
	_ =	sdelay $0x4  }
0x8ff: {  	v33 =	vshll.u32 v3, $0x1  }
0x900: {  	v3 =	vand.u32 $0x7, v3;
	v4 =	vand.u32 $0xFFFFFFF0, v33  }
0x901: {  	v3 =	vor.u32 v3, v4  }
0x902: {  	v4 =	vperm.xlane v3, v0;
	_ =	sdelay $0x1  }
0x903: {  	v3 =	vperm.xlane v3, v2;
	v4 =	vadd.s32 v1, v4;
	_ =	sdelay $0x1  }
0x904: {  	v3 =	vadd.s32 v1, v3;
	_ =	sdelay $0x1  }
0x905: {  	s31 =	simm.s32 $0x9D00  }
0x906: {  	[tilespmem:s31], [sflag:$0x2] =	stream.indirect_vreg.gather [hbm4b:s2+s3], $0x80, v4, vm0, $0xb8;
	[tilespmem:$0x18D00] =	vst v63  }
0x907: {  	_ = 	snop  }
0x908: {  	[tilespmem:s21], [sflag:$0x2] =	stream.indirect_vreg.gather [hbm4b:s2+s3], $0x80, v3, vm0, $0xb8;
	[tilespmem:$0x18D00] =	vst v63  }
0x909: {  	v3 =	vld [tilespmem:$0xB20];
	_ =	sdelay $0x4  }
0x90a: {  	v34 =	vshll.u32 v3, $0x1  }
0x90b: {  	v3 =	vand.u32 $0x7, v3;
	v4 =	vand.u32 $0xFFFFFFF0, v34  }
0x90c: {  	v3 =	vor.u32 v3, v4  }
0x90d: {  	v4 =	vperm.xlane v3, v0;
	_ =	sdelay $0x1  }
0x90e: {  	v3 =	vperm.xlane v3, v2;
	v4 =	vadd.s32 v1, v4;
	_ =	sdelay $0x1  }
0x90f: {  	v3 =	vadd.s32 v1, v3;
	_ =	sdelay $0x1  }
0x910: {  	s31 =	simm.s32 $0xAD00  }
0x911: {  	[tilespmem:s31], [sflag:$0x2] =	stream.indirect_vreg.gather [hbm4b:s2+s3], $0x80, v4, vm0, $0xb8;
	[tilespmem:$0x18D00] =	vst v63  }
0x912: {  	_ = 	snop  }
0x913: {  	[tilespmem:s14], [sflag:$0x2] =	stream.indirect_vreg.gather [hbm4b:s2+s3], $0x80, v3, vm0, $0xb8;
	[tilespmem:$0x18D00] =	vst v63  }
0x914: {  	v3 =	vld [tilespmem:$0xB30];
	_ =	sdelay $0x4  }
0x915: {  	v35 =	vshll.u32 v3, $0x1  }
0x916: {  	v3 =	vand.u32 $0x7, v3;
	v4 =	vand.u32 $0xFFFFFFF0, v35  }
0x917: {  	v3 =	vor.u32 v3, v4  }
0x918: {  	v4 =	vperm.xlane v3, v0;
	_ =	sdelay $0x1  }
0x919: {  	v3 =	vperm.xlane v3, v2;
	v4 =	vadd.s32 v1, v4;
	_ =	sdelay $0x1  }
0x91a: {  	v3 =	vadd.s32 v1, v3;
	_ =	sdelay $0x1  }
0x91b: {  	s20 =	simm.s32 $0xBD00  }
0x91c: {  	[tilespmem:s20], [sflag:$0x2] =	stream.indirect_vreg.gather [hbm4b:s2+s3], $0x80, v4, vm0, $0xb8;
	[tilespmem:$0x18D00] =	vst v63  }
0x91d: {  	_ = 	snop  }
0x91e: {  	[tilespmem:s19], [sflag:$0x2] =	stream.indirect_vreg.gather [hbm4b:s2+s3], $0x80, v3, vm0, $0xb8;
	[tilespmem:$0x18D00] =	vst v63  }
0x91f: {  	v3 =	vld [tilespmem:$0xB40];
	_ =	sdelay $0x4  }
0x920: {  	v36 =	vshll.u32 v3, $0x1  }
0x921: {  	v3 =	vand.u32 $0x7, v3;
	v4 =	vand.u32 $0xFFFFFFF0, v36  }
0x922: {  	v3 =	vor.u32 v3, v4  }
0x923: {  	v4 =	vperm.xlane v3, v0;
	_ =	sdelay $0x1  }
0x924: {  	v3 =	vperm.xlane v3, v2;
	v4 =	vadd.s32 v1, v4;
	_ =	sdelay $0x1  }
0x925: {  	v3 =	vadd.s32 v1, v3;
	_ =	sdelay $0x1  }
0x926: {  	s20 =	simm.s32 $0xCD00  }
0x927: {  	[tilespmem:s20], [sflag:$0x2] =	stream.indirect_vreg.gather [hbm4b:s2+s3], $0x80, v4, vm0, $0xb8;
	[tilespmem:$0x18D00] =	vst v63  }
0x928: {  	_ = 	snop  }
0x929: {  	[tilespmem:s8], [sflag:$0x2] =	stream.indirect_vreg.gather [hbm4b:s2+s3], $0x80, v3, vm0, $0xb8;
	[tilespmem:$0x18D00] =	vst v63  }
0x92a: {  	v3 =	vld [tilespmem:$0xB50];
	_ =	sdelay $0x4  }
0x92b: {  	v37 =	vshll.u32 v3, $0x1  }
0x92c: {  	v3 =	vand.u32 $0x7, v3;
	v4 =	vand.u32 $0xFFFFFFF0, v37  }
0x92d: {  	v3 =	vor.u32 v3, v4  }
0x92e: {  	v4 =	vperm.xlane v3, v0;
	_ =	sdelay $0x1  }
0x92f: {  	v3 =	vperm.xlane v3, v2;
	v4 =	vadd.s32 v1, v4;
	_ =	sdelay $0x1  }
0x930: {  	v3 =	vadd.s32 v1, v3;
	_ =	sdelay $0x1  }
0x931: {  	s19 =	simm.s32 $0xDD00  }
0x932: {  	[tilespmem:s19], [sflag:$0x2] =	stream.indirect_vreg.gather [hbm4b:s2+s3], $0x80, v4, vm0, $0xb8;
	[tilespmem:$0x18D00] =	vst v63  }
0x933: {  	_ = 	snop  }
0x934: {  	[tilespmem:s9], [sflag:$0x2] =	stream.indirect_vreg.gather [hbm4b:s2+s3], $0x80, v3, vm0, $0xb8;
	[tilespmem:$0x18D00] =	vst v63  }
0x935: {  	v3 =	vld [tilespmem:$0xB60];
	_ =	sdelay $0x4  }
0x936: {  	v38 =	vshll.u32 v3, $0x1  }
0x937: {  	v3 =	vand.u32 $0x7, v3;
	v4 =	vand.u32 $0xFFFFFFF0, v38  }
0x938: {  	v3 =	vor.u32 v3, v4  }
0x939: {  	v4 =	vperm.xlane v3, v0;
	_ =	sdelay $0x1  }
0x93a: {  	v3 =	vperm.xlane v3, v2;
	v4 =	vadd.s32 v1, v4;
	_ =	sdelay $0x1  }
0x93b: {  	v3 =	vadd.s32 v1, v3;
	_ =	sdelay $0x1  }
0x93c: {  	s20 =	simm.s32 $0xED00  }
0x93d: {  	[tilespmem:s20], [sflag:$0x2] =	stream.indirect_vreg.gather [hbm4b:s2+s3], $0x80, v4, vm0, $0xb8;
	[tilespmem:$0x18D00] =	vst v63  }
0x93e: {  	s19 =	simm.s32 $0xF500  }
0x93f: {  	[tilespmem:s19], [sflag:$0x2] =	stream.indirect_vreg.gather [hbm4b:s2+s3], $0x80, v3, vm0, $0xb8;
	[tilespmem:$0x18D00] =	vst v63  }
0x940: {  	v3 =	vld [tilespmem:$0xB70];
	_ =	sdelay $0x4  }
0x941: {  	v39 =	vshll.u32 v3, $0x1  }
0x942: {  	v3 =	vand.u32 $0x7, v3;
	v4 =	vand.u32 $0xFFFFFFF0, v39  }
0x943: {  	v3 =	vor.u32 v3, v4  }
0x944: {  	v4 =	vperm.xlane v3, v0;
	_ =	sdelay $0x1  }
0x945: {  	v3 =	vperm.xlane v3, v2;
	v4 =	vadd.s32 v1, v4;
	_ =	sdelay $0x1  }
0x946: {  	v3 =	vadd.s32 v1, v3;
	_ =	sdelay $0x1  }
0x947: {  	s20 =	simm.s32 $0xFD00  }
0x948: {  	[tilespmem:s20], [sflag:$0x2] =	stream.indirect_vreg.gather [hbm4b:s2+s3], $0x80, v4, vm0, $0xb8;
	[tilespmem:$0x18D00] =	vst v63  }
0x949: {  	_ = 	snop  }
0x94a: {  	[tilespmem:s10], [sflag:$0x2] =	stream.indirect_vreg.gather [hbm4b:s2+s3], $0x80, v3, vm0, $0xb8;
	[tilespmem:$0x18D00] =	vst v63  }
0x94b: {  	_ =	swait.ge [sflag:s4], $0x8000  }
0x94c: {  	s14 =	sld [smem:$0x7DF]  }
0x94d: {  	[sflag:s4] =	ssyncset.done $0x0  }
0x94e: {  	s19 =	simm.s32 $0xD00;
	[sflag:s4] =	ssyncadd.s32 $0xFFFF8000  }
0x94f: {  	[hbm4b:s14+s3] =	stream.linear.scatter [tilespmem:s19], [sflag:$0x4], $0x8000, $0x38;
	[tilespmem:$0x18D00] =	vst v63  }
0x950: {  	_ =	swait.ge [sflag:s17], $0x8000  }
0x951: {  	[sflag:s17] =	ssyncset.done $0x0  }
0x952: {  	[sflag:s17] =	ssyncadd.s32 $0xFFFF8000  }
0x953: {  	v3 =	vld [tilespmem:$0xB80];
	_ =	sdelay $0x4  }
0x954: {  	v40 =	vshll.u32 v3, $0x1  }
0x955: {  	v3 =	vand.u32 $0x7, v3;
	v4 =	vand.u32 $0xFFFFFFF0, v40  }
0x956: {  	v3 =	vor.u32 v3, v4  }
0x957: {  	v4 =	vperm.xlane v3, v0;
	_ =	sdelay $0x1  }
0x958: {  	v3 =	vperm.xlane v3, v2;
	v4 =	vadd.s32 v1, v4;
	_ =	sdelay $0x1  }
0x959: {  	v3 =	vadd.s32 v1, v3;
	_ =	sdelay $0x2  }
0x95a: {  	[tilespmem:s5], [sflag:$0x3] =	stream.indirect_vreg.gather [hbm4b:s2+s3], $0x80, v4, vm0, $0xb8;
	[tilespmem:$0x18D00] =	vst v63  }
0x95b: {  	_ = 	snop  }
0x95c: {  	[tilespmem:s28], [sflag:$0x3] =	stream.indirect_vreg.gather [hbm4b:s2+s3], $0x80, v3, vm0, $0xb8;
	[tilespmem:$0x18D00] =	vst v63  }
0x95d: {  	v3 =	vld [tilespmem:$0xB90];
	_ =	sdelay $0x4  }
0x95e: {  	v41 =	vshll.u32 v3, $0x1  }
0x95f: {  	v3 =	vand.u32 $0x7, v3;
	v4 =	vand.u32 $0xFFFFFFF0, v41  }
0x960: {  	v3 =	vor.u32 v3, v4  }
0x961: {  	v4 =	vperm.xlane v3, v0;
	_ =	sdelay $0x1  }
0x962: {  	v3 =	vperm.xlane v3, v2;
	v4 =	vadd.s32 v1, v4;
	_ =	sdelay $0x1  }
0x963: {  	v3 =	vadd.s32 v1, v3;
	_ =	sdelay $0x2  }
0x964: {  	[tilespmem:s29], [sflag:$0x3] =	stream.indirect_vreg.gather [hbm4b:s2+s3], $0x80, v4, vm0, $0xb8;
	[tilespmem:$0x18D00] =	vst v63  }
0x965: {  	s20 =	simm.s32 $0x12500  }
0x966: {  	[tilespmem:s20], [sflag:$0x3] =	stream.indirect_vreg.gather [hbm4b:s2+s3], $0x80, v3, vm0, $0xb8;
	[tilespmem:$0x18D00] =	vst v63  }
0x967: {  	v3 =	vld [tilespmem:$0xBA0];
	_ =	sdelay $0x4  }
0x968: {  	v42 =	vshll.u32 v3, $0x1  }
0x969: {  	v3 =	vand.u32 $0x7, v3;
	v4 =	vand.u32 $0xFFFFFFF0, v42  }
0x96a: {  	v3 =	vor.u32 v3, v4  }
0x96b: {  	v4 =	vperm.xlane v3, v0;
	_ =	sdelay $0x1  }
0x96c: {  	v3 =	vperm.xlane v3, v2;
	v4 =	vadd.s32 v1, v4;
	_ =	sdelay $0x1  }
0x96d: {  	v3 =	vadd.s32 v1, v3;
	_ =	sdelay $0x2  }
0x96e: {  	[tilespmem:s22], [sflag:$0x3] =	stream.indirect_vreg.gather [hbm4b:s2+s3], $0x80, v4, vm0, $0xb8;
	[tilespmem:$0x18D00] =	vst v63  }
0x96f: {  	s22 =	simm.s32 $0x13500  }
0x970: {  	[tilespmem:s22], [sflag:$0x3] =	stream.indirect_vreg.gather [hbm4b:s2+s3], $0x80, v3, vm0, $0xb8;
	[tilespmem:$0x18D00] =	vst v63  }
0x971: {  	v3 =	vld [tilespmem:$0xBB0];
	_ =	sdelay $0x4  }
0x972: {  	v43 =	vshll.u32 v3, $0x1  }
0x973: {  	v3 =	vand.u32 $0x7, v3;
	v4 =	vand.u32 $0xFFFFFFF0, v43  }
0x974: {  	v3 =	vor.u32 v3, v4  }
0x975: {  	v4 =	vperm.xlane v3, v0;
	_ =	sdelay $0x1  }
0x976: {  	v3 =	vperm.xlane v3, v2;
	v4 =	vadd.s32 v1, v4;
	_ =	sdelay $0x1  }
0x977: {  	v3 =	vadd.s32 v1, v3;
	_ =	sdelay $0x2  }
0x978: {  	[tilespmem:s26], [sflag:$0x3] =	stream.indirect_vreg.gather [hbm4b:s2+s3], $0x80, v4, vm0, $0xb8;
	[tilespmem:$0x18D00] =	vst v63  }
0x979: {  	s26 =	simm.s32 $0x14500  }
0x97a: {  	[tilespmem:s26], [sflag:$0x3] =	stream.indirect_vreg.gather [hbm4b:s2+s3], $0x80, v3, vm0, $0xb8;
	[tilespmem:$0x18D00] =	vst v63  }
0x97b: {  	v3 =	vld [tilespmem:$0xBC0];
	_ =	sdelay $0x4  }
0x97c: {  	v44 =	vshll.u32 v3, $0x1  }
0x97d: {  	v3 =	vand.u32 $0x7, v3;
	v4 =	vand.u32 $0xFFFFFFF0, v44  }
0x97e: {  	v3 =	vor.u32 v3, v4  }
0x97f: {  	v4 =	vperm.xlane v3, v0;
	_ =	sdelay $0x1  }
0x980: {  	v3 =	vperm.xlane v3, v2;
	v4 =	vadd.s32 v1, v4;
	_ =	sdelay $0x1  }
0x981: {  	v3 =	vadd.s32 v1, v3;
	_ =	sdelay $0x1  }
0x982: {  	s28 =	simm.s32 $0x14D00  }
0x983: {  	[tilespmem:s28], [sflag:$0x3] =	stream.indirect_vreg.gather [hbm4b:s2+s3], $0x80, v4, vm0, $0xb8;
	[tilespmem:$0x18D00] =	vst v63  }
0x984: {  	s29 =	simm.s32 $0x15500  }
0x985: {  	[tilespmem:s29], [sflag:$0x3] =	stream.indirect_vreg.gather [hbm4b:s2+s3], $0x80, v3, vm0, $0xb8;
	[tilespmem:$0x18D00] =	vst v63  }
0x986: {  	v3 =	vld [tilespmem:$0xBD0];
	_ =	sdelay $0x4  }
0x987: {  	v45 =	vshll.u32 v3, $0x1  }
0x988: {  	v3 =	vand.u32 $0x7, v3;
	v4 =	vand.u32 $0xFFFFFFF0, v45  }
0x989: {  	v3 =	vor.u32 v3, v4  }
0x98a: {  	v4 =	vperm.xlane v3, v0;
	_ =	sdelay $0x1  }
0x98b: {  	v3 =	vperm.xlane v3, v2;
	v4 =	vadd.s32 v1, v4;
	_ =	sdelay $0x1  }
0x98c: {  	v3 =	vadd.s32 v1, v3;
	_ =	sdelay $0x1  }
0x98d: {  	s17 =	simm.s32 $0x15D00  }
0x98e: {  	[tilespmem:s17], [sflag:$0x3] =	stream.indirect_vreg.gather [hbm4b:s2+s3], $0x80, v4, vm0, $0xb8;
	[tilespmem:$0x18D00] =	vst v63  }
0x98f: {  	s20 =	simm.s32 $0x16500  }
0x990: {  	[tilespmem:s20], [sflag:$0x3] =	stream.indirect_vreg.gather [hbm4b:s2+s3], $0x80, v3, vm0, $0xb8;
	[tilespmem:$0x18D00] =	vst v63  }
0x991: {  	v3 =	vld [tilespmem:$0xBE0];
	_ =	sdelay $0x4  }
0x992: {  	v46 =	vshll.u32 v3, $0x1  }
0x993: {  	v3 =	vand.u32 $0x7, v3;
	v4 =	vand.u32 $0xFFFFFFF0, v46  }
0x994: {  	v3 =	vor.u32 v3, v4  }
0x995: {  	v4 =	vperm.xlane v3, v0;
	_ =	sdelay $0x1  }
0x996: {  	v3 =	vperm.xlane v3, v2;
	v4 =	vadd.s32 v1, v4;
	_ =	sdelay $0x1  }
0x997: {  	v3 =	vadd.s32 v1, v3;
	_ =	sdelay $0x1  }
0x998: {  	s22 =	simm.s32 $0x16D00  }
0x999: {  	[tilespmem:s22], [sflag:$0x3] =	stream.indirect_vreg.gather [hbm4b:s2+s3], $0x80, v4, vm0, $0xb8;
	[tilespmem:$0x18D00] =	vst v63  }
0x99a: {  	s26 =	simm.s32 $0x17500  }
0x99b: {  	[tilespmem:s26], [sflag:$0x3] =	stream.indirect_vreg.gather [hbm4b:s2+s3], $0x80, v3, vm0, $0xb8;
	[tilespmem:$0x18D00] =	vst v63  }
0x99c: {  	v3 =	vld [tilespmem:$0xBF0];
	_ =	sdelay $0x4  }
0x99d: {  	v47 =	vshll.u32 v3, $0x1  }
0x99e: {  	v3 =	vand.u32 $0x7, v3;
	v4 =	vand.u32 $0xFFFFFFF0, v47  }
0x99f: {  	v3 =	vor.u32 v3, v4  }
0x9a0: {  	v4 =	vperm.xlane v3, v0;
	_ =	sdelay $0x1  }
0x9a1: {  	v3 =	vperm.xlane v3, v2;
	v4 =	vadd.s32 v1, v4;
	_ =	sdelay $0x1  }
0x9a2: {  	v3 =	vadd.s32 v1, v3;
	_ =	sdelay $0x1  }
0x9a3: {  	s28 =	simm.s32 $0x17D00  }
0x9a4: {  	[tilespmem:s28], [sflag:$0x3] =	stream.indirect_vreg.gather [hbm4b:s2+s3], $0x80, v4, vm0, $0xb8;
	[tilespmem:$0x18D00] =	vst v63  }
0x9a5: {  	s29 =	simm.s32 $0x18500  }
0x9a6: {  	[tilespmem:s29], [sflag:$0x3] =	stream.indirect_vreg.gather [hbm4b:s2+s3], $0x80, v3, vm0, $0xb8;
	[tilespmem:$0x18D00] =	vst v63  }
0x9a7: {  	_ =	swait.ge [sflag:s15], $0x8000  }
0x9a8: {  	s17 =	sld [smem:$0x7E0]  }
0x9a9: {  	[sflag:s15] =	ssyncset.done $0x0  }
0x9aa: {  	s1 =	simm.s32 $0x8D00;
	[sflag:s15] =	ssyncadd.s32 $0xFFFF8000  }
0x9ab: {  	[hbm4b:s17+s3] =	stream.linear.scatter [tilespmem:s1], [sflag:$0x5], $0x8000, $0x38;
	[tilespmem:$0x18D00] =	vst v63  }
0x9ac: {  	_ =	swait.ge [sflag:s16], $0x8000  }
0x9ad: {  	[sflag:s16] =	ssyncset.done $0x0  }
0x9ae: {  	[sflag:s16] =	ssyncadd.s32 $0xFFFF8000  }
0x9af: {  	v3 =	vld [tilespmem:$0xC00];
	_ =	sdelay $0x4  }
0x9b0: {  	v48 =	vshll.u32 v3, $0x1  }
0x9b1: {  	v3 =	vand.u32 $0x7, v3;
	v4 =	vand.u32 $0xFFFFFFF0, v48  }
0x9b2: {  	v3 =	vor.u32 v3, v4  }
0x9b3: {  	v4 =	vperm.xlane v3, v0;
	_ =	sdelay $0x1  }
0x9b4: {  	v3 =	vperm.xlane v3, v2;
	v4 =	vadd.s32 v1, v4;
	_ =	sdelay $0x1  }
0x9b5: {  	v3 =	vadd.s32 v1, v3;
	_ =	sdelay $0x2  }
0x9b6: {  	[tilespmem:s19], [sflag:$0x1] =	stream.indirect_vreg.gather [hbm4b:s2+s3], $0x80, v4, vm0, $0xb8;
	[tilespmem:$0x18D00] =	vst v63  }
0x9b7: {  	s22 =	simm.s32 $0x1500  }
0x9b8: {  	[tilespmem:s22], [sflag:$0x1] =	stream.indirect_vreg.gather [hbm4b:s2+s3], $0x80, v3, vm0, $0xb8;
	[tilespmem:$0x18D00] =	vst v63  }
0x9b9: {  	v3 =	vld [tilespmem:$0xC10];
	_ =	sdelay $0x4  }
0x9ba: {  	v49 =	vshll.u32 v3, $0x1  }
0x9bb: {  	v3 =	vand.u32 $0x7, v3;
	v4 =	vand.u32 $0xFFFFFFF0, v49  }
0x9bc: {  	v3 =	vor.u32 v3, v4  }
0x9bd: {  	v4 =	vperm.xlane v3, v0;
	_ =	sdelay $0x1  }
0x9be: {  	v3 =	vperm.xlane v3, v2;
	v4 =	vadd.s32 v1, v4;
	_ =	sdelay $0x1  }
0x9bf: {  	v3 =	vadd.s32 v1, v3;
	_ =	sdelay $0x1  }
0x9c0: {  	s26 =	simm.s32 $0x1D00  }
0x9c1: {  	[tilespmem:s26], [sflag:$0x1] =	stream.indirect_vreg.gather [hbm4b:s2+s3], $0x80, v4, vm0, $0xb8;
	[tilespmem:$0x18D00] =	vst v63  }
0x9c2: {  	s28 =	simm.s32 $0x2500  }
0x9c3: {  	[tilespmem:s28], [sflag:$0x1] =	stream.indirect_vreg.gather [hbm4b:s2+s3], $0x80, v3, vm0, $0xb8;
	[tilespmem:$0x18D00] =	vst v63  }
0x9c4: {  	v3 =	vld [tilespmem:$0xC20];
	_ =	sdelay $0x4  }
0x9c5: {  	v50 =	vshll.u32 v3, $0x1  }
0x9c6: {  	v3 =	vand.u32 $0x7, v3;
	v4 =	vand.u32 $0xFFFFFFF0, v50  }
0x9c7: {  	v3 =	vor.u32 v3, v4  }
0x9c8: {  	v4 =	vperm.xlane v3, v0;
	_ =	sdelay $0x1  }
0x9c9: {  	v3 =	vperm.xlane v3, v2;
	v4 =	vadd.s32 v1, v4;
	_ =	sdelay $0x1  }
0x9ca: {  	v3 =	vadd.s32 v1, v3;
	_ =	sdelay $0x2  }
0x9cb: {  	[tilespmem:s24], [sflag:$0x1] =	stream.indirect_vreg.gather [hbm4b:s2+s3], $0x80, v4, vm0, $0xb8;
	[tilespmem:$0x18D00] =	vst v63  }
0x9cc: {  	_ = 	snop  }
0x9cd: {  	[tilespmem:s7], [sflag:$0x1] =	stream.indirect_vreg.gather [hbm4b:s2+s3], $0x80, v3, vm0, $0xb8;
	[tilespmem:$0x18D00] =	vst v63  }
0x9ce: {  	v3 =	vld [tilespmem:$0xC30];
	_ =	sdelay $0x4  }
0x9cf: {  	v51 =	vshll.u32 v3, $0x1  }
0x9d0: {  	v3 =	vand.u32 $0x7, v3;
	v4 =	vand.u32 $0xFFFFFFF0, v51  }
0x9d1: {  	v3 =	vor.u32 v3, v4  }
0x9d2: {  	v4 =	vperm.xlane v3, v0;
	_ =	sdelay $0x1  }
0x9d3: {  	v3 =	vperm.xlane v3, v2;
	v4 =	vadd.s32 v1, v4;
	_ =	sdelay $0x1  }
0x9d4: {  	v3 =	vadd.s32 v1, v3;
	_ =	sdelay $0x2  }
0x9d5: {  	[tilespmem:s25], [sflag:$0x1] =	stream.indirect_vreg.gather [hbm4b:s2+s3], $0x80, v4, vm0, $0xb8;
	[tilespmem:$0x18D00] =	vst v63  }
0x9d6: {  	_ = 	snop  }
0x9d7: {  	[tilespmem:s11], [sflag:$0x1] =	stream.indirect_vreg.gather [hbm4b:s2+s3], $0x80, v3, vm0, $0xb8;
	[tilespmem:$0x18D00] =	vst v63  }
0x9d8: {  	v3 =	vld [tilespmem:$0xC40];
	_ =	sdelay $0x4  }
0x9d9: {  	v52 =	vshll.u32 v3, $0x1  }
0x9da: {  	v3 =	vand.u32 $0x7, v3;
	v4 =	vand.u32 $0xFFFFFFF0, v52  }
0x9db: {  	v3 =	vor.u32 v3, v4  }
0x9dc: {  	v4 =	vperm.xlane v3, v0;
	_ =	sdelay $0x1  }
0x9dd: {  	v3 =	vperm.xlane v3, v2;
	v4 =	vadd.s32 v1, v4;
	_ =	sdelay $0x1  }
0x9de: {  	v3 =	vadd.s32 v1, v3;
	_ =	sdelay $0x2  }
0x9df: {  	[tilespmem:s30], [sflag:$0x1] =	stream.indirect_vreg.gather [hbm4b:s2+s3], $0x80, v4, vm0, $0xb8;
	[tilespmem:$0x18D00] =	vst v63  }
0x9e0: {  	_ = 	snop  }
0x9e1: {  	[tilespmem:s12], [sflag:$0x1] =	stream.indirect_vreg.gather [hbm4b:s2+s3], $0x80, v3, vm0, $0xb8;
	[tilespmem:$0x18D00] =	vst v63  }
0x9e2: {  	v3 =	vld [tilespmem:$0xC50];
	_ =	sdelay $0x4  }
0x9e3: {  	v53 =	vshll.u32 v3, $0x1  }
0x9e4: {  	v3 =	vand.u32 $0x7, v3;
	v4 =	vand.u32 $0xFFFFFFF0, v53  }
0x9e5: {  	v3 =	vor.u32 v3, v4  }
0x9e6: {  	v4 =	vperm.xlane v3, v0;
	_ =	sdelay $0x1  }
0x9e7: {  	v3 =	vperm.xlane v3, v2;
	v4 =	vadd.s32 v1, v4;
	_ =	sdelay $0x1  }
0x9e8: {  	v3 =	vadd.s32 v1, v3;
	_ =	sdelay $0x1  }
0x9e9: {  	s29 =	simm.s32 $0x5D00  }
0x9ea: {  	[tilespmem:s29], [sflag:$0x1] =	stream.indirect_vreg.gather [hbm4b:s2+s3], $0x80, v4, vm0, $0xb8;
	[tilespmem:$0x18D00] =	vst v63  }
0x9eb: {  	_ = 	snop  }
0x9ec: {  	[tilespmem:s13], [sflag:$0x1] =	stream.indirect_vreg.gather [hbm4b:s2+s3], $0x80, v3, vm0, $0xb8;
	[tilespmem:$0x18D00] =	vst v63  }
0x9ed: {  	v3 =	vld [tilespmem:$0xC60];
	_ =	sdelay $0x4  }
0x9ee: {  	v54 =	vshll.u32 v3, $0x1  }
0x9ef: {  	v3 =	vand.u32 $0x7, v3;
	v4 =	vand.u32 $0xFFFFFFF0, v54  }
0x9f0: {  	v3 =	vor.u32 v3, v4  }
0x9f1: {  	v4 =	vperm.xlane v3, v0;
	_ =	sdelay $0x1  }
0x9f2: {  	v3 =	vperm.xlane v3, v2;
	v4 =	vadd.s32 v1, v4;
	_ =	sdelay $0x1  }
0x9f3: {  	v3 =	vadd.s32 v1, v3;
	_ =	sdelay $0x1  }
0x9f4: {  	s30 =	simm.s32 $0x6D00  }
0x9f5: {  	[tilespmem:s30], [sflag:$0x1] =	stream.indirect_vreg.gather [hbm4b:s2+s3], $0x80, v4, vm0, $0xb8;
	[tilespmem:$0x18D00] =	vst v63  }
0x9f6: {  	_ = 	snop  }
0x9f7: {  	[tilespmem:s23], [sflag:$0x1] =	stream.indirect_vreg.gather [hbm4b:s2+s3], $0x80, v3, vm0, $0xb8;
	[tilespmem:$0x18D00] =	vst v63  }
0x9f8: {  	v3 =	vld [tilespmem:$0xC70];
	_ =	sdelay $0x4  }
0x9f9: {  	v55 =	vshll.u32 v3, $0x1  }
0x9fa: {  	v3 =	vand.u32 $0x7, v3;
	v4 =	vand.u32 $0xFFFFFFF0, v55  }
0x9fb: {  	v3 =	vor.u32 v3, v4  }
0x9fc: {  	v4 =	vperm.xlane v3, v0;
	_ =	sdelay $0x1  }
0x9fd: {  	v3 =	vperm.xlane v3, v2;
	v4 =	vadd.s32 v1, v4;
	_ =	sdelay $0x1  }
0x9fe: {  	v3 =	vadd.s32 v1, v3;
	_ =	sdelay $0x1  }
0x9ff: {  	s11 =	simm.s32 $0x7D00  }
0xa00: {  	[tilespmem:s11], [sflag:$0x1] =	stream.indirect_vreg.gather [hbm4b:s2+s3], $0x80, v4, vm0, $0xb8;
	[tilespmem:$0x18D00] =	vst v63  }
0xa01: {  	s12 =	simm.s32 $0x8500  }
0xa02: {  	[tilespmem:s12], [sflag:$0x1] =	stream.indirect_vreg.gather [hbm4b:s2+s3], $0x80, v3, vm0, $0xb8;
	[tilespmem:$0x18D00] =	vst v63  }
0xa03: {  	_ =	swait.ge [sflag:s0], $0x8000  }
0xa04: {  	s13 =	sld [smem:$0x7E1]  }
0xa05: {  	[sflag:s0] =	ssyncset.done $0x0  }
0xa06: {  	s14 =	simm.s32 $0x10D00;
	[sflag:s0] =	ssyncadd.s32 $0xFFFF8000  }
0xa07: {  	[hbm4b:s13+s3] =	stream.linear.scatter [tilespmem:s14], [sflag:$0x6], $0x8000, $0x38;
	[tilespmem:$0x18D00] =	vst v63  }
0xa08: {  	_ =	swait.ge [sflag:s18], $0x8000  }
0xa09: {  	[sflag:s18] =	ssyncset.done $0x0  }
0xa0a: {  	[sflag:s18] =	ssyncadd.s32 $0xFFFF8000  }
0xa0b: {  	v3 =	vld [tilespmem:$0xC80];
	_ =	sdelay $0x4  }
0xa0c: {  	v56 =	vshll.u32 v3, $0x1  }
0xa0d: {  	v3 =	vand.u32 $0x7, v3;
	v4 =	vand.u32 $0xFFFFFFF0, v56  }
0xa0e: {  	v3 =	vor.u32 v3, v4  }
0xa0f: {  	v4 =	vperm.xlane v3, v0;
	_ =	sdelay $0x1  }
0xa10: {  	v3 =	vperm.xlane v3, v2;
	v4 =	vadd.s32 v1, v4;
	_ =	sdelay $0x1  }
0xa11: {  	v3 =	vadd.s32 v1, v3;
	_ =	sdelay $0x2  }
0xa12: {  	[tilespmem:s1], [sflag:$0x2] =	stream.indirect_vreg.gather [hbm4b:s2+s3], $0x80, v4, vm0, $0xb8;
	[tilespmem:$0x18D00] =	vst v63  }
0xa13: {  	s17 =	simm.s32 $0x9500  }
0xa14: {  	[tilespmem:s17], [sflag:$0x2] =	stream.indirect_vreg.gather [hbm4b:s2+s3], $0x80, v3, vm0, $0xb8;
	[tilespmem:$0x18D00] =	vst v63  }
0xa15: {  	v3 =	vld [tilespmem:$0xC90];
	_ =	sdelay $0x4  }
0xa16: {  	v57 =	vshll.u32 v3, $0x1  }
0xa17: {  	v3 =	vand.u32 $0x7, v3;
	v4 =	vand.u32 $0xFFFFFFF0, v57  }
0xa18: {  	v3 =	vor.u32 v3, v4  }
0xa19: {  	v4 =	vperm.xlane v3, v0;
	_ =	sdelay $0x1  }
0xa1a: {  	v3 =	vperm.xlane v3, v2;
	v4 =	vadd.s32 v1, v4;
	_ =	sdelay $0x1  }
0xa1b: {  	v3 =	vadd.s32 v1, v3;
	_ =	sdelay $0x1  }
0xa1c: {  	s19 =	simm.s32 $0x9D00  }
0xa1d: {  	[tilespmem:s19], [sflag:$0x2] =	stream.indirect_vreg.gather [hbm4b:s2+s3], $0x80, v4, vm0, $0xb8;
	[tilespmem:$0x18D00] =	vst v63  }
0xa1e: {  	s21 =	simm.s32 $0xA500  }
0xa1f: {  	[tilespmem:s21], [sflag:$0x2] =	stream.indirect_vreg.gather [hbm4b:s2+s3], $0x80, v3, vm0, $0xb8;
	[tilespmem:$0x18D00] =	vst v63  }
0xa20: {  	v3 =	vld [tilespmem:$0xCA0];
	_ =	sdelay $0x4  }
0xa21: {  	v58 =	vshll.u32 v3, $0x1  }
0xa22: {  	v3 =	vand.u32 $0x7, v3;
	v4 =	vand.u32 $0xFFFFFFF0, v58  }
0xa23: {  	v3 =	vor.u32 v3, v4  }
0xa24: {  	v4 =	vperm.xlane v3, v0;
	_ =	sdelay $0x1  }
0xa25: {  	v3 =	vperm.xlane v3, v2;
	v4 =	vadd.s32 v1, v4;
	_ =	sdelay $0x1  }
0xa26: {  	v3 =	vadd.s32 v1, v3;
	_ =	sdelay $0x1  }
0xa27: {  	s20 =	simm.s32 $0xAD00  }
0xa28: {  	[tilespmem:s20], [sflag:$0x2] =	stream.indirect_vreg.gather [hbm4b:s2+s3], $0x80, v4, vm0, $0xb8;
	[tilespmem:$0x18D00] =	vst v63  }
0xa29: {  	s31 =	simm.s32 $0xB500  }
0xa2a: {  	[tilespmem:s31], [sflag:$0x2] =	stream.indirect_vreg.gather [hbm4b:s2+s3], $0x80, v3, vm0, $0xb8;
	[tilespmem:$0x18D00] =	vst v63  }
0xa2b: {  	v3 =	vld [tilespmem:$0xCB0];
	_ =	sdelay $0x4  }
0xa2c: {  	v59 =	vshll.u32 v3, $0x1  }
0xa2d: {  	v3 =	vand.u32 $0x7, v3;
	v4 =	vand.u32 $0xFFFFFFF0, v59  }
0xa2e: {  	v3 =	vor.u32 v3, v4  }
0xa2f: {  	v4 =	vperm.xlane v3, v0;
	_ =	sdelay $0x1  }
0xa30: {  	v3 =	vperm.xlane v3, v2;
	v4 =	vadd.s32 v1, v4;
	_ =	sdelay $0x1  }
0xa31: {  	v3 =	vadd.s32 v1, v3;
	_ =	sdelay $0x1  }
0xa32: {  	s22 =	simm.s32 $0xBD00  }
0xa33: {  	[tilespmem:s22], [sflag:$0x2] =	stream.indirect_vreg.gather [hbm4b:s2+s3], $0x80, v4, vm0, $0xb8;
	[tilespmem:$0x18D00] =	vst v63  }
0xa34: {  	s23 =	simm.s32 $0xC500  }
0xa35: {  	[tilespmem:s23], [sflag:$0x2] =	stream.indirect_vreg.gather [hbm4b:s2+s3], $0x80, v3, vm0, $0xb8;
	[tilespmem:$0x18D00] =	vst v63  }
0xa36: {  	v3 =	vld [tilespmem:$0xCC0];
	_ =	sdelay $0x4  }
0xa37: {  	v60 =	vshll.u32 v3, $0x1  }
0xa38: {  	v3 =	vand.u32 $0x7, v3;
	v4 =	vand.u32 $0xFFFFFFF0, v60  }
0xa39: {  	v3 =	vor.u32 v3, v4  }
0xa3a: {  	v4 =	vperm.xlane v3, v0;
	_ =	sdelay $0x1  }
0xa3b: {  	v3 =	vperm.xlane v3, v2;
	v4 =	vadd.s32 v1, v4;
	_ =	sdelay $0x1  }
0xa3c: {  	v3 =	vadd.s32 v1, v3;
	_ =	sdelay $0x1  }
0xa3d: {  	s24 =	simm.s32 $0xCD00  }
0xa3e: {  	[tilespmem:s24], [sflag:$0x2] =	stream.indirect_vreg.gather [hbm4b:s2+s3], $0x80, v4, vm0, $0xb8;
	[tilespmem:$0x18D00] =	vst v63  }
0xa3f: {  	s8 =	simm.s32 $0xD500  }
0xa40: {  	[tilespmem:s8], [sflag:$0x2] =	stream.indirect_vreg.gather [hbm4b:s2+s3], $0x80, v3, vm0, $0xb8;
	[tilespmem:$0x18D00] =	vst v63  }
0xa41: {  	v3 =	vld [tilespmem:$0xCD0];
	_ =	sdelay $0x4  }
0xa42: {  	v61 =	vshll.u32 v3, $0x1  }
0xa43: {  	v3 =	vand.u32 $0x7, v3;
	v4 =	vand.u32 $0xFFFFFFF0, v61  }
0xa44: {  	v3 =	vor.u32 v3, v4  }
0xa45: {  	v4 =	vperm.xlane v3, v0;
	_ =	sdelay $0x1  }
0xa46: {  	v3 =	vperm.xlane v3, v2;
	v4 =	vadd.s32 v1, v4;
	_ =	sdelay $0x1  }
0xa47: {  	v3 =	vadd.s32 v1, v3;
	_ =	sdelay $0x1  }
0xa48: {  	s25 =	simm.s32 $0xDD00  }
0xa49: {  	[tilespmem:s25], [sflag:$0x2] =	stream.indirect_vreg.gather [hbm4b:s2+s3], $0x80, v4, vm0, $0xb8;
	[tilespmem:$0x18D00] =	vst v63  }
0xa4a: {  	s9 =	simm.s32 $0xE500  }
0xa4b: {  	[tilespmem:s9], [sflag:$0x2] =	stream.indirect_vreg.gather [hbm4b:s2+s3], $0x80, v3, vm0, $0xb8;
	[tilespmem:$0x18D00] =	vst v63  }
0xa4c: {  	v3 =	vld [tilespmem:$0xCE0];
	_ =	sdelay $0x4  }
0xa4d: {  	v62 =	vshll.u32 v3, $0x1  }
0xa4e: {  	v3 =	vand.u32 $0x7, v3;
	v4 =	vand.u32 $0xFFFFFFF0, v62  }
0xa4f: {  	v3 =	vor.u32 v3, v4  }
0xa50: {  	v4 =	vperm.xlane v3, v0;
	_ =	sdelay $0x1  }
0xa51: {  	v3 =	vperm.xlane v3, v2;
	v4 =	vadd.s32 v1, v4;
	_ =	sdelay $0x1  }
0xa52: {  	v3 =	vadd.s32 v1, v3;
	_ =	sdelay $0x1  }
0xa53: {  	s26 =	simm.s32 $0xED00  }
0xa54: {  	[tilespmem:s26], [sflag:$0x2] =	stream.indirect_vreg.gather [hbm4b:s2+s3], $0x80, v4, vm0, $0xb8;
	[tilespmem:$0x18D00] =	vst v63  }
0xa55: {  	s28 =	simm.s32 $0xF500  }
0xa56: {  	[tilespmem:s28], [sflag:$0x2] =	stream.indirect_vreg.gather [hbm4b:s2+s3], $0x80, v3, vm0, $0xb8;
	[tilespmem:$0x18D00] =	vst v63  }
0xa57: {  	v3 =	vld [tilespmem:$0xCF0];
	_ =	sdelay $0x4  }
0xa58: {  	v63 =	vshll.u32 v3, $0x1  }
0xa59: {  	v3 =	vand.u32 $0x7, v3;
	v4 =	vand.u32 $0xFFFFFFF0, v63  }
0xa5a: {  	v3 =	vor.u32 v3, v4  }
0xa5b: {  	v4 =	vperm.xlane v3, v0;
	_ =	sdelay $0x1  }
0xa5c: {  	v3 =	vperm.xlane v3, v2;
	v4 =	vadd.s32 v1, v4;
	_ =	sdelay $0x1  }
0xa5d: {  	v3 =	vadd.s32 v1, v3;
	_ =	sdelay $0x1  }
0xa5e: {  	s29 =	simm.s32 $0xFD00  }
0xa5f: {  	[tilespmem:s29], [sflag:$0x2] =	stream.indirect_vreg.gather [hbm4b:s2+s3], $0x80, v4, vm0, $0xb8;
	[tilespmem:$0x18D00] =	vst v63  }
0xa60: {  	s10 =	simm.s32 $0x10500  }
0xa61: {  	[tilespmem:s10], [sflag:$0x2] =	stream.indirect_vreg.gather [hbm4b:s2+s3], $0x80, v3, vm0, $0xb8;
	[tilespmem:$0x18D00] =	vst v63  }
0xa62: {  	s21 =	sld [smem:$0x7CC];
	_ =	swait.ge [sflag:s4], $0x8000  }
0xa63: {  	s30 =	sld [smem:$0x7E2]  }
0xa64: {  	[sflag:s4] =	ssyncset.done $0x0  }
0xa65: {  	s5 =	simm.s32 $0xD00;
	[sflag:s4] =	ssyncadd.s32 $0xFFFF8000  }
0xa66: {  	[hbm4b:s30+s3] =	stream.linear.scatter [tilespmem:s5], [sflag:$0x4], $0x8000, $0x38;
	[tilespmem:$0x18D00] =	vst v63  }
0xa67: {  	_ =	swait.ge [sflag:s15], $0x8000  }
0xa68: {  	s31 =	sld [smem:$0x7E4]  }
0xa69: {  	[sflag:s15] =	ssyncset.done $0x0  }
0xa6a: {  	[sflag:s15] =	ssyncadd.s32 $0xFFFF8000  }
0xa6b: {  	[hbm4b:s31+s3] =	stream.linear.scatter [tilespmem:s1], [sflag:$0x5], $0x8000, $0x38;
	[tilespmem:$0x18D00] =	vst v63  }
0xa6c: {  	p0 =	sne.s32 s21, $0x1;
	_ =	swait.ge [sflag:s16], $0x8000  }
.Ltmp0:
0xa6d: {  	[sflag:s16] =	ssyncset.done $0x0;
	(pc) =	sbr.rel @p0 .LBB2_1-.Ltmp0, $4  }
0xa6e: {  	[sflag:s16] =	ssyncadd.s32 $0xFFFF8000  }
0xa6f: {  	_ =	swait.ge [sflag:s18], $0x8000  }
0xa70: {  	[sflag:s18] =	ssyncset.done $0x0  }
0xa71: {  	s0 =	sadd.s32 $0xFFFFFFFF, s21;
	[sflag:s18] =	ssyncadd.s32 $0xFFFF8000  }
0xa72: {  	_ =	sfence.sel $0x180000  }
0xa73: {  	[bflag:$0x0] =	sbarrier.arrive $0xFFFF  }
0xa74: {  	_ =	strace $0x90000047  }
0xa75: {  	s0 =	stileid.u32;
	[bflag:$0x2] =	sbarrier.arrive $0xFFFF  }
0xa76: {  	p0 =	sne.s32 s0, $0x0;
	s0 =	rddreg [dreg:$0x3]  }
0xa77: {  	s0 =	sadd.s32 @!p0 $0x100000, s0  }
0xa78: {  	[sflag:s0] =	ssyncadd.tile.s32 @!p0 $0x1;
	_ =	shalt  }
.Lfunc_end2:
_tile_overlayer_lowered:
.L_overlay_start_2:
0xa79: {  	(tag) =	ssettag $0x2  }
0xa7a: {  	s0 =	rddreg [dreg:$0x0];
	s2 =	stileid.u32  }
0xa7b: {  	s1 =	rddreg [dreg:$0x1];
	p0 =	sne.s32 s2, $0x0  }
0xa7c: {  	s3 =	rddreg [dreg:$0x2];
	[bflag:$0x3] =	sbarrier.arrive $0xFFFF;
	s2 =	simm.s32 @!p0 $0x1C08  }
0xa7d: {  	[timem:s3], [sflag:s2] =	dma.local @!p0 [hbm:s0], s1  }
0xa7e: {  	s0 =	simm.s32 @!p0 $0x8  }
0xa7f: {  	_ =	swait.ge @!p0 [sflag:s0], s1  }
0xa80: {  	s1 =	ssub.s32 @!p0 $0x0, s1;
	[sflag:s0] =	ssyncset.done @!p0 $0x0  }
0xa81: {  	[sflag:s0] =	ssyncadd.s32 @!p0 s1  }
0xa82: {  	[bflag:$0x3] =	sbarrier.arrive $0xFFFF  }
0xa83: {  	_ =	shalt  }

</sc_bundles>
